<compile_context>
chip_gen: v7x
topology: tpu7x:2x2x1
jax: 0.10.2.dev20260603
libtpu: 0.0.44.dev20260713+nightly
codegen_flags: <defaults>
</compile_context>

<pallas_src>
import functools

import jax
import jax.numpy as jnp
import numpy as np
from jax import lax
from jax.experimental import pallas as pl
from jax.experimental.pallas import tpu as pltpu
from jax.experimental.pallas import tpu_sc as plsc

VOCAB = 1000000
DIM = 64
MAX_LEN = 2048
BATCH = 4
SEQ = 2048

_info = plsc.get_sparse_core_info()
NC, NS, L = _info.num_cores, _info.num_subcores, _info.num_lanes
NW = NC * NS
B = BATCH * SEQ
BPW = B // NW
_GROUPS = BPW // L
_SLAB = 128
_NBUF = 8
_OUTW = 128
_ROWS_PW = BPW * DIM // _OUTW


def _pos_encoding_128() -> np.ndarray:
    dim_loc = np.arange(0, DIM, 2, dtype=np.float32)
    pos_loc = np.arange(0, MAX_LEN, dtype=np.float32)
    denominator = np.exp(-(dim_loc / np.float32(DIM)) * np.log(np.float32(10000.0)))
    ang = pos_loc[:, None] * denominator[None, :]
    pos_enc = np.zeros((MAX_LEN, 128), dtype=np.float32)
    pos_enc[:, 0:DIM:2] = np.sin(ang)
    pos_enc[:, 1:DIM:2] = np.cos(ang)
    return pos_enc


_POS128 = _pos_encoding_128()

_mesh = plsc.VectorSubcoreMesh(core_axis_name="c", subcore_axis_name="s")


@functools.partial(
    pl.kernel,
    mesh=_mesh,
    out_type=jax.ShapeDtypeStruct((B * DIM // _OUTW, _OUTW), jnp.float32),
    scratch_types=(
        [pltpu.VMEM((BPW,), jnp.int32)]
        + [pltpu.VMEM((DIM, _SLAB), jnp.float32)] * _NBUF
        + [
            pltpu.VMEM((BPW, _SLAB), jnp.float32),
            pltpu.VMEM((_ROWS_PW, _OUTW), jnp.float32),
        ]
        + [pltpu.SemaphoreType.DMA] * _NBUF
        + [pltpu.SemaphoreType.DMA]
    ),
    compiler_params=pltpu.CompilerParams(
        use_tc_tiling_on_sc=True, needs_layout_passes=False),
)
def _emb_pos_sc(table_t_hbm, idx_hbm, pos_hbm, out_hbm, idx_v, *rest):
    slabs = rest[:_NBUF]
    pos_v, ostage_v = rest[_NBUF], rest[_NBUF + 1]
    sems = rest[_NBUF + 2:2 * _NBUF + 2]
    psem = rest[2 * _NBUF + 2]
    wid = lax.axis_index("s") * NC + lax.axis_index("c")
    base = wid * BPW
    s0 = lax.rem(base, SEQ)
    pltpu.sync_copy(idx_hbm.at[pl.ds(base, BPW)], idx_v)
    pcopy = pltpu.async_copy(pos_hbm.at[pl.ds(s0, BPW), :], pos_v, psem)

    NBUF = _NBUF
    DEPTH = NBUF - 1
    scale = jnp.float32(8.0)

    def fetch(i_vec, lane, buf):
        v = i_vec[lane]
        slab_base = pl.multiple_of((v // _SLAB) * _SLAB, _SLAB)
        return pltpu.async_copy(
            table_t_hbm.at[:, pl.ds(slab_base, _SLAB)],
            slabs[buf],
            sems[buf],
        )

    vec0 = idx_v[pl.ds(0, L)]
    for p in range(DEPTH):
        fetch(vec0, p, p)

    def group_body(g, carry):
        vec = idx_v[pl.ds(g * L, L)]
        nvec = idx_v[pl.ds(lax.rem(g + 1, _GROUPS) * L, L)]
        for k in range(L):
            i = g * L + k
            buf = k % NBUF
            fbuf = (k + DEPTH) % NBUF
            fk = (k + DEPTH) % L
            fv_vec = vec if k + DEPTH < L else nvec
            fetch(fv_vec, fk, fbuf)
            pltpu.make_async_copy(
                table_t_hbm.at[:, pl.ds(0, _SLAB)], slabs[buf], sems[buf]
            ).wait()
            v = vec[k]
            lo_vec = jnp.full((L,), v, jnp.int32) - jnp.full(
                (L,), (v // _SLAB) * _SLAB, jnp.int32)
            for c in range(DIM // L):
                d_vec = lax.iota(jnp.int32, L) + jnp.int32(c * L)
                col = plsc.load_gather(slabs[buf], [d_vec, lo_vec])
                res = col * scale + pos_v[i, pl.ds(c * L, L)]
                flat = i * DIM + c * L
                ostage_v[flat // _OUTW, pl.ds(flat % _OUTW, L)] = res
        return carry

    pcopy.wait()
    lax.fori_loop(0, _GROUPS, group_body, 0)
    for p in range(DEPTH):
        pltpu.make_async_copy(
            table_t_hbm.at[:, pl.ds(0, _SLAB)], slabs[p], sems[p]
        ).wait()
    pltpu.sync_copy(ostage_v, out_hbm.at[pl.ds(wid * _ROWS_PW, _ROWS_PW), :])


def kernel(x, table):
    idx = x.reshape(B)
    pos = jnp.asarray(_POS128)
    out = _emb_pos_sc(table.T, idx, pos)
    return out.reshape(BATCH, SEQ, DIM)

# --- scband reference (transcript-rebuilt; emitter-appended) ---
"""Pipeline reference for scband-embedding-with-position-47261820125261 (READ-ONLY COPY).

The authoritative reference and input builder live on the scoring server;
editing this copy changes nothing except your own understanding.
"""

import jax, jax.numpy as jnp
import numpy as np

VOCAB = 1000000
DIM = 64
MAX_LEN = 2048
BATCH = 4
SEQ = 2048
PAD = 0


def get_pos_encoding(dim, max_len):
    dim_loc = jnp.arange(0, dim, 2, dtype=jnp.float32)
    pos_loc = jnp.arange(0, max_len, dtype=jnp.float32)
    denominator = jnp.exp(-(dim_loc / dim) * jnp.log(jnp.asarray(10000.0, dtype=jnp.float32)))
    sin_pe = jnp.sin(pos_loc[:, None] * denominator[None, :])
    cos_pe = jnp.cos(pos_loc[:, None] * denominator[None, :])
    pos_enc = jnp.zeros((max_len, dim), dtype=jnp.float32)
    pos_enc = pos_enc.at[:, 0::2].set(sin_pe)
    pos_enc = pos_enc.at[:, 1::2].set(cos_pe)
    return pos_enc


def setup_inputs(seed: int = 0) -> dict:
    key = jax.random.key(seed)
    k1, k2 = jax.random.split(key)
    x = jax.random.randint(k1, (BATCH, SEQ), 0, VOCAB, dtype=jnp.int32)
    # shared embedding table (nn.Parameter shared with output projection in the
    # original model); row PAD is zeroed to mimic padding_idx semantics.
    table = jax.random.normal(k2, (VOCAB, DIM), dtype=jnp.float32) * 0.02
    table = table.at[PAD].set(0.0)
    return {"x": x, "table": table}


def reference(x, table):
    # padding_idx: row PAD is forced to zero
    table_p = table.at[PAD].set(0.0)
    dim_sqrt = jnp.sqrt(jnp.asarray(float(DIM), dtype=jnp.float32))
    emb = jnp.take(table_p, x, axis=0) * dim_sqrt
    pos_enc = get_pos_encoding(DIM, MAX_LEN)
    emb = emb + pos_enc[None, :SEQ, :]
    # dropout is identity in eval mode
    return emb

if __name__ == "__main__":
    import jax
    _d = setup_inputs()
    print(jax.jit(kernel)(*tuple(_d.values())))

</pallas_src>

<mosaic_0001>
#map = affine_map<(d0, d1) -> (0, 0)>
#map1 = affine_map<(d0, d1) -> (0)>
module attributes {stable_mosaic.version = 14 : i64} {
  func.func @_emb_pos_sc(%arg0: i32, %arg1: i32, %arg2: memref<64x1000000xf32, #tpu.memory_space<hbm>>, %arg3: memref<8192xi32, #tpu.memory_space<hbm>>, %arg4: memref<2048x128xf32, #tpu.memory_space<hbm>>, %arg5: memref<4096x128xf32, #tpu.memory_space<hbm>>, %arg6: memref<256xi32, #tpu.memory_space<vmem>>, %arg7: memref<64x128xf32, #tpu.memory_space<vmem>>, %arg8: memref<64x128xf32, #tpu.memory_space<vmem>>, %arg9: memref<64x128xf32, #tpu.memory_space<vmem>>, %arg10: memref<64x128xf32, #tpu.memory_space<vmem>>, %arg11: memref<64x128xf32, #tpu.memory_space<vmem>>, %arg12: memref<64x128xf32, #tpu.memory_space<vmem>>, %arg13: memref<64x128xf32, #tpu.memory_space<vmem>>, %arg14: memref<64x128xf32, #tpu.memory_space<vmem>>, %arg15: memref<256x128xf32, #tpu.memory_space<vmem>>, %arg16: memref<128x128xf32, #tpu.memory_space<vmem>>, %arg17: memref<!tpu.dma_semaphore, #tpu.memory_space<semaphore_mem>>, %arg18: memref<!tpu.dma_semaphore, #tpu.memory_space<semaphore_mem>>, %arg19: memref<!tpu.dma_semaphore, #tpu.memory_space<semaphore_mem>>, %arg20: memref<!tpu.dma_semaphore, #tpu.memory_space<semaphore_mem>>, %arg21: memref<!tpu.dma_semaphore, #tpu.memory_space<semaphore_mem>>, %arg22: memref<!tpu.dma_semaphore, #tpu.memory_space<semaphore_mem>>, %arg23: memref<!tpu.dma_semaphore, #tpu.memory_space<semaphore_mem>>, %arg24: memref<!tpu.dma_semaphore, #tpu.memory_space<semaphore_mem>>, %arg25: memref<!tpu.dma_semaphore, #tpu.memory_space<semaphore_mem>>) attributes {dimension_semantics = [#tpu.dimension_semantics<core_parallel>, #tpu.dimension_semantics<subcore_parallel>], iteration_bounds = array<i64: 2, 16>, scalar_prefetch = 0 : i64, scratch_operands = 20 : i64, tpu.core_type = #tpu.core_type<sc_vector_subcore>, window_params = [{transform_indices = #map}, {transform_indices = #map1}, {transform_indices = #map}, {transform_indices = #map}]} {
    %mul3A = arith.constant 2 : i32
    %mul3A_0 = arith.muli %arg1, %mul3A : i32
    %add3A = arith.addi %mul3A_0, %arg0 : i32
    %mul3A_1 = arith.constant 256 : i32
    %mul3A_2 = arith.muli %add3A, %mul3A_1 : i32
    %rem3A = arith.constant 2048 : i32
    %rem3A_3 = arith.remsi %mul3A_2, %rem3A : i32
    "tpu.region"() ({
      %run_scoped3A = tpu.sem_alloc : memref<!tpu.dma_semaphore, #tpu.memory_space<semaphore_mem>>
      %dma_start3A_282 = tpu.memref_slice %arg3[%mul3A_2] : memref<8192xi32, #tpu.memory_space<hbm>> -> memref<256xi32, #tpu.memory_space<hbm>>
      %dma_start3A_283 = tpu.memref_slice %arg3[%mul3A_2] : memref<8192xi32, #tpu.memory_space<hbm>> -> memref<256xi32, #tpu.memory_space<hbm>>
      tpu.enqueue_dma source(%dma_start3A_283 : memref<256xi32, #tpu.memory_space<hbm>>) target(%arg6 : memref<256xi32, #tpu.memory_space<vmem>>) target_semaphore(%run_scoped3A : memref<!tpu.dma_semaphore, #tpu.memory_space<semaphore_mem>>)
      %dma_wait3A_284 = tpu.memref_slice %arg3[%mul3A_2] : memref<8192xi32, #tpu.memory_space<hbm>> -> memref<256xi32, #tpu.memory_space<hbm>>
      %dma_wait3A_285 = tpu.memref_slice %arg3[%mul3A_2] : memref<8192xi32, #tpu.memory_space<hbm>> -> memref<256xi32, #tpu.memory_space<hbm>>
      tpu.wait_dma2 semaphore(%run_scoped3A : memref<!tpu.dma_semaphore, #tpu.memory_space<semaphore_mem>>) src(%dma_wait3A_285 : memref<256xi32, #tpu.memory_space<hbm>>) dst(%arg6 : memref<256xi32, #tpu.memory_space<vmem>>)
      tpu.yield
    }) : () -> ()
    %dma_start3A = arith.constant 0 : i32
    %dma_start3A_4 = tpu.memref_slice %arg4[%rem3A_3, %dma_start3A] : memref<2048x128xf32, #tpu.memory_space<hbm>> -> memref<256x128xf32, #tpu.memory_space<hbm>>
    %dma_start3A_5 = arith.constant 0 : i32
    %dma_start3A_6 = tpu.memref_slice %arg4[%rem3A_3, %dma_start3A_5] : memref<2048x128xf32, #tpu.memory_space<hbm>> -> memref<256x128xf32, #tpu.memory_space<hbm>>
    tpu.enqueue_dma source(%dma_start3A_6 : memref<256x128xf32, #tpu.memory_space<hbm>>) target(%arg15 : memref<256x128xf32, #tpu.memory_space<vmem>>) target_semaphore(%arg25 : memref<!tpu.dma_semaphore, #tpu.memory_space<semaphore_mem>>)
    %get3A = arith.constant 0 : index
    %get3A_7 = tpu.vector_load %arg6[%get3A] {strides = array<i32>} : memref<256xi32, #tpu.memory_space<vmem>>, vector<16xi32>,
    %slice3A = vector.extract_strided_slice %get3A_7 {offsets = [0], sizes = [1], strides = [1]} : vector<16xi32> to vector<1xi32>
    %squeeze3A = vector.extract %slice3A[0] : i32 from vector<1xi32>
    %jit3A = arith.constant 128 : i32
    %div3A = arith.divsi %squeeze3A, %jit3A : i32
    %sign3A = arith.constant 0 : i32
    %sign3A_8 = arith.cmpi sgt, %squeeze3A, %sign3A : i32
    %sign3A_9 = arith.extui %sign3A_8 : i1 to i32
    %sign3A_10 = arith.constant 0 : i32
    %sign3A_11 = arith.cmpi slt, %squeeze3A, %sign3A_10 : i32
    %sign3A_12 = arith.extui %sign3A_11 : i1 to i32
    %sign3A_13 = arith.subi %sign3A_9, %sign3A_12 : i32
    %sign3A_14 = arith.constant 0 : i32
    %sign3A_15 = arith.cmpi sgt, %jit3A, %sign3A_14 : i32
    %sign3A_16 = arith.extui %sign3A_15 : i1 to i32
    %sign3A_17 = arith.constant 0 : i32
    %sign3A_18 = arith.cmpi slt, %jit3A, %sign3A_17 : i32
    %sign3A_19 = arith.extui %sign3A_18 : i1 to i32
    %sign3A_20 = arith.subi %sign3A_16, %sign3A_19 : i32
    %ne3A = arith.cmpi ne, %sign3A_13, %sign3A_20 : i32
    %rem3A_21 = arith.remsi %squeeze3A, %jit3A : i32
    %ne3A_22 = arith.constant 0 : i32
    %ne3A_23 = arith.cmpi ne, %rem3A_21, %ne3A_22 : i32
    %and3A = arith.andi %ne3A, %ne3A_23 : i1
    %sub3A = arith.constant 1 : i32
    %sub3A_24 = arith.subi %div3A, %sub3A : i32
    %select_n3A = arith.select %and3A, %sub3A_24, %div3A : i32
    %mul3A_25 = arith.constant 128 : i32
    %mul3A_26 = arith.muli %select_n3A, %mul3A_25 : i32
    %multiple_of3A = tpu.assume_multiple %mul3A_26, 128 : i32
    %dma_start3A_27 = arith.constant 0 : i32
    %dma_start3A_28 = tpu.memref_slice %arg2[%dma_start3A_27, %multiple_of3A] : memref<64x1000000xf32, #tpu.memory_space<hbm>> -> memref<64x128xf32, #tpu.memory_space<hbm>>
    %dma_start3A_29 = arith.constant 0 : i32
    %dma_start3A_30 = tpu.memref_slice %arg2[%dma_start3A_29, %multiple_of3A] : memref<64x1000000xf32, #tpu.memory_space<hbm>> -> memref<64x128xf32, #tpu.memory_space<hbm>>
    tpu.enqueue_dma source(%dma_start3A_30 : memref<64x128xf32, #tpu.memory_space<hbm>>) target(%arg7 : memref<64x128xf32, #tpu.memory_space<vmem>>) target_semaphore(%arg17 : memref<!tpu.dma_semaphore, #tpu.memory_space<semaphore_mem>>)
    %slice3A_31 = vector.extract_strided_slice %get3A_7 {offsets = [1], sizes = [1], strides = [1]} : vector<16xi32> to vector<1xi32>
    %squeeze3A_32 = vector.extract %slice3A_31[0] : i32 from vector<1xi32>
    %jit3A_33 = arith.constant 128 : i32
    %div3A_34 = arith.divsi %squeeze3A_32, %jit3A_33 : i32
    %sign3A_35 = arith.constant 0 : i32
    %sign3A_36 = arith.cmpi sgt, %squeeze3A_32, %sign3A_35 : i32
    %sign3A_37 = arith.extui %sign3A_36 : i1 to i32
    %sign3A_38 = arith.constant 0 : i32
    %sign3A_39 = arith.cmpi slt, %squeeze3A_32, %sign3A_38 : i32
    %sign3A_40 = arith.extui %sign3A_39 : i1 to i32
    %sign3A_41 = arith.subi %sign3A_37, %sign3A_40 : i32
    %sign3A_42 = arith.constant 0 : i32
    %sign3A_43 = arith.cmpi sgt, %jit3A_33, %sign3A_42 : i32
    %sign3A_44 = arith.extui %sign3A_43 : i1 to i32
    %sign3A_45 = arith.constant 0 : i32
    %sign3A_46 = arith.cmpi slt, %jit3A_33, %sign3A_45 : i32
    %sign3A_47 = arith.extui %sign3A_46 : i1 to i32
    %sign3A_48 = arith.subi %sign3A_44, %sign3A_47 : i32
    %ne3A_49 = arith.cmpi ne, %sign3A_41, %sign3A_48 : i32
    %rem3A_50 = arith.remsi %squeeze3A_32, %jit3A_33 : i32
    %ne3A_51 = arith.constant 0 : i32
    %ne3A_52 = arith.cmpi ne, %rem3A_50, %ne3A_51 : i32
    %and3A_53 = arith.andi %ne3A_49, %ne3A_52 : i1
    %sub3A_54 = arith.constant 1 : i32
    %sub3A_55 = arith.subi %div3A_34, %sub3A_54 : i32
    %select_n3A_56 = arith.select %and3A_53, %sub3A_55, %div3A_34 : i32
    %mul3A_57 = arith.constant 128 : i32
    %mul3A_58 = arith.muli %select_n3A_56, %mul3A_57 : i32
    %multiple_of3A_59 = tpu.assume_multiple %mul3A_58, 128 : i32
    %dma_start3A_60 = arith.constant 0 : i32
    %dma_start3A_61 = tpu.memref_slice %arg2[%dma_start3A_60, %multiple_of3A_59] : memref<64x1000000xf32, #tpu.memory_space<hbm>> -> memref<64x128xf32, #tpu.memory_space<hbm>>
    %dma_start3A_62 = arith.constant 0 : i32
    %dma_start3A_63 = tpu.memref_slice %arg2[%dma_start3A_62, %multiple_of3A_59] : memref<64x1000000xf32, #tpu.memory_space<hbm>> -> memref<64x128xf32, #tpu.memory_space<hbm>>
    tpu.enqueue_dma source(%dma_start3A_63 : memref<64x128xf32, #tpu.memory_space<hbm>>) target(%arg8 : memref<64x128xf32, #tpu.memory_space<vmem>>) target_semaphore(%arg18 : memref<!tpu.dma_semaphore, #tpu.memory_space<semaphore_mem>>)
    %slice3A_64 = vector.extract_strided_slice %get3A_7 {offsets = [2], sizes = [1], strides = [1]} : vector<16xi32> to vector<1xi32>
    %squeeze3A_65 = vector.extract %slice3A_64[0] : i32 from vector<1xi32>
    %jit3A_66 = arith.constant 128 : i32
    %div3A_67 = arith.divsi %squeeze3A_65, %jit3A_66 : i32
    %sign3A_68 = arith.constant 0 : i32
    %sign3A_69 = arith.cmpi sgt, %squeeze3A_65, %sign3A_68 : i32
    %sign3A_70 = arith.extui %sign3A_69 : i1 to i32
    %sign3A_71 = arith.constant 0 : i32
    %sign3A_72 = arith.cmpi slt, %squeeze3A_65, %sign3A_71 : i32
    %sign3A_73 = arith.extui %sign3A_72 : i1 to i32
    %sign3A_74 = arith.subi %sign3A_70, %sign3A_73 : i32
    %sign3A_75 = arith.constant 0 : i32
    %sign3A_76 = arith.cmpi sgt, %jit3A_66, %sign3A_75 : i32
    %sign3A_77 = arith.extui %sign3A_76 : i1 to i32
    %sign3A_78 = arith.constant 0 : i32
    %sign3A_79 = arith.cmpi slt, %jit3A_66, %sign3A_78 : i32
    %sign3A_80 = arith.extui %sign3A_79 : i1 to i32
    %sign3A_81 = arith.subi %sign3A_77, %sign3A_80 : i32
    %ne3A_82 = arith.cmpi ne, %sign3A_74, %sign3A_81 : i32
    %rem3A_83 = arith.remsi %squeeze3A_65, %jit3A_66 : i32
    %ne3A_84 = arith.constant 0 : i32
    %ne3A_85 = arith.cmpi ne, %rem3A_83, %ne3A_84 : i32
    %and3A_86 = arith.andi %ne3A_82, %ne3A_85 : i1
    %sub3A_87 = arith.constant 1 : i32
    %sub3A_88 = arith.subi %div3A_67, %sub3A_87 : i32
    %select_n3A_89 = arith.select %and3A_86, %sub3A_88, %div3A_67 : i32
    %mul3A_90 = arith.constant 128 : i32
    %mul3A_91 = arith.muli %select_n3A_89, %mul3A_90 : i32
    %multiple_of3A_92 = tpu.assume_multiple %mul3A_91, 128 : i32
    %dma_start3A_93 = arith.constant 0 : i32
    %dma_start3A_94 = tpu.memref_slice %arg2[%dma_start3A_93, %multiple_of3A_92] : memref<64x1000000xf32, #tpu.memory_space<hbm>> -> memref<64x128xf32, #tpu.memory_space<hbm>>
    %dma_start3A_95 = arith.constant 0 : i32
    %dma_start3A_96 = tpu.memref_slice %arg2[%dma_start3A_95, %multiple_of3A_92] : memref<64x1000000xf32, #tpu.memory_space<hbm>> -> memref<64x128xf32, #tpu.memory_space<hbm>>
    tpu.enqueue_dma source(%dma_start3A_96 : memref<64x128xf32, #tpu.memory_space<hbm>>) target(%arg9 : memref<64x128xf32, #tpu.memory_space<vmem>>) target_semaphore(%arg19 : memref<!tpu.dma_semaphore, #tpu.memory_space<semaphore_mem>>)
    %slice3A_97 = vector.extract_strided_slice %get3A_7 {offsets = [3], sizes = [1], strides = [1]} : vector<16xi32> to vector<1xi32>
    %squeeze3A_98 = vector.extract %slice3A_97[0] : i32 from vector<1xi32>
    %jit3A_99 = arith.constant 128 : i32
    %div3A_100 = arith.divsi %squeeze3A_98, %jit3A_99 : i32
    %sign3A_101 = arith.constant 0 : i32
    %sign3A_102 = arith.cmpi sgt, %squeeze3A_98, %sign3A_101 : i32
    %sign3A_103 = arith.extui %sign3A_102 : i1 to i32
    %sign3A_104 = arith.constant 0 : i32
    %sign3A_105 = arith.cmpi slt, %squeeze3A_98, %sign3A_104 : i32
    %sign3A_106 = arith.extui %sign3A_105 : i1 to i32
    %sign3A_107 = arith.subi %sign3A_103, %sign3A_106 : i32
    %sign3A_108 = arith.constant 0 : i32
    %sign3A_109 = arith.cmpi sgt, %jit3A_99, %sign3A_108 : i32
    %sign3A_110 = arith.extui %sign3A_109 : i1 to i32
    %sign3A_111 = arith.constant 0 : i32
    %sign3A_112 = arith.cmpi slt, %jit3A_99, %sign3A_111 : i32
    %sign3A_113 = arith.extui %sign3A_112 : i1 to i32
    %sign3A_114 = arith.subi %sign3A_110, %sign3A_113 : i32
    %ne3A_115 = arith.cmpi ne, %sign3A_107, %sign3A_114 : i32
    %rem3A_116 = arith.remsi %squeeze3A_98, %jit3A_99 : i32
    %ne3A_117 = arith.constant 0 : i32
    %ne3A_118 = arith.cmpi ne, %rem3A_116, %ne3A_117 : i32
    %and3A_119 = arith.andi %ne3A_115, %ne3A_118 : i1
    %sub3A_120 = arith.constant 1 : i32
    %sub3A_121 = arith.subi %div3A_100, %sub3A_120 : i32
    %select_n3A_122 = arith.select %and3A_119, %sub3A_121, %div3A_100 : i32
    %mul3A_123 = arith.constant 128 : i32
    %mul3A_124 = arith.muli %select_n3A_122, %mul3A_123 : i32
    %multiple_of3A_125 = tpu.assume_multiple %mul3A_124, 128 : i32
    %dma_start3A_126 = arith.constant 0 : i32
    %dma_start3A_127 = tpu.memref_slice %arg2[%dma_start3A_126, %multiple_of3A_125] : memref<64x1000000xf32, #tpu.memory_space<hbm>> -> memref<64x128xf32, #tpu.memory_space<hbm>>
    %dma_start3A_128 = arith.constant 0 : i32
    %dma_start3A_129 = tpu.memref_slice %arg2[%dma_start3A_128, %multiple_of3A_125] : memref<64x1000000xf32, #tpu.memory_space<hbm>> -> memref<64x128xf32, #tpu.memory_space<hbm>>
    tpu.enqueue_dma source(%dma_start3A_129 : memref<64x128xf32, #tpu.memory_space<hbm>>) target(%arg10 : memref<64x128xf32, #tpu.memory_space<vmem>>) target_semaphore(%arg20 : memref<!tpu.dma_semaphore, #tpu.memory_space<semaphore_mem>>)
    %slice3A_130 = vector.extract_strided_slice %get3A_7 {offsets = [4], sizes = [1], strides = [1]} : vector<16xi32> to vector<1xi32>
    %squeeze3A_131 = vector.extract %slice3A_130[0] : i32 from vector<1xi32>
    %jit3A_132 = arith.constant 128 : i32
    %div3A_133 = arith.divsi %squeeze3A_131, %jit3A_132 : i32
    %sign3A_134 = arith.constant 0 : i32
    %sign3A_135 = arith.cmpi sgt, %squeeze3A_131, %sign3A_134 : i32
    %sign3A_136 = arith.extui %sign3A_135 : i1 to i32
    %sign3A_137 = arith.constant 0 : i32
    %sign3A_138 = arith.cmpi slt, %squeeze3A_131, %sign3A_137 : i32
    %sign3A_139 = arith.extui %sign3A_138 : i1 to i32
    %sign3A_140 = arith.subi %sign3A_136, %sign3A_139 : i32
    %sign3A_141 = arith.constant 0 : i32
    %sign3A_142 = arith.cmpi sgt, %jit3A_132, %sign3A_141 : i32
    %sign3A_143 = arith.extui %sign3A_142 : i1 to i32
    %sign3A_144 = arith.constant 0 : i32
    %sign3A_145 = arith.cmpi slt, %jit3A_132, %sign3A_144 : i32
    %sign3A_146 = arith.extui %sign3A_145 : i1 to i32
    %sign3A_147 = arith.subi %sign3A_143, %sign3A_146 : i32
    %ne3A_148 = arith.cmpi ne, %sign3A_140, %sign3A_147 : i32
    %rem3A_149 = arith.remsi %squeeze3A_131, %jit3A_132 : i32
    %ne3A_150 = arith.constant 0 : i32
    %ne3A_151 = arith.cmpi ne, %rem3A_149, %ne3A_150 : i32
    %and3A_152 = arith.andi %ne3A_148, %ne3A_151 : i1
    %sub3A_153 = arith.constant 1 : i32
    %sub3A_154 = arith.subi %div3A_133, %sub3A_153 : i32
    %select_n3A_155 = arith.select %and3A_152, %sub3A_154, %div3A_133 : i32
    %mul3A_156 = arith.constant 128 : i32
    %mul3A_157 = arith.muli %select_n3A_155, %mul3A_156 : i32
    %multiple_of3A_158 = tpu.assume_multiple %mul3A_157, 128 : i32
    %dma_start3A_159 = arith.constant 0 : i32
    %dma_start3A_160 = tpu.memref_slice %arg2[%dma_start3A_159, %multiple_of3A_158] : memref<64x1000000xf32, #tpu.memory_space<hbm>> -> memref<64x128xf32, #tpu.memory_space<hbm>>
    %dma_start3A_161 = arith.constant 0 : i32
    %dma_start3A_162 = tpu.memref_slice %arg2[%dma_start3A_161, %multiple_of3A_158] : memref<64x1000000xf32, #tpu.memory_space<hbm>> -> memref<64x128xf32, #tpu.memory_space<hbm>>
    tpu.enqueue_dma source(%dma_start3A_162 : memref<64x128xf32, #tpu.memory_space<hbm>>) target(%arg11 : memref<64x128xf32, #tpu.memory_space<vmem>>) target_semaphore(%arg21 : memref<!tpu.dma_semaphore, #tpu.memory_space<semaphore_mem>>)
    %slice3A_163 = vector.extract_strided_slice %get3A_7 {offsets = [5], sizes = [1], strides = [1]} : vector<16xi32> to vector<1xi32>
    %squeeze3A_164 = vector.extract %slice3A_163[0] : i32 from vector<1xi32>
    %jit3A_165 = arith.constant 128 : i32
    %div3A_166 = arith.divsi %squeeze3A_164, %jit3A_165 : i32
    %sign3A_167 = arith.constant 0 : i32
    %sign3A_168 = arith.cmpi sgt, %squeeze3A_164, %sign3A_167 : i32
    %sign3A_169 = arith.extui %sign3A_168 : i1 to i32
    %sign3A_170 = arith.constant 0 : i32
    %sign3A_171 = arith.cmpi slt, %squeeze3A_164, %sign3A_170 : i32
    %sign3A_172 = arith.extui %sign3A_171 : i1 to i32
    %sign3A_173 = arith.subi %sign3A_169, %sign3A_172 : i32
    %sign3A_174 = arith.constant 0 : i32
    %sign3A_175 = arith.cmpi sgt, %jit3A_165, %sign3A_174 : i32
    %sign3A_176 = arith.extui %sign3A_175 : i1 to i32
    %sign3A_177 = arith.constant 0 : i32
    %sign3A_178 = arith.cmpi slt, %jit3A_165, %sign3A_177 : i32
    %sign3A_179 = arith.extui %sign3A_178 : i1 to i32
    %sign3A_180 = arith.subi %sign3A_176, %sign3A_179 : i32
    %ne3A_181 = arith.cmpi ne, %sign3A_173, %sign3A_180 : i32
    %rem3A_182 = arith.remsi %squeeze3A_164, %jit3A_165 : i32
    %ne3A_183 = arith.constant 0 : i32
    %ne3A_184 = arith.cmpi ne, %rem3A_182, %ne3A_183 : i32
    %and3A_185 = arith.andi %ne3A_181, %ne3A_184 : i1
    %sub3A_186 = arith.constant 1 : i32
    %sub3A_187 = arith.subi %div3A_166, %sub3A_186 : i32
    %select_n3A_188 = arith.select %and3A_185, %sub3A_187, %div3A_166 : i32
    %mul3A_189 = arith.constant 128 : i32
    %mul3A_190 = arith.muli %select_n3A_188, %mul3A_189 : i32
    %multiple_of3A_191 = tpu.assume_multiple %mul3A_190, 128 : i32
    %dma_start3A_192 = arith.constant 0 : i32
    %dma_start3A_193 = tpu.memref_slice %arg2[%dma_start3A_192, %multiple_of3A_191] : memref<64x1000000xf32, #tpu.memory_space<hbm>> -> memref<64x128xf32, #tpu.memory_space<hbm>>
    %dma_start3A_194 = arith.constant 0 : i32
    %dma_start3A_195 = tpu.memref_slice %arg2[%dma_start3A_194, %multiple_of3A_191] : memref<64x1000000xf32, #tpu.memory_space<hbm>> -> memref<64x128xf32, #tpu.memory_space<hbm>>
    tpu.enqueue_dma source(%dma_start3A_195 : memref<64x128xf32, #tpu.memory_space<hbm>>) target(%arg12 : memref<64x128xf32, #tpu.memory_space<vmem>>) target_semaphore(%arg22 : memref<!tpu.dma_semaphore, #tpu.memory_space<semaphore_mem>>)
    %slice3A_196 = vector.extract_strided_slice %get3A_7 {offsets = [6], sizes = [1], strides = [1]} : vector<16xi32> to vector<1xi32>
    %squeeze3A_197 = vector.extract %slice3A_196[0] : i32 from vector<1xi32>
    %jit3A_198 = arith.constant 128 : i32
    %div3A_199 = arith.divsi %squeeze3A_197, %jit3A_198 : i32
    %sign3A_200 = arith.constant 0 : i32
    %sign3A_201 = arith.cmpi sgt, %squeeze3A_197, %sign3A_200 : i32
    %sign3A_202 = arith.extui %sign3A_201 : i1 to i32
    %sign3A_203 = arith.constant 0 : i32
    %sign3A_204 = arith.cmpi slt, %squeeze3A_197, %sign3A_203 : i32
    %sign3A_205 = arith.extui %sign3A_204 : i1 to i32
    %sign3A_206 = arith.subi %sign3A_202, %sign3A_205 : i32
    %sign3A_207 = arith.constant 0 : i32
    %sign3A_208 = arith.cmpi sgt, %jit3A_198, %sign3A_207 : i32
    %sign3A_209 = arith.extui %sign3A_208 : i1 to i32
    %sign3A_210 = arith.constant 0 : i32
    %sign3A_211 = arith.cmpi slt, %jit3A_198, %sign3A_210 : i32
    %sign3A_212 = arith.extui %sign3A_211 : i1 to i32
    %sign3A_213 = arith.subi %sign3A_209, %sign3A_212 : i32
    %ne3A_214 = arith.cmpi ne, %sign3A_206, %sign3A_213 : i32
    %rem3A_215 = arith.remsi %squeeze3A_197, %jit3A_198 : i32
    %ne3A_216 = arith.constant 0 : i32
    %ne3A_217 = arith.cmpi ne, %rem3A_215, %ne3A_216 : i32
    %and3A_218 = arith.andi %ne3A_214, %ne3A_217 : i1
    %sub3A_219 = arith.constant 1 : i32
    %sub3A_220 = arith.subi %div3A_199, %sub3A_219 : i32
    %select_n3A_221 = arith.select %and3A_218, %sub3A_220, %div3A_199 : i32
    %mul3A_222 = arith.constant 128 : i32
    %mul3A_223 = arith.muli %select_n3A_221, %mul3A_222 : i32
    %multiple_of3A_224 = tpu.assume_multiple %mul3A_223, 128 : i32
    %dma_start3A_225 = arith.constant 0 : i32
    %dma_start3A_226 = tpu.memref_slice %arg2[%dma_start3A_225, %multiple_of3A_224] : memref<64x1000000xf32, #tpu.memory_space<hbm>> -> memref<64x128xf32, #tpu.memory_space<hbm>>
    %dma_start3A_227 = arith.constant 0 : i32
    %dma_start3A_228 = tpu.memref_slice %arg2[%dma_start3A_227, %multiple_of3A_224] : memref<64x1000000xf32, #tpu.memory_space<hbm>> -> memref<64x128xf32, #tpu.memory_space<hbm>>
    tpu.enqueue_dma source(%dma_start3A_228 : memref<64x128xf32, #tpu.memory_space<hbm>>) target(%arg13 : memref<64x128xf32, #tpu.memory_space<vmem>>) target_semaphore(%arg23 : memref<!tpu.dma_semaphore, #tpu.memory_space<semaphore_mem>>)
    %dma_wait3A = arith.constant 0 : i32
    %dma_wait3A_229 = tpu.memref_slice %arg4[%rem3A_3, %dma_wait3A] : memref<2048x128xf32, #tpu.memory_space<hbm>> -> memref<256x128xf32, #tpu.memory_space<hbm>>
    %dma_wait3A_230 = arith.constant 0 : i32
    %dma_wait3A_231 = tpu.memref_slice %arg4[%rem3A_3, %dma_wait3A_230] : memref<2048x128xf32, #tpu.memory_space<hbm>> -> memref<256x128xf32, #tpu.memory_space<hbm>>
    tpu.wait_dma2 semaphore(%arg25 : memref<!tpu.dma_semaphore, #tpu.memory_space<semaphore_mem>>) src(%dma_wait3A_231 : memref<256x128xf32, #tpu.memory_space<hbm>>) dst(%arg15 : memref<256x128xf32, #tpu.memory_space<vmem>>)
    %scan3A = arith.constant 0 : i32
    %scan3A_232 = arith.constant 8.000000e+00 : f32
    %scan3A_233 = arith.constant 0 : i32
    %scan3A_234 = arith.constant 16 : i32
    %scan3A_235 = arith.addi %scan3A_233, %scan3A_234 : i32
    %scan3A_236 = arith.constant 1 : i32
    scf.for %scan3A_282 = %scan3A_233 to %scan3A_235 step %scan3A_236  : i32 {
      %mul3A_283 = arith.constant 16 : i32
      %mul3A_284 = arith.muli %scan3A_282, %mul3A_283 : i32
      %get3A_285 = arith.index_cast %mul3A_284 : i32 to index
      %get3A_286 = tpu.vector_load %arg6[%get3A_285] {strides = array<i32>} : memref<256xi32, #tpu.memory_space<vmem>>, vector<16xi32>,
      %add3A_287 = arith.constant 1 : i32
      %add3A_288 = arith.addi %scan3A_282, %add3A_287 : i32
      %rem3A_289 = arith.constant 16 : i32
      %rem3A_290 = arith.remsi %add3A_288, %rem3A_289 : i32
      %mul3A_291 = arith.constant 16 : i32
      %mul3A_292 = arith.muli %rem3A_290, %mul3A_291 : i32
      %get3A_293 = arith.index_cast %mul3A_292 : i32 to index
      %get3A_294 = tpu.vector_load %arg6[%get3A_293] {strides = array<i32>} : memref<256xi32, #tpu.memory_space<vmem>>, vector<16xi32>,
      %mul3A_295 = arith.constant 16 : i32
      %mul3A_296 = arith.muli %scan3A_282, %mul3A_295 : i32
      %add3A_297 = arith.constant 0 : i32
      %add3A_298 = arith.addi %mul3A_296, %add3A_297 : i32
      %slice3A_299 = vector.extract_strided_slice %get3A_286 {offsets = [7], sizes = [1], strides = [1]} : vector<16xi32> to vector<1xi32>
      %squeeze3A_300 = vector.extract %slice3A_299[0] : i32 from vector<1xi32>
      %jit3A_301 = arith.constant 128 : i32
      %div3A_302 = arith.divsi %squeeze3A_300, %jit3A_301 : i32
      %sign3A_303 = arith.constant 0 : i32
      %sign3A_304 = arith.cmpi sgt, %squeeze3A_300, %sign3A_303 : i32
      %sign3A_305 = arith.extui %sign3A_304 : i1 to i32
      %sign3A_306 = arith.constant 0 : i32
      %sign3A_307 = arith.cmpi slt, %squeeze3A_300, %sign3A_306 : i32
      %sign3A_308 = arith.extui %sign3A_307 : i1 to i32
      %sign3A_309 = arith.subi %sign3A_305, %sign3A_308 : i32
      %sign3A_310 = arith.constant 0 : i32
      %sign3A_311 = arith.cmpi sgt, %jit3A_301, %sign3A_310 : i32
      %sign3A_312 = arith.extui %sign3A_311 : i1 to i32
      %sign3A_313 = arith.constant 0 : i32
      %sign3A_314 = arith.cmpi slt, %jit3A_301, %sign3A_313 : i32
      %sign3A_315 = arith.extui %sign3A_314 : i1 to i32
      %sign3A_316 = arith.subi %sign3A_312, %sign3A_315 : i32
      %ne3A_317 = arith.cmpi ne, %sign3A_309, %sign3A_316 : i32
      %rem3A_318 = arith.remsi %squeeze3A_300, %jit3A_301 : i32
      %ne3A_319 = arith.constant 0 : i32
      %ne3A_320 = arith.cmpi ne, %rem3A_318, %ne3A_319 : i32
      %and3A_321 = arith.andi %ne3A_317, %ne3A_320 : i1
      %sub3A_322 = arith.constant 1 : i32
      %sub3A_323 = arith.subi %div3A_302, %sub3A_322 : i32
      %select_n3A_324 = arith.select %and3A_321, %sub3A_323, %div3A_302 : i32
      %mul3A_325 = arith.constant 128 : i32
      %mul3A_326 = arith.muli %select_n3A_324, %mul3A_325 : i32
      %multiple_of3A_327 = tpu.assume_multiple %mul3A_326, 128 : i32
      %dma_start3A_328 = arith.constant 0 : i32
      %dma_start3A_329 = tpu.memref_slice %arg2[%dma_start3A_328, %multiple_of3A_327] : memref<64x1000000xf32, #tpu.memory_space<hbm>> -> memref<64x128xf32, #tpu.memory_space<hbm>>
      %dma_start3A_330 = arith.constant 0 : i32
      %dma_start3A_331 = tpu.memref_slice %arg2[%dma_start3A_330, %multiple_of3A_327] : memref<64x1000000xf32, #tpu.memory_space<hbm>> -> memref<64x128xf32, #tpu.memory_space<hbm>>
      tpu.enqueue_dma source(%dma_start3A_331 : memref<64x128xf32, #tpu.memory_space<hbm>>) target(%arg14 : memref<64x128xf32, #tpu.memory_space<vmem>>) target_semaphore(%arg24 : memref<!tpu.dma_semaphore, #tpu.memory_space<semaphore_mem>>)
      %dma_wait3A_332 = arith.constant 0 : i32
      %dma_wait3A_333 = arith.constant 0 : i32
      %dma_wait3A_334 = tpu.memref_slice %arg2[%dma_wait3A_332, %dma_wait3A_333] : memref<64x1000000xf32, #tpu.memory_space<hbm>> -> memref<64x128xf32, #tpu.memory_space<hbm>>
      %dma_wait3A_335 = arith.constant 0 : i32
      %dma_wait3A_336 = arith.constant 0 : i32
      %dma_wait3A_337 = tpu.memref_slice %arg2[%dma_wait3A_335, %dma_wait3A_336] : memref<64x1000000xf32, #tpu.memory_space<hbm>> -> memref<64x128xf32, #tpu.memory_space<hbm>>
      tpu.wait_dma2 semaphore(%arg17 : memref<!tpu.dma_semaphore, #tpu.memory_space<semaphore_mem>>) src(%dma_wait3A_337 : memref<64x128xf32, #tpu.memory_space<hbm>>) dst(%arg7 : memref<64x128xf32, #tpu.memory_space<vmem>>)
      %slice3A_338 = vector.extract_strided_slice %get3A_286 {offsets = [0], sizes = [1], strides = [1]} : vector<16xi32> to vector<1xi32>
      %squeeze3A_339 = vector.extract %slice3A_338[0] : i32 from vector<1xi32>
      %broadcast_in_dim3A = vector.broadcast %squeeze3A_339 : i32 to vector<16xi32>
      %jit3A_340 = arith.constant 128 : i32
      %div3A_341 = arith.divsi %squeeze3A_339, %jit3A_340 : i32
      %sign3A_342 = arith.constant 0 : i32
      %sign3A_343 = arith.cmpi sgt, %squeeze3A_339, %sign3A_342 : i32
      %sign3A_344 = arith.extui %sign3A_343 : i1 to i32
      %sign3A_345 = arith.constant 0 : i32
      %sign3A_346 = arith.cmpi slt, %squeeze3A_339, %sign3A_345 : i32
      %sign3A_347 = arith.extui %sign3A_346 : i1 to i32
      %sign3A_348 = arith.subi %sign3A_344, %sign3A_347 : i32
      %sign3A_349 = arith.constant 0 : i32
      %sign3A_350 = arith.cmpi sgt, %jit3A_340, %sign3A_349 : i32
      %sign3A_351 = arith.extui %sign3A_350 : i1 to i32
      %sign3A_352 = arith.constant 0 : i32
      %sign3A_353 = arith.cmpi slt, %jit3A_340, %sign3A_352 : i32
      %sign3A_354 = arith.extui %sign3A_353 : i1 to i32
      %sign3A_355 = arith.subi %sign3A_351, %sign3A_354 : i32
      %ne3A_356 = arith.cmpi ne, %sign3A_348, %sign3A_355 : i32
      %rem3A_357 = arith.remsi %squeeze3A_339, %jit3A_340 : i32
      %ne3A_358 = arith.constant 0 : i32
      %ne3A_359 = arith.cmpi ne, %rem3A_357, %ne3A_358 : i32
      %and3A_360 = arith.andi %ne3A_356, %ne3A_359 : i1
      %sub3A_361 = arith.constant 1 : i32
      %sub3A_362 = arith.subi %div3A_341, %sub3A_361 : i32
      %select_n3A_363 = arith.select %and3A_360, %sub3A_362, %div3A_341 : i32
      %mul3A_364 = arith.constant 128 : i32
      %mul3A_365 = arith.muli %select_n3A_363, %mul3A_364 : i32
      %broadcast_in_dim3A_366 = vector.broadcast %mul3A_365 : i32 to vector<16xi32>
      %sub3A_367 = arith.subi %broadcast_in_dim3A, %broadcast_in_dim3A_366 : vector<16xi32>
      %iota3A = tpu.iota {dimensions = array<i32: 0>} : vector<16xi32>
      %add3A_368 = arith.constant 0 : i32
      %add3A_369 = vector.broadcast %add3A_368 : i32 to vector<16xi32>
      %add3A_370 = arith.addi %iota3A, %add3A_369 : vector<16xi32>
      %gather3A = tpu.vector_load_idx %arg7[%add3A_370, %sub3A_367] : memref<64x128xf32, #tpu.memory_space<vmem>>[vector<16xi32>, vector<16xi32>], vector<16xf32>,
      %mul3A_371 = vector.broadcast %scan3A_232 : f32 to vector<16xf32>
      %mul3A_372 = arith.mulf %gather3A, %mul3A_371 : vector<16xf32>
      %get3A_373 = arith.index_cast %add3A_298 : i32 to index
      %get3A_374 = arith.constant 0 : index
      %get3A_375 = tpu.vector_load %arg15[%get3A_373, %get3A_374] {strides = array<i32>} : memref<256x128xf32, #tpu.memory_space<vmem>>, vector<16xf32>,
      %add3A_376 = arith.addf %mul3A_372, %get3A_375 : vector<16xf32>
      %mul3A_377 = arith.constant 64 : i32
      %mul3A_378 = arith.muli %add3A_298, %mul3A_377 : i32
      %add3A_379 = arith.constant 0 : i32
      %add3A_380 = arith.addi %mul3A_378, %add3A_379 : i32
      %jit3A_381 = arith.constant 128 : i32
      %div3A_382 = arith.divsi %add3A_380, %jit3A_381 : i32
      %sign3A_383 = arith.constant 0 : i32
      %sign3A_384 = arith.cmpi sgt, %add3A_380, %sign3A_383 : i32
      %sign3A_385 = arith.extui %sign3A_384 : i1 to i32
      %sign3A_386 = arith.constant 0 : i32
      %sign3A_387 = arith.cmpi slt, %add3A_380, %sign3A_386 : i32
      %sign3A_388 = arith.extui %sign3A_387 : i1 to i32
      %sign3A_389 = arith.subi %sign3A_385, %sign3A_388 : i32
      %sign3A_390 = arith.constant 0 : i32
      %sign3A_391 = arith.cmpi sgt, %jit3A_381, %sign3A_390 : i32
      %sign3A_392 = arith.extui %sign3A_391 : i1 to i32
      %sign3A_393 = arith.constant 0 : i32
      %sign3A_394 = arith.cmpi slt, %jit3A_381, %sign3A_393 : i32
      %sign3A_395 = arith.extui %sign3A_394 : i1 to i32
      %sign3A_396 = arith.subi %sign3A_392, %sign3A_395 : i32
      %ne3A_397 = arith.cmpi ne, %sign3A_389, %sign3A_396 : i32
      %rem3A_398 = arith.remsi %add3A_380, %jit3A_381 : i32
      %ne3A_399 = arith.constant 0 : i32
      %ne3A_400 = arith.cmpi ne, %rem3A_398, %ne3A_399 : i32
      %and3A_401 = arith.andi %ne3A_397, %ne3A_400 : i1
      %sub3A_402 = arith.constant 1 : i32
      %sub3A_403 = arith.subi %div3A_382, %sub3A_402 : i32
      %select_n3A_404 = arith.select %and3A_401, %sub3A_403, %div3A_382 : i32
      %jit3A_405 = arith.constant 128 : i32
      %eq3A = arith.constant 0 : i32
      %eq3A_406 = arith.cmpi eq, %jit3A_405, %eq3A : i32
      %jit3A_407 = arith.constant 1 : i32
      %select_n3A_408 = arith.select %eq3A_406, %jit3A_407, %jit3A_405 : i32
      %rem3A_409 = arith.remsi %add3A_380, %select_n3A_408 : i32
      %ne3A_410 = arith.constant 0 : i32
      %ne3A_411 = arith.cmpi ne, %rem3A_409, %ne3A_410 : i32
      %lt3A = arith.constant 0 : i32
      %lt3A_412 = arith.cmpi slt, %rem3A_409, %lt3A : i32
      %lt3A_413 = arith.constant 0 : i32
      %lt3A_414 = arith.cmpi slt, %select_n3A_408, %lt3A_413 : i32
      %ne3A_415 = arith.xori %lt3A_412, %lt3A_414 : i1
      %and3A_416 = arith.andi %ne3A_415, %ne3A_411 : i1
      %add3A_417 = arith.addi %rem3A_409, %select_n3A_408 : i32
      %select_n3A_418 = arith.select %and3A_416, %add3A_417, %rem3A_409 : i32
      %swap3A = arith.index_cast %select_n3A_404 : i32 to index
      %swap3A_419 = arith.index_cast %select_n3A_418 : i32 to index
      %swap3A_420 = tpu.vector_load %arg16[%swap3A, %swap3A_419] {strides = array<i32>} : memref<128x128xf32, #tpu.memory_space<vmem>>, vector<16xf32>,
      tpu.vector_store %arg16[%swap3A, %swap3A_419], %add3A_376 {strides = array<i32>} : memref<128x128xf32, #tpu.memory_space<vmem>>, vector<16xf32>,
      %iota3A_421 = tpu.iota {dimensions = array<i32: 0>} : vector<16xi32>
      %add3A_422 = arith.constant 16 : i32
      %add3A_423 = vector.broadcast %add3A_422 : i32 to vector<16xi32>
      %add3A_424 = arith.addi %iota3A_421, %add3A_423 : vector<16xi32>
      %gather3A_425 = tpu.vector_load_idx %arg7[%add3A_424, %sub3A_367] : memref<64x128xf32, #tpu.memory_space<vmem>>[vector<16xi32>, vector<16xi32>], vector<16xf32>,
      %mul3A_426 = vector.broadcast %scan3A_232 : f32 to vector<16xf32>
      %mul3A_427 = arith.mulf %gather3A_425, %mul3A_426 : vector<16xf32>
      %get3A_428 = arith.index_cast %add3A_298 : i32 to index
      %get3A_429 = arith.constant 16 : index
      %get3A_430 = tpu.vector_load %arg15[%get3A_428, %get3A_429] {strides = array<i32>} : memref<256x128xf32, #tpu.memory_space<vmem>>, vector<16xf32>,
      %add3A_431 = arith.addf %mul3A_427, %get3A_430 : vector<16xf32>
      %mul3A_432 = arith.constant 64 : i32
      %mul3A_433 = arith.muli %add3A_298, %mul3A_432 : i32
      %add3A_434 = arith.constant 16 : i32
      %add3A_435 = arith.addi %mul3A_433, %add3A_434 : i32
      %jit3A_436 = arith.constant 128 : i32
      %div3A_437 = arith.divsi %add3A_435, %jit3A_436 : i32
      %sign3A_438 = arith.constant 0 : i32
      %sign3A_439 = arith.cmpi sgt, %add3A_435, %sign3A_438 : i32
      %sign3A_440 = arith.extui %sign3A_439 : i1 to i32
      %sign3A_441 = arith.constant 0 : i32
      %sign3A_442 = arith.cmpi slt, %add3A_435, %sign3A_441 : i32
      %sign3A_443 = arith.extui %sign3A_442 : i1 to i32
      %sign3A_444 = arith.subi %sign3A_440, %sign3A_443 : i32
      %sign3A_445 = arith.constant 0 : i32
      %sign3A_446 = arith.cmpi sgt, %jit3A_436, %sign3A_445 : i32
      %sign3A_447 = arith.extui %sign3A_446 : i1 to i32
      %sign3A_448 = arith.constant 0 : i32
      %sign3A_449 = arith.cmpi slt, %jit3A_436, %sign3A_448 : i32
      %sign3A_450 = arith.extui %sign3A_449 : i1 to i32
      %sign3A_451 = arith.subi %sign3A_447, %sign3A_450 : i32
      %ne3A_452 = arith.cmpi ne, %sign3A_444, %sign3A_451 : i32
      %rem3A_453 = arith.remsi %add3A_435, %jit3A_436 : i32
      %ne3A_454 = arith.constant 0 : i32
      %ne3A_455 = arith.cmpi ne, %rem3A_453, %ne3A_454 : i32
      %and3A_456 = arith.andi %ne3A_452, %ne3A_455 : i1
      %sub3A_457 = arith.constant 1 : i32
      %sub3A_458 = arith.subi %div3A_437, %sub3A_457 : i32
      %select_n3A_459 = arith.select %and3A_456, %sub3A_458, %div3A_437 : i32
      %jit3A_460 = arith.constant 128 : i32
      %eq3A_461 = arith.constant 0 : i32
      %eq3A_462 = arith.cmpi eq, %jit3A_460, %eq3A_461 : i32
      %jit3A_463 = arith.constant 1 : i32
      %select_n3A_464 = arith.select %eq3A_462, %jit3A_463, %jit3A_460 : i32
      %rem3A_465 = arith.remsi %add3A_435, %select_n3A_464 : i32
      %ne3A_466 = arith.constant 0 : i32
      %ne3A_467 = arith.cmpi ne, %rem3A_465, %ne3A_466 : i32
      %lt3A_468 = arith.constant 0 : i32
      %lt3A_469 = arith.cmpi slt, %rem3A_465, %lt3A_468 : i32
      %lt3A_470 = arith.constant 0 : i32
      %lt3A_471 = arith.cmpi slt, %select_n3A_464, %lt3A_470 : i32
      %ne3A_472 = arith.xori %lt3A_469, %lt3A_471 : i1
      %and3A_473 = arith.andi %ne3A_472, %ne3A_467 : i1
      %add3A_474 = arith.addi %rem3A_465, %select_n3A_464 : i32
      %select_n3A_475 = arith.select %and3A_473, %add3A_474, %rem3A_465 : i32
      %swap3A_476 = arith.index_cast %select_n3A_459 : i32 to index
      %swap3A_477 = arith.index_cast %select_n3A_475 : i32 to index
      %swap3A_478 = tpu.vector_load %arg16[%swap3A_476, %swap3A_477] {strides = array<i32>} : memref<128x128xf32, #tpu.memory_space<vmem>>, vector<16xf32>,
      tpu.vector_store %arg16[%swap3A_476, %swap3A_477], %add3A_431 {strides = array<i32>} : memref<128x128xf32, #tpu.memory_space<vmem>>, vector<16xf32>,
      %iota3A_479 = tpu.iota {dimensions = array<i32: 0>} : vector<16xi32>
      %add3A_480 = arith.constant 32 : i32
      %add3A_481 = vector.broadcast %add3A_480 : i32 to vector<16xi32>
      %add3A_482 = arith.addi %iota3A_479, %add3A_481 : vector<16xi32>
      %gather3A_483 = tpu.vector_load_idx %arg7[%add3A_482, %sub3A_367] : memref<64x128xf32, #tpu.memory_space<vmem>>[vector<16xi32>, vector<16xi32>], vector<16xf32>,
      %mul3A_484 = vector.broadcast %scan3A_232 : f32 to vector<16xf32>
      %mul3A_485 = arith.mulf %gather3A_483, %mul3A_484 : vector<16xf32>
      %get3A_486 = arith.index_cast %add3A_298 : i32 to index
      %get3A_487 = arith.constant 32 : index
      %get3A_488 = tpu.vector_load %arg15[%get3A_486, %get3A_487] {strides = array<i32>} : memref<256x128xf32, #tpu.memory_space<vmem>>, vector<16xf32>,
      %add3A_489 = arith.addf %mul3A_485, %get3A_488 : vector<16xf32>
      %mul3A_490 = arith.constant 64 : i32
      %mul3A_491 = arith.muli %add3A_298, %mul3A_490 : i32
      %add3A_492 = arith.constant 32 : i32
      %add3A_493 = arith.addi %mul3A_491, %add3A_492 : i32
      %jit3A_494 = arith.constant 128 : i32
      %div3A_495 = arith.divsi %add3A_493, %jit3A_494 : i32
      %sign3A_496 = arith.constant 0 : i32
      %sign3A_497 = arith.cmpi sgt, %add3A_493, %sign3A_496 : i32
      %sign3A_498 = arith.extui %sign3A_497 : i1 to i32
      %sign3A_499 = arith.constant 0 : i32
      %sign3A_500 = arith.cmpi slt, %add3A_493, %sign3A_499 : i32
      %sign3A_501 = arith.extui %sign3A_500 : i1 to i32
      %sign3A_502 = arith.subi %sign3A_498, %sign3A_501 : i32
      %sign3A_503 = arith.constant 0 : i32
      %sign3A_504 = arith.cmpi sgt, %jit3A_494, %sign3A_503 : i32
      %sign3A_505 = arith.extui %sign3A_504 : i1 to i32
      %sign3A_506 = arith.constant 0 : i32
      %sign3A_507 = arith.cmpi slt, %jit3A_494, %sign3A_506 : i32
      %sign3A_508 = arith.extui %sign3A_507 : i1 to i32
      %sign3A_509 = arith.subi %sign3A_505, %sign3A_508 : i32
      %ne3A_510 = arith.cmpi ne, %sign3A_502, %sign3A_509 : i32
      %rem3A_511 = arith.remsi %add3A_493, %jit3A_494 : i32
      %ne3A_512 = arith.constant 0 : i32
      %ne3A_513 = arith.cmpi ne, %rem3A_511, %ne3A_512 : i32
      %and3A_514 = arith.andi %ne3A_510, %ne3A_513 : i1
      %sub3A_515 = arith.constant 1 : i32
      %sub3A_516 = arith.subi %div3A_495, %sub3A_515 : i32
      %select_n3A_517 = arith.select %and3A_514, %sub3A_516, %div3A_495 : i32
      %jit3A_518 = arith.constant 128 : i32
      %eq3A_519 = arith.constant 0 : i32
      %eq3A_520 = arith.cmpi eq, %jit3A_518, %eq3A_519 : i32
      %jit3A_521 = arith.constant 1 : i32
      %select_n3A_522 = arith.select %eq3A_520, %jit3A_521, %jit3A_518 : i32
      %rem3A_523 = arith.remsi %add3A_493, %select_n3A_522 : i32
      %ne3A_524 = arith.constant 0 : i32
      %ne3A_525 = arith.cmpi ne, %rem3A_523, %ne3A_524 : i32
      %lt3A_526 = arith.constant 0 : i32
      %lt3A_527 = arith.cmpi slt, %rem3A_523, %lt3A_526 : i32
      %lt3A_528 = arith.constant 0 : i32
      %lt3A_529 = arith.cmpi slt, %select_n3A_522, %lt3A_528 : i32
      %ne3A_530 = arith.xori %lt3A_527, %lt3A_529 : i1
      %and3A_531 = arith.andi %ne3A_530, %ne3A_525 : i1
      %add3A_532 = arith.addi %rem3A_523, %select_n3A_522 : i32
      %select_n3A_533 = arith.select %and3A_531, %add3A_532, %rem3A_523 : i32
      %swap3A_534 = arith.index_cast %select_n3A_517 : i32 to index
      %swap3A_535 = arith.index_cast %select_n3A_533 : i32 to index
      %swap3A_536 = tpu.vector_load %arg16[%swap3A_534, %swap3A_535] {strides = array<i32>} : memref<128x128xf32, #tpu.memory_space<vmem>>, vector<16xf32>,
      tpu.vector_store %arg16[%swap3A_534, %swap3A_535], %add3A_489 {strides = array<i32>} : memref<128x128xf32, #tpu.memory_space<vmem>>, vector<16xf32>,
      %iota3A_537 = tpu.iota {dimensions = array<i32: 0>} : vector<16xi32>
      %add3A_538 = arith.constant 48 : i32
      %add3A_539 = vector.broadcast %add3A_538 : i32 to vector<16xi32>
      %add3A_540 = arith.addi %iota3A_537, %add3A_539 : vector<16xi32>
      %gather3A_541 = tpu.vector_load_idx %arg7[%add3A_540, %sub3A_367] : memref<64x128xf32, #tpu.memory_space<vmem>>[vector<16xi32>, vector<16xi32>], vector<16xf32>,
      %mul3A_542 = vector.broadcast %scan3A_232 : f32 to vector<16xf32>
      %mul3A_543 = arith.mulf %gather3A_541, %mul3A_542 : vector<16xf32>
      %get3A_544 = arith.index_cast %add3A_298 : i32 to index
      %get3A_545 = arith.constant 48 : index
      %get3A_546 = tpu.vector_load %arg15[%get3A_544, %get3A_545] {strides = array<i32>} : memref<256x128xf32, #tpu.memory_space<vmem>>, vector<16xf32>,
      %add3A_547 = arith.addf %mul3A_543, %get3A_546 : vector<16xf32>
      %mul3A_548 = arith.constant 64 : i32
      %mul3A_549 = arith.muli %add3A_298, %mul3A_548 : i32
      %add3A_550 = arith.constant 48 : i32
      %add3A_551 = arith.addi %mul3A_549, %add3A_550 : i32
      %jit3A_552 = arith.constant 128 : i32
      %div3A_553 = arith.divsi %add3A_551, %jit3A_552 : i32
      %sign3A_554 = arith.constant 0 : i32
      %sign3A_555 = arith.cmpi sgt, %add3A_551, %sign3A_554 : i32
      %sign3A_556 = arith.extui %sign3A_555 : i1 to i32
      %sign3A_557 = arith.constant 0 : i32
      %sign3A_558 = arith.cmpi slt, %add3A_551, %sign3A_557 : i32
      %sign3A_559 = arith.extui %sign3A_558 : i1 to i32
      %sign3A_560 = arith.subi %sign3A_556, %sign3A_559 : i32
      %sign3A_561 = arith.constant 0 : i32
      %sign3A_562 = arith.cmpi sgt, %jit3A_552, %sign3A_561 : i32
      %sign3A_563 = arith.extui %sign3A_562 : i1 to i32
      %sign3A_564 = arith.constant 0 : i32
      %sign3A_565 = arith.cmpi slt, %jit3A_552, %sign3A_564 : i32
      %sign3A_566 = arith.extui %sign3A_565 : i1 to i32
      %sign3A_567 = arith.subi %sign3A_563, %sign3A_566 : i32
      %ne3A_568 = arith.cmpi ne, %sign3A_560, %sign3A_567 : i32
      %rem3A_569 = arith.remsi %add3A_551, %jit3A_552 : i32
      %ne3A_570 = arith.constant 0 : i32
      %ne3A_571 = arith.cmpi ne, %rem3A_569, %ne3A_570 : i32
      %and3A_572 = arith.andi %ne3A_568, %ne3A_571 : i1
      %sub3A_573 = arith.constant 1 : i32
      %sub3A_574 = arith.subi %div3A_553, %sub3A_573 : i32
      %select_n3A_575 = arith.select %and3A_572, %sub3A_574, %div3A_553 : i32
      %jit3A_576 = arith.constant 128 : i32
      %eq3A_577 = arith.constant 0 : i32
      %eq3A_578 = arith.cmpi eq, %jit3A_576, %eq3A_577 : i32
      %jit3A_579 = arith.constant 1 : i32
      %select_n3A_580 = arith.select %eq3A_578, %jit3A_579, %jit3A_576 : i32
      %rem3A_581 = arith.remsi %add3A_551, %select_n3A_580 : i32
      %ne3A_582 = arith.constant 0 : i32
      %ne3A_583 = arith.cmpi ne, %rem3A_581, %ne3A_582 : i32
      %lt3A_584 = arith.constant 0 : i32
      %lt3A_585 = arith.cmpi slt, %rem3A_581, %lt3A_584 : i32
      %lt3A_586 = arith.constant 0 : i32
      %lt3A_587 = arith.cmpi slt, %select_n3A_580, %lt3A_586 : i32
      %ne3A_588 = arith.xori %lt3A_585, %lt3A_587 : i1
      %and3A_589 = arith.andi %ne3A_588, %ne3A_583 : i1
      %add3A_590 = arith.addi %rem3A_581, %select_n3A_580 : i32
      %select_n3A_591 = arith.select %and3A_589, %add3A_590, %rem3A_581 : i32
      %swap3A_592 = arith.index_cast %select_n3A_575 : i32 to index
      %swap3A_593 = arith.index_cast %select_n3A_591 : i32 to index
      %swap3A_594 = tpu.vector_load %arg16[%swap3A_592, %swap3A_593] {strides = array<i32>} : memref<128x128xf32, #tpu.memory_space<vmem>>, vector<16xf32>,
      tpu.vector_store %arg16[%swap3A_592, %swap3A_593], %add3A_547 {strides = array<i32>} : memref<128x128xf32, #tpu.memory_space<vmem>>, vector<16xf32>,
      %mul3A_595 = arith.constant 16 : i32
      %mul3A_596 = arith.muli %scan3A_282, %mul3A_595 : i32
      %add3A_597 = arith.constant 1 : i32
      %add3A_598 = arith.addi %mul3A_596, %add3A_597 : i32
      %slice3A_599 = vector.extract_strided_slice %get3A_286 {offsets = [8], sizes = [1], strides = [1]} : vector<16xi32> to vector<1xi32>
      %squeeze3A_600 = vector.extract %slice3A_599[0] : i32 from vector<1xi32>
      %jit3A_601 = arith.constant 128 : i32
      %div3A_602 = arith.divsi %squeeze3A_600, %jit3A_601 : i32
      %sign3A_603 = arith.constant 0 : i32
      %sign3A_604 = arith.cmpi sgt, %squeeze3A_600, %sign3A_603 : i32
      %sign3A_605 = arith.extui %sign3A_604 : i1 to i32
      %sign3A_606 = arith.constant 0 : i32
      %sign3A_607 = arith.cmpi slt, %squeeze3A_600, %sign3A_606 : i32
      %sign3A_608 = arith.extui %sign3A_607 : i1 to i32
      %sign3A_609 = arith.subi %sign3A_605, %sign3A_608 : i32
      %sign3A_610 = arith.constant 0 : i32
      %sign3A_611 = arith.cmpi sgt, %jit3A_601, %sign3A_610 : i32
      %sign3A_612 = arith.extui %sign3A_611 : i1 to i32
      %sign3A_613 = arith.constant 0 : i32
      %sign3A_614 = arith.cmpi slt, %jit3A_601, %sign3A_613 : i32
      %sign3A_615 = arith.extui %sign3A_614 : i1 to i32
      %sign3A_616 = arith.subi %sign3A_612, %sign3A_615 : i32
      %ne3A_617 = arith.cmpi ne, %sign3A_609, %sign3A_616 : i32
      %rem3A_618 = arith.remsi %squeeze3A_600, %jit3A_601 : i32
      %ne3A_619 = arith.constant 0 : i32
      %ne3A_620 = arith.cmpi ne, %rem3A_618, %ne3A_619 : i32
      %and3A_621 = arith.andi %ne3A_617, %ne3A_620 : i1
      %sub3A_622 = arith.constant 1 : i32
      %sub3A_623 = arith.subi %div3A_602, %sub3A_622 : i32
      %select_n3A_624 = arith.select %and3A_621, %sub3A_623, %div3A_602 : i32
      %mul3A_625 = arith.constant 128 : i32
      %mul3A_626 = arith.muli %select_n3A_624, %mul3A_625 : i32
      %multiple_of3A_627 = tpu.assume_multiple %mul3A_626, 128 : i32
      %dma_start3A_628 = arith.constant 0 : i32
      %dma_start3A_629 = tpu.memref_slice %arg2[%dma_start3A_628, %multiple_of3A_627] : memref<64x1000000xf32, #tpu.memory_space<hbm>> -> memref<64x128xf32, #tpu.memory_space<hbm>>
      %dma_start3A_630 = arith.constant 0 : i32
      %dma_start3A_631 = tpu.memref_slice %arg2[%dma_start3A_630, %multiple_of3A_627] : memref<64x1000000xf32, #tpu.memory_space<hbm>> -> memref<64x128xf32, #tpu.memory_space<hbm>>
      tpu.enqueue_dma source(%dma_start3A_631 : memref<64x128xf32, #tpu.memory_space<hbm>>) target(%arg7 : memref<64x128xf32, #tpu.memory_space<vmem>>) target_semaphore(%arg17 : memref<!tpu.dma_semaphore, #tpu.memory_space<semaphore_mem>>)
      %dma_wait3A_632 = arith.constant 0 : i32
      %dma_wait3A_633 = arith.constant 0 : i32
      %dma_wait3A_634 = tpu.memref_slice %arg2[%dma_wait3A_632, %dma_wait3A_633] : memref<64x1000000xf32, #tpu.memory_space<hbm>> -> memref<64x128xf32, #tpu.memory_space<hbm>>
      %dma_wait3A_635 = arith.constant 0 : i32
      %dma_wait3A_636 = arith.constant 0 : i32
      %dma_wait3A_637 = tpu.memref_slice %arg2[%dma_wait3A_635, %dma_wait3A_636] : memref<64x1000000xf32, #tpu.memory_space<hbm>> -> memref<64x128xf32, #tpu.memory_space<hbm>>
      tpu.wait_dma2 semaphore(%arg18 : memref<!tpu.dma_semaphore, #tpu.memory_space<semaphore_mem>>) src(%dma_wait3A_637 : memref<64x128xf32, #tpu.memory_space<hbm>>) dst(%arg8 : memref<64x128xf32, #tpu.memory_space<vmem>>)
      %slice3A_638 = vector.extract_strided_slice %get3A_286 {offsets = [1], sizes = [1], strides = [1]} : vector<16xi32> to vector<1xi32>
      %squeeze3A_639 = vector.extract %slice3A_638[0] : i32 from vector<1xi32>
      %broadcast_in_dim3A_640 = vector.broadcast %squeeze3A_639 : i32 to vector<16xi32>
      %jit3A_641 = arith.constant 128 : i32
      %div3A_642 = arith.divsi %squeeze3A_639, %jit3A_641 : i32
      %sign3A_643 = arith.constant 0 : i32
      %sign3A_644 = arith.cmpi sgt, %squeeze3A_639, %sign3A_643 : i32
      %sign3A_645 = arith.extui %sign3A_644 : i1 to i32
      %sign3A_646 = arith.constant 0 : i32
      %sign3A_647 = arith.cmpi slt, %squeeze3A_639, %sign3A_646 : i32
      %sign3A_648 = arith.extui %sign3A_647 : i1 to i32
      %sign3A_649 = arith.subi %sign3A_645, %sign3A_648 : i32
      %sign3A_650 = arith.constant 0 : i32
      %sign3A_651 = arith.cmpi sgt, %jit3A_641, %sign3A_650 : i32
      %sign3A_652 = arith.extui %sign3A_651 : i1 to i32
      %sign3A_653 = arith.constant 0 : i32
      %sign3A_654 = arith.cmpi slt, %jit3A_641, %sign3A_653 : i32
      %sign3A_655 = arith.extui %sign3A_654 : i1 to i32
      %sign3A_656 = arith.subi %sign3A_652, %sign3A_655 : i32
      %ne3A_657 = arith.cmpi ne, %sign3A_649, %sign3A_656 : i32
      %rem3A_658 = arith.remsi %squeeze3A_639, %jit3A_641 : i32
      %ne3A_659 = arith.constant 0 : i32
      %ne3A_660 = arith.cmpi ne, %rem3A_658, %ne3A_659 : i32
      %and3A_661 = arith.andi %ne3A_657, %ne3A_660 : i1
      %sub3A_662 = arith.constant 1 : i32
      %sub3A_663 = arith.subi %div3A_642, %sub3A_662 : i32
      %select_n3A_664 = arith.select %and3A_661, %sub3A_663, %div3A_642 : i32
      %mul3A_665 = arith.constant 128 : i32
      %mul3A_666 = arith.muli %select_n3A_664, %mul3A_665 : i32
      %broadcast_in_dim3A_667 = vector.broadcast %mul3A_666 : i32 to vector<16xi32>
      %sub3A_668 = arith.subi %broadcast_in_dim3A_640, %broadcast_in_dim3A_667 : vector<16xi32>
      %iota3A_669 = tpu.iota {dimensions = array<i32: 0>} : vector<16xi32>
      %add3A_670 = arith.constant 0 : i32
      %add3A_671 = vector.broadcast %add3A_670 : i32 to vector<16xi32>
      %add3A_672 = arith.addi %iota3A_669, %add3A_671 : vector<16xi32>
      %gather3A_673 = tpu.vector_load_idx %arg8[%add3A_672, %sub3A_668] : memref<64x128xf32, #tpu.memory_space<vmem>>[vector<16xi32>, vector<16xi32>], vector<16xf32>,
      %mul3A_674 = vector.broadcast %scan3A_232 : f32 to vector<16xf32>
      %mul3A_675 = arith.mulf %gather3A_673, %mul3A_674 : vector<16xf32>
      %get3A_676 = arith.index_cast %add3A_598 : i32 to index
      %get3A_677 = arith.constant 0 : index
      %get3A_678 = tpu.vector_load %arg15[%get3A_676, %get3A_677] {strides = array<i32>} : memref<256x128xf32, #tpu.memory_space<vmem>>, vector<16xf32>,
      %add3A_679 = arith.addf %mul3A_675, %get3A_678 : vector<16xf32>
      %mul3A_680 = arith.constant 64 : i32
      %mul3A_681 = arith.muli %add3A_598, %mul3A_680 : i32
      %add3A_682 = arith.constant 0 : i32
      %add3A_683 = arith.addi %mul3A_681, %add3A_682 : i32
      %jit3A_684 = arith.constant 128 : i32
      %div3A_685 = arith.divsi %add3A_683, %jit3A_684 : i32
      %sign3A_686 = arith.constant 0 : i32
      %sign3A_687 = arith.cmpi sgt, %add3A_683, %sign3A_686 : i32
      %sign3A_688 = arith.extui %sign3A_687 : i1 to i32
      %sign3A_689 = arith.constant 0 : i32
      %sign3A_690 = arith.cmpi slt, %add3A_683, %sign3A_689 : i32
      %sign3A_691 = arith.extui %sign3A_690 : i1 to i32
      %sign3A_692 = arith.subi %sign3A_688, %sign3A_691 : i32
      %sign3A_693 = arith.constant 0 : i32
      %sign3A_694 = arith.cmpi sgt, %jit3A_684, %sign3A_693 : i32
      %sign3A_695 = arith.extui %sign3A_694 : i1 to i32
      %sign3A_696 = arith.constant 0 : i32
      %sign3A_697 = arith.cmpi slt, %jit3A_684, %sign3A_696 : i32
      %sign3A_698 = arith.extui %sign3A_697 : i1 to i32
      %sign3A_699 = arith.subi %sign3A_695, %sign3A_698 : i32
      %ne3A_700 = arith.cmpi ne, %sign3A_692, %sign3A_699 : i32
      %rem3A_701 = arith.remsi %add3A_683, %jit3A_684 : i32
      %ne3A_702 = arith.constant 0 : i32
      %ne3A_703 = arith.cmpi ne, %rem3A_701, %ne3A_702 : i32
      %and3A_704 = arith.andi %ne3A_700, %ne3A_703 : i1
      %sub3A_705 = arith.constant 1 : i32
      %sub3A_706 = arith.subi %div3A_685, %sub3A_705 : i32
      %select_n3A_707 = arith.select %and3A_704, %sub3A_706, %div3A_685 : i32
      %jit3A_708 = arith.constant 128 : i32
      %eq3A_709 = arith.constant 0 : i32
      %eq3A_710 = arith.cmpi eq, %jit3A_708, %eq3A_709 : i32
      %jit3A_711 = arith.constant 1 : i32
      %select_n3A_712 = arith.select %eq3A_710, %jit3A_711, %jit3A_708 : i32
      %rem3A_713 = arith.remsi %add3A_683, %select_n3A_712 : i32
      %ne3A_714 = arith.constant 0 : i32
      %ne3A_715 = arith.cmpi ne, %rem3A_713, %ne3A_714 : i32
      %lt3A_716 = arith.constant 0 : i32
      %lt3A_717 = arith.cmpi slt, %rem3A_713, %lt3A_716 : i32
      %lt3A_718 = arith.constant 0 : i32
      %lt3A_719 = arith.cmpi slt, %select_n3A_712, %lt3A_718 : i32
      %ne3A_720 = arith.xori %lt3A_717, %lt3A_719 : i1
      %and3A_721 = arith.andi %ne3A_720, %ne3A_715 : i1
      %add3A_722 = arith.addi %rem3A_713, %select_n3A_712 : i32
      %select_n3A_723 = arith.select %and3A_721, %add3A_722, %rem3A_713 : i32
      %swap3A_724 = arith.index_cast %select_n3A_707 : i32 to index
      %swap3A_725 = arith.index_cast %select_n3A_723 : i32 to index
      %swap3A_726 = tpu.vector_load %arg16[%swap3A_724, %swap3A_725] {strides = array<i32>} : memref<128x128xf32, #tpu.memory_space<vmem>>, vector<16xf32>,
      tpu.vector_store %arg16[%swap3A_724, %swap3A_725], %add3A_679 {strides = array<i32>} : memref<128x128xf32, #tpu.memory_space<vmem>>, vector<16xf32>,
      %iota3A_727 = tpu.iota {dimensions = array<i32: 0>} : vector<16xi32>
      %add3A_728 = arith.constant 16 : i32
      %add3A_729 = vector.broadcast %add3A_728 : i32 to vector<16xi32>
      %add3A_730 = arith.addi %iota3A_727, %add3A_729 : vector<16xi32>
      %gather3A_731 = tpu.vector_load_idx %arg8[%add3A_730, %sub3A_668] : memref<64x128xf32, #tpu.memory_space<vmem>>[vector<16xi32>, vector<16xi32>], vector<16xf32>,
      %mul3A_732 = vector.broadcast %scan3A_232 : f32 to vector<16xf32>
      %mul3A_733 = arith.mulf %gather3A_731, %mul3A_732 : vector<16xf32>
      %get3A_734 = arith.index_cast %add3A_598 : i32 to index
      %get3A_735 = arith.constant 16 : index
      %get3A_736 = tpu.vector_load %arg15[%get3A_734, %get3A_735] {strides = array<i32>} : memref<256x128xf32, #tpu.memory_space<vmem>>, vector<16xf32>,
      %add3A_737 = arith.addf %mul3A_733, %get3A_736 : vector<16xf32>
      %mul3A_738 = arith.constant 64 : i32
      %mul3A_739 = arith.muli %add3A_598, %mul3A_738 : i32
      %add3A_740 = arith.constant 16 : i32
      %add3A_741 = arith.addi %mul3A_739, %add3A_740 : i32
      %jit3A_742 = arith.constant 128 : i32
      %div3A_743 = arith.divsi %add3A_741, %jit3A_742 : i32
      %sign3A_744 = arith.constant 0 : i32
      %sign3A_745 = arith.cmpi sgt, %add3A_741, %sign3A_744 : i32
      %sign3A_746 = arith.extui %sign3A_745 : i1 to i32
      %sign3A_747 = arith.constant 0 : i32
      %sign3A_748 = arith.cmpi slt, %add3A_741, %sign3A_747 : i32
      %sign3A_749 = arith.extui %sign3A_748 : i1 to i32
      %sign3A_750 = arith.subi %sign3A_746, %sign3A_749 : i32
      %sign3A_751 = arith.constant 0 : i32
      %sign3A_752 = arith.cmpi sgt, %jit3A_742, %sign3A_751 : i32
      %sign3A_753 = arith.extui %sign3A_752 : i1 to i32
      %sign3A_754 = arith.constant 0 : i32
      %sign3A_755 = arith.cmpi slt, %jit3A_742, %sign3A_754 : i32
      %sign3A_756 = arith.extui %sign3A_755 : i1 to i32
      %sign3A_757 = arith.subi %sign3A_753, %sign3A_756 : i32
      %ne3A_758 = arith.cmpi ne, %sign3A_750, %sign3A_757 : i32
      %rem3A_759 = arith.remsi %add3A_741, %jit3A_742 : i32
      %ne3A_760 = arith.constant 0 : i32
      %ne3A_761 = arith.cmpi ne, %rem3A_759, %ne3A_760 : i32
      %and3A_762 = arith.andi %ne3A_758, %ne3A_761 : i1
      %sub3A_763 = arith.constant 1 : i32
      %sub3A_764 = arith.subi %div3A_743, %sub3A_763 : i32
      %select_n3A_765 = arith.select %and3A_762, %sub3A_764, %div3A_743 : i32
      %jit3A_766 = arith.constant 128 : i32
      %eq3A_767 = arith.constant 0 : i32
      %eq3A_768 = arith.cmpi eq, %jit3A_766, %eq3A_767 : i32
      %jit3A_769 = arith.constant 1 : i32
      %select_n3A_770 = arith.select %eq3A_768, %jit3A_769, %jit3A_766 : i32
      %rem3A_771 = arith.remsi %add3A_741, %select_n3A_770 : i32
      %ne3A_772 = arith.constant 0 : i32
      %ne3A_773 = arith.cmpi ne, %rem3A_771, %ne3A_772 : i32
      %lt3A_774 = arith.constant 0 : i32
      %lt3A_775 = arith.cmpi slt, %rem3A_771, %lt3A_774 : i32
      %lt3A_776 = arith.constant 0 : i32
      %lt3A_777 = arith.cmpi slt, %select_n3A_770, %lt3A_776 : i32
      %ne3A_778 = arith.xori %lt3A_775, %lt3A_777 : i1
      %and3A_779 = arith.andi %ne3A_778, %ne3A_773 : i1
      %add3A_780 = arith.addi %rem3A_771, %select_n3A_770 : i32
      %select_n3A_781 = arith.select %and3A_779, %add3A_780, %rem3A_771 : i32
      %swap3A_782 = arith.index_cast %select_n3A_765 : i32 to index
      %swap3A_783 = arith.index_cast %select_n3A_781 : i32 to index
      %swap3A_784 = tpu.vector_load %arg16[%swap3A_782, %swap3A_783] {strides = array<i32>} : memref<128x128xf32, #tpu.memory_space<vmem>>, vector<16xf32>,
      tpu.vector_store %arg16[%swap3A_782, %swap3A_783], %add3A_737 {strides = array<i32>} : memref<128x128xf32, #tpu.memory_space<vmem>>, vector<16xf32>,
      %iota3A_785 = tpu.iota {dimensions = array<i32: 0>} : vector<16xi32>
      %add3A_786 = arith.constant 32 : i32
      %add3A_787 = vector.broadcast %add3A_786 : i32 to vector<16xi32>
      %add3A_788 = arith.addi %iota3A_785, %add3A_787 : vector<16xi32>
      %gather3A_789 = tpu.vector_load_idx %arg8[%add3A_788, %sub3A_668] : memref<64x128xf32, #tpu.memory_space<vmem>>[vector<16xi32>, vector<16xi32>], vector<16xf32>,
      %mul3A_790 = vector.broadcast %scan3A_232 : f32 to vector<16xf32>
      %mul3A_791 = arith.mulf %gather3A_789, %mul3A_790 : vector<16xf32>
      %get3A_792 = arith.index_cast %add3A_598 : i32 to index
      %get3A_793 = arith.constant 32 : index
      %get3A_794 = tpu.vector_load %arg15[%get3A_792, %get3A_793] {strides = array<i32>} : memref<256x128xf32, #tpu.memory_space<vmem>>, vector<16xf32>,
      %add3A_795 = arith.addf %mul3A_791, %get3A_794 : vector<16xf32>
      %mul3A_796 = arith.constant 64 : i32
      %mul3A_797 = arith.muli %add3A_598, %mul3A_796 : i32
      %add3A_798 = arith.constant 32 : i32
      %add3A_799 = arith.addi %mul3A_797, %add3A_798 : i32
      %jit3A_800 = arith.constant 128 : i32
      %div3A_801 = arith.divsi %add3A_799, %jit3A_800 : i32
      %sign3A_802 = arith.constant 0 : i32
      %sign3A_803 = arith.cmpi sgt, %add3A_799, %sign3A_802 : i32
      %sign3A_804 = arith.extui %sign3A_803 : i1 to i32
      %sign3A_805 = arith.constant 0 : i32
      %sign3A_806 = arith.cmpi slt, %add3A_799, %sign3A_805 : i32
      %sign3A_807 = arith.extui %sign3A_806 : i1 to i32
      %sign3A_808 = arith.subi %sign3A_804, %sign3A_807 : i32
      %sign3A_809 = arith.constant 0 : i32
      %sign3A_810 = arith.cmpi sgt, %jit3A_800, %sign3A_809 : i32
      %sign3A_811 = arith.extui %sign3A_810 : i1 to i32
      %sign3A_812 = arith.constant 0 : i32
      %sign3A_813 = arith.cmpi slt, %jit3A_800, %sign3A_812 : i32
      %sign3A_814 = arith.extui %sign3A_813 : i1 to i32
      %sign3A_815 = arith.subi %sign3A_811, %sign3A_814 : i32
      %ne3A_816 = arith.cmpi ne, %sign3A_808, %sign3A_815 : i32
      %rem3A_817 = arith.remsi %add3A_799, %jit3A_800 : i32
      %ne3A_818 = arith.constant 0 : i32
      %ne3A_819 = arith.cmpi ne, %rem3A_817, %ne3A_818 : i32
      %and3A_820 = arith.andi %ne3A_816, %ne3A_819 : i1
      %sub3A_821 = arith.constant 1 : i32
      %sub3A_822 = arith.subi %div3A_801, %sub3A_821 : i32
      %select_n3A_823 = arith.select %and3A_820, %sub3A_822, %div3A_801 : i32
      %jit3A_824 = arith.constant 128 : i32
      %eq3A_825 = arith.constant 0 : i32
      %eq3A_826 = arith.cmpi eq, %jit3A_824, %eq3A_825 : i32
      %jit3A_827 = arith.constant 1 : i32
      %select_n3A_828 = arith.select %eq3A_826, %jit3A_827, %jit3A_824 : i32
      %rem3A_829 = arith.remsi %add3A_799, %select_n3A_828 : i32
      %ne3A_830 = arith.constant 0 : i32
      %ne3A_831 = arith.cmpi ne, %rem3A_829, %ne3A_830 : i32
      %lt3A_832 = arith.constant 0 : i32
      %lt3A_833 = arith.cmpi slt, %rem3A_829, %lt3A_832 : i32
      %lt3A_834 = arith.constant 0 : i32
      %lt3A_835 = arith.cmpi slt, %select_n3A_828, %lt3A_834 : i32
      %ne3A_836 = arith.xori %lt3A_833, %lt3A_835 : i1
      %and3A_837 = arith.andi %ne3A_836, %ne3A_831 : i1
      %add3A_838 = arith.addi %rem3A_829, %select_n3A_828 : i32
      %select_n3A_839 = arith.select %and3A_837, %add3A_838, %rem3A_829 : i32
      %swap3A_840 = arith.index_cast %select_n3A_823 : i32 to index
      %swap3A_841 = arith.index_cast %select_n3A_839 : i32 to index
      %swap3A_842 = tpu.vector_load %arg16[%swap3A_840, %swap3A_841] {strides = array<i32>} : memref<128x128xf32, #tpu.memory_space<vmem>>, vector<16xf32>,
      tpu.vector_store %arg16[%swap3A_840, %swap3A_841], %add3A_795 {strides = array<i32>} : memref<128x128xf32, #tpu.memory_space<vmem>>, vector<16xf32>,
      %iota3A_843 = tpu.iota {dimensions = array<i32: 0>} : vector<16xi32>
      %add3A_844 = arith.constant 48 : i32
      %add3A_845 = vector.broadcast %add3A_844 : i32 to vector<16xi32>
      %add3A_846 = arith.addi %iota3A_843, %add3A_845 : vector<16xi32>
      %gather3A_847 = tpu.vector_load_idx %arg8[%add3A_846, %sub3A_668] : memref<64x128xf32, #tpu.memory_space<vmem>>[vector<16xi32>, vector<16xi32>], vector<16xf32>,
      %mul3A_848 = vector.broadcast %scan3A_232 : f32 to vector<16xf32>
      %mul3A_849 = arith.mulf %gather3A_847, %mul3A_848 : vector<16xf32>
      %get3A_850 = arith.index_cast %add3A_598 : i32 to index
      %get3A_851 = arith.constant 48 : index
      %get3A_852 = tpu.vector_load %arg15[%get3A_850, %get3A_851] {strides = array<i32>} : memref<256x128xf32, #tpu.memory_space<vmem>>, vector<16xf32>,
      %add3A_853 = arith.addf %mul3A_849, %get3A_852 : vector<16xf32>
      %mul3A_854 = arith.constant 64 : i32
      %mul3A_855 = arith.muli %add3A_598, %mul3A_854 : i32
      %add3A_856 = arith.constant 48 : i32
      %add3A_857 = arith.addi %mul3A_855, %add3A_856 : i32
      %jit3A_858 = arith.constant 128 : i32
      %div3A_859 = arith.divsi %add3A_857, %jit3A_858 : i32
      %sign3A_860 = arith.constant 0 : i32
      %sign3A_861 = arith.cmpi sgt, %add3A_857, %sign3A_860 : i32
      %sign3A_862 = arith.extui %sign3A_861 : i1 to i32
      %sign3A_863 = arith.constant 0 : i32
      %sign3A_864 = arith.cmpi slt, %add3A_857, %sign3A_863 : i32
      %sign3A_865 = arith.extui %sign3A_864 : i1 to i32
      %sign3A_866 = arith.subi %sign3A_862, %sign3A_865 : i32
      %sign3A_867 = arith.constant 0 : i32
      %sign3A_868 = arith.cmpi sgt, %jit3A_858, %sign3A_867 : i32
      %sign3A_869 = arith.extui %sign3A_868 : i1 to i32
      %sign3A_870 = arith.constant 0 : i32
      %sign3A_871 = arith.cmpi slt, %jit3A_858, %sign3A_870 : i32
      %sign3A_872 = arith.extui %sign3A_871 : i1 to i32
      %sign3A_873 = arith.subi %sign3A_869, %sign3A_872 : i32
      %ne3A_874 = arith.cmpi ne, %sign3A_866, %sign3A_873 : i32
      %rem3A_875 = arith.remsi %add3A_857, %jit3A_858 : i32
      %ne3A_876 = arith.constant 0 : i32
      %ne3A_877 = arith.cmpi ne, %rem3A_875, %ne3A_876 : i32
      %and3A_878 = arith.andi %ne3A_874, %ne3A_877 : i1
      %sub3A_879 = arith.constant 1 : i32
      %sub3A_880 = arith.subi %div3A_859, %sub3A_879 : i32
      %select_n3A_881 = arith.select %and3A_878, %sub3A_880, %div3A_859 : i32
      %jit3A_882 = arith.constant 128 : i32
      %eq3A_883 = arith.constant 0 : i32
      %eq3A_884 = arith.cmpi eq, %jit3A_882, %eq3A_883 : i32
      %jit3A_885 = arith.constant 1 : i32
      %select_n3A_886 = arith.select %eq3A_884, %jit3A_885, %jit3A_882 : i32
      %rem3A_887 = arith.remsi %add3A_857, %select_n3A_886 : i32
      %ne3A_888 = arith.constant 0 : i32
      %ne3A_889 = arith.cmpi ne, %rem3A_887, %ne3A_888 : i32
      %lt3A_890 = arith.constant 0 : i32
      %lt3A_891 = arith.cmpi slt, %rem3A_887, %lt3A_890 : i32
      %lt3A_892 = arith.constant 0 : i32
      %lt3A_893 = arith.cmpi slt, %select_n3A_886, %lt3A_892 : i32
      %ne3A_894 = arith.xori %lt3A_891, %lt3A_893 : i1
      %and3A_895 = arith.andi %ne3A_894, %ne3A_889 : i1
      %add3A_896 = arith.addi %rem3A_887, %select_n3A_886 : i32
      %select_n3A_897 = arith.select %and3A_895, %add3A_896, %rem3A_887 : i32
      %swap3A_898 = arith.index_cast %select_n3A_881 : i32 to index
      %swap3A_899 = arith.index_cast %select_n3A_897 : i32 to index
      %swap3A_900 = tpu.vector_load %arg16[%swap3A_898, %swap3A_899] {strides = array<i32>} : memref<128x128xf32, #tpu.memory_space<vmem>>, vector<16xf32>,
      tpu.vector_store %arg16[%swap3A_898, %swap3A_899], %add3A_853 {strides = array<i32>} : memref<128x128xf32, #tpu.memory_space<vmem>>, vector<16xf32>,
      %mul3A_901 = arith.constant 16 : i32
      %mul3A_902 = arith.muli %scan3A_282, %mul3A_901 : i32
      %add3A_903 = arith.constant 2 : i32
      %add3A_904 = arith.addi %mul3A_902, %add3A_903 : i32
      %slice3A_905 = vector.extract_strided_slice %get3A_286 {offsets = [9], sizes = [1], strides = [1]} : vector<16xi32> to vector<1xi32>
      %squeeze3A_906 = vector.extract %slice3A_905[0] : i32 from vector<1xi32>
      %jit3A_907 = arith.constant 128 : i32
      %div3A_908 = arith.divsi %squeeze3A_906, %jit3A_907 : i32
      %sign3A_909 = arith.constant 0 : i32
      %sign3A_910 = arith.cmpi sgt, %squeeze3A_906, %sign3A_909 : i32
      %sign3A_911 = arith.extui %sign3A_910 : i1 to i32
      %sign3A_912 = arith.constant 0 : i32
      %sign3A_913 = arith.cmpi slt, %squeeze3A_906, %sign3A_912 : i32
      %sign3A_914 = arith.extui %sign3A_913 : i1 to i32
      %sign3A_915 = arith.subi %sign3A_911, %sign3A_914 : i32
      %sign3A_916 = arith.constant 0 : i32
      %sign3A_917 = arith.cmpi sgt, %jit3A_907, %sign3A_916 : i32
      %sign3A_918 = arith.extui %sign3A_917 : i1 to i32
      %sign3A_919 = arith.constant 0 : i32
      %sign3A_920 = arith.cmpi slt, %jit3A_907, %sign3A_919 : i32
      %sign3A_921 = arith.extui %sign3A_920 : i1 to i32
      %sign3A_922 = arith.subi %sign3A_918, %sign3A_921 : i32
      %ne3A_923 = arith.cmpi ne, %sign3A_915, %sign3A_922 : i32
      %rem3A_924 = arith.remsi %squeeze3A_906, %jit3A_907 : i32
      %ne3A_925 = arith.constant 0 : i32
      %ne3A_926 = arith.cmpi ne, %rem3A_924, %ne3A_925 : i32
      %and3A_927 = arith.andi %ne3A_923, %ne3A_926 : i1
      %sub3A_928 = arith.constant 1 : i32
      %sub3A_929 = arith.subi %div3A_908, %sub3A_928 : i32
      %select_n3A_930 = arith.select %and3A_927, %sub3A_929, %div3A_908 : i32
      %mul3A_931 = arith.constant 128 : i32
      %mul3A_932 = arith.muli %select_n3A_930, %mul3A_931 : i32
      %multiple_of3A_933 = tpu.assume_multiple %mul3A_932, 128 : i32
      %dma_start3A_934 = arith.constant 0 : i32
      %dma_start3A_935 = tpu.memref_slice %arg2[%dma_start3A_934, %multiple_of3A_933] : memref<64x1000000xf32, #tpu.memory_space<hbm>> -> memref<64x128xf32, #tpu.memory_space<hbm>>
      %dma_start3A_936 = arith.constant 0 : i32
      %dma_start3A_937 = tpu.memref_slice %arg2[%dma_start3A_936, %multiple_of3A_933] : memref<64x1000000xf32, #tpu.memory_space<hbm>> -> memref<64x128xf32, #tpu.memory_space<hbm>>
      tpu.enqueue_dma source(%dma_start3A_937 : memref<64x128xf32, #tpu.memory_space<hbm>>) target(%arg8 : memref<64x128xf32, #tpu.memory_space<vmem>>) target_semaphore(%arg18 : memref<!tpu.dma_semaphore, #tpu.memory_space<semaphore_mem>>)
      %dma_wait3A_938 = arith.constant 0 : i32
      %dma_wait3A_939 = arith.constant 0 : i32
      %dma_wait3A_940 = tpu.memref_slice %arg2[%dma_wait3A_938, %dma_wait3A_939] : memref<64x1000000xf32, #tpu.memory_space<hbm>> -> memref<64x128xf32, #tpu.memory_space<hbm>>
      %dma_wait3A_941 = arith.constant 0 : i32
      %dma_wait3A_942 = arith.constant 0 : i32
      %dma_wait3A_943 = tpu.memref_slice %arg2[%dma_wait3A_941, %dma_wait3A_942] : memref<64x1000000xf32, #tpu.memory_space<hbm>> -> memref<64x128xf32, #tpu.memory_space<hbm>>
      tpu.wait_dma2 semaphore(%arg19 : memref<!tpu.dma_semaphore, #tpu.memory_space<semaphore_mem>>) src(%dma_wait3A_943 : memref<64x128xf32, #tpu.memory_space<hbm>>) dst(%arg9 : memref<64x128xf32, #tpu.memory_space<vmem>>)
      %slice3A_944 = vector.extract_strided_slice %get3A_286 {offsets = [2], sizes = [1], strides = [1]} : vector<16xi32> to vector<1xi32>
      %squeeze3A_945 = vector.extract %slice3A_944[0] : i32 from vector<1xi32>
      %broadcast_in_dim3A_946 = vector.broadcast %squeeze3A_945 : i32 to vector<16xi32>
      %jit3A_947 = arith.constant 128 : i32
      %div3A_948 = arith.divsi %squeeze3A_945, %jit3A_947 : i32
      %sign3A_949 = arith.constant 0 : i32
      %sign3A_950 = arith.cmpi sgt, %squeeze3A_945, %sign3A_949 : i32
      %sign3A_951 = arith.extui %sign3A_950 : i1 to i32
      %sign3A_952 = arith.constant 0 : i32
      %sign3A_953 = arith.cmpi slt, %squeeze3A_945, %sign3A_952 : i32
      %sign3A_954 = arith.extui %sign3A_953 : i1 to i32
      %sign3A_955 = arith.subi %sign3A_951, %sign3A_954 : i32
      %sign3A_956 = arith.constant 0 : i32
      %sign3A_957 = arith.cmpi sgt, %jit3A_947, %sign3A_956 : i32
      %sign3A_958 = arith.extui %sign3A_957 : i1 to i32
      %sign3A_959 = arith.constant 0 : i32
      %sign3A_960 = arith.cmpi slt, %jit3A_947, %sign3A_959 : i32
      %sign3A_961 = arith.extui %sign3A_960 : i1 to i32
      %sign3A_962 = arith.subi %sign3A_958, %sign3A_961 : i32
      %ne3A_963 = arith.cmpi ne, %sign3A_955, %sign3A_962 : i32
      %rem3A_964 = arith.remsi %squeeze3A_945, %jit3A_947 : i32
      %ne3A_965 = arith.constant 0 : i32
      %ne3A_966 = arith.cmpi ne, %rem3A_964, %ne3A_965 : i32
      %and3A_967 = arith.andi %ne3A_963, %ne3A_966 : i1
      %sub3A_968 = arith.constant 1 : i32
      %sub3A_969 = arith.subi %div3A_948, %sub3A_968 : i32
      %select_n3A_970 = arith.select %and3A_967, %sub3A_969, %div3A_948 : i32
      %mul3A_971 = arith.constant 128 : i32
      %mul3A_972 = arith.muli %select_n3A_970, %mul3A_971 : i32
      %broadcast_in_dim3A_973 = vector.broadcast %mul3A_972 : i32 to vector<16xi32>
      %sub3A_974 = arith.subi %broadcast_in_dim3A_946, %broadcast_in_dim3A_973 : vector<16xi32>
      %iota3A_975 = tpu.iota {dimensions = array<i32: 0>} : vector<16xi32>
      %add3A_976 = arith.constant 0 : i32
      %add3A_977 = vector.broadcast %add3A_976 : i32 to vector<16xi32>
      %add3A_978 = arith.addi %iota3A_975, %add3A_977 : vector<16xi32>
      %gather3A_979 = tpu.vector_load_idx %arg9[%add3A_978, %sub3A_974] : memref<64x128xf32, #tpu.memory_space<vmem>>[vector<16xi32>, vector<16xi32>], vector<16xf32>,
      %mul3A_980 = vector.broadcast %scan3A_232 : f32 to vector<16xf32>
      %mul3A_981 = arith.mulf %gather3A_979, %mul3A_980 : vector<16xf32>
      %get3A_982 = arith.index_cast %add3A_904 : i32 to index
      %get3A_983 = arith.constant 0 : index
      %get3A_984 = tpu.vector_load %arg15[%get3A_982, %get3A_983] {strides = array<i32>} : memref<256x128xf32, #tpu.memory_space<vmem>>, vector<16xf32>,
      %add3A_985 = arith.addf %mul3A_981, %get3A_984 : vector<16xf32>
      %mul3A_986 = arith.constant 64 : i32
      %mul3A_987 = arith.muli %add3A_904, %mul3A_986 : i32
      %add3A_988 = arith.constant 0 : i32
      %add3A_989 = arith.addi %mul3A_987, %add3A_988 : i32
      %jit3A_990 = arith.constant 128 : i32
      %div3A_991 = arith.divsi %add3A_989, %jit3A_990 : i32
      %sign3A_992 = arith.constant 0 : i32
      %sign3A_993 = arith.cmpi sgt, %add3A_989, %sign3A_992 : i32
      %sign3A_994 = arith.extui %sign3A_993 : i1 to i32
      %sign3A_995 = arith.constant 0 : i32
      %sign3A_996 = arith.cmpi slt, %add3A_989, %sign3A_995 : i32
      %sign3A_997 = arith.extui %sign3A_996 : i1 to i32
      %sign3A_998 = arith.subi %sign3A_994, %sign3A_997 : i32
      %sign3A_999 = arith.constant 0 : i32
      %sign3A_1000 = arith.cmpi sgt, %jit3A_990, %sign3A_999 : i32
      %sign3A_1001 = arith.extui %sign3A_1000 : i1 to i32
      %sign3A_1002 = arith.constant 0 : i32
      %sign3A_1003 = arith.cmpi slt, %jit3A_990, %sign3A_1002 : i32
      %sign3A_1004 = arith.extui %sign3A_1003 : i1 to i32
      %sign3A_1005 = arith.subi %sign3A_1001, %sign3A_1004 : i32
      %ne3A_1006 = arith.cmpi ne, %sign3A_998, %sign3A_1005 : i32
      %rem3A_1007 = arith.remsi %add3A_989, %jit3A_990 : i32
      %ne3A_1008 = arith.constant 0 : i32
      %ne3A_1009 = arith.cmpi ne, %rem3A_1007, %ne3A_1008 : i32
      %and3A_1010 = arith.andi %ne3A_1006, %ne3A_1009 : i1
      %sub3A_1011 = arith.constant 1 : i32
      %sub3A_1012 = arith.subi %div3A_991, %sub3A_1011 : i32
      %select_n3A_1013 = arith.select %and3A_1010, %sub3A_1012, %div3A_991 : i32
      %jit3A_1014 = arith.constant 128 : i32
      %eq3A_1015 = arith.constant 0 : i32
      %eq3A_1016 = arith.cmpi eq, %jit3A_1014, %eq3A_1015 : i32
      %jit3A_1017 = arith.constant 1 : i32
      %select_n3A_1018 = arith.select %eq3A_1016, %jit3A_1017, %jit3A_1014 : i32
      %rem3A_1019 = arith.remsi %add3A_989, %select_n3A_1018 : i32
      %ne3A_1020 = arith.constant 0 : i32
      %ne3A_1021 = arith.cmpi ne, %rem3A_1019, %ne3A_1020 : i32
      %lt3A_1022 = arith.constant 0 : i32
      %lt3A_1023 = arith.cmpi slt, %rem3A_1019, %lt3A_1022 : i32
      %lt3A_1024 = arith.constant 0 : i32
      %lt3A_1025 = arith.cmpi slt, %select_n3A_1018, %lt3A_1024 : i32
      %ne3A_1026 = arith.xori %lt3A_1023, %lt3A_1025 : i1
      %and3A_1027 = arith.andi %ne3A_1026, %ne3A_1021 : i1
      %add3A_1028 = arith.addi %rem3A_1019, %select_n3A_1018 : i32
      %select_n3A_1029 = arith.select %and3A_1027, %add3A_1028, %rem3A_1019 : i32
      %swap3A_1030 = arith.index_cast %select_n3A_1013 : i32 to index
      %swap3A_1031 = arith.index_cast %select_n3A_1029 : i32 to index
      %swap3A_1032 = tpu.vector_load %arg16[%swap3A_1030, %swap3A_1031] {strides = array<i32>} : memref<128x128xf32, #tpu.memory_space<vmem>>, vector<16xf32>,
      tpu.vector_store %arg16[%swap3A_1030, %swap3A_1031], %add3A_985 {strides = array<i32>} : memref<128x128xf32, #tpu.memory_space<vmem>>, vector<16xf32>,
      %iota3A_1033 = tpu.iota {dimensions = array<i32: 0>} : vector<16xi32>
      %add3A_1034 = arith.constant 16 : i32
      %add3A_1035 = vector.broadcast %add3A_1034 : i32 to vector<16xi32>
      %add3A_1036 = arith.addi %iota3A_1033, %add3A_1035 : vector<16xi32>
      %gather3A_1037 = tpu.vector_load_idx %arg9[%add3A_1036, %sub3A_974] : memref<64x128xf32, #tpu.memory_space<vmem>>[vector<16xi32>, vector<16xi32>], vector<16xf32>,
      %mul3A_1038 = vector.broadcast %scan3A_232 : f32 to vector<16xf32>
      %mul3A_1039 = arith.mulf %gather3A_1037, %mul3A_1038 : vector<16xf32>
      %get3A_1040 = arith.index_cast %add3A_904 : i32 to index
      %get3A_1041 = arith.constant 16 : index
      %get3A_1042 = tpu.vector_load %arg15[%get3A_1040, %get3A_1041] {strides = array<i32>} : memref<256x128xf32, #tpu.memory_space<vmem>>, vector<16xf32>,
      %add3A_1043 = arith.addf %mul3A_1039, %get3A_1042 : vector<16xf32>
      %mul3A_1044 = arith.constant 64 : i32
      %mul3A_1045 = arith.muli %add3A_904, %mul3A_1044 : i32
      %add3A_1046 = arith.constant 16 : i32
      %add3A_1047 = arith.addi %mul3A_1045, %add3A_1046 : i32
      %jit3A_1048 = arith.constant 128 : i32
      %div3A_1049 = arith.divsi %add3A_1047, %jit3A_1048 : i32
      %sign3A_1050 = arith.constant 0 : i32
      %sign3A_1051 = arith.cmpi sgt, %add3A_1047, %sign3A_1050 : i32
      %sign3A_1052 = arith.extui %sign3A_1051 : i1 to i32
      %sign3A_1053 = arith.constant 0 : i32
      %sign3A_1054 = arith.cmpi slt, %add3A_1047, %sign3A_1053 : i32
      %sign3A_1055 = arith.extui %sign3A_1054 : i1 to i32
      %sign3A_1056 = arith.subi %sign3A_1052, %sign3A_1055 : i32
      %sign3A_1057 = arith.constant 0 : i32
      %sign3A_1058 = arith.cmpi sgt, %jit3A_1048, %sign3A_1057 : i32
      %sign3A_1059 = arith.extui %sign3A_1058 : i1 to i32
      %sign3A_1060 = arith.constant 0 : i32
      %sign3A_1061 = arith.cmpi slt, %jit3A_1048, %sign3A_1060 : i32
      %sign3A_1062 = arith.extui %sign3A_1061 : i1 to i32
      %sign3A_1063 = arith.subi %sign3A_1059, %sign3A_1062 : i32
      %ne3A_1064 = arith.cmpi ne, %sign3A_1056, %sign3A_1063 : i32
      %rem3A_1065 = arith.remsi %add3A_1047, %jit3A_1048 : i32
      %ne3A_1066 = arith.constant 0 : i32
      %ne3A_1067 = arith.cmpi ne, %rem3A_1065, %ne3A_1066 : i32
      %and3A_1068 = arith.andi %ne3A_1064, %ne3A_1067 : i1
      %sub3A_1069 = arith.constant 1 : i32
      %sub3A_1070 = arith.subi %div3A_1049, %sub3A_1069 : i32
      %select_n3A_1071 = arith.select %and3A_1068, %sub3A_1070, %div3A_1049 : i32
      %jit3A_1072 = arith.constant 128 : i32
      %eq3A_1073 = arith.constant 0 : i32
      %eq3A_1074 = arith.cmpi eq, %jit3A_1072, %eq3A_1073 : i32
      %jit3A_1075 = arith.constant 1 : i32
      %select_n3A_1076 = arith.select %eq3A_1074, %jit3A_1075, %jit3A_1072 : i32
      %rem3A_1077 = arith.remsi %add3A_1047, %select_n3A_1076 : i32
      %ne3A_1078 = arith.constant 0 : i32
      %ne3A_1079 = arith.cmpi ne, %rem3A_1077, %ne3A_1078 : i32
      %lt3A_1080 = arith.constant 0 : i32
      %lt3A_1081 = arith.cmpi slt, %rem3A_1077, %lt3A_1080 : i32
      %lt3A_1082 = arith.constant 0 : i32
      %lt3A_1083 = arith.cmpi slt, %select_n3A_1076, %lt3A_1082 : i32
      %ne3A_1084 = arith.xori %lt3A_1081, %lt3A_1083 : i1
      %and3A_1085 = arith.andi %ne3A_1084, %ne3A_1079 : i1
      %add3A_1086 = arith.addi %rem3A_1077, %select_n3A_1076 : i32
      %select_n3A_1087 = arith.select %and3A_1085, %add3A_1086, %rem3A_1077 : i32
      %swap3A_1088 = arith.index_cast %select_n3A_1071 : i32 to index
      %swap3A_1089 = arith.index_cast %select_n3A_1087 : i32 to index
      %swap3A_1090 = tpu.vector_load %arg16[%swap3A_1088, %swap3A_1089] {strides = array<i32>} : memref<128x128xf32, #tpu.memory_space<vmem>>, vector<16xf32>,
      tpu.vector_store %arg16[%swap3A_1088, %swap3A_1089], %add3A_1043 {strides = array<i32>} : memref<128x128xf32, #tpu.memory_space<vmem>>, vector<16xf32>,
      %iota3A_1091 = tpu.iota {dimensions = array<i32: 0>} : vector<16xi32>
      %add3A_1092 = arith.constant 32 : i32
      %add3A_1093 = vector.broadcast %add3A_1092 : i32 to vector<16xi32>
      %add3A_1094 = arith.addi %iota3A_1091, %add3A_1093 : vector<16xi32>
      %gather3A_1095 = tpu.vector_load_idx %arg9[%add3A_1094, %sub3A_974] : memref<64x128xf32, #tpu.memory_space<vmem>>[vector<16xi32>, vector<16xi32>], vector<16xf32>,
      %mul3A_1096 = vector.broadcast %scan3A_232 : f32 to vector<16xf32>
      %mul3A_1097 = arith.mulf %gather3A_1095, %mul3A_1096 : vector<16xf32>
      %get3A_1098 = arith.index_cast %add3A_904 : i32 to index
      %get3A_1099 = arith.constant 32 : index
      %get3A_1100 = tpu.vector_load %arg15[%get3A_1098, %get3A_1099] {strides = array<i32>} : memref<256x128xf32, #tpu.memory_space<vmem>>, vector<16xf32>,
      %add3A_1101 = arith.addf %mul3A_1097, %get3A_1100 : vector<16xf32>
      %mul3A_1102 = arith.constant 64 : i32
      %mul3A_1103 = arith.muli %add3A_904, %mul3A_1102 : i32
      %add3A_1104 = arith.constant 32 : i32
      %add3A_1105 = arith.addi %mul3A_1103, %add3A_1104 : i32
      %jit3A_1106 = arith.constant 128 : i32
      %div3A_1107 = arith.divsi %add3A_1105, %jit3A_1106 : i32
      %sign3A_1108 = arith.constant 0 : i32
      %sign3A_1109 = arith.cmpi sgt, %add3A_1105, %sign3A_1108 : i32
      %sign3A_1110 = arith.extui %sign3A_1109 : i1 to i32
      %sign3A_1111 = arith.constant 0 : i32
      %sign3A_1112 = arith.cmpi slt, %add3A_1105, %sign3A_1111 : i32
      %sign3A_1113 = arith.extui %sign3A_1112 : i1 to i32
      %sign3A_1114 = arith.subi %sign3A_1110, %sign3A_1113 : i32
      %sign3A_1115 = arith.constant 0 : i32
      %sign3A_1116 = arith.cmpi sgt, %jit3A_1106, %sign3A_1115 : i32
      %sign3A_1117 = arith.extui %sign3A_1116 : i1 to i32
      %sign3A_1118 = arith.constant 0 : i32
      %sign3A_1119 = arith.cmpi slt, %jit3A_1106, %sign3A_1118 : i32
      %sign3A_1120 = arith.extui %sign3A_1119 : i1 to i32
      %sign3A_1121 = arith.subi %sign3A_1117, %sign3A_1120 : i32
      %ne3A_1122 = arith.cmpi ne, %sign3A_1114, %sign3A_1121 : i32
      %rem3A_1123 = arith.remsi %add3A_1105, %jit3A_1106 : i32
      %ne3A_1124 = arith.constant 0 : i32
      %ne3A_1125 = arith.cmpi ne, %rem3A_1123, %ne3A_1124 : i32
      %and3A_1126 = arith.andi %ne3A_1122, %ne3A_1125 : i1
      %sub3A_1127 = arith.constant 1 : i32
      %sub3A_1128 = arith.subi %div3A_1107, %sub3A_1127 : i32
      %select_n3A_1129 = arith.select %and3A_1126, %sub3A_1128, %div3A_1107 : i32
      %jit3A_1130 = arith.constant 128 : i32
      %eq3A_1131 = arith.constant 0 : i32
      %eq3A_1132 = arith.cmpi eq, %jit3A_1130, %eq3A_1131 : i32
      %jit3A_1133 = arith.constant 1 : i32
      %select_n3A_1134 = arith.select %eq3A_1132, %jit3A_1133, %jit3A_1130 : i32
      %rem3A_1135 = arith.remsi %add3A_1105, %select_n3A_1134 : i32
      %ne3A_1136 = arith.constant 0 : i32
      %ne3A_1137 = arith.cmpi ne, %rem3A_1135, %ne3A_1136 : i32
      %lt3A_1138 = arith.constant 0 : i32
      %lt3A_1139 = arith.cmpi slt, %rem3A_1135, %lt3A_1138 : i32
      %lt3A_1140 = arith.constant 0 : i32
      %lt3A_1141 = arith.cmpi slt, %select_n3A_1134, %lt3A_1140 : i32
      %ne3A_1142 = arith.xori %lt3A_1139, %lt3A_1141 : i1
      %and3A_1143 = arith.andi %ne3A_1142, %ne3A_1137 : i1
      %add3A_1144 = arith.addi %rem3A_1135, %select_n3A_1134 : i32
      %select_n3A_1145 = arith.select %and3A_1143, %add3A_1144, %rem3A_1135 : i32
      %swap3A_1146 = arith.index_cast %select_n3A_1129 : i32 to index
      %swap3A_1147 = arith.index_cast %select_n3A_1145 : i32 to index
      %swap3A_1148 = tpu.vector_load %arg16[%swap3A_1146, %swap3A_1147] {strides = array<i32>} : memref<128x128xf32, #tpu.memory_space<vmem>>, vector<16xf32>,
      tpu.vector_store %arg16[%swap3A_1146, %swap3A_1147], %add3A_1101 {strides = array<i32>} : memref<128x128xf32, #tpu.memory_space<vmem>>, vector<16xf32>,
      %iota3A_1149 = tpu.iota {dimensions = array<i32: 0>} : vector<16xi32>
      %add3A_1150 = arith.constant 48 : i32
      %add3A_1151 = vector.broadcast %add3A_1150 : i32 to vector<16xi32>
      %add3A_1152 = arith.addi %iota3A_1149, %add3A_1151 : vector<16xi32>
      %gather3A_1153 = tpu.vector_load_idx %arg9[%add3A_1152, %sub3A_974] : memref<64x128xf32, #tpu.memory_space<vmem>>[vector<16xi32>, vector<16xi32>], vector<16xf32>,
      %mul3A_1154 = vector.broadcast %scan3A_232 : f32 to vector<16xf32>
      %mul3A_1155 = arith.mulf %gather3A_1153, %mul3A_1154 : vector<16xf32>
      %get3A_1156 = arith.index_cast %add3A_904 : i32 to index
      %get3A_1157 = arith.constant 48 : index
      %get3A_1158 = tpu.vector_load %arg15[%get3A_1156, %get3A_1157] {strides = array<i32>} : memref<256x128xf32, #tpu.memory_space<vmem>>, vector<16xf32>,
      %add3A_1159 = arith.addf %mul3A_1155, %get3A_1158 : vector<16xf32>
      %mul3A_1160 = arith.constant 64 : i32
      %mul3A_1161 = arith.muli %add3A_904, %mul3A_1160 : i32
      %add3A_1162 = arith.constant 48 : i32
      %add3A_1163 = arith.addi %mul3A_1161, %add3A_1162 : i32
      %jit3A_1164 = arith.constant 128 : i32
      %div3A_1165 = arith.divsi %add3A_1163, %jit3A_1164 : i32
      %sign3A_1166 = arith.constant 0 : i32
      %sign3A_1167 = arith.cmpi sgt, %add3A_1163, %sign3A_1166 : i32
      %sign3A_1168 = arith.extui %sign3A_1167 : i1 to i32
      %sign3A_1169 = arith.constant 0 : i32
      %sign3A_1170 = arith.cmpi slt, %add3A_1163, %sign3A_1169 : i32
      %sign3A_1171 = arith.extui %sign3A_1170 : i1 to i32
      %sign3A_1172 = arith.subi %sign3A_1168, %sign3A_1171 : i32
      %sign3A_1173 = arith.constant 0 : i32
      %sign3A_1174 = arith.cmpi sgt, %jit3A_1164, %sign3A_1173 : i32
      %sign3A_1175 = arith.extui %sign3A_1174 : i1 to i32
      %sign3A_1176 = arith.constant 0 : i32
      %sign3A_1177 = arith.cmpi slt, %jit3A_1164, %sign3A_1176 : i32
      %sign3A_1178 = arith.extui %sign3A_1177 : i1 to i32
      %sign3A_1179 = arith.subi %sign3A_1175, %sign3A_1178 : i32
      %ne3A_1180 = arith.cmpi ne, %sign3A_1172, %sign3A_1179 : i32
      %rem3A_1181 = arith.remsi %add3A_1163, %jit3A_1164 : i32
      %ne3A_1182 = arith.constant 0 : i32
      %ne3A_1183 = arith.cmpi ne, %rem3A_1181, %ne3A_1182 : i32
      %and3A_1184 = arith.andi %ne3A_1180, %ne3A_1183 : i1
      %sub3A_1185 = arith.constant 1 : i32
      %sub3A_1186 = arith.subi %div3A_1165, %sub3A_1185 : i32
      %select_n3A_1187 = arith.select %and3A_1184, %sub3A_1186, %div3A_1165 : i32
      %jit3A_1188 = arith.constant 128 : i32
      %eq3A_1189 = arith.constant 0 : i32
      %eq3A_1190 = arith.cmpi eq, %jit3A_1188, %eq3A_1189 : i32
      %jit3A_1191 = arith.constant 1 : i32
      %select_n3A_1192 = arith.select %eq3A_1190, %jit3A_1191, %jit3A_1188 : i32
      %rem3A_1193 = arith.remsi %add3A_1163, %select_n3A_1192 : i32
      %ne3A_1194 = arith.constant 0 : i32
      %ne3A_1195 = arith.cmpi ne, %rem3A_1193, %ne3A_1194 : i32
      %lt3A_1196 = arith.constant 0 : i32
      %lt3A_1197 = arith.cmpi slt, %rem3A_1193, %lt3A_1196 : i32
      %lt3A_1198 = arith.constant 0 : i32
      %lt3A_1199 = arith.cmpi slt, %select_n3A_1192, %lt3A_1198 : i32
      %ne3A_1200 = arith.xori %lt3A_1197, %lt3A_1199 : i1
      %and3A_1201 = arith.andi %ne3A_1200, %ne3A_1195 : i1
      %add3A_1202 = arith.addi %rem3A_1193, %select_n3A_1192 : i32
      %select_n3A_1203 = arith.select %and3A_1201, %add3A_1202, %rem3A_1193 : i32
      %swap3A_1204 = arith.index_cast %select_n3A_1187 : i32 to index
      %swap3A_1205 = arith.index_cast %select_n3A_1203 : i32 to index
      %swap3A_1206 = tpu.vector_load %arg16[%swap3A_1204, %swap3A_1205] {strides = array<i32>} : memref<128x128xf32, #tpu.memory_space<vmem>>, vector<16xf32>,
      tpu.vector_store %arg16[%swap3A_1204, %swap3A_1205], %add3A_1159 {strides = array<i32>} : memref<128x128xf32, #tpu.memory_space<vmem>>, vector<16xf32>,
      %mul3A_1207 = arith.constant 16 : i32
      %mul3A_1208 = arith.muli %scan3A_282, %mul3A_1207 : i32
      %add3A_1209 = arith.constant 3 : i32
      %add3A_1210 = arith.addi %mul3A_1208, %add3A_1209 : i32
      %slice3A_1211 = vector.extract_strided_slice %get3A_286 {offsets = [10], sizes = [1], strides = [1]} : vector<16xi32> to vector<1xi32>
      %squeeze3A_1212 = vector.extract %slice3A_1211[0] : i32 from vector<1xi32>
      %jit3A_1213 = arith.constant 128 : i32
      %div3A_1214 = arith.divsi %squeeze3A_1212, %jit3A_1213 : i32
      %sign3A_1215 = arith.constant 0 : i32
      %sign3A_1216 = arith.cmpi sgt, %squeeze3A_1212, %sign3A_1215 : i32
      %sign3A_1217 = arith.extui %sign3A_1216 : i1 to i32
      %sign3A_1218 = arith.constant 0 : i32
      %sign3A_1219 = arith.cmpi slt, %squeeze3A_1212, %sign3A_1218 : i32
      %sign3A_1220 = arith.extui %sign3A_1219 : i1 to i32
      %sign3A_1221 = arith.subi %sign3A_1217, %sign3A_1220 : i32
      %sign3A_1222 = arith.constant 0 : i32
      %sign3A_1223 = arith.cmpi sgt, %jit3A_1213, %sign3A_1222 : i32
      %sign3A_1224 = arith.extui %sign3A_1223 : i1 to i32
      %sign3A_1225 = arith.constant 0 : i32
      %sign3A_1226 = arith.cmpi slt, %jit3A_1213, %sign3A_1225 : i32
      %sign3A_1227 = arith.extui %sign3A_1226 : i1 to i32
      %sign3A_1228 = arith.subi %sign3A_1224, %sign3A_1227 : i32
      %ne3A_1229 = arith.cmpi ne, %sign3A_1221, %sign3A_1228 : i32
      %rem3A_1230 = arith.remsi %squeeze3A_1212, %jit3A_1213 : i32
      %ne3A_1231 = arith.constant 0 : i32
      %ne3A_1232 = arith.cmpi ne, %rem3A_1230, %ne3A_1231 : i32
      %and3A_1233 = arith.andi %ne3A_1229, %ne3A_1232 : i1
      %sub3A_1234 = arith.constant 1 : i32
      %sub3A_1235 = arith.subi %div3A_1214, %sub3A_1234 : i32
      %select_n3A_1236 = arith.select %and3A_1233, %sub3A_1235, %div3A_1214 : i32
      %mul3A_1237 = arith.constant 128 : i32
      %mul3A_1238 = arith.muli %select_n3A_1236, %mul3A_1237 : i32
      %multiple_of3A_1239 = tpu.assume_multiple %mul3A_1238, 128 : i32
      %dma_start3A_1240 = arith.constant 0 : i32
      %dma_start3A_1241 = tpu.memref_slice %arg2[%dma_start3A_1240, %multiple_of3A_1239] : memref<64x1000000xf32, #tpu.memory_space<hbm>> -> memref<64x128xf32, #tpu.memory_space<hbm>>
      %dma_start3A_1242 = arith.constant 0 : i32
      %dma_start3A_1243 = tpu.memref_slice %arg2[%dma_start3A_1242, %multiple_of3A_1239] : memref<64x1000000xf32, #tpu.memory_space<hbm>> -> memref<64x128xf32, #tpu.memory_space<hbm>>
      tpu.enqueue_dma source(%dma_start3A_1243 : memref<64x128xf32, #tpu.memory_space<hbm>>) target(%arg9 : memref<64x128xf32, #tpu.memory_space<vmem>>) target_semaphore(%arg19 : memref<!tpu.dma_semaphore, #tpu.memory_space<semaphore_mem>>)
      %dma_wait3A_1244 = arith.constant 0 : i32
      %dma_wait3A_1245 = arith.constant 0 : i32
      %dma_wait3A_1246 = tpu.memref_slice %arg2[%dma_wait3A_1244, %dma_wait3A_1245] : memref<64x1000000xf32, #tpu.memory_space<hbm>> -> memref<64x128xf32, #tpu.memory_space<hbm>>
      %dma_wait3A_1247 = arith.constant 0 : i32
      %dma_wait3A_1248 = arith.constant 0 : i32
      %dma_wait3A_1249 = tpu.memref_slice %arg2[%dma_wait3A_1247, %dma_wait3A_1248] : memref<64x1000000xf32, #tpu.memory_space<hbm>> -> memref<64x128xf32, #tpu.memory_space<hbm>>
      tpu.wait_dma2 semaphore(%arg20 : memref<!tpu.dma_semaphore, #tpu.memory_space<semaphore_mem>>) src(%dma_wait3A_1249 : memref<64x128xf32, #tpu.memory_space<hbm>>) dst(%arg10 : memref<64x128xf32, #tpu.memory_space<vmem>>)
      %slice3A_1250 = vector.extract_strided_slice %get3A_286 {offsets = [3], sizes = [1], strides = [1]} : vector<16xi32> to vector<1xi32>
      %squeeze3A_1251 = vector.extract %slice3A_1250[0] : i32 from vector<1xi32>
      %broadcast_in_dim3A_1252 = vector.broadcast %squeeze3A_1251 : i32 to vector<16xi32>
      %jit3A_1253 = arith.constant 128 : i32
      %div3A_1254 = arith.divsi %squeeze3A_1251, %jit3A_1253 : i32
      %sign3A_1255 = arith.constant 0 : i32
      %sign3A_1256 = arith.cmpi sgt, %squeeze3A_1251, %sign3A_1255 : i32
      %sign3A_1257 = arith.extui %sign3A_1256 : i1 to i32
      %sign3A_1258 = arith.constant 0 : i32
      %sign3A_1259 = arith.cmpi slt, %squeeze3A_1251, %sign3A_1258 : i32
      %sign3A_1260 = arith.extui %sign3A_1259 : i1 to i32
      %sign3A_1261 = arith.subi %sign3A_1257, %sign3A_1260 : i32
      %sign3A_1262 = arith.constant 0 : i32
      %sign3A_1263 = arith.cmpi sgt, %jit3A_1253, %sign3A_1262 : i32
      %sign3A_1264 = arith.extui %sign3A_1263 : i1 to i32
      %sign3A_1265 = arith.constant 0 : i32
      %sign3A_1266 = arith.cmpi slt, %jit3A_1253, %sign3A_1265 : i32
      %sign3A_1267 = arith.extui %sign3A_1266 : i1 to i32
      %sign3A_1268 = arith.subi %sign3A_1264, %sign3A_1267 : i32
      %ne3A_1269 = arith.cmpi ne, %sign3A_1261, %sign3A_1268 : i32
      %rem3A_1270 = arith.remsi %squeeze3A_1251, %jit3A_1253 : i32
      %ne3A_1271 = arith.constant 0 : i32
      %ne3A_1272 = arith.cmpi ne, %rem3A_1270, %ne3A_1271 : i32
      %and3A_1273 = arith.andi %ne3A_1269, %ne3A_1272 : i1
      %sub3A_1274 = arith.constant 1 : i32
      %sub3A_1275 = arith.subi %div3A_1254, %sub3A_1274 : i32
      %select_n3A_1276 = arith.select %and3A_1273, %sub3A_1275, %div3A_1254 : i32
      %mul3A_1277 = arith.constant 128 : i32
      %mul3A_1278 = arith.muli %select_n3A_1276, %mul3A_1277 : i32
      %broadcast_in_dim3A_1279 = vector.broadcast %mul3A_1278 : i32 to vector<16xi32>
      %sub3A_1280 = arith.subi %broadcast_in_dim3A_1252, %broadcast_in_dim3A_1279 : vector<16xi32>
      %iota3A_1281 = tpu.iota {dimensions = array<i32: 0>} : vector<16xi32>
      %add3A_1282 = arith.constant 0 : i32
      %add3A_1283 = vector.broadcast %add3A_1282 : i32 to vector<16xi32>
      %add3A_1284 = arith.addi %iota3A_1281, %add3A_1283 : vector<16xi32>
      %gather3A_1285 = tpu.vector_load_idx %arg10[%add3A_1284, %sub3A_1280] : memref<64x128xf32, #tpu.memory_space<vmem>>[vector<16xi32>, vector<16xi32>], vector<16xf32>,
      %mul3A_1286 = vector.broadcast %scan3A_232 : f32 to vector<16xf32>
      %mul3A_1287 = arith.mulf %gather3A_1285, %mul3A_1286 : vector<16xf32>
      %get3A_1288 = arith.index_cast %add3A_1210 : i32 to index
      %get3A_1289 = arith.constant 0 : index
      %get3A_1290 = tpu.vector_load %arg15[%get3A_1288, %get3A_1289] {strides = array<i32>} : memref<256x128xf32, #tpu.memory_space<vmem>>, vector<16xf32>,
      %add3A_1291 = arith.addf %mul3A_1287, %get3A_1290 : vector<16xf32>
      %mul3A_1292 = arith.constant 64 : i32
      %mul3A_1293 = arith.muli %add3A_1210, %mul3A_1292 : i32
      %add3A_1294 = arith.constant 0 : i32
      %add3A_1295 = arith.addi %mul3A_1293, %add3A_1294 : i32
      %jit3A_1296 = arith.constant 128 : i32
      %div3A_1297 = arith.divsi %add3A_1295, %jit3A_1296 : i32
      %sign3A_1298 = arith.constant 0 : i32
      %sign3A_1299 = arith.cmpi sgt, %add3A_1295, %sign3A_1298 : i32
      %sign3A_1300 = arith.extui %sign3A_1299 : i1 to i32
      %sign3A_1301 = arith.constant 0 : i32
      %sign3A_1302 = arith.cmpi slt, %add3A_1295, %sign3A_1301 : i32
      %sign3A_1303 = arith.extui %sign3A_1302 : i1 to i32
      %sign3A_1304 = arith.subi %sign3A_1300, %sign3A_1303 : i32
      %sign3A_1305 = arith.constant 0 : i32
      %sign3A_1306 = arith.cmpi sgt, %jit3A_1296, %sign3A_1305 : i32
      %sign3A_1307 = arith.extui %sign3A_1306 : i1 to i32
      %sign3A_1308 = arith.constant 0 : i32
      %sign3A_1309 = arith.cmpi slt, %jit3A_1296, %sign3A_1308 : i32
      %sign3A_1310 = arith.extui %sign3A_1309 : i1 to i32
      %sign3A_1311 = arith.subi %sign3A_1307, %sign3A_1310 : i32
      %ne3A_1312 = arith.cmpi ne, %sign3A_1304, %sign3A_1311 : i32
      %rem3A_1313 = arith.remsi %add3A_1295, %jit3A_1296 : i32
      %ne3A_1314 = arith.constant 0 : i32
      %ne3A_1315 = arith.cmpi ne, %rem3A_1313, %ne3A_1314 : i32
      %and3A_1316 = arith.andi %ne3A_1312, %ne3A_1315 : i1
      %sub3A_1317 = arith.constant 1 : i32
      %sub3A_1318 = arith.subi %div3A_1297, %sub3A_1317 : i32
      %select_n3A_1319 = arith.select %and3A_1316, %sub3A_1318, %div3A_1297 : i32
      %jit3A_1320 = arith.constant 128 : i32
      %eq3A_1321 = arith.constant 0 : i32
      %eq3A_1322 = arith.cmpi eq, %jit3A_1320, %eq3A_1321 : i32
      %jit3A_1323 = arith.constant 1 : i32
      %select_n3A_1324 = arith.select %eq3A_1322, %jit3A_1323, %jit3A_1320 : i32
      %rem3A_1325 = arith.remsi %add3A_1295, %select_n3A_1324 : i32
      %ne3A_1326 = arith.constant 0 : i32
      %ne3A_1327 = arith.cmpi ne, %rem3A_1325, %ne3A_1326 : i32
      %lt3A_1328 = arith.constant 0 : i32
      %lt3A_1329 = arith.cmpi slt, %rem3A_1325, %lt3A_1328 : i32
      %lt3A_1330 = arith.constant 0 : i32
      %lt3A_1331 = arith.cmpi slt, %select_n3A_1324, %lt3A_1330 : i32
      %ne3A_1332 = arith.xori %lt3A_1329, %lt3A_1331 : i1
      %and3A_1333 = arith.andi %ne3A_1332, %ne3A_1327 : i1
      %add3A_1334 = arith.addi %rem3A_1325, %select_n3A_1324 : i32
      %select_n3A_1335 = arith.select %and3A_1333, %add3A_1334, %rem3A_1325 : i32
      %swap3A_1336 = arith.index_cast %select_n3A_1319 : i32 to index
      %swap3A_1337 = arith.index_cast %select_n3A_1335 : i32 to index
      %swap3A_1338 = tpu.vector_load %arg16[%swap3A_1336, %swap3A_1337] {strides = array<i32>} : memref<128x128xf32, #tpu.memory_space<vmem>>, vector<16xf32>,
      tpu.vector_store %arg16[%swap3A_1336, %swap3A_1337], %add3A_1291 {strides = array<i32>} : memref<128x128xf32, #tpu.memory_space<vmem>>, vector<16xf32>,
      %iota3A_1339 = tpu.iota {dimensions = array<i32: 0>} : vector<16xi32>
      %add3A_1340 = arith.constant 16 : i32
      %add3A_1341 = vector.broadcast %add3A_1340 : i32 to vector<16xi32>
      %add3A_1342 = arith.addi %iota3A_1339, %add3A_1341 : vector<16xi32>
      %gather3A_1343 = tpu.vector_load_idx %arg10[%add3A_1342, %sub3A_1280] : memref<64x128xf32, #tpu.memory_space<vmem>>[vector<16xi32>, vector<16xi32>], vector<16xf32>,
      %mul3A_1344 = vector.broadcast %scan3A_232 : f32 to vector<16xf32>
      %mul3A_1345 = arith.mulf %gather3A_1343, %mul3A_1344 : vector<16xf32>
      %get3A_1346 = arith.index_cast %add3A_1210 : i32 to index
      %get3A_1347 = arith.constant 16 : index
      %get3A_1348 = tpu.vector_load %arg15[%get3A_1346, %get3A_1347] {strides = array<i32>} : memref<256x128xf32, #tpu.memory_space<vmem>>, vector<16xf32>,
      %add3A_1349 = arith.addf %mul3A_1345, %get3A_1348 : vector<16xf32>
      %mul3A_1350 = arith.constant 64 : i32
      %mul3A_1351 = arith.muli %add3A_1210, %mul3A_1350 : i32
      %add3A_1352 = arith.constant 16 : i32
      %add3A_1353 = arith.addi %mul3A_1351, %add3A_1352 : i32
      %jit3A_1354 = arith.constant 128 : i32
      %div3A_1355 = arith.divsi %add3A_1353, %jit3A_1354 : i32
      %sign3A_1356 = arith.constant 0 : i32
      %sign3A_1357 = arith.cmpi sgt, %add3A_1353, %sign3A_1356 : i32
      %sign3A_1358 = arith.extui %sign3A_1357 : i1 to i32
      %sign3A_1359 = arith.constant 0 : i32
      %sign3A_1360 = arith.cmpi slt, %add3A_1353, %sign3A_1359 : i32
      %sign3A_1361 = arith.extui %sign3A_1360 : i1 to i32
      %sign3A_1362 = arith.subi %sign3A_1358, %sign3A_1361 : i32
      %sign3A_1363 = arith.constant 0 : i32
      %sign3A_1364 = arith.cmpi sgt, %jit3A_1354, %sign3A_1363 : i32
      %sign3A_1365 = arith.extui %sign3A_1364 : i1 to i32
      %sign3A_1366 = arith.constant 0 : i32
      %sign3A_1367 = arith.cmpi slt, %jit3A_1354, %sign3A_1366 : i32
      %sign3A_1368 = arith.extui %sign3A_1367 : i1 to i32
      %sign3A_1369 = arith.subi %sign3A_1365, %sign3A_1368 : i32
      %ne3A_1370 = arith.cmpi ne, %sign3A_1362, %sign3A_1369 : i32
      %rem3A_1371 = arith.remsi %add3A_1353, %jit3A_1354 : i32
      %ne3A_1372 = arith.constant 0 : i32
      %ne3A_1373 = arith.cmpi ne, %rem3A_1371, %ne3A_1372 : i32
      %and3A_1374 = arith.andi %ne3A_1370, %ne3A_1373 : i1
      %sub3A_1375 = arith.constant 1 : i32
      %sub3A_1376 = arith.subi %div3A_1355, %sub3A_1375 : i32
      %select_n3A_1377 = arith.select %and3A_1374, %sub3A_1376, %div3A_1355 : i32
      %jit3A_1378 = arith.constant 128 : i32
      %eq3A_1379 = arith.constant 0 : i32
      %eq3A_1380 = arith.cmpi eq, %jit3A_1378, %eq3A_1379 : i32
      %jit3A_1381 = arith.constant 1 : i32
      %select_n3A_1382 = arith.select %eq3A_1380, %jit3A_1381, %jit3A_1378 : i32
      %rem3A_1383 = arith.remsi %add3A_1353, %select_n3A_1382 : i32
      %ne3A_1384 = arith.constant 0 : i32
      %ne3A_1385 = arith.cmpi ne, %rem3A_1383, %ne3A_1384 : i32
      %lt3A_1386 = arith.constant 0 : i32
      %lt3A_1387 = arith.cmpi slt, %rem3A_1383, %lt3A_1386 : i32
      %lt3A_1388 = arith.constant 0 : i32
      %lt3A_1389 = arith.cmpi slt, %select_n3A_1382, %lt3A_1388 : i32
      %ne3A_1390 = arith.xori %lt3A_1387, %lt3A_1389 : i1
      %and3A_1391 = arith.andi %ne3A_1390, %ne3A_1385 : i1
      %add3A_1392 = arith.addi %rem3A_1383, %select_n3A_1382 : i32
      %select_n3A_1393 = arith.select %and3A_1391, %add3A_1392, %rem3A_1383 : i32
      %swap3A_1394 = arith.index_cast %select_n3A_1377 : i32 to index
      %swap3A_1395 = arith.index_cast %select_n3A_1393 : i32 to index
      %swap3A_1396 = tpu.vector_load %arg16[%swap3A_1394, %swap3A_1395] {strides = array<i32>} : memref<128x128xf32, #tpu.memory_space<vmem>>, vector<16xf32>,
      tpu.vector_store %arg16[%swap3A_1394, %swap3A_1395], %add3A_1349 {strides = array<i32>} : memref<128x128xf32, #tpu.memory_space<vmem>>, vector<16xf32>,
      %iota3A_1397 = tpu.iota {dimensions = array<i32: 0>} : vector<16xi32>
      %add3A_1398 = arith.constant 32 : i32
      %add3A_1399 = vector.broadcast %add3A_1398 : i32 to vector<16xi32>
      %add3A_1400 = arith.addi %iota3A_1397, %add3A_1399 : vector<16xi32>
      %gather3A_1401 = tpu.vector_load_idx %arg10[%add3A_1400, %sub3A_1280] : memref<64x128xf32, #tpu.memory_space<vmem>>[vector<16xi32>, vector<16xi32>], vector<16xf32>,
      %mul3A_1402 = vector.broadcast %scan3A_232 : f32 to vector<16xf32>
      %mul3A_1403 = arith.mulf %gather3A_1401, %mul3A_1402 : vector<16xf32>
      %get3A_1404 = arith.index_cast %add3A_1210 : i32 to index
      %get3A_1405 = arith.constant 32 : index
      %get3A_1406 = tpu.vector_load %arg15[%get3A_1404, %get3A_1405] {strides = array<i32>} : memref<256x128xf32, #tpu.memory_space<vmem>>, vector<16xf32>,
      %add3A_1407 = arith.addf %mul3A_1403, %get3A_1406 : vector<16xf32>
      %mul3A_1408 = arith.constant 64 : i32
      %mul3A_1409 = arith.muli %add3A_1210, %mul3A_1408 : i32
      %add3A_1410 = arith.constant 32 : i32
      %add3A_1411 = arith.addi %mul3A_1409, %add3A_1410 : i32
      %jit3A_1412 = arith.constant 128 : i32
      %div3A_1413 = arith.divsi %add3A_1411, %jit3A_1412 : i32
      %sign3A_1414 = arith.constant 0 : i32
      %sign3A_1415 = arith.cmpi sgt, %add3A_1411, %sign3A_1414 : i32
      %sign3A_1416 = arith.extui %sign3A_1415 : i1 to i32
      %sign3A_1417 = arith.constant 0 : i32
      %sign3A_1418 = arith.cmpi slt, %add3A_1411, %sign3A_1417 : i32
      %sign3A_1419 = arith.extui %sign3A_1418 : i1 to i32
      %sign3A_1420 = arith.subi %sign3A_1416, %sign3A_1419 : i32
      %sign3A_1421 = arith.constant 0 : i32
      %sign3A_1422 = arith.cmpi sgt, %jit3A_1412, %sign3A_1421 : i32
      %sign3A_1423 = arith.extui %sign3A_1422 : i1 to i32
      %sign3A_1424 = arith.constant 0 : i32
      %sign3A_1425 = arith.cmpi slt, %jit3A_1412, %sign3A_1424 : i32
      %sign3A_1426 = arith.extui %sign3A_1425 : i1 to i32
      %sign3A_1427 = arith.subi %sign3A_1423, %sign3A_1426 : i32
      %ne3A_1428 = arith.cmpi ne, %sign3A_1420, %sign3A_1427 : i32
      %rem3A_1429 = arith.remsi %add3A_1411, %jit3A_1412 : i32
      %ne3A_1430 = arith.constant 0 : i32
      %ne3A_1431 = arith.cmpi ne, %rem3A_1429, %ne3A_1430 : i32
      %and3A_1432 = arith.andi %ne3A_1428, %ne3A_1431 : i1
      %sub3A_1433 = arith.constant 1 : i32
      %sub3A_1434 = arith.subi %div3A_1413, %sub3A_1433 : i32
      %select_n3A_1435 = arith.select %and3A_1432, %sub3A_1434, %div3A_1413 : i32
      %jit3A_1436 = arith.constant 128 : i32
      %eq3A_1437 = arith.constant 0 : i32
      %eq3A_1438 = arith.cmpi eq, %jit3A_1436, %eq3A_1437 : i32
      %jit3A_1439 = arith.constant 1 : i32
      %select_n3A_1440 = arith.select %eq3A_1438, %jit3A_1439, %jit3A_1436 : i32
      %rem3A_1441 = arith.remsi %add3A_1411, %select_n3A_1440 : i32
      %ne3A_1442 = arith.constant 0 : i32
      %ne3A_1443 = arith.cmpi ne, %rem3A_1441, %ne3A_1442 : i32
      %lt3A_1444 = arith.constant 0 : i32
      %lt3A_1445 = arith.cmpi slt, %rem3A_1441, %lt3A_1444 : i32
      %lt3A_1446 = arith.constant 0 : i32
      %lt3A_1447 = arith.cmpi slt, %select_n3A_1440, %lt3A_1446 : i32
      %ne3A_1448 = arith.xori %lt3A_1445, %lt3A_1447 : i1
      %and3A_1449 = arith.andi %ne3A_1448, %ne3A_1443 : i1
      %add3A_1450 = arith.addi %rem3A_1441, %select_n3A_1440 : i32
      %select_n3A_1451 = arith.select %and3A_1449, %add3A_1450, %rem3A_1441 : i32
      %swap3A_1452 = arith.index_cast %select_n3A_1435 : i32 to index
      %swap3A_1453 = arith.index_cast %select_n3A_1451 : i32 to index
      %swap3A_1454 = tpu.vector_load %arg16[%swap3A_1452, %swap3A_1453] {strides = array<i32>} : memref<128x128xf32, #tpu.memory_space<vmem>>, vector<16xf32>,
      tpu.vector_store %arg16[%swap3A_1452, %swap3A_1453], %add3A_1407 {strides = array<i32>} : memref<128x128xf32, #tpu.memory_space<vmem>>, vector<16xf32>,
      %iota3A_1455 = tpu.iota {dimensions = array<i32: 0>} : vector<16xi32>
      %add3A_1456 = arith.constant 48 : i32
      %add3A_1457 = vector.broadcast %add3A_1456 : i32 to vector<16xi32>
      %add3A_1458 = arith.addi %iota3A_1455, %add3A_1457 : vector<16xi32>
      %gather3A_1459 = tpu.vector_load_idx %arg10[%add3A_1458, %sub3A_1280] : memref<64x128xf32, #tpu.memory_space<vmem>>[vector<16xi32>, vector<16xi32>], vector<16xf32>,
      %mul3A_1460 = vector.broadcast %scan3A_232 : f32 to vector<16xf32>
      %mul3A_1461 = arith.mulf %gather3A_1459, %mul3A_1460 : vector<16xf32>
      %get3A_1462 = arith.index_cast %add3A_1210 : i32 to index
      %get3A_1463 = arith.constant 48 : index
      %get3A_1464 = tpu.vector_load %arg15[%get3A_1462, %get3A_1463] {strides = array<i32>} : memref<256x128xf32, #tpu.memory_space<vmem>>, vector<16xf32>,
      %add3A_1465 = arith.addf %mul3A_1461, %get3A_1464 : vector<16xf32>
      %mul3A_1466 = arith.constant 64 : i32
      %mul3A_1467 = arith.muli %add3A_1210, %mul3A_1466 : i32
      %add3A_1468 = arith.constant 48 : i32
      %add3A_1469 = arith.addi %mul3A_1467, %add3A_1468 : i32
      %jit3A_1470 = arith.constant 128 : i32
      %div3A_1471 = arith.divsi %add3A_1469, %jit3A_1470 : i32
      %sign3A_1472 = arith.constant 0 : i32
      %sign3A_1473 = arith.cmpi sgt, %add3A_1469, %sign3A_1472 : i32
      %sign3A_1474 = arith.extui %sign3A_1473 : i1 to i32
      %sign3A_1475 = arith.constant 0 : i32
      %sign3A_1476 = arith.cmpi slt, %add3A_1469, %sign3A_1475 : i32
      %sign3A_1477 = arith.extui %sign3A_1476 : i1 to i32
      %sign3A_1478 = arith.subi %sign3A_1474, %sign3A_1477 : i32
      %sign3A_1479 = arith.constant 0 : i32
      %sign3A_1480 = arith.cmpi sgt, %jit3A_1470, %sign3A_1479 : i32
      %sign3A_1481 = arith.extui %sign3A_1480 : i1 to i32
      %sign3A_1482 = arith.constant 0 : i32
      %sign3A_1483 = arith.cmpi slt, %jit3A_1470, %sign3A_1482 : i32
      %sign3A_1484 = arith.extui %sign3A_1483 : i1 to i32
      %sign3A_1485 = arith.subi %sign3A_1481, %sign3A_1484 : i32
      %ne3A_1486 = arith.cmpi ne, %sign3A_1478, %sign3A_1485 : i32
      %rem3A_1487 = arith.remsi %add3A_1469, %jit3A_1470 : i32
      %ne3A_1488 = arith.constant 0 : i32
      %ne3A_1489 = arith.cmpi ne, %rem3A_1487, %ne3A_1488 : i32
      %and3A_1490 = arith.andi %ne3A_1486, %ne3A_1489 : i1
      %sub3A_1491 = arith.constant 1 : i32
      %sub3A_1492 = arith.subi %div3A_1471, %sub3A_1491 : i32
      %select_n3A_1493 = arith.select %and3A_1490, %sub3A_1492, %div3A_1471 : i32
      %jit3A_1494 = arith.constant 128 : i32
      %eq3A_1495 = arith.constant 0 : i32
      %eq3A_1496 = arith.cmpi eq, %jit3A_1494, %eq3A_1495 : i32
      %jit3A_1497 = arith.constant 1 : i32
      %select_n3A_1498 = arith.select %eq3A_1496, %jit3A_1497, %jit3A_1494 : i32
      %rem3A_1499 = arith.remsi %add3A_1469, %select_n3A_1498 : i32
      %ne3A_1500 = arith.constant 0 : i32
      %ne3A_1501 = arith.cmpi ne, %rem3A_1499, %ne3A_1500 : i32
      %lt3A_1502 = arith.constant 0 : i32
      %lt3A_1503 = arith.cmpi slt, %rem3A_1499, %lt3A_1502 : i32
      %lt3A_1504 = arith.constant 0 : i32
      %lt3A_1505 = arith.cmpi slt, %select_n3A_1498, %lt3A_1504 : i32
      %ne3A_1506 = arith.xori %lt3A_1503, %lt3A_1505 : i1
      %and3A_1507 = arith.andi %ne3A_1506, %ne3A_1501 : i1
      %add3A_1508 = arith.addi %rem3A_1499, %select_n3A_1498 : i32
      %select_n3A_1509 = arith.select %and3A_1507, %add3A_1508, %rem3A_1499 : i32
      %swap3A_1510 = arith.index_cast %select_n3A_1493 : i32 to index
      %swap3A_1511 = arith.index_cast %select_n3A_1509 : i32 to index
      %swap3A_1512 = tpu.vector_load %arg16[%swap3A_1510, %swap3A_1511] {strides = array<i32>} : memref<128x128xf32, #tpu.memory_space<vmem>>, vector<16xf32>,
      tpu.vector_store %arg16[%swap3A_1510, %swap3A_1511], %add3A_1465 {strides = array<i32>} : memref<128x128xf32, #tpu.memory_space<vmem>>, vector<16xf32>,
      %mul3A_1513 = arith.constant 16 : i32
      %mul3A_1514 = arith.muli %scan3A_282, %mul3A_1513 : i32
      %add3A_1515 = arith.constant 4 : i32
      %add3A_1516 = arith.addi %mul3A_1514, %add3A_1515 : i32
      %slice3A_1517 = vector.extract_strided_slice %get3A_286 {offsets = [11], sizes = [1], strides = [1]} : vector<16xi32> to vector<1xi32>
      %squeeze3A_1518 = vector.extract %slice3A_1517[0] : i32 from vector<1xi32>
      %jit3A_1519 = arith.constant 128 : i32
      %div3A_1520 = arith.divsi %squeeze3A_1518, %jit3A_1519 : i32
      %sign3A_1521 = arith.constant 0 : i32
      %sign3A_1522 = arith.cmpi sgt, %squeeze3A_1518, %sign3A_1521 : i32
      %sign3A_1523 = arith.extui %sign3A_1522 : i1 to i32
      %sign3A_1524 = arith.constant 0 : i32
      %sign3A_1525 = arith.cmpi slt, %squeeze3A_1518, %sign3A_1524 : i32
      %sign3A_1526 = arith.extui %sign3A_1525 : i1 to i32
      %sign3A_1527 = arith.subi %sign3A_1523, %sign3A_1526 : i32
      %sign3A_1528 = arith.constant 0 : i32
      %sign3A_1529 = arith.cmpi sgt, %jit3A_1519, %sign3A_1528 : i32
      %sign3A_1530 = arith.extui %sign3A_1529 : i1 to i32
      %sign3A_1531 = arith.constant 0 : i32
      %sign3A_1532 = arith.cmpi slt, %jit3A_1519, %sign3A_1531 : i32
      %sign3A_1533 = arith.extui %sign3A_1532 : i1 to i32
      %sign3A_1534 = arith.subi %sign3A_1530, %sign3A_1533 : i32
      %ne3A_1535 = arith.cmpi ne, %sign3A_1527, %sign3A_1534 : i32
      %rem3A_1536 = arith.remsi %squeeze3A_1518, %jit3A_1519 : i32
      %ne3A_1537 = arith.constant 0 : i32
      %ne3A_1538 = arith.cmpi ne, %rem3A_1536, %ne3A_1537 : i32
      %and3A_1539 = arith.andi %ne3A_1535, %ne3A_1538 : i1
      %sub3A_1540 = arith.constant 1 : i32
      %sub3A_1541 = arith.subi %div3A_1520, %sub3A_1540 : i32
      %select_n3A_1542 = arith.select %and3A_1539, %sub3A_1541, %div3A_1520 : i32
      %mul3A_1543 = arith.constant 128 : i32
      %mul3A_1544 = arith.muli %select_n3A_1542, %mul3A_1543 : i32
      %multiple_of3A_1545 = tpu.assume_multiple %mul3A_1544, 128 : i32
      %dma_start3A_1546 = arith.constant 0 : i32
      %dma_start3A_1547 = tpu.memref_slice %arg2[%dma_start3A_1546, %multiple_of3A_1545] : memref<64x1000000xf32, #tpu.memory_space<hbm>> -> memref<64x128xf32, #tpu.memory_space<hbm>>
      %dma_start3A_1548 = arith.constant 0 : i32
      %dma_start3A_1549 = tpu.memref_slice %arg2[%dma_start3A_1548, %multiple_of3A_1545] : memref<64x1000000xf32, #tpu.memory_space<hbm>> -> memref<64x128xf32, #tpu.memory_space<hbm>>
      tpu.enqueue_dma source(%dma_start3A_1549 : memref<64x128xf32, #tpu.memory_space<hbm>>) target(%arg10 : memref<64x128xf32, #tpu.memory_space<vmem>>) target_semaphore(%arg20 : memref<!tpu.dma_semaphore, #tpu.memory_space<semaphore_mem>>)
      %dma_wait3A_1550 = arith.constant 0 : i32
      %dma_wait3A_1551 = arith.constant 0 : i32
      %dma_wait3A_1552 = tpu.memref_slice %arg2[%dma_wait3A_1550, %dma_wait3A_1551] : memref<64x1000000xf32, #tpu.memory_space<hbm>> -> memref<64x128xf32, #tpu.memory_space<hbm>>
      %dma_wait3A_1553 = arith.constant 0 : i32
      %dma_wait3A_1554 = arith.constant 0 : i32
      %dma_wait3A_1555 = tpu.memref_slice %arg2[%dma_wait3A_1553, %dma_wait3A_1554] : memref<64x1000000xf32, #tpu.memory_space<hbm>> -> memref<64x128xf32, #tpu.memory_space<hbm>>
      tpu.wait_dma2 semaphore(%arg21 : memref<!tpu.dma_semaphore, #tpu.memory_space<semaphore_mem>>) src(%dma_wait3A_1555 : memref<64x128xf32, #tpu.memory_space<hbm>>) dst(%arg11 : memref<64x128xf32, #tpu.memory_space<vmem>>)
      %slice3A_1556 = vector.extract_strided_slice %get3A_286 {offsets = [4], sizes = [1], strides = [1]} : vector<16xi32> to vector<1xi32>
      %squeeze3A_1557 = vector.extract %slice3A_1556[0] : i32 from vector<1xi32>
      %broadcast_in_dim3A_1558 = vector.broadcast %squeeze3A_1557 : i32 to vector<16xi32>
      %jit3A_1559 = arith.constant 128 : i32
      %div3A_1560 = arith.divsi %squeeze3A_1557, %jit3A_1559 : i32
      %sign3A_1561 = arith.constant 0 : i32
      %sign3A_1562 = arith.cmpi sgt, %squeeze3A_1557, %sign3A_1561 : i32
      %sign3A_1563 = arith.extui %sign3A_1562 : i1 to i32
      %sign3A_1564 = arith.constant 0 : i32
      %sign3A_1565 = arith.cmpi slt, %squeeze3A_1557, %sign3A_1564 : i32
      %sign3A_1566 = arith.extui %sign3A_1565 : i1 to i32
      %sign3A_1567 = arith.subi %sign3A_1563, %sign3A_1566 : i32
      %sign3A_1568 = arith.constant 0 : i32
      %sign3A_1569 = arith.cmpi sgt, %jit3A_1559, %sign3A_1568 : i32
      %sign3A_1570 = arith.extui %sign3A_1569 : i1 to i32
      %sign3A_1571 = arith.constant 0 : i32
      %sign3A_1572 = arith.cmpi slt, %jit3A_1559, %sign3A_1571 : i32
      %sign3A_1573 = arith.extui %sign3A_1572 : i1 to i32
      %sign3A_1574 = arith.subi %sign3A_1570, %sign3A_1573 : i32
      %ne3A_1575 = arith.cmpi ne, %sign3A_1567, %sign3A_1574 : i32
      %rem3A_1576 = arith.remsi %squeeze3A_1557, %jit3A_1559 : i32
      %ne3A_1577 = arith.constant 0 : i32
      %ne3A_1578 = arith.cmpi ne, %rem3A_1576, %ne3A_1577 : i32
      %and3A_1579 = arith.andi %ne3A_1575, %ne3A_1578 : i1
      %sub3A_1580 = arith.constant 1 : i32
      %sub3A_1581 = arith.subi %div3A_1560, %sub3A_1580 : i32
      %select_n3A_1582 = arith.select %and3A_1579, %sub3A_1581, %div3A_1560 : i32
      %mul3A_1583 = arith.constant 128 : i32
      %mul3A_1584 = arith.muli %select_n3A_1582, %mul3A_1583 : i32
      %broadcast_in_dim3A_1585 = vector.broadcast %mul3A_1584 : i32 to vector<16xi32>
      %sub3A_1586 = arith.subi %broadcast_in_dim3A_1558, %broadcast_in_dim3A_1585 : vector<16xi32>
      %iota3A_1587 = tpu.iota {dimensions = array<i32: 0>} : vector<16xi32>
      %add3A_1588 = arith.constant 0 : i32
      %add3A_1589 = vector.broadcast %add3A_1588 : i32 to vector<16xi32>
      %add3A_1590 = arith.addi %iota3A_1587, %add3A_1589 : vector<16xi32>
      %gather3A_1591 = tpu.vector_load_idx %arg11[%add3A_1590, %sub3A_1586] : memref<64x128xf32, #tpu.memory_space<vmem>>[vector<16xi32>, vector<16xi32>], vector<16xf32>,
      %mul3A_1592 = vector.broadcast %scan3A_232 : f32 to vector<16xf32>
      %mul3A_1593 = arith.mulf %gather3A_1591, %mul3A_1592 : vector<16xf32>
      %get3A_1594 = arith.index_cast %add3A_1516 : i32 to index
      %get3A_1595 = arith.constant 0 : index
      %get3A_1596 = tpu.vector_load %arg15[%get3A_1594, %get3A_1595] {strides = array<i32>} : memref<256x128xf32, #tpu.memory_space<vmem>>, vector<16xf32>,
      %add3A_1597 = arith.addf %mul3A_1593, %get3A_1596 : vector<16xf32>
      %mul3A_1598 = arith.constant 64 : i32
      %mul3A_1599 = arith.muli %add3A_1516, %mul3A_1598 : i32
      %add3A_1600 = arith.constant 0 : i32
      %add3A_1601 = arith.addi %mul3A_1599, %add3A_1600 : i32
      %jit3A_1602 = arith.constant 128 : i32
      %div3A_1603 = arith.divsi %add3A_1601, %jit3A_1602 : i32
      %sign3A_1604 = arith.constant 0 : i32
      %sign3A_1605 = arith.cmpi sgt, %add3A_1601, %sign3A_1604 : i32
      %sign3A_1606 = arith.extui %sign3A_1605 : i1 to i32
      %sign3A_1607 = arith.constant 0 : i32
      %sign3A_1608 = arith.cmpi slt, %add3A_1601, %sign3A_1607 : i32
      %sign3A_1609 = arith.extui %sign3A_1608 : i1 to i32
      %sign3A_1610 = arith.subi %sign3A_1606, %sign3A_1609 : i32
      %sign3A_1611 = arith.constant 0 : i32
      %sign3A_1612 = arith.cmpi sgt, %jit3A_1602, %sign3A_1611 : i32
      %sign3A_1613 = arith.extui %sign3A_1612 : i1 to i32
      %sign3A_1614 = arith.constant 0 : i32
      %sign3A_1615 = arith.cmpi slt, %jit3A_1602, %sign3A_1614 : i32
      %sign3A_1616 = arith.extui %sign3A_1615 : i1 to i32
      %sign3A_1617 = arith.subi %sign3A_1613, %sign3A_1616 : i32
      %ne3A_1618 = arith.cmpi ne, %sign3A_1610, %sign3A_1617 : i32
      %rem3A_1619 = arith.remsi %add3A_1601, %jit3A_1602 : i32
      %ne3A_1620 = arith.constant 0 : i32
      %ne3A_1621 = arith.cmpi ne, %rem3A_1619, %ne3A_1620 : i32
      %and3A_1622 = arith.andi %ne3A_1618, %ne3A_1621 : i1
      %sub3A_1623 = arith.constant 1 : i32
      %sub3A_1624 = arith.subi %div3A_1603, %sub3A_1623 : i32
      %select_n3A_1625 = arith.select %and3A_1622, %sub3A_1624, %div3A_1603 : i32
      %jit3A_1626 = arith.constant 128 : i32
      %eq3A_1627 = arith.constant 0 : i32
      %eq3A_1628 = arith.cmpi eq, %jit3A_1626, %eq3A_1627 : i32
      %jit3A_1629 = arith.constant 1 : i32
      %select_n3A_1630 = arith.select %eq3A_1628, %jit3A_1629, %jit3A_1626 : i32
      %rem3A_1631 = arith.remsi %add3A_1601, %select_n3A_1630 : i32
      %ne3A_1632 = arith.constant 0 : i32
      %ne3A_1633 = arith.cmpi ne, %rem3A_1631, %ne3A_1632 : i32
      %lt3A_1634 = arith.constant 0 : i32
      %lt3A_1635 = arith.cmpi slt, %rem3A_1631, %lt3A_1634 : i32
      %lt3A_1636 = arith.constant 0 : i32
      %lt3A_1637 = arith.cmpi slt, %select_n3A_1630, %lt3A_1636 : i32
      %ne3A_1638 = arith.xori %lt3A_1635, %lt3A_1637 : i1
      %and3A_1639 = arith.andi %ne3A_1638, %ne3A_1633 : i1
      %add3A_1640 = arith.addi %rem3A_1631, %select_n3A_1630 : i32
      %select_n3A_1641 = arith.select %and3A_1639, %add3A_1640, %rem3A_1631 : i32
      %swap3A_1642 = arith.index_cast %select_n3A_1625 : i32 to index
      %swap3A_1643 = arith.index_cast %select_n3A_1641 : i32 to index
      %swap3A_1644 = tpu.vector_load %arg16[%swap3A_1642, %swap3A_1643] {strides = array<i32>} : memref<128x128xf32, #tpu.memory_space<vmem>>, vector<16xf32>,
      tpu.vector_store %arg16[%swap3A_1642, %swap3A_1643], %add3A_1597 {strides = array<i32>} : memref<128x128xf32, #tpu.memory_space<vmem>>, vector<16xf32>,
      %iota3A_1645 = tpu.iota {dimensions = array<i32: 0>} : vector<16xi32>
      %add3A_1646 = arith.constant 16 : i32
      %add3A_1647 = vector.broadcast %add3A_1646 : i32 to vector<16xi32>
      %add3A_1648 = arith.addi %iota3A_1645, %add3A_1647 : vector<16xi32>
      %gather3A_1649 = tpu.vector_load_idx %arg11[%add3A_1648, %sub3A_1586] : memref<64x128xf32, #tpu.memory_space<vmem>>[vector<16xi32>, vector<16xi32>], vector<16xf32>,
      %mul3A_1650 = vector.broadcast %scan3A_232 : f32 to vector<16xf32>
      %mul3A_1651 = arith.mulf %gather3A_1649, %mul3A_1650 : vector<16xf32>
      %get3A_1652 = arith.index_cast %add3A_1516 : i32 to index
      %get3A_1653 = arith.constant 16 : index
      %get3A_1654 = tpu.vector_load %arg15[%get3A_1652, %get3A_1653] {strides = array<i32>} : memref<256x128xf32, #tpu.memory_space<vmem>>, vector<16xf32>,
      %add3A_1655 = arith.addf %mul3A_1651, %get3A_1654 : vector<16xf32>
      %mul3A_1656 = arith.constant 64 : i32
      %mul3A_1657 = arith.muli %add3A_1516, %mul3A_1656 : i32
      %add3A_1658 = arith.constant 16 : i32
      %add3A_1659 = arith.addi %mul3A_1657, %add3A_1658 : i32
      %jit3A_1660 = arith.constant 128 : i32
      %div3A_1661 = arith.divsi %add3A_1659, %jit3A_1660 : i32
      %sign3A_1662 = arith.constant 0 : i32
      %sign3A_1663 = arith.cmpi sgt, %add3A_1659, %sign3A_1662 : i32
      %sign3A_1664 = arith.extui %sign3A_1663 : i1 to i32
      %sign3A_1665 = arith.constant 0 : i32
      %sign3A_1666 = arith.cmpi slt, %add3A_1659, %sign3A_1665 : i32
      %sign3A_1667 = arith.extui %sign3A_1666 : i1 to i32
      %sign3A_1668 = arith.subi %sign3A_1664, %sign3A_1667 : i32
      %sign3A_1669 = arith.constant 0 : i32
      %sign3A_1670 = arith.cmpi sgt, %jit3A_1660, %sign3A_1669 : i32
      %sign3A_1671 = arith.extui %sign3A_1670 : i1 to i32
      %sign3A_1672 = arith.constant 0 : i32
      %sign3A_1673 = arith.cmpi slt, %jit3A_1660, %sign3A_1672 : i32
      %sign3A_1674 = arith.extui %sign3A_1673 : i1 to i32
      %sign3A_1675 = arith.subi %sign3A_1671, %sign3A_1674 : i32
      %ne3A_1676 = arith.cmpi ne, %sign3A_1668, %sign3A_1675 : i32
      %rem3A_1677 = arith.remsi %add3A_1659, %jit3A_1660 : i32
      %ne3A_1678 = arith.constant 0 : i32
      %ne3A_1679 = arith.cmpi ne, %rem3A_1677, %ne3A_1678 : i32
      %and3A_1680 = arith.andi %ne3A_1676, %ne3A_1679 : i1
      %sub3A_1681 = arith.constant 1 : i32
      %sub3A_1682 = arith.subi %div3A_1661, %sub3A_1681 : i32
      %select_n3A_1683 = arith.select %and3A_1680, %sub3A_1682, %div3A_1661 : i32
      %jit3A_1684 = arith.constant 128 : i32
      %eq3A_1685 = arith.constant 0 : i32
      %eq3A_1686 = arith.cmpi eq, %jit3A_1684, %eq3A_1685 : i32
      %jit3A_1687 = arith.constant 1 : i32
      %select_n3A_1688 = arith.select %eq3A_1686, %jit3A_1687, %jit3A_1684 : i32
      %rem3A_1689 = arith.remsi %add3A_1659, %select_n3A_1688 : i32
      %ne3A_1690 = arith.constant 0 : i32
      %ne3A_1691 = arith.cmpi ne, %rem3A_1689, %ne3A_1690 : i32
      %lt3A_1692 = arith.constant 0 : i32
      %lt3A_1693 = arith.cmpi slt, %rem3A_1689, %lt3A_1692 : i32
      %lt3A_1694 = arith.constant 0 : i32
      %lt3A_1695 = arith.cmpi slt, %select_n3A_1688, %lt3A_1694 : i32
      %ne3A_1696 = arith.xori %lt3A_1693, %lt3A_1695 : i1
      %and3A_1697 = arith.andi %ne3A_1696, %ne3A_1691 : i1
      %add3A_1698 = arith.addi %rem3A_1689, %select_n3A_1688 : i32
      %select_n3A_1699 = arith.select %and3A_1697, %add3A_1698, %rem3A_1689 : i32
      %swap3A_1700 = arith.index_cast %select_n3A_1683 : i32 to index
      %swap3A_1701 = arith.index_cast %select_n3A_1699 : i32 to index
      %swap3A_1702 = tpu.vector_load %arg16[%swap3A_1700, %swap3A_1701] {strides = array<i32>} : memref<128x128xf32, #tpu.memory_space<vmem>>, vector<16xf32>,
      tpu.vector_store %arg16[%swap3A_1700, %swap3A_1701], %add3A_1655 {strides = array<i32>} : memref<128x128xf32, #tpu.memory_space<vmem>>, vector<16xf32>,
      %iota3A_1703 = tpu.iota {dimensions = array<i32: 0>} : vector<16xi32>
      %add3A_1704 = arith.constant 32 : i32
      %add3A_1705 = vector.broadcast %add3A_1704 : i32 to vector<16xi32>
      %add3A_1706 = arith.addi %iota3A_1703, %add3A_1705 : vector<16xi32>
      %gather3A_1707 = tpu.vector_load_idx %arg11[%add3A_1706, %sub3A_1586] : memref<64x128xf32, #tpu.memory_space<vmem>>[vector<16xi32>, vector<16xi32>], vector<16xf32>,
      %mul3A_1708 = vector.broadcast %scan3A_232 : f32 to vector<16xf32>
      %mul3A_1709 = arith.mulf %gather3A_1707, %mul3A_1708 : vector<16xf32>
      %get3A_1710 = arith.index_cast %add3A_1516 : i32 to index
      %get3A_1711 = arith.constant 32 : index
      %get3A_1712 = tpu.vector_load %arg15[%get3A_1710, %get3A_1711] {strides = array<i32>} : memref<256x128xf32, #tpu.memory_space<vmem>>, vector<16xf32>,
      %add3A_1713 = arith.addf %mul3A_1709, %get3A_1712 : vector<16xf32>
      %mul3A_1714 = arith.constant 64 : i32
      %mul3A_1715 = arith.muli %add3A_1516, %mul3A_1714 : i32
      %add3A_1716 = arith.constant 32 : i32
      %add3A_1717 = arith.addi %mul3A_1715, %add3A_1716 : i32
      %jit3A_1718 = arith.constant 128 : i32
      %div3A_1719 = arith.divsi %add3A_1717, %jit3A_1718 : i32
      %sign3A_1720 = arith.constant 0 : i32
      %sign3A_1721 = arith.cmpi sgt, %add3A_1717, %sign3A_1720 : i32
      %sign3A_1722 = arith.extui %sign3A_1721 : i1 to i32
      %sign3A_1723 = arith.constant 0 : i32
      %sign3A_1724 = arith.cmpi slt, %add3A_1717, %sign3A_1723 : i32
      %sign3A_1725 = arith.extui %sign3A_1724 : i1 to i32
      %sign3A_1726 = arith.subi %sign3A_1722, %sign3A_1725 : i32
      %sign3A_1727 = arith.constant 0 : i32
      %sign3A_1728 = arith.cmpi sgt, %jit3A_1718, %sign3A_1727 : i32
      %sign3A_1729 = arith.extui %sign3A_1728 : i1 to i32
      %sign3A_1730 = arith.constant 0 : i32
      %sign3A_1731 = arith.cmpi slt, %jit3A_1718, %sign3A_1730 : i32
      %sign3A_1732 = arith.extui %sign3A_1731 : i1 to i32
      %sign3A_1733 = arith.subi %sign3A_1729, %sign3A_1732 : i32
      %ne3A_1734 = arith.cmpi ne, %sign3A_1726, %sign3A_1733 : i32
      %rem3A_1735 = arith.remsi %add3A_1717, %jit3A_1718 : i32
      %ne3A_1736 = arith.constant 0 : i32
      %ne3A_1737 = arith.cmpi ne, %rem3A_1735, %ne3A_1736 : i32
      %and3A_1738 = arith.andi %ne3A_1734, %ne3A_1737 : i1
      %sub3A_1739 = arith.constant 1 : i32
      %sub3A_1740 = arith.subi %div3A_1719, %sub3A_1739 : i32
      %select_n3A_1741 = arith.select %and3A_1738, %sub3A_1740, %div3A_1719 : i32
      %jit3A_1742 = arith.constant 128 : i32
      %eq3A_1743 = arith.constant 0 : i32
      %eq3A_1744 = arith.cmpi eq, %jit3A_1742, %eq3A_1743 : i32
      %jit3A_1745 = arith.constant 1 : i32
      %select_n3A_1746 = arith.select %eq3A_1744, %jit3A_1745, %jit3A_1742 : i32
      %rem3A_1747 = arith.remsi %add3A_1717, %select_n3A_1746 : i32
      %ne3A_1748 = arith.constant 0 : i32
      %ne3A_1749 = arith.cmpi ne, %rem3A_1747, %ne3A_1748 : i32
      %lt3A_1750 = arith.constant 0 : i32
      %lt3A_1751 = arith.cmpi slt, %rem3A_1747, %lt3A_1750 : i32
      %lt3A_1752 = arith.constant 0 : i32
      %lt3A_1753 = arith.cmpi slt, %select_n3A_1746, %lt3A_1752 : i32
      %ne3A_1754 = arith.xori %lt3A_1751, %lt3A_1753 : i1
      %and3A_1755 = arith.andi %ne3A_1754, %ne3A_1749 : i1
      %add3A_1756 = arith.addi %rem3A_1747, %select_n3A_1746 : i32
      %select_n3A_1757 = arith.select %and3A_1755, %add3A_1756, %rem3A_1747 : i32
      %swap3A_1758 = arith.index_cast %select_n3A_1741 : i32 to index
      %swap3A_1759 = arith.index_cast %select_n3A_1757 : i32 to index
      %swap3A_1760 = tpu.vector_load %arg16[%swap3A_1758, %swap3A_1759] {strides = array<i32>} : memref<128x128xf32, #tpu.memory_space<vmem>>, vector<16xf32>,
      tpu.vector_store %arg16[%swap3A_1758, %swap3A_1759], %add3A_1713 {strides = array<i32>} : memref<128x128xf32, #tpu.memory_space<vmem>>, vector<16xf32>,
      %iota3A_1761 = tpu.iota {dimensions = array<i32: 0>} : vector<16xi32>
      %add3A_1762 = arith.constant 48 : i32
      %add3A_1763 = vector.broadcast %add3A_1762 : i32 to vector<16xi32>
      %add3A_1764 = arith.addi %iota3A_1761, %add3A_1763 : vector<16xi32>
      %gather3A_1765 = tpu.vector_load_idx %arg11[%add3A_1764, %sub3A_1586] : memref<64x128xf32, #tpu.memory_space<vmem>>[vector<16xi32>, vector<16xi32>], vector<16xf32>,
      %mul3A_1766 = vector.broadcast %scan3A_232 : f32 to vector<16xf32>
      %mul3A_1767 = arith.mulf %gather3A_1765, %mul3A_1766 : vector<16xf32>
      %get3A_1768 = arith.index_cast %add3A_1516 : i32 to index
      %get3A_1769 = arith.constant 48 : index
      %get3A_1770 = tpu.vector_load %arg15[%get3A_1768, %get3A_1769] {strides = array<i32>} : memref<256x128xf32, #tpu.memory_space<vmem>>, vector<16xf32>,
      %add3A_1771 = arith.addf %mul3A_1767, %get3A_1770 : vector<16xf32>
      %mul3A_1772 = arith.constant 64 : i32
      %mul3A_1773 = arith.muli %add3A_1516, %mul3A_1772 : i32
      %add3A_1774 = arith.constant 48 : i32
      %add3A_1775 = arith.addi %mul3A_1773, %add3A_1774 : i32
      %jit3A_1776 = arith.constant 128 : i32
      %div3A_1777 = arith.divsi %add3A_1775, %jit3A_1776 : i32
      %sign3A_1778 = arith.constant 0 : i32
      %sign3A_1779 = arith.cmpi sgt, %add3A_1775, %sign3A_1778 : i32
      %sign3A_1780 = arith.extui %sign3A_1779 : i1 to i32
      %sign3A_1781 = arith.constant 0 : i32
      %sign3A_1782 = arith.cmpi slt, %add3A_1775, %sign3A_1781 : i32
      %sign3A_1783 = arith.extui %sign3A_1782 : i1 to i32
      %sign3A_1784 = arith.subi %sign3A_1780, %sign3A_1783 : i32
      %sign3A_1785 = arith.constant 0 : i32
      %sign3A_1786 = arith.cmpi sgt, %jit3A_1776, %sign3A_1785 : i32
      %sign3A_1787 = arith.extui %sign3A_1786 : i1 to i32
      %sign3A_1788 = arith.constant 0 : i32
      %sign3A_1789 = arith.cmpi slt, %jit3A_1776, %sign3A_1788 : i32
      %sign3A_1790 = arith.extui %sign3A_1789 : i1 to i32
      %sign3A_1791 = arith.subi %sign3A_1787, %sign3A_1790 : i32
      %ne3A_1792 = arith.cmpi ne, %sign3A_1784, %sign3A_1791 : i32
      %rem3A_1793 = arith.remsi %add3A_1775, %jit3A_1776 : i32
      %ne3A_1794 = arith.constant 0 : i32
      %ne3A_1795 = arith.cmpi ne, %rem3A_1793, %ne3A_1794 : i32
      %and3A_1796 = arith.andi %ne3A_1792, %ne3A_1795 : i1
      %sub3A_1797 = arith.constant 1 : i32
      %sub3A_1798 = arith.subi %div3A_1777, %sub3A_1797 : i32
      %select_n3A_1799 = arith.select %and3A_1796, %sub3A_1798, %div3A_1777 : i32
      %jit3A_1800 = arith.constant 128 : i32
      %eq3A_1801 = arith.constant 0 : i32
      %eq3A_1802 = arith.cmpi eq, %jit3A_1800, %eq3A_1801 : i32
      %jit3A_1803 = arith.constant 1 : i32
      %select_n3A_1804 = arith.select %eq3A_1802, %jit3A_1803, %jit3A_1800 : i32
      %rem3A_1805 = arith.remsi %add3A_1775, %select_n3A_1804 : i32
      %ne3A_1806 = arith.constant 0 : i32
      %ne3A_1807 = arith.cmpi ne, %rem3A_1805, %ne3A_1806 : i32
      %lt3A_1808 = arith.constant 0 : i32
      %lt3A_1809 = arith.cmpi slt, %rem3A_1805, %lt3A_1808 : i32
      %lt3A_1810 = arith.constant 0 : i32
      %lt3A_1811 = arith.cmpi slt, %select_n3A_1804, %lt3A_1810 : i32
      %ne3A_1812 = arith.xori %lt3A_1809, %lt3A_1811 : i1
      %and3A_1813 = arith.andi %ne3A_1812, %ne3A_1807 : i1
      %add3A_1814 = arith.addi %rem3A_1805, %select_n3A_1804 : i32
      %select_n3A_1815 = arith.select %and3A_1813, %add3A_1814, %rem3A_1805 : i32
      %swap3A_1816 = arith.index_cast %select_n3A_1799 : i32 to index
      %swap3A_1817 = arith.index_cast %select_n3A_1815 : i32 to index
      %swap3A_1818 = tpu.vector_load %arg16[%swap3A_1816, %swap3A_1817] {strides = array<i32>} : memref<128x128xf32, #tpu.memory_space<vmem>>, vector<16xf32>,
      tpu.vector_store %arg16[%swap3A_1816, %swap3A_1817], %add3A_1771 {strides = array<i32>} : memref<128x128xf32, #tpu.memory_space<vmem>>, vector<16xf32>,
      %mul3A_1819 = arith.constant 16 : i32
      %mul3A_1820 = arith.muli %scan3A_282, %mul3A_1819 : i32
      %add3A_1821 = arith.constant 5 : i32
      %add3A_1822 = arith.addi %mul3A_1820, %add3A_1821 : i32
      %slice3A_1823 = vector.extract_strided_slice %get3A_286 {offsets = [12], sizes = [1], strides = [1]} : vector<16xi32> to vector<1xi32>
      %squeeze3A_1824 = vector.extract %slice3A_1823[0] : i32 from vector<1xi32>
      %jit3A_1825 = arith.constant 128 : i32
      %div3A_1826 = arith.divsi %squeeze3A_1824, %jit3A_1825 : i32
      %sign3A_1827 = arith.constant 0 : i32
      %sign3A_1828 = arith.cmpi sgt, %squeeze3A_1824, %sign3A_1827 : i32
      %sign3A_1829 = arith.extui %sign3A_1828 : i1 to i32
      %sign3A_1830 = arith.constant 0 : i32
      %sign3A_1831 = arith.cmpi slt, %squeeze3A_1824, %sign3A_1830 : i32
      %sign3A_1832 = arith.extui %sign3A_1831 : i1 to i32
      %sign3A_1833 = arith.subi %sign3A_1829, %sign3A_1832 : i32
      %sign3A_1834 = arith.constant 0 : i32
      %sign3A_1835 = arith.cmpi sgt, %jit3A_1825, %sign3A_1834 : i32
      %sign3A_1836 = arith.extui %sign3A_1835 : i1 to i32
      %sign3A_1837 = arith.constant 0 : i32
      %sign3A_1838 = arith.cmpi slt, %jit3A_1825, %sign3A_1837 : i32
      %sign3A_1839 = arith.extui %sign3A_1838 : i1 to i32
      %sign3A_1840 = arith.subi %sign3A_1836, %sign3A_1839 : i32
      %ne3A_1841 = arith.cmpi ne, %sign3A_1833, %sign3A_1840 : i32
      %rem3A_1842 = arith.remsi %squeeze3A_1824, %jit3A_1825 : i32
      %ne3A_1843 = arith.constant 0 : i32
      %ne3A_1844 = arith.cmpi ne, %rem3A_1842, %ne3A_1843 : i32
      %and3A_1845 = arith.andi %ne3A_1841, %ne3A_1844 : i1
      %sub3A_1846 = arith.constant 1 : i32
      %sub3A_1847 = arith.subi %div3A_1826, %sub3A_1846 : i32
      %select_n3A_1848 = arith.select %and3A_1845, %sub3A_1847, %div3A_1826 : i32
      %mul3A_1849 = arith.constant 128 : i32
      %mul3A_1850 = arith.muli %select_n3A_1848, %mul3A_1849 : i32
      %multiple_of3A_1851 = tpu.assume_multiple %mul3A_1850, 128 : i32
      %dma_start3A_1852 = arith.constant 0 : i32
      %dma_start3A_1853 = tpu.memref_slice %arg2[%dma_start3A_1852, %multiple_of3A_1851] : memref<64x1000000xf32, #tpu.memory_space<hbm>> -> memref<64x128xf32, #tpu.memory_space<hbm>>
      %dma_start3A_1854 = arith.constant 0 : i32
      %dma_start3A_1855 = tpu.memref_slice %arg2[%dma_start3A_1854, %multiple_of3A_1851] : memref<64x1000000xf32, #tpu.memory_space<hbm>> -> memref<64x128xf32, #tpu.memory_space<hbm>>
      tpu.enqueue_dma source(%dma_start3A_1855 : memref<64x128xf32, #tpu.memory_space<hbm>>) target(%arg11 : memref<64x128xf32, #tpu.memory_space<vmem>>) target_semaphore(%arg21 : memref<!tpu.dma_semaphore, #tpu.memory_space<semaphore_mem>>)
      %dma_wait3A_1856 = arith.constant 0 : i32
      %dma_wait3A_1857 = arith.constant 0 : i32
      %dma_wait3A_1858 = tpu.memref_slice %arg2[%dma_wait3A_1856, %dma_wait3A_1857] : memref<64x1000000xf32, #tpu.memory_space<hbm>> -> memref<64x128xf32, #tpu.memory_space<hbm>>
      %dma_wait3A_1859 = arith.constant 0 : i32
      %dma_wait3A_1860 = arith.constant 0 : i32
      %dma_wait3A_1861 = tpu.memref_slice %arg2[%dma_wait3A_1859, %dma_wait3A_1860] : memref<64x1000000xf32, #tpu.memory_space<hbm>> -> memref<64x128xf32, #tpu.memory_space<hbm>>
      tpu.wait_dma2 semaphore(%arg22 : memref<!tpu.dma_semaphore, #tpu.memory_space<semaphore_mem>>) src(%dma_wait3A_1861 : memref<64x128xf32, #tpu.memory_space<hbm>>) dst(%arg12 : memref<64x128xf32, #tpu.memory_space<vmem>>)
      %slice3A_1862 = vector.extract_strided_slice %get3A_286 {offsets = [5], sizes = [1], strides = [1]} : vector<16xi32> to vector<1xi32>
      %squeeze3A_1863 = vector.extract %slice3A_1862[0] : i32 from vector<1xi32>
      %broadcast_in_dim3A_1864 = vector.broadcast %squeeze3A_1863 : i32 to vector<16xi32>
      %jit3A_1865 = arith.constant 128 : i32
      %div3A_1866 = arith.divsi %squeeze3A_1863, %jit3A_1865 : i32
      %sign3A_1867 = arith.constant 0 : i32
      %sign3A_1868 = arith.cmpi sgt, %squeeze3A_1863, %sign3A_1867 : i32
      %sign3A_1869 = arith.extui %sign3A_1868 : i1 to i32
      %sign3A_1870 = arith.constant 0 : i32
      %sign3A_1871 = arith.cmpi slt, %squeeze3A_1863, %sign3A_1870 : i32
      %sign3A_1872 = arith.extui %sign3A_1871 : i1 to i32
      %sign3A_1873 = arith.subi %sign3A_1869, %sign3A_1872 : i32
      %sign3A_1874 = arith.constant 0 : i32
      %sign3A_1875 = arith.cmpi sgt, %jit3A_1865, %sign3A_1874 : i32
      %sign3A_1876 = arith.extui %sign3A_1875 : i1 to i32
      %sign3A_1877 = arith.constant 0 : i32
      %sign3A_1878 = arith.cmpi slt, %jit3A_1865, %sign3A_1877 : i32
      %sign3A_1879 = arith.extui %sign3A_1878 : i1 to i32
      %sign3A_1880 = arith.subi %sign3A_1876, %sign3A_1879 : i32
      %ne3A_1881 = arith.cmpi ne, %sign3A_1873, %sign3A_1880 : i32
      %rem3A_1882 = arith.remsi %squeeze3A_1863, %jit3A_1865 : i32
      %ne3A_1883 = arith.constant 0 : i32
      %ne3A_1884 = arith.cmpi ne, %rem3A_1882, %ne3A_1883 : i32
      %and3A_1885 = arith.andi %ne3A_1881, %ne3A_1884 : i1
      %sub3A_1886 = arith.constant 1 : i32
      %sub3A_1887 = arith.subi %div3A_1866, %sub3A_1886 : i32
      %select_n3A_1888 = arith.select %and3A_1885, %sub3A_1887, %div3A_1866 : i32
      %mul3A_1889 = arith.constant 128 : i32
      %mul3A_1890 = arith.muli %select_n3A_1888, %mul3A_1889 : i32
      %broadcast_in_dim3A_1891 = vector.broadcast %mul3A_1890 : i32 to vector<16xi32>
      %sub3A_1892 = arith.subi %broadcast_in_dim3A_1864, %broadcast_in_dim3A_1891 : vector<16xi32>
      %iota3A_1893 = tpu.iota {dimensions = array<i32: 0>} : vector<16xi32>
      %add3A_1894 = arith.constant 0 : i32
      %add3A_1895 = vector.broadcast %add3A_1894 : i32 to vector<16xi32>
      %add3A_1896 = arith.addi %iota3A_1893, %add3A_1895 : vector<16xi32>
      %gather3A_1897 = tpu.vector_load_idx %arg12[%add3A_1896, %sub3A_1892] : memref<64x128xf32, #tpu.memory_space<vmem>>[vector<16xi32>, vector<16xi32>], vector<16xf32>,
      %mul3A_1898 = vector.broadcast %scan3A_232 : f32 to vector<16xf32>
      %mul3A_1899 = arith.mulf %gather3A_1897, %mul3A_1898 : vector<16xf32>
      %get3A_1900 = arith.index_cast %add3A_1822 : i32 to index
      %get3A_1901 = arith.constant 0 : index
      %get3A_1902 = tpu.vector_load %arg15[%get3A_1900, %get3A_1901] {strides = array<i32>} : memref<256x128xf32, #tpu.memory_space<vmem>>, vector<16xf32>,
      %add3A_1903 = arith.addf %mul3A_1899, %get3A_1902 : vector<16xf32>
      %mul3A_1904 = arith.constant 64 : i32
      %mul3A_1905 = arith.muli %add3A_1822, %mul3A_1904 : i32
      %add3A_1906 = arith.constant 0 : i32
      %add3A_1907 = arith.addi %mul3A_1905, %add3A_1906 : i32
      %jit3A_1908 = arith.constant 128 : i32
      %div3A_1909 = arith.divsi %add3A_1907, %jit3A_1908 : i32
      %sign3A_1910 = arith.constant 0 : i32
      %sign3A_1911 = arith.cmpi sgt, %add3A_1907, %sign3A_1910 : i32
      %sign3A_1912 = arith.extui %sign3A_1911 : i1 to i32
      %sign3A_1913 = arith.constant 0 : i32
      %sign3A_1914 = arith.cmpi slt, %add3A_1907, %sign3A_1913 : i32
      %sign3A_1915 = arith.extui %sign3A_1914 : i1 to i32
      %sign3A_1916 = arith.subi %sign3A_1912, %sign3A_1915 : i32
      %sign3A_1917 = arith.constant 0 : i32
      %sign3A_1918 = arith.cmpi sgt, %jit3A_1908, %sign3A_1917 : i32
      %sign3A_1919 = arith.extui %sign3A_1918 : i1 to i32
      %sign3A_1920 = arith.constant 0 : i32
      %sign3A_1921 = arith.cmpi slt, %jit3A_1908, %sign3A_1920 : i32
      %sign3A_1922 = arith.extui %sign3A_1921 : i1 to i32
      %sign3A_1923 = arith.subi %sign3A_1919, %sign3A_1922 : i32
      %ne3A_1924 = arith.cmpi ne, %sign3A_1916, %sign3A_1923 : i32
      %rem3A_1925 = arith.remsi %add3A_1907, %jit3A_1908 : i32
      %ne3A_1926 = arith.constant 0 : i32
      %ne3A_1927 = arith.cmpi ne, %rem3A_1925, %ne3A_1926 : i32
      %and3A_1928 = arith.andi %ne3A_1924, %ne3A_1927 : i1
      %sub3A_1929 = arith.constant 1 : i32
      %sub3A_1930 = arith.subi %div3A_1909, %sub3A_1929 : i32
      %select_n3A_1931 = arith.select %and3A_1928, %sub3A_1930, %div3A_1909 : i32
      %jit3A_1932 = arith.constant 128 : i32
      %eq3A_1933 = arith.constant 0 : i32
      %eq3A_1934 = arith.cmpi eq, %jit3A_1932, %eq3A_1933 : i32
      %jit3A_1935 = arith.constant 1 : i32
      %select_n3A_1936 = arith.select %eq3A_1934, %jit3A_1935, %jit3A_1932 : i32
      %rem3A_1937 = arith.remsi %add3A_1907, %select_n3A_1936 : i32
      %ne3A_1938 = arith.constant 0 : i32
      %ne3A_1939 = arith.cmpi ne, %rem3A_1937, %ne3A_1938 : i32
      %lt3A_1940 = arith.constant 0 : i32
      %lt3A_1941 = arith.cmpi slt, %rem3A_1937, %lt3A_1940 : i32
      %lt3A_1942 = arith.constant 0 : i32
      %lt3A_1943 = arith.cmpi slt, %select_n3A_1936, %lt3A_1942 : i32
      %ne3A_1944 = arith.xori %lt3A_1941, %lt3A_1943 : i1
      %and3A_1945 = arith.andi %ne3A_1944, %ne3A_1939 : i1
      %add3A_1946 = arith.addi %rem3A_1937, %select_n3A_1936 : i32
      %select_n3A_1947 = arith.select %and3A_1945, %add3A_1946, %rem3A_1937 : i32
      %swap3A_1948 = arith.index_cast %select_n3A_1931 : i32 to index
      %swap3A_1949 = arith.index_cast %select_n3A_1947 : i32 to index
      %swap3A_1950 = tpu.vector_load %arg16[%swap3A_1948, %swap3A_1949] {strides = array<i32>} : memref<128x128xf32, #tpu.memory_space<vmem>>, vector<16xf32>,
      tpu.vector_store %arg16[%swap3A_1948, %swap3A_1949], %add3A_1903 {strides = array<i32>} : memref<128x128xf32, #tpu.memory_space<vmem>>, vector<16xf32>,
      %iota3A_1951 = tpu.iota {dimensions = array<i32: 0>} : vector<16xi32>
      %add3A_1952 = arith.constant 16 : i32
      %add3A_1953 = vector.broadcast %add3A_1952 : i32 to vector<16xi32>
      %add3A_1954 = arith.addi %iota3A_1951, %add3A_1953 : vector<16xi32>
      %gather3A_1955 = tpu.vector_load_idx %arg12[%add3A_1954, %sub3A_1892] : memref<64x128xf32, #tpu.memory_space<vmem>>[vector<16xi32>, vector<16xi32>], vector<16xf32>,
      %mul3A_1956 = vector.broadcast %scan3A_232 : f32 to vector<16xf32>
      %mul3A_1957 = arith.mulf %gather3A_1955, %mul3A_1956 : vector<16xf32>
      %get3A_1958 = arith.index_cast %add3A_1822 : i32 to index
      %get3A_1959 = arith.constant 16 : index
      %get3A_1960 = tpu.vector_load %arg15[%get3A_1958, %get3A_1959] {strides = array<i32>} : memref<256x128xf32, #tpu.memory_space<vmem>>, vector<16xf32>,
      %add3A_1961 = arith.addf %mul3A_1957, %get3A_1960 : vector<16xf32>
      %mul3A_1962 = arith.constant 64 : i32
      %mul3A_1963 = arith.muli %add3A_1822, %mul3A_1962 : i32
      %add3A_1964 = arith.constant 16 : i32
      %add3A_1965 = arith.addi %mul3A_1963, %add3A_1964 : i32
      %jit3A_1966 = arith.constant 128 : i32
      %div3A_1967 = arith.divsi %add3A_1965, %jit3A_1966 : i32
      %sign3A_1968 = arith.constant 0 : i32
      %sign3A_1969 = arith.cmpi sgt, %add3A_1965, %sign3A_1968 : i32
      %sign3A_1970 = arith.extui %sign3A_1969 : i1 to i32
      %sign3A_1971 = arith.constant 0 : i32
      %sign3A_1972 = arith.cmpi slt, %add3A_1965, %sign3A_1971 : i32
      %sign3A_1973 = arith.extui %sign3A_1972 : i1 to i32
      %sign3A_1974 = arith.subi %sign3A_1970, %sign3A_1973 : i32
      %sign3A_1975 = arith.constant 0 : i32
      %sign3A_1976 = arith.cmpi sgt, %jit3A_1966, %sign3A_1975 : i32
      %sign3A_1977 = arith.extui %sign3A_1976 : i1 to i32
      %sign3A_1978 = arith.constant 0 : i32
      %sign3A_1979 = arith.cmpi slt, %jit3A_1966, %sign3A_1978 : i32
      %sign3A_1980 = arith.extui %sign3A_1979 : i1 to i32
      %sign3A_1981 = arith.subi %sign3A_1977, %sign3A_1980 : i32
      %ne3A_1982 = arith.cmpi ne, %sign3A_1974, %sign3A_1981 : i32
      %rem3A_1983 = arith.remsi %add3A_1965, %jit3A_1966 : i32
      %ne3A_1984 = arith.constant 0 : i32
      %ne3A_1985 = arith.cmpi ne, %rem3A_1983, %ne3A_1984 : i32
      %and3A_1986 = arith.andi %ne3A_1982, %ne3A_1985 : i1
      %sub3A_1987 = arith.constant 1 : i32
      %sub3A_1988 = arith.subi %div3A_1967, %sub3A_1987 : i32
      %select_n3A_1989 = arith.select %and3A_1986, %sub3A_1988, %div3A_1967 : i32
      %jit3A_1990 = arith.constant 128 : i32
      %eq3A_1991 = arith.constant 0 : i32
      %eq3A_1992 = arith.cmpi eq, %jit3A_1990, %eq3A_1991 : i32
      %jit3A_1993 = arith.constant 1 : i32
      %select_n3A_1994 = arith.select %eq3A_1992, %jit3A_1993, %jit3A_1990 : i32
      %rem3A_1995 = arith.remsi %add3A_1965, %select_n3A_1994 : i32
      %ne3A_1996 = arith.constant 0 : i32
      %ne3A_1997 = arith.cmpi ne, %rem3A_1995, %ne3A_1996 : i32
      %lt3A_1998 = arith.constant 0 : i32
      %lt3A_1999 = arith.cmpi slt, %rem3A_1995, %lt3A_1998 : i32
      %lt3A_2000 = arith.constant 0 : i32
      %lt3A_2001 = arith.cmpi slt, %select_n3A_1994, %lt3A_2000 : i32
      %ne3A_2002 = arith.xori %lt3A_1999, %lt3A_2001 : i1
      %and3A_2003 = arith.andi %ne3A_2002, %ne3A_1997 : i1
      %add3A_2004 = arith.addi %rem3A_1995, %select_n3A_1994 : i32
      %select_n3A_2005 = arith.select %and3A_2003, %add3A_2004, %rem3A_1995 : i32
      %swap3A_2006 = arith.index_cast %select_n3A_1989 : i32 to index
      %swap3A_2007 = arith.index_cast %select_n3A_2005 : i32 to index
      %swap3A_2008 = tpu.vector_load %arg16[%swap3A_2006, %swap3A_2007] {strides = array<i32>} : memref<128x128xf32, #tpu.memory_space<vmem>>, vector<16xf32>,
      tpu.vector_store %arg16[%swap3A_2006, %swap3A_2007], %add3A_1961 {strides = array<i32>} : memref<128x128xf32, #tpu.memory_space<vmem>>, vector<16xf32>,
      %iota3A_2009 = tpu.iota {dimensions = array<i32: 0>} : vector<16xi32>
      %add3A_2010 = arith.constant 32 : i32
      %add3A_2011 = vector.broadcast %add3A_2010 : i32 to vector<16xi32>
      %add3A_2012 = arith.addi %iota3A_2009, %add3A_2011 : vector<16xi32>
      %gather3A_2013 = tpu.vector_load_idx %arg12[%add3A_2012, %sub3A_1892] : memref<64x128xf32, #tpu.memory_space<vmem>>[vector<16xi32>, vector<16xi32>], vector<16xf32>,
      %mul3A_2014 = vector.broadcast %scan3A_232 : f32 to vector<16xf32>
      %mul3A_2015 = arith.mulf %gather3A_2013, %mul3A_2014 : vector<16xf32>
      %get3A_2016 = arith.index_cast %add3A_1822 : i32 to index
      %get3A_2017 = arith.constant 32 : index
      %get3A_2018 = tpu.vector_load %arg15[%get3A_2016, %get3A_2017] {strides = array<i32>} : memref<256x128xf32, #tpu.memory_space<vmem>>, vector<16xf32>,
      %add3A_2019 = arith.addf %mul3A_2015, %get3A_2018 : vector<16xf32>
      %mul3A_2020 = arith.constant 64 : i32
      %mul3A_2021 = arith.muli %add3A_1822, %mul3A_2020 : i32
      %add3A_2022 = arith.constant 32 : i32
      %add3A_2023 = arith.addi %mul3A_2021, %add3A_2022 : i32
      %jit3A_2024 = arith.constant 128 : i32
      %div3A_2025 = arith.divsi %add3A_2023, %jit3A_2024 : i32
      %sign3A_2026 = arith.constant 0 : i32
      %sign3A_2027 = arith.cmpi sgt, %add3A_2023, %sign3A_2026 : i32
      %sign3A_2028 = arith.extui %sign3A_2027 : i1 to i32
      %sign3A_2029 = arith.constant 0 : i32
      %sign3A_2030 = arith.cmpi slt, %add3A_2023, %sign3A_2029 : i32
      %sign3A_2031 = arith.extui %sign3A_2030 : i1 to i32
      %sign3A_2032 = arith.subi %sign3A_2028, %sign3A_2031 : i32
      %sign3A_2033 = arith.constant 0 : i32
      %sign3A_2034 = arith.cmpi sgt, %jit3A_2024, %sign3A_2033 : i32
      %sign3A_2035 = arith.extui %sign3A_2034 : i1 to i32
      %sign3A_2036 = arith.constant 0 : i32
      %sign3A_2037 = arith.cmpi slt, %jit3A_2024, %sign3A_2036 : i32
      %sign3A_2038 = arith.extui %sign3A_2037 : i1 to i32
      %sign3A_2039 = arith.subi %sign3A_2035, %sign3A_2038 : i32
      %ne3A_2040 = arith.cmpi ne, %sign3A_2032, %sign3A_2039 : i32
      %rem3A_2041 = arith.remsi %add3A_2023, %jit3A_2024 : i32
      %ne3A_2042 = arith.constant 0 : i32
      %ne3A_2043 = arith.cmpi ne, %rem3A_2041, %ne3A_2042 : i32
      %and3A_2044 = arith.andi %ne3A_2040, %ne3A_2043 : i1
      %sub3A_2045 = arith.constant 1 : i32
      %sub3A_2046 = arith.subi %div3A_2025, %sub3A_2045 : i32
      %select_n3A_2047 = arith.select %and3A_2044, %sub3A_2046, %div3A_2025 : i32
      %jit3A_2048 = arith.constant 128 : i32
      %eq3A_2049 = arith.constant 0 : i32
      %eq3A_2050 = arith.cmpi eq, %jit3A_2048, %eq3A_2049 : i32
      %jit3A_2051 = arith.constant 1 : i32
      %select_n3A_2052 = arith.select %eq3A_2050, %jit3A_2051, %jit3A_2048 : i32
      %rem3A_2053 = arith.remsi %add3A_2023, %select_n3A_2052 : i32
      %ne3A_2054 = arith.constant 0 : i32
      %ne3A_2055 = arith.cmpi ne, %rem3A_2053, %ne3A_2054 : i32
      %lt3A_2056 = arith.constant 0 : i32
      %lt3A_2057 = arith.cmpi slt, %rem3A_2053, %lt3A_2056 : i32
      %lt3A_2058 = arith.constant 0 : i32
      %lt3A_2059 = arith.cmpi slt, %select_n3A_2052, %lt3A_2058 : i32
      %ne3A_2060 = arith.xori %lt3A_2057, %lt3A_2059 : i1
      %and3A_2061 = arith.andi %ne3A_2060, %ne3A_2055 : i1
      %add3A_2062 = arith.addi %rem3A_2053, %select_n3A_2052 : i32
      %select_n3A_2063 = arith.select %and3A_2061, %add3A_2062, %rem3A_2053 : i32
      %swap3A_2064 = arith.index_cast %select_n3A_2047 : i32 to index
      %swap3A_2065 = arith.index_cast %select_n3A_2063 : i32 to index
      %swap3A_2066 = tpu.vector_load %arg16[%swap3A_2064, %swap3A_2065] {strides = array<i32>} : memref<128x128xf32, #tpu.memory_space<vmem>>, vector<16xf32>,
      tpu.vector_store %arg16[%swap3A_2064, %swap3A_2065], %add3A_2019 {strides = array<i32>} : memref<128x128xf32, #tpu.memory_space<vmem>>, vector<16xf32>,
      %iota3A_2067 = tpu.iota {dimensions = array<i32: 0>} : vector<16xi32>
      %add3A_2068 = arith.constant 48 : i32
      %add3A_2069 = vector.broadcast %add3A_2068 : i32 to vector<16xi32>
      %add3A_2070 = arith.addi %iota3A_2067, %add3A_2069 : vector<16xi32>
      %gather3A_2071 = tpu.vector_load_idx %arg12[%add3A_2070, %sub3A_1892] : memref<64x128xf32, #tpu.memory_space<vmem>>[vector<16xi32>, vector<16xi32>], vector<16xf32>,
      %mul3A_2072 = vector.broadcast %scan3A_232 : f32 to vector<16xf32>
      %mul3A_2073 = arith.mulf %gather3A_2071, %mul3A_2072 : vector<16xf32>
      %get3A_2074 = arith.index_cast %add3A_1822 : i32 to index
      %get3A_2075 = arith.constant 48 : index
      %get3A_2076 = tpu.vector_load %arg15[%get3A_2074, %get3A_2075] {strides = array<i32>} : memref<256x128xf32, #tpu.memory_space<vmem>>, vector<16xf32>,
      %add3A_2077 = arith.addf %mul3A_2073, %get3A_2076 : vector<16xf32>
      %mul3A_2078 = arith.constant 64 : i32
      %mul3A_2079 = arith.muli %add3A_1822, %mul3A_2078 : i32
      %add3A_2080 = arith.constant 48 : i32
      %add3A_2081 = arith.addi %mul3A_2079, %add3A_2080 : i32
      %jit3A_2082 = arith.constant 128 : i32
      %div3A_2083 = arith.divsi %add3A_2081, %jit3A_2082 : i32
      %sign3A_2084 = arith.constant 0 : i32
      %sign3A_2085 = arith.cmpi sgt, %add3A_2081, %sign3A_2084 : i32
      %sign3A_2086 = arith.extui %sign3A_2085 : i1 to i32
      %sign3A_2087 = arith.constant 0 : i32
      %sign3A_2088 = arith.cmpi slt, %add3A_2081, %sign3A_2087 : i32
      %sign3A_2089 = arith.extui %sign3A_2088 : i1 to i32
      %sign3A_2090 = arith.subi %sign3A_2086, %sign3A_2089 : i32
      %sign3A_2091 = arith.constant 0 : i32
      %sign3A_2092 = arith.cmpi sgt, %jit3A_2082, %sign3A_2091 : i32
      %sign3A_2093 = arith.extui %sign3A_2092 : i1 to i32
      %sign3A_2094 = arith.constant 0 : i32
      %sign3A_2095 = arith.cmpi slt, %jit3A_2082, %sign3A_2094 : i32
      %sign3A_2096 = arith.extui %sign3A_2095 : i1 to i32
      %sign3A_2097 = arith.subi %sign3A_2093, %sign3A_2096 : i32
      %ne3A_2098 = arith.cmpi ne, %sign3A_2090, %sign3A_2097 : i32
      %rem3A_2099 = arith.remsi %add3A_2081, %jit3A_2082 : i32
      %ne3A_2100 = arith.constant 0 : i32
      %ne3A_2101 = arith.cmpi ne, %rem3A_2099, %ne3A_2100 : i32
      %and3A_2102 = arith.andi %ne3A_2098, %ne3A_2101 : i1
      %sub3A_2103 = arith.constant 1 : i32
      %sub3A_2104 = arith.subi %div3A_2083, %sub3A_2103 : i32
      %select_n3A_2105 = arith.select %and3A_2102, %sub3A_2104, %div3A_2083 : i32
      %jit3A_2106 = arith.constant 128 : i32
      %eq3A_2107 = arith.constant 0 : i32
      %eq3A_2108 = arith.cmpi eq, %jit3A_2106, %eq3A_2107 : i32
      %jit3A_2109 = arith.constant 1 : i32
      %select_n3A_2110 = arith.select %eq3A_2108, %jit3A_2109, %jit3A_2106 : i32
      %rem3A_2111 = arith.remsi %add3A_2081, %select_n3A_2110 : i32
      %ne3A_2112 = arith.constant 0 : i32
      %ne3A_2113 = arith.cmpi ne, %rem3A_2111, %ne3A_2112 : i32
      %lt3A_2114 = arith.constant 0 : i32
      %lt3A_2115 = arith.cmpi slt, %rem3A_2111, %lt3A_2114 : i32
      %lt3A_2116 = arith.constant 0 : i32
      %lt3A_2117 = arith.cmpi slt, %select_n3A_2110, %lt3A_2116 : i32
      %ne3A_2118 = arith.xori %lt3A_2115, %lt3A_2117 : i1
      %and3A_2119 = arith.andi %ne3A_2118, %ne3A_2113 : i1
      %add3A_2120 = arith.addi %rem3A_2111, %select_n3A_2110 : i32
      %select_n3A_2121 = arith.select %and3A_2119, %add3A_2120, %rem3A_2111 : i32
      %swap3A_2122 = arith.index_cast %select_n3A_2105 : i32 to index
      %swap3A_2123 = arith.index_cast %select_n3A_2121 : i32 to index
      %swap3A_2124 = tpu.vector_load %arg16[%swap3A_2122, %swap3A_2123] {strides = array<i32>} : memref<128x128xf32, #tpu.memory_space<vmem>>, vector<16xf32>,
      tpu.vector_store %arg16[%swap3A_2122, %swap3A_2123], %add3A_2077 {strides = array<i32>} : memref<128x128xf32, #tpu.memory_space<vmem>>, vector<16xf32>,
      %mul3A_2125 = arith.constant 16 : i32
      %mul3A_2126 = arith.muli %scan3A_282, %mul3A_2125 : i32
      %add3A_2127 = arith.constant 6 : i32
      %add3A_2128 = arith.addi %mul3A_2126, %add3A_2127 : i32
      %slice3A_2129 = vector.extract_strided_slice %get3A_286 {offsets = [13], sizes = [1], strides = [1]} : vector<16xi32> to vector<1xi32>
      %squeeze3A_2130 = vector.extract %slice3A_2129[0] : i32 from vector<1xi32>
      %jit3A_2131 = arith.constant 128 : i32
      %div3A_2132 = arith.divsi %squeeze3A_2130, %jit3A_2131 : i32
      %sign3A_2133 = arith.constant 0 : i32
      %sign3A_2134 = arith.cmpi sgt, %squeeze3A_2130, %sign3A_2133 : i32
      %sign3A_2135 = arith.extui %sign3A_2134 : i1 to i32
      %sign3A_2136 = arith.constant 0 : i32
      %sign3A_2137 = arith.cmpi slt, %squeeze3A_2130, %sign3A_2136 : i32
      %sign3A_2138 = arith.extui %sign3A_2137 : i1 to i32
      %sign3A_2139 = arith.subi %sign3A_2135, %sign3A_2138 : i32
      %sign3A_2140 = arith.constant 0 : i32
      %sign3A_2141 = arith.cmpi sgt, %jit3A_2131, %sign3A_2140 : i32
      %sign3A_2142 = arith.extui %sign3A_2141 : i1 to i32
      %sign3A_2143 = arith.constant 0 : i32
      %sign3A_2144 = arith.cmpi slt, %jit3A_2131, %sign3A_2143 : i32
      %sign3A_2145 = arith.extui %sign3A_2144 : i1 to i32
      %sign3A_2146 = arith.subi %sign3A_2142, %sign3A_2145 : i32
      %ne3A_2147 = arith.cmpi ne, %sign3A_2139, %sign3A_2146 : i32
      %rem3A_2148 = arith.remsi %squeeze3A_2130, %jit3A_2131 : i32
      %ne3A_2149 = arith.constant 0 : i32
      %ne3A_2150 = arith.cmpi ne, %rem3A_2148, %ne3A_2149 : i32
      %and3A_2151 = arith.andi %ne3A_2147, %ne3A_2150 : i1
      %sub3A_2152 = arith.constant 1 : i32
      %sub3A_2153 = arith.subi %div3A_2132, %sub3A_2152 : i32
      %select_n3A_2154 = arith.select %and3A_2151, %sub3A_2153, %div3A_2132 : i32
      %mul3A_2155 = arith.constant 128 : i32
      %mul3A_2156 = arith.muli %select_n3A_2154, %mul3A_2155 : i32
      %multiple_of3A_2157 = tpu.assume_multiple %mul3A_2156, 128 : i32
      %dma_start3A_2158 = arith.constant 0 : i32
      %dma_start3A_2159 = tpu.memref_slice %arg2[%dma_start3A_2158, %multiple_of3A_2157] : memref<64x1000000xf32, #tpu.memory_space<hbm>> -> memref<64x128xf32, #tpu.memory_space<hbm>>
      %dma_start3A_2160 = arith.constant 0 : i32
      %dma_start3A_2161 = tpu.memref_slice %arg2[%dma_start3A_2160, %multiple_of3A_2157] : memref<64x1000000xf32, #tpu.memory_space<hbm>> -> memref<64x128xf32, #tpu.memory_space<hbm>>
      tpu.enqueue_dma source(%dma_start3A_2161 : memref<64x128xf32, #tpu.memory_space<hbm>>) target(%arg12 : memref<64x128xf32, #tpu.memory_space<vmem>>) target_semaphore(%arg22 : memref<!tpu.dma_semaphore, #tpu.memory_space<semaphore_mem>>)
      %dma_wait3A_2162 = arith.constant 0 : i32
      %dma_wait3A_2163 = arith.constant 0 : i32
      %dma_wait3A_2164 = tpu.memref_slice %arg2[%dma_wait3A_2162, %dma_wait3A_2163] : memref<64x1000000xf32, #tpu.memory_space<hbm>> -> memref<64x128xf32, #tpu.memory_space<hbm>>
      %dma_wait3A_2165 = arith.constant 0 : i32
      %dma_wait3A_2166 = arith.constant 0 : i32
      %dma_wait3A_2167 = tpu.memref_slice %arg2[%dma_wait3A_2165, %dma_wait3A_2166] : memref<64x1000000xf32, #tpu.memory_space<hbm>> -> memref<64x128xf32, #tpu.memory_space<hbm>>
      tpu.wait_dma2 semaphore(%arg23 : memref<!tpu.dma_semaphore, #tpu.memory_space<semaphore_mem>>) src(%dma_wait3A_2167 : memref<64x128xf32, #tpu.memory_space<hbm>>) dst(%arg13 : memref<64x128xf32, #tpu.memory_space<vmem>>)
      %slice3A_2168 = vector.extract_strided_slice %get3A_286 {offsets = [6], sizes = [1], strides = [1]} : vector<16xi32> to vector<1xi32>
      %squeeze3A_2169 = vector.extract %slice3A_2168[0] : i32 from vector<1xi32>
      %broadcast_in_dim3A_2170 = vector.broadcast %squeeze3A_2169 : i32 to vector<16xi32>
      %jit3A_2171 = arith.constant 128 : i32
      %div3A_2172 = arith.divsi %squeeze3A_2169, %jit3A_2171 : i32
      %sign3A_2173 = arith.constant 0 : i32
      %sign3A_2174 = arith.cmpi sgt, %squeeze3A_2169, %sign3A_2173 : i32
      %sign3A_2175 = arith.extui %sign3A_2174 : i1 to i32
      %sign3A_2176 = arith.constant 0 : i32
      %sign3A_2177 = arith.cmpi slt, %squeeze3A_2169, %sign3A_2176 : i32
      %sign3A_2178 = arith.extui %sign3A_2177 : i1 to i32
      %sign3A_2179 = arith.subi %sign3A_2175, %sign3A_2178 : i32
      %sign3A_2180 = arith.constant 0 : i32
      %sign3A_2181 = arith.cmpi sgt, %jit3A_2171, %sign3A_2180 : i32
      %sign3A_2182 = arith.extui %sign3A_2181 : i1 to i32
      %sign3A_2183 = arith.constant 0 : i32
      %sign3A_2184 = arith.cmpi slt, %jit3A_2171, %sign3A_2183 : i32
      %sign3A_2185 = arith.extui %sign3A_2184 : i1 to i32
      %sign3A_2186 = arith.subi %sign3A_2182, %sign3A_2185 : i32
      %ne3A_2187 = arith.cmpi ne, %sign3A_2179, %sign3A_2186 : i32
      %rem3A_2188 = arith.remsi %squeeze3A_2169, %jit3A_2171 : i32
      %ne3A_2189 = arith.constant 0 : i32
      %ne3A_2190 = arith.cmpi ne, %rem3A_2188, %ne3A_2189 : i32
      %and3A_2191 = arith.andi %ne3A_2187, %ne3A_2190 : i1
      %sub3A_2192 = arith.constant 1 : i32
      %sub3A_2193 = arith.subi %div3A_2172, %sub3A_2192 : i32
      %select_n3A_2194 = arith.select %and3A_2191, %sub3A_2193, %div3A_2172 : i32
      %mul3A_2195 = arith.constant 128 : i32
      %mul3A_2196 = arith.muli %select_n3A_2194, %mul3A_2195 : i32
      %broadcast_in_dim3A_2197 = vector.broadcast %mul3A_2196 : i32 to vector<16xi32>
      %sub3A_2198 = arith.subi %broadcast_in_dim3A_2170, %broadcast_in_dim3A_2197 : vector<16xi32>
      %iota3A_2199 = tpu.iota {dimensions = array<i32: 0>} : vector<16xi32>
      %add3A_2200 = arith.constant 0 : i32
      %add3A_2201 = vector.broadcast %add3A_2200 : i32 to vector<16xi32>
      %add3A_2202 = arith.addi %iota3A_2199, %add3A_2201 : vector<16xi32>
      %gather3A_2203 = tpu.vector_load_idx %arg13[%add3A_2202, %sub3A_2198] : memref<64x128xf32, #tpu.memory_space<vmem>>[vector<16xi32>, vector<16xi32>], vector<16xf32>,
      %mul3A_2204 = vector.broadcast %scan3A_232 : f32 to vector<16xf32>
      %mul3A_2205 = arith.mulf %gather3A_2203, %mul3A_2204 : vector<16xf32>
      %get3A_2206 = arith.index_cast %add3A_2128 : i32 to index
      %get3A_2207 = arith.constant 0 : index
      %get3A_2208 = tpu.vector_load %arg15[%get3A_2206, %get3A_2207] {strides = array<i32>} : memref<256x128xf32, #tpu.memory_space<vmem>>, vector<16xf32>,
      %add3A_2209 = arith.addf %mul3A_2205, %get3A_2208 : vector<16xf32>
      %mul3A_2210 = arith.constant 64 : i32
      %mul3A_2211 = arith.muli %add3A_2128, %mul3A_2210 : i32
      %add3A_2212 = arith.constant 0 : i32
      %add3A_2213 = arith.addi %mul3A_2211, %add3A_2212 : i32
      %jit3A_2214 = arith.constant 128 : i32
      %div3A_2215 = arith.divsi %add3A_2213, %jit3A_2214 : i32
      %sign3A_2216 = arith.constant 0 : i32
      %sign3A_2217 = arith.cmpi sgt, %add3A_2213, %sign3A_2216 : i32
      %sign3A_2218 = arith.extui %sign3A_2217 : i1 to i32
      %sign3A_2219 = arith.constant 0 : i32
      %sign3A_2220 = arith.cmpi slt, %add3A_2213, %sign3A_2219 : i32
      %sign3A_2221 = arith.extui %sign3A_2220 : i1 to i32
      %sign3A_2222 = arith.subi %sign3A_2218, %sign3A_2221 : i32
      %sign3A_2223 = arith.constant 0 : i32
      %sign3A_2224 = arith.cmpi sgt, %jit3A_2214, %sign3A_2223 : i32
      %sign3A_2225 = arith.extui %sign3A_2224 : i1 to i32
      %sign3A_2226 = arith.constant 0 : i32
      %sign3A_2227 = arith.cmpi slt, %jit3A_2214, %sign3A_2226 : i32
      %sign3A_2228 = arith.extui %sign3A_2227 : i1 to i32
      %sign3A_2229 = arith.subi %sign3A_2225, %sign3A_2228 : i32
      %ne3A_2230 = arith.cmpi ne, %sign3A_2222, %sign3A_2229 : i32
      %rem3A_2231 = arith.remsi %add3A_2213, %jit3A_2214 : i32
      %ne3A_2232 = arith.constant 0 : i32
      %ne3A_2233 = arith.cmpi ne, %rem3A_2231, %ne3A_2232 : i32
      %and3A_2234 = arith.andi %ne3A_2230, %ne3A_2233 : i1
      %sub3A_2235 = arith.constant 1 : i32
      %sub3A_2236 = arith.subi %div3A_2215, %sub3A_2235 : i32
      %select_n3A_2237 = arith.select %and3A_2234, %sub3A_2236, %div3A_2215 : i32
      %jit3A_2238 = arith.constant 128 : i32
      %eq3A_2239 = arith.constant 0 : i32
      %eq3A_2240 = arith.cmpi eq, %jit3A_2238, %eq3A_2239 : i32
      %jit3A_2241 = arith.constant 1 : i32
      %select_n3A_2242 = arith.select %eq3A_2240, %jit3A_2241, %jit3A_2238 : i32
      %rem3A_2243 = arith.remsi %add3A_2213, %select_n3A_2242 : i32
      %ne3A_2244 = arith.constant 0 : i32
      %ne3A_2245 = arith.cmpi ne, %rem3A_2243, %ne3A_2244 : i32
      %lt3A_2246 = arith.constant 0 : i32
      %lt3A_2247 = arith.cmpi slt, %rem3A_2243, %lt3A_2246 : i32
      %lt3A_2248 = arith.constant 0 : i32
      %lt3A_2249 = arith.cmpi slt, %select_n3A_2242, %lt3A_2248 : i32
      %ne3A_2250 = arith.xori %lt3A_2247, %lt3A_2249 : i1
      %and3A_2251 = arith.andi %ne3A_2250, %ne3A_2245 : i1
      %add3A_2252 = arith.addi %rem3A_2243, %select_n3A_2242 : i32
      %select_n3A_2253 = arith.select %and3A_2251, %add3A_2252, %rem3A_2243 : i32
      %swap3A_2254 = arith.index_cast %select_n3A_2237 : i32 to index
      %swap3A_2255 = arith.index_cast %select_n3A_2253 : i32 to index
      %swap3A_2256 = tpu.vector_load %arg16[%swap3A_2254, %swap3A_2255] {strides = array<i32>} : memref<128x128xf32, #tpu.memory_space<vmem>>, vector<16xf32>,
      tpu.vector_store %arg16[%swap3A_2254, %swap3A_2255], %add3A_2209 {strides = array<i32>} : memref<128x128xf32, #tpu.memory_space<vmem>>, vector<16xf32>,
      %iota3A_2257 = tpu.iota {dimensions = array<i32: 0>} : vector<16xi32>
      %add3A_2258 = arith.constant 16 : i32
      %add3A_2259 = vector.broadcast %add3A_2258 : i32 to vector<16xi32>
      %add3A_2260 = arith.addi %iota3A_2257, %add3A_2259 : vector<16xi32>
      %gather3A_2261 = tpu.vector_load_idx %arg13[%add3A_2260, %sub3A_2198] : memref<64x128xf32, #tpu.memory_space<vmem>>[vector<16xi32>, vector<16xi32>], vector<16xf32>,
      %mul3A_2262 = vector.broadcast %scan3A_232 : f32 to vector<16xf32>
      %mul3A_2263 = arith.mulf %gather3A_2261, %mul3A_2262 : vector<16xf32>
      %get3A_2264 = arith.index_cast %add3A_2128 : i32 to index
      %get3A_2265 = arith.constant 16 : index
      %get3A_2266 = tpu.vector_load %arg15[%get3A_2264, %get3A_2265] {strides = array<i32>} : memref<256x128xf32, #tpu.memory_space<vmem>>, vector<16xf32>,
      %add3A_2267 = arith.addf %mul3A_2263, %get3A_2266 : vector<16xf32>
      %mul3A_2268 = arith.constant 64 : i32
      %mul3A_2269 = arith.muli %add3A_2128, %mul3A_2268 : i32
      %add3A_2270 = arith.constant 16 : i32
      %add3A_2271 = arith.addi %mul3A_2269, %add3A_2270 : i32
      %jit3A_2272 = arith.constant 128 : i32
      %div3A_2273 = arith.divsi %add3A_2271, %jit3A_2272 : i32
      %sign3A_2274 = arith.constant 0 : i32
      %sign3A_2275 = arith.cmpi sgt, %add3A_2271, %sign3A_2274 : i32
      %sign3A_2276 = arith.extui %sign3A_2275 : i1 to i32
      %sign3A_2277 = arith.constant 0 : i32
      %sign3A_2278 = arith.cmpi slt, %add3A_2271, %sign3A_2277 : i32
      %sign3A_2279 = arith.extui %sign3A_2278 : i1 to i32
      %sign3A_2280 = arith.subi %sign3A_2276, %sign3A_2279 : i32
      %sign3A_2281 = arith.constant 0 : i32
      %sign3A_2282 = arith.cmpi sgt, %jit3A_2272, %sign3A_2281 : i32
      %sign3A_2283 = arith.extui %sign3A_2282 : i1 to i32
      %sign3A_2284 = arith.constant 0 : i32
      %sign3A_2285 = arith.cmpi slt, %jit3A_2272, %sign3A_2284 : i32
      %sign3A_2286 = arith.extui %sign3A_2285 : i1 to i32
      %sign3A_2287 = arith.subi %sign3A_2283, %sign3A_2286 : i32
      %ne3A_2288 = arith.cmpi ne, %sign3A_2280, %sign3A_2287 : i32
      %rem3A_2289 = arith.remsi %add3A_2271, %jit3A_2272 : i32
      %ne3A_2290 = arith.constant 0 : i32
      %ne3A_2291 = arith.cmpi ne, %rem3A_2289, %ne3A_2290 : i32
      %and3A_2292 = arith.andi %ne3A_2288, %ne3A_2291 : i1
      %sub3A_2293 = arith.constant 1 : i32
      %sub3A_2294 = arith.subi %div3A_2273, %sub3A_2293 : i32
      %select_n3A_2295 = arith.select %and3A_2292, %sub3A_2294, %div3A_2273 : i32
      %jit3A_2296 = arith.constant 128 : i32
      %eq3A_2297 = arith.constant 0 : i32
      %eq3A_2298 = arith.cmpi eq, %jit3A_2296, %eq3A_2297 : i32
      %jit3A_2299 = arith.constant 1 : i32
      %select_n3A_2300 = arith.select %eq3A_2298, %jit3A_2299, %jit3A_2296 : i32
      %rem3A_2301 = arith.remsi %add3A_2271, %select_n3A_2300 : i32
      %ne3A_2302 = arith.constant 0 : i32
      %ne3A_2303 = arith.cmpi ne, %rem3A_2301, %ne3A_2302 : i32
      %lt3A_2304 = arith.constant 0 : i32
      %lt3A_2305 = arith.cmpi slt, %rem3A_2301, %lt3A_2304 : i32
      %lt3A_2306 = arith.constant 0 : i32
      %lt3A_2307 = arith.cmpi slt, %select_n3A_2300, %lt3A_2306 : i32
      %ne3A_2308 = arith.xori %lt3A_2305, %lt3A_2307 : i1
      %and3A_2309 = arith.andi %ne3A_2308, %ne3A_2303 : i1
      %add3A_2310 = arith.addi %rem3A_2301, %select_n3A_2300 : i32
      %select_n3A_2311 = arith.select %and3A_2309, %add3A_2310, %rem3A_2301 : i32
      %swap3A_2312 = arith.index_cast %select_n3A_2295 : i32 to index
      %swap3A_2313 = arith.index_cast %select_n3A_2311 : i32 to index
      %swap3A_2314 = tpu.vector_load %arg16[%swap3A_2312, %swap3A_2313] {strides = array<i32>} : memref<128x128xf32, #tpu.memory_space<vmem>>, vector<16xf32>,
      tpu.vector_store %arg16[%swap3A_2312, %swap3A_2313], %add3A_2267 {strides = array<i32>} : memref<128x128xf32, #tpu.memory_space<vmem>>, vector<16xf32>,
      %iota3A_2315 = tpu.iota {dimensions = array<i32: 0>} : vector<16xi32>
      %add3A_2316 = arith.constant 32 : i32
      %add3A_2317 = vector.broadcast %add3A_2316 : i32 to vector<16xi32>
      %add3A_2318 = arith.addi %iota3A_2315, %add3A_2317 : vector<16xi32>
      %gather3A_2319 = tpu.vector_load_idx %arg13[%add3A_2318, %sub3A_2198] : memref<64x128xf32, #tpu.memory_space<vmem>>[vector<16xi32>, vector<16xi32>], vector<16xf32>,
      %mul3A_2320 = vector.broadcast %scan3A_232 : f32 to vector<16xf32>
      %mul3A_2321 = arith.mulf %gather3A_2319, %mul3A_2320 : vector<16xf32>
      %get3A_2322 = arith.index_cast %add3A_2128 : i32 to index
      %get3A_2323 = arith.constant 32 : index
      %get3A_2324 = tpu.vector_load %arg15[%get3A_2322, %get3A_2323] {strides = array<i32>} : memref<256x128xf32, #tpu.memory_space<vmem>>, vector<16xf32>,
      %add3A_2325 = arith.addf %mul3A_2321, %get3A_2324 : vector<16xf32>
      %mul3A_2326 = arith.constant 64 : i32
      %mul3A_2327 = arith.muli %add3A_2128, %mul3A_2326 : i32
      %add3A_2328 = arith.constant 32 : i32
      %add3A_2329 = arith.addi %mul3A_2327, %add3A_2328 : i32
      %jit3A_2330 = arith.constant 128 : i32
      %div3A_2331 = arith.divsi %add3A_2329, %jit3A_2330 : i32
      %sign3A_2332 = arith.constant 0 : i32
      %sign3A_2333 = arith.cmpi sgt, %add3A_2329, %sign3A_2332 : i32
      %sign3A_2334 = arith.extui %sign3A_2333 : i1 to i32
      %sign3A_2335 = arith.constant 0 : i32
      %sign3A_2336 = arith.cmpi slt, %add3A_2329, %sign3A_2335 : i32
      %sign3A_2337 = arith.extui %sign3A_2336 : i1 to i32
      %sign3A_2338 = arith.subi %sign3A_2334, %sign3A_2337 : i32
      %sign3A_2339 = arith.constant 0 : i32
      %sign3A_2340 = arith.cmpi sgt, %jit3A_2330, %sign3A_2339 : i32
      %sign3A_2341 = arith.extui %sign3A_2340 : i1 to i32
      %sign3A_2342 = arith.constant 0 : i32
      %sign3A_2343 = arith.cmpi slt, %jit3A_2330, %sign3A_2342 : i32
      %sign3A_2344 = arith.extui %sign3A_2343 : i1 to i32
      %sign3A_2345 = arith.subi %sign3A_2341, %sign3A_2344 : i32
      %ne3A_2346 = arith.cmpi ne, %sign3A_2338, %sign3A_2345 : i32
      %rem3A_2347 = arith.remsi %add3A_2329, %jit3A_2330 : i32
      %ne3A_2348 = arith.constant 0 : i32
      %ne3A_2349 = arith.cmpi ne, %rem3A_2347, %ne3A_2348 : i32
      %and3A_2350 = arith.andi %ne3A_2346, %ne3A_2349 : i1
      %sub3A_2351 = arith.constant 1 : i32
      %sub3A_2352 = arith.subi %div3A_2331, %sub3A_2351 : i32
      %select_n3A_2353 = arith.select %and3A_2350, %sub3A_2352, %div3A_2331 : i32
      %jit3A_2354 = arith.constant 128 : i32
      %eq3A_2355 = arith.constant 0 : i32
      %eq3A_2356 = arith.cmpi eq, %jit3A_2354, %eq3A_2355 : i32
      %jit3A_2357 = arith.constant 1 : i32
      %select_n3A_2358 = arith.select %eq3A_2356, %jit3A_2357, %jit3A_2354 : i32
      %rem3A_2359 = arith.remsi %add3A_2329, %select_n3A_2358 : i32
      %ne3A_2360 = arith.constant 0 : i32
      %ne3A_2361 = arith.cmpi ne, %rem3A_2359, %ne3A_2360 : i32
      %lt3A_2362 = arith.constant 0 : i32
      %lt3A_2363 = arith.cmpi slt, %rem3A_2359, %lt3A_2362 : i32
      %lt3A_2364 = arith.constant 0 : i32
      %lt3A_2365 = arith.cmpi slt, %select_n3A_2358, %lt3A_2364 : i32
      %ne3A_2366 = arith.xori %lt3A_2363, %lt3A_2365 : i1
      %and3A_2367 = arith.andi %ne3A_2366, %ne3A_2361 : i1
      %add3A_2368 = arith.addi %rem3A_2359, %select_n3A_2358 : i32
      %select_n3A_2369 = arith.select %and3A_2367, %add3A_2368, %rem3A_2359 : i32
      %swap3A_2370 = arith.index_cast %select_n3A_2353 : i32 to index
      %swap3A_2371 = arith.index_cast %select_n3A_2369 : i32 to index
      %swap3A_2372 = tpu.vector_load %arg16[%swap3A_2370, %swap3A_2371] {strides = array<i32>} : memref<128x128xf32, #tpu.memory_space<vmem>>, vector<16xf32>,
      tpu.vector_store %arg16[%swap3A_2370, %swap3A_2371], %add3A_2325 {strides = array<i32>} : memref<128x128xf32, #tpu.memory_space<vmem>>, vector<16xf32>,
      %iota3A_2373 = tpu.iota {dimensions = array<i32: 0>} : vector<16xi32>
      %add3A_2374 = arith.constant 48 : i32
      %add3A_2375 = vector.broadcast %add3A_2374 : i32 to vector<16xi32>
      %add3A_2376 = arith.addi %iota3A_2373, %add3A_2375 : vector<16xi32>
      %gather3A_2377 = tpu.vector_load_idx %arg13[%add3A_2376, %sub3A_2198] : memref<64x128xf32, #tpu.memory_space<vmem>>[vector<16xi32>, vector<16xi32>], vector<16xf32>,
      %mul3A_2378 = vector.broadcast %scan3A_232 : f32 to vector<16xf32>
      %mul3A_2379 = arith.mulf %gather3A_2377, %mul3A_2378 : vector<16xf32>
      %get3A_2380 = arith.index_cast %add3A_2128 : i32 to index
      %get3A_2381 = arith.constant 48 : index
      %get3A_2382 = tpu.vector_load %arg15[%get3A_2380, %get3A_2381] {strides = array<i32>} : memref<256x128xf32, #tpu.memory_space<vmem>>, vector<16xf32>,
      %add3A_2383 = arith.addf %mul3A_2379, %get3A_2382 : vector<16xf32>
      %mul3A_2384 = arith.constant 64 : i32
      %mul3A_2385 = arith.muli %add3A_2128, %mul3A_2384 : i32
      %add3A_2386 = arith.constant 48 : i32
      %add3A_2387 = arith.addi %mul3A_2385, %add3A_2386 : i32
      %jit3A_2388 = arith.constant 128 : i32
      %div3A_2389 = arith.divsi %add3A_2387, %jit3A_2388 : i32
      %sign3A_2390 = arith.constant 0 : i32
      %sign3A_2391 = arith.cmpi sgt, %add3A_2387, %sign3A_2390 : i32
      %sign3A_2392 = arith.extui %sign3A_2391 : i1 to i32
      %sign3A_2393 = arith.constant 0 : i32
      %sign3A_2394 = arith.cmpi slt, %add3A_2387, %sign3A_2393 : i32
      %sign3A_2395 = arith.extui %sign3A_2394 : i1 to i32
      %sign3A_2396 = arith.subi %sign3A_2392, %sign3A_2395 : i32
      %sign3A_2397 = arith.constant 0 : i32
      %sign3A_2398 = arith.cmpi sgt, %jit3A_2388, %sign3A_2397 : i32
      %sign3A_2399 = arith.extui %sign3A_2398 : i1 to i32
      %sign3A_2400 = arith.constant 0 : i32
      %sign3A_2401 = arith.cmpi slt, %jit3A_2388, %sign3A_2400 : i32
      %sign3A_2402 = arith.extui %sign3A_2401 : i1 to i32
      %sign3A_2403 = arith.subi %sign3A_2399, %sign3A_2402 : i32
      %ne3A_2404 = arith.cmpi ne, %sign3A_2396, %sign3A_2403 : i32
      %rem3A_2405 = arith.remsi %add3A_2387, %jit3A_2388 : i32
      %ne3A_2406 = arith.constant 0 : i32
      %ne3A_2407 = arith.cmpi ne, %rem3A_2405, %ne3A_2406 : i32
      %and3A_2408 = arith.andi %ne3A_2404, %ne3A_2407 : i1
      %sub3A_2409 = arith.constant 1 : i32
      %sub3A_2410 = arith.subi %div3A_2389, %sub3A_2409 : i32
      %select_n3A_2411 = arith.select %and3A_2408, %sub3A_2410, %div3A_2389 : i32
      %jit3A_2412 = arith.constant 128 : i32
      %eq3A_2413 = arith.constant 0 : i32
      %eq3A_2414 = arith.cmpi eq, %jit3A_2412, %eq3A_2413 : i32
      %jit3A_2415 = arith.constant 1 : i32
      %select_n3A_2416 = arith.select %eq3A_2414, %jit3A_2415, %jit3A_2412 : i32
      %rem3A_2417 = arith.remsi %add3A_2387, %select_n3A_2416 : i32
      %ne3A_2418 = arith.constant 0 : i32
      %ne3A_2419 = arith.cmpi ne, %rem3A_2417, %ne3A_2418 : i32
      %lt3A_2420 = arith.constant 0 : i32
      %lt3A_2421 = arith.cmpi slt, %rem3A_2417, %lt3A_2420 : i32
      %lt3A_2422 = arith.constant 0 : i32
      %lt3A_2423 = arith.cmpi slt, %select_n3A_2416, %lt3A_2422 : i32
      %ne3A_2424 = arith.xori %lt3A_2421, %lt3A_2423 : i1
      %and3A_2425 = arith.andi %ne3A_2424, %ne3A_2419 : i1
      %add3A_2426 = arith.addi %rem3A_2417, %select_n3A_2416 : i32
      %select_n3A_2427 = arith.select %and3A_2425, %add3A_2426, %rem3A_2417 : i32
      %swap3A_2428 = arith.index_cast %select_n3A_2411 : i32 to index
      %swap3A_2429 = arith.index_cast %select_n3A_2427 : i32 to index
      %swap3A_2430 = tpu.vector_load %arg16[%swap3A_2428, %swap3A_2429] {strides = array<i32>} : memref<128x128xf32, #tpu.memory_space<vmem>>, vector<16xf32>,
      tpu.vector_store %arg16[%swap3A_2428, %swap3A_2429], %add3A_2383 {strides = array<i32>} : memref<128x128xf32, #tpu.memory_space<vmem>>, vector<16xf32>,
      %mul3A_2431 = arith.constant 16 : i32
      %mul3A_2432 = arith.muli %scan3A_282, %mul3A_2431 : i32
      %add3A_2433 = arith.constant 7 : i32
      %add3A_2434 = arith.addi %mul3A_2432, %add3A_2433 : i32
      %slice3A_2435 = vector.extract_strided_slice %get3A_286 {offsets = [14], sizes = [1], strides = [1]} : vector<16xi32> to vector<1xi32>
      %squeeze3A_2436 = vector.extract %slice3A_2435[0] : i32 from vector<1xi32>
      %jit3A_2437 = arith.constant 128 : i32
      %div3A_2438 = arith.divsi %squeeze3A_2436, %jit3A_2437 : i32
      %sign3A_2439 = arith.constant 0 : i32
      %sign3A_2440 = arith.cmpi sgt, %squeeze3A_2436, %sign3A_2439 : i32
      %sign3A_2441 = arith.extui %sign3A_2440 : i1 to i32
      %sign3A_2442 = arith.constant 0 : i32
      %sign3A_2443 = arith.cmpi slt, %squeeze3A_2436, %sign3A_2442 : i32
      %sign3A_2444 = arith.extui %sign3A_2443 : i1 to i32
      %sign3A_2445 = arith.subi %sign3A_2441, %sign3A_2444 : i32
      %sign3A_2446 = arith.constant 0 : i32
      %sign3A_2447 = arith.cmpi sgt, %jit3A_2437, %sign3A_2446 : i32
      %sign3A_2448 = arith.extui %sign3A_2447 : i1 to i32
      %sign3A_2449 = arith.constant 0 : i32
      %sign3A_2450 = arith.cmpi slt, %jit3A_2437, %sign3A_2449 : i32
      %sign3A_2451 = arith.extui %sign3A_2450 : i1 to i32
      %sign3A_2452 = arith.subi %sign3A_2448, %sign3A_2451 : i32
      %ne3A_2453 = arith.cmpi ne, %sign3A_2445, %sign3A_2452 : i32
      %rem3A_2454 = arith.remsi %squeeze3A_2436, %jit3A_2437 : i32
      %ne3A_2455 = arith.constant 0 : i32
      %ne3A_2456 = arith.cmpi ne, %rem3A_2454, %ne3A_2455 : i32
      %and3A_2457 = arith.andi %ne3A_2453, %ne3A_2456 : i1
      %sub3A_2458 = arith.constant 1 : i32
      %sub3A_2459 = arith.subi %div3A_2438, %sub3A_2458 : i32
      %select_n3A_2460 = arith.select %and3A_2457, %sub3A_2459, %div3A_2438 : i32
      %mul3A_2461 = arith.constant 128 : i32
      %mul3A_2462 = arith.muli %select_n3A_2460, %mul3A_2461 : i32
      %multiple_of3A_2463 = tpu.assume_multiple %mul3A_2462, 128 : i32
      %dma_start3A_2464 = arith.constant 0 : i32
      %dma_start3A_2465 = tpu.memref_slice %arg2[%dma_start3A_2464, %multiple_of3A_2463] : memref<64x1000000xf32, #tpu.memory_space<hbm>> -> memref<64x128xf32, #tpu.memory_space<hbm>>
      %dma_start3A_2466 = arith.constant 0 : i32
      %dma_start3A_2467 = tpu.memref_slice %arg2[%dma_start3A_2466, %multiple_of3A_2463] : memref<64x1000000xf32, #tpu.memory_space<hbm>> -> memref<64x128xf32, #tpu.memory_space<hbm>>
      tpu.enqueue_dma source(%dma_start3A_2467 : memref<64x128xf32, #tpu.memory_space<hbm>>) target(%arg13 : memref<64x128xf32, #tpu.memory_space<vmem>>) target_semaphore(%arg23 : memref<!tpu.dma_semaphore, #tpu.memory_space<semaphore_mem>>)
      %dma_wait3A_2468 = arith.constant 0 : i32
      %dma_wait3A_2469 = arith.constant 0 : i32
      %dma_wait3A_2470 = tpu.memref_slice %arg2[%dma_wait3A_2468, %dma_wait3A_2469] : memref<64x1000000xf32, #tpu.memory_space<hbm>> -> memref<64x128xf32, #tpu.memory_space<hbm>>
      %dma_wait3A_2471 = arith.constant 0 : i32
      %dma_wait3A_2472 = arith.constant 0 : i32
      %dma_wait3A_2473 = tpu.memref_slice %arg2[%dma_wait3A_2471, %dma_wait3A_2472] : memref<64x1000000xf32, #tpu.memory_space<hbm>> -> memref<64x128xf32, #tpu.memory_space<hbm>>
      tpu.wait_dma2 semaphore(%arg24 : memref<!tpu.dma_semaphore, #tpu.memory_space<semaphore_mem>>) src(%dma_wait3A_2473 : memref<64x128xf32, #tpu.memory_space<hbm>>) dst(%arg14 : memref<64x128xf32, #tpu.memory_space<vmem>>)
      %slice3A_2474 = vector.extract_strided_slice %get3A_286 {offsets = [7], sizes = [1], strides = [1]} : vector<16xi32> to vector<1xi32>
      %squeeze3A_2475 = vector.extract %slice3A_2474[0] : i32 from vector<1xi32>
      %broadcast_in_dim3A_2476 = vector.broadcast %squeeze3A_2475 : i32 to vector<16xi32>
      %jit3A_2477 = arith.constant 128 : i32
      %div3A_2478 = arith.divsi %squeeze3A_2475, %jit3A_2477 : i32
      %sign3A_2479 = arith.constant 0 : i32
      %sign3A_2480 = arith.cmpi sgt, %squeeze3A_2475, %sign3A_2479 : i32
      %sign3A_2481 = arith.extui %sign3A_2480 : i1 to i32
      %sign3A_2482 = arith.constant 0 : i32
      %sign3A_2483 = arith.cmpi slt, %squeeze3A_2475, %sign3A_2482 : i32
      %sign3A_2484 = arith.extui %sign3A_2483 : i1 to i32
      %sign3A_2485 = arith.subi %sign3A_2481, %sign3A_2484 : i32
      %sign3A_2486 = arith.constant 0 : i32
      %sign3A_2487 = arith.cmpi sgt, %jit3A_2477, %sign3A_2486 : i32
      %sign3A_2488 = arith.extui %sign3A_2487 : i1 to i32
      %sign3A_2489 = arith.constant 0 : i32
      %sign3A_2490 = arith.cmpi slt, %jit3A_2477, %sign3A_2489 : i32
      %sign3A_2491 = arith.extui %sign3A_2490 : i1 to i32
      %sign3A_2492 = arith.subi %sign3A_2488, %sign3A_2491 : i32
      %ne3A_2493 = arith.cmpi ne, %sign3A_2485, %sign3A_2492 : i32
      %rem3A_2494 = arith.remsi %squeeze3A_2475, %jit3A_2477 : i32
      %ne3A_2495 = arith.constant 0 : i32
      %ne3A_2496 = arith.cmpi ne, %rem3A_2494, %ne3A_2495 : i32
      %and3A_2497 = arith.andi %ne3A_2493, %ne3A_2496 : i1
      %sub3A_2498 = arith.constant 1 : i32
      %sub3A_2499 = arith.subi %div3A_2478, %sub3A_2498 : i32
      %select_n3A_2500 = arith.select %and3A_2497, %sub3A_2499, %div3A_2478 : i32
      %mul3A_2501 = arith.constant 128 : i32
      %mul3A_2502 = arith.muli %select_n3A_2500, %mul3A_2501 : i32
      %broadcast_in_dim3A_2503 = vector.broadcast %mul3A_2502 : i32 to vector<16xi32>
      %sub3A_2504 = arith.subi %broadcast_in_dim3A_2476, %broadcast_in_dim3A_2503 : vector<16xi32>
      %iota3A_2505 = tpu.iota {dimensions = array<i32: 0>} : vector<16xi32>
      %add3A_2506 = arith.constant 0 : i32
      %add3A_2507 = vector.broadcast %add3A_2506 : i32 to vector<16xi32>
      %add3A_2508 = arith.addi %iota3A_2505, %add3A_2507 : vector<16xi32>
      %gather3A_2509 = tpu.vector_load_idx %arg14[%add3A_2508, %sub3A_2504] : memref<64x128xf32, #tpu.memory_space<vmem>>[vector<16xi32>, vector<16xi32>], vector<16xf32>,
      %mul3A_2510 = vector.broadcast %scan3A_232 : f32 to vector<16xf32>
      %mul3A_2511 = arith.mulf %gather3A_2509, %mul3A_2510 : vector<16xf32>
      %get3A_2512 = arith.index_cast %add3A_2434 : i32 to index
      %get3A_2513 = arith.constant 0 : index
      %get3A_2514 = tpu.vector_load %arg15[%get3A_2512, %get3A_2513] {strides = array<i32>} : memref<256x128xf32, #tpu.memory_space<vmem>>, vector<16xf32>,
      %add3A_2515 = arith.addf %mul3A_2511, %get3A_2514 : vector<16xf32>
      %mul3A_2516 = arith.constant 64 : i32
      %mul3A_2517 = arith.muli %add3A_2434, %mul3A_2516 : i32
      %add3A_2518 = arith.constant 0 : i32
      %add3A_2519 = arith.addi %mul3A_2517, %add3A_2518 : i32
      %jit3A_2520 = arith.constant 128 : i32
      %div3A_2521 = arith.divsi %add3A_2519, %jit3A_2520 : i32
      %sign3A_2522 = arith.constant 0 : i32
      %sign3A_2523 = arith.cmpi sgt, %add3A_2519, %sign3A_2522 : i32
      %sign3A_2524 = arith.extui %sign3A_2523 : i1 to i32
      %sign3A_2525 = arith.constant 0 : i32
      %sign3A_2526 = arith.cmpi slt, %add3A_2519, %sign3A_2525 : i32
      %sign3A_2527 = arith.extui %sign3A_2526 : i1 to i32
      %sign3A_2528 = arith.subi %sign3A_2524, %sign3A_2527 : i32
      %sign3A_2529 = arith.constant 0 : i32
      %sign3A_2530 = arith.cmpi sgt, %jit3A_2520, %sign3A_2529 : i32
      %sign3A_2531 = arith.extui %sign3A_2530 : i1 to i32
      %sign3A_2532 = arith.constant 0 : i32
      %sign3A_2533 = arith.cmpi slt, %jit3A_2520, %sign3A_2532 : i32
      %sign3A_2534 = arith.extui %sign3A_2533 : i1 to i32
      %sign3A_2535 = arith.subi %sign3A_2531, %sign3A_2534 : i32
      %ne3A_2536 = arith.cmpi ne, %sign3A_2528, %sign3A_2535 : i32
      %rem3A_2537 = arith.remsi %add3A_2519, %jit3A_2520 : i32
      %ne3A_2538 = arith.constant 0 : i32
      %ne3A_2539 = arith.cmpi ne, %rem3A_2537, %ne3A_2538 : i32
      %and3A_2540 = arith.andi %ne3A_2536, %ne3A_2539 : i1
      %sub3A_2541 = arith.constant 1 : i32
      %sub3A_2542 = arith.subi %div3A_2521, %sub3A_2541 : i32
      %select_n3A_2543 = arith.select %and3A_2540, %sub3A_2542, %div3A_2521 : i32
      %jit3A_2544 = arith.constant 128 : i32
      %eq3A_2545 = arith.constant 0 : i32
      %eq3A_2546 = arith.cmpi eq, %jit3A_2544, %eq3A_2545 : i32
      %jit3A_2547 = arith.constant 1 : i32
      %select_n3A_2548 = arith.select %eq3A_2546, %jit3A_2547, %jit3A_2544 : i32
      %rem3A_2549 = arith.remsi %add3A_2519, %select_n3A_2548 : i32
      %ne3A_2550 = arith.constant 0 : i32
      %ne3A_2551 = arith.cmpi ne, %rem3A_2549, %ne3A_2550 : i32
      %lt3A_2552 = arith.constant 0 : i32
      %lt3A_2553 = arith.cmpi slt, %rem3A_2549, %lt3A_2552 : i32
      %lt3A_2554 = arith.constant 0 : i32
      %lt3A_2555 = arith.cmpi slt, %select_n3A_2548, %lt3A_2554 : i32
      %ne3A_2556 = arith.xori %lt3A_2553, %lt3A_2555 : i1
      %and3A_2557 = arith.andi %ne3A_2556, %ne3A_2551 : i1
      %add3A_2558 = arith.addi %rem3A_2549, %select_n3A_2548 : i32
      %select_n3A_2559 = arith.select %and3A_2557, %add3A_2558, %rem3A_2549 : i32
      %swap3A_2560 = arith.index_cast %select_n3A_2543 : i32 to index
      %swap3A_2561 = arith.index_cast %select_n3A_2559 : i32 to index
      %swap3A_2562 = tpu.vector_load %arg16[%swap3A_2560, %swap3A_2561] {strides = array<i32>} : memref<128x128xf32, #tpu.memory_space<vmem>>, vector<16xf32>,
      tpu.vector_store %arg16[%swap3A_2560, %swap3A_2561], %add3A_2515 {strides = array<i32>} : memref<128x128xf32, #tpu.memory_space<vmem>>, vector<16xf32>,
      %iota3A_2563 = tpu.iota {dimensions = array<i32: 0>} : vector<16xi32>
      %add3A_2564 = arith.constant 16 : i32
      %add3A_2565 = vector.broadcast %add3A_2564 : i32 to vector<16xi32>
      %add3A_2566 = arith.addi %iota3A_2563, %add3A_2565 : vector<16xi32>
      %gather3A_2567 = tpu.vector_load_idx %arg14[%add3A_2566, %sub3A_2504] : memref<64x128xf32, #tpu.memory_space<vmem>>[vector<16xi32>, vector<16xi32>], vector<16xf32>,
      %mul3A_2568 = vector.broadcast %scan3A_232 : f32 to vector<16xf32>
      %mul3A_2569 = arith.mulf %gather3A_2567, %mul3A_2568 : vector<16xf32>
      %get3A_2570 = arith.index_cast %add3A_2434 : i32 to index
      %get3A_2571 = arith.constant 16 : index
      %get3A_2572 = tpu.vector_load %arg15[%get3A_2570, %get3A_2571] {strides = array<i32>} : memref<256x128xf32, #tpu.memory_space<vmem>>, vector<16xf32>,
      %add3A_2573 = arith.addf %mul3A_2569, %get3A_2572 : vector<16xf32>
      %mul3A_2574 = arith.constant 64 : i32
      %mul3A_2575 = arith.muli %add3A_2434, %mul3A_2574 : i32
      %add3A_2576 = arith.constant 16 : i32
      %add3A_2577 = arith.addi %mul3A_2575, %add3A_2576 : i32
      %jit3A_2578 = arith.constant 128 : i32
      %div3A_2579 = arith.divsi %add3A_2577, %jit3A_2578 : i32
      %sign3A_2580 = arith.constant 0 : i32
      %sign3A_2581 = arith.cmpi sgt, %add3A_2577, %sign3A_2580 : i32
      %sign3A_2582 = arith.extui %sign3A_2581 : i1 to i32
      %sign3A_2583 = arith.constant 0 : i32
      %sign3A_2584 = arith.cmpi slt, %add3A_2577, %sign3A_2583 : i32
      %sign3A_2585 = arith.extui %sign3A_2584 : i1 to i32
      %sign3A_2586 = arith.subi %sign3A_2582, %sign3A_2585 : i32
      %sign3A_2587 = arith.constant 0 : i32
      %sign3A_2588 = arith.cmpi sgt, %jit3A_2578, %sign3A_2587 : i32
      %sign3A_2589 = arith.extui %sign3A_2588 : i1 to i32
      %sign3A_2590 = arith.constant 0 : i32
      %sign3A_2591 = arith.cmpi slt, %jit3A_2578, %sign3A_2590 : i32
      %sign3A_2592 = arith.extui %sign3A_2591 : i1 to i32
      %sign3A_2593 = arith.subi %sign3A_2589, %sign3A_2592 : i32
      %ne3A_2594 = arith.cmpi ne, %sign3A_2586, %sign3A_2593 : i32
      %rem3A_2595 = arith.remsi %add3A_2577, %jit3A_2578 : i32
      %ne3A_2596 = arith.constant 0 : i32
      %ne3A_2597 = arith.cmpi ne, %rem3A_2595, %ne3A_2596 : i32
      %and3A_2598 = arith.andi %ne3A_2594, %ne3A_2597 : i1
      %sub3A_2599 = arith.constant 1 : i32
      %sub3A_2600 = arith.subi %div3A_2579, %sub3A_2599 : i32
      %select_n3A_2601 = arith.select %and3A_2598, %sub3A_2600, %div3A_2579 : i32
      %jit3A_2602 = arith.constant 128 : i32
      %eq3A_2603 = arith.constant 0 : i32
      %eq3A_2604 = arith.cmpi eq, %jit3A_2602, %eq3A_2603 : i32
      %jit3A_2605 = arith.constant 1 : i32
      %select_n3A_2606 = arith.select %eq3A_2604, %jit3A_2605, %jit3A_2602 : i32
      %rem3A_2607 = arith.remsi %add3A_2577, %select_n3A_2606 : i32
      %ne3A_2608 = arith.constant 0 : i32
      %ne3A_2609 = arith.cmpi ne, %rem3A_2607, %ne3A_2608 : i32
      %lt3A_2610 = arith.constant 0 : i32
      %lt3A_2611 = arith.cmpi slt, %rem3A_2607, %lt3A_2610 : i32
      %lt3A_2612 = arith.constant 0 : i32
      %lt3A_2613 = arith.cmpi slt, %select_n3A_2606, %lt3A_2612 : i32
      %ne3A_2614 = arith.xori %lt3A_2611, %lt3A_2613 : i1
      %and3A_2615 = arith.andi %ne3A_2614, %ne3A_2609 : i1
      %add3A_2616 = arith.addi %rem3A_2607, %select_n3A_2606 : i32
      %select_n3A_2617 = arith.select %and3A_2615, %add3A_2616, %rem3A_2607 : i32
      %swap3A_2618 = arith.index_cast %select_n3A_2601 : i32 to index
      %swap3A_2619 = arith.index_cast %select_n3A_2617 : i32 to index
      %swap3A_2620 = tpu.vector_load %arg16[%swap3A_2618, %swap3A_2619] {strides = array<i32>} : memref<128x128xf32, #tpu.memory_space<vmem>>, vector<16xf32>,
      tpu.vector_store %arg16[%swap3A_2618, %swap3A_2619], %add3A_2573 {strides = array<i32>} : memref<128x128xf32, #tpu.memory_space<vmem>>, vector<16xf32>,
      %iota3A_2621 = tpu.iota {dimensions = array<i32: 0>} : vector<16xi32>
      %add3A_2622 = arith.constant 32 : i32
      %add3A_2623 = vector.broadcast %add3A_2622 : i32 to vector<16xi32>
      %add3A_2624 = arith.addi %iota3A_2621, %add3A_2623 : vector<16xi32>
      %gather3A_2625 = tpu.vector_load_idx %arg14[%add3A_2624, %sub3A_2504] : memref<64x128xf32, #tpu.memory_space<vmem>>[vector<16xi32>, vector<16xi32>], vector<16xf32>,
      %mul3A_2626 = vector.broadcast %scan3A_232 : f32 to vector<16xf32>
      %mul3A_2627 = arith.mulf %gather3A_2625, %mul3A_2626 : vector<16xf32>
      %get3A_2628 = arith.index_cast %add3A_2434 : i32 to index
      %get3A_2629 = arith.constant 32 : index
      %get3A_2630 = tpu.vector_load %arg15[%get3A_2628, %get3A_2629] {strides = array<i32>} : memref<256x128xf32, #tpu.memory_space<vmem>>, vector<16xf32>,
      %add3A_2631 = arith.addf %mul3A_2627, %get3A_2630 : vector<16xf32>
      %mul3A_2632 = arith.constant 64 : i32
      %mul3A_2633 = arith.muli %add3A_2434, %mul3A_2632 : i32
      %add3A_2634 = arith.constant 32 : i32
      %add3A_2635 = arith.addi %mul3A_2633, %add3A_2634 : i32
      %jit3A_2636 = arith.constant 128 : i32
      %div3A_2637 = arith.divsi %add3A_2635, %jit3A_2636 : i32
      %sign3A_2638 = arith.constant 0 : i32
      %sign3A_2639 = arith.cmpi sgt, %add3A_2635, %sign3A_2638 : i32
      %sign3A_2640 = arith.extui %sign3A_2639 : i1 to i32
      %sign3A_2641 = arith.constant 0 : i32
      %sign3A_2642 = arith.cmpi slt, %add3A_2635, %sign3A_2641 : i32
      %sign3A_2643 = arith.extui %sign3A_2642 : i1 to i32
      %sign3A_2644 = arith.subi %sign3A_2640, %sign3A_2643 : i32
      %sign3A_2645 = arith.constant 0 : i32
      %sign3A_2646 = arith.cmpi sgt, %jit3A_2636, %sign3A_2645 : i32
      %sign3A_2647 = arith.extui %sign3A_2646 : i1 to i32
      %sign3A_2648 = arith.constant 0 : i32
      %sign3A_2649 = arith.cmpi slt, %jit3A_2636, %sign3A_2648 : i32
      %sign3A_2650 = arith.extui %sign3A_2649 : i1 to i32
      %sign3A_2651 = arith.subi %sign3A_2647, %sign3A_2650 : i32
      %ne3A_2652 = arith.cmpi ne, %sign3A_2644, %sign3A_2651 : i32
      %rem3A_2653 = arith.remsi %add3A_2635, %jit3A_2636 : i32
      %ne3A_2654 = arith.constant 0 : i32
      %ne3A_2655 = arith.cmpi ne, %rem3A_2653, %ne3A_2654 : i32
      %and3A_2656 = arith.andi %ne3A_2652, %ne3A_2655 : i1
      %sub3A_2657 = arith.constant 1 : i32
      %sub3A_2658 = arith.subi %div3A_2637, %sub3A_2657 : i32
      %select_n3A_2659 = arith.select %and3A_2656, %sub3A_2658, %div3A_2637 : i32
      %jit3A_2660 = arith.constant 128 : i32
      %eq3A_2661 = arith.constant 0 : i32
      %eq3A_2662 = arith.cmpi eq, %jit3A_2660, %eq3A_2661 : i32
      %jit3A_2663 = arith.constant 1 : i32
      %select_n3A_2664 = arith.select %eq3A_2662, %jit3A_2663, %jit3A_2660 : i32
      %rem3A_2665 = arith.remsi %add3A_2635, %select_n3A_2664 : i32
      %ne3A_2666 = arith.constant 0 : i32
      %ne3A_2667 = arith.cmpi ne, %rem3A_2665, %ne3A_2666 : i32
      %lt3A_2668 = arith.constant 0 : i32
      %lt3A_2669 = arith.cmpi slt, %rem3A_2665, %lt3A_2668 : i32
      %lt3A_2670 = arith.constant 0 : i32
      %lt3A_2671 = arith.cmpi slt, %select_n3A_2664, %lt3A_2670 : i32
      %ne3A_2672 = arith.xori %lt3A_2669, %lt3A_2671 : i1
      %and3A_2673 = arith.andi %ne3A_2672, %ne3A_2667 : i1
      %add3A_2674 = arith.addi %rem3A_2665, %select_n3A_2664 : i32
      %select_n3A_2675 = arith.select %and3A_2673, %add3A_2674, %rem3A_2665 : i32
      %swap3A_2676 = arith.index_cast %select_n3A_2659 : i32 to index
      %swap3A_2677 = arith.index_cast %select_n3A_2675 : i32 to index
      %swap3A_2678 = tpu.vector_load %arg16[%swap3A_2676, %swap3A_2677] {strides = array<i32>} : memref<128x128xf32, #tpu.memory_space<vmem>>, vector<16xf32>,
      tpu.vector_store %arg16[%swap3A_2676, %swap3A_2677], %add3A_2631 {strides = array<i32>} : memref<128x128xf32, #tpu.memory_space<vmem>>, vector<16xf32>,
      %iota3A_2679 = tpu.iota {dimensions = array<i32: 0>} : vector<16xi32>
      %add3A_2680 = arith.constant 48 : i32
      %add3A_2681 = vector.broadcast %add3A_2680 : i32 to vector<16xi32>
      %add3A_2682 = arith.addi %iota3A_2679, %add3A_2681 : vector<16xi32>
      %gather3A_2683 = tpu.vector_load_idx %arg14[%add3A_2682, %sub3A_2504] : memref<64x128xf32, #tpu.memory_space<vmem>>[vector<16xi32>, vector<16xi32>], vector<16xf32>,
      %mul3A_2684 = vector.broadcast %scan3A_232 : f32 to vector<16xf32>
      %mul3A_2685 = arith.mulf %gather3A_2683, %mul3A_2684 : vector<16xf32>
      %get3A_2686 = arith.index_cast %add3A_2434 : i32 to index
      %get3A_2687 = arith.constant 48 : index
      %get3A_2688 = tpu.vector_load %arg15[%get3A_2686, %get3A_2687] {strides = array<i32>} : memref<256x128xf32, #tpu.memory_space<vmem>>, vector<16xf32>,
      %add3A_2689 = arith.addf %mul3A_2685, %get3A_2688 : vector<16xf32>
      %mul3A_2690 = arith.constant 64 : i32
      %mul3A_2691 = arith.muli %add3A_2434, %mul3A_2690 : i32
      %add3A_2692 = arith.constant 48 : i32
      %add3A_2693 = arith.addi %mul3A_2691, %add3A_2692 : i32
      %jit3A_2694 = arith.constant 128 : i32
      %div3A_2695 = arith.divsi %add3A_2693, %jit3A_2694 : i32
      %sign3A_2696 = arith.constant 0 : i32
      %sign3A_2697 = arith.cmpi sgt, %add3A_2693, %sign3A_2696 : i32
      %sign3A_2698 = arith.extui %sign3A_2697 : i1 to i32
      %sign3A_2699 = arith.constant 0 : i32
      %sign3A_2700 = arith.cmpi slt, %add3A_2693, %sign3A_2699 : i32
      %sign3A_2701 = arith.extui %sign3A_2700 : i1 to i32
      %sign3A_2702 = arith.subi %sign3A_2698, %sign3A_2701 : i32
      %sign3A_2703 = arith.constant 0 : i32
      %sign3A_2704 = arith.cmpi sgt, %jit3A_2694, %sign3A_2703 : i32
      %sign3A_2705 = arith.extui %sign3A_2704 : i1 to i32
      %sign3A_2706 = arith.constant 0 : i32
      %sign3A_2707 = arith.cmpi slt, %jit3A_2694, %sign3A_2706 : i32
      %sign3A_2708 = arith.extui %sign3A_2707 : i1 to i32
      %sign3A_2709 = arith.subi %sign3A_2705, %sign3A_2708 : i32
      %ne3A_2710 = arith.cmpi ne, %sign3A_2702, %sign3A_2709 : i32
      %rem3A_2711 = arith.remsi %add3A_2693, %jit3A_2694 : i32
      %ne3A_2712 = arith.constant 0 : i32
      %ne3A_2713 = arith.cmpi ne, %rem3A_2711, %ne3A_2712 : i32
      %and3A_2714 = arith.andi %ne3A_2710, %ne3A_2713 : i1
      %sub3A_2715 = arith.constant 1 : i32
      %sub3A_2716 = arith.subi %div3A_2695, %sub3A_2715 : i32
      %select_n3A_2717 = arith.select %and3A_2714, %sub3A_2716, %div3A_2695 : i32
      %jit3A_2718 = arith.constant 128 : i32
      %eq3A_2719 = arith.constant 0 : i32
      %eq3A_2720 = arith.cmpi eq, %jit3A_2718, %eq3A_2719 : i32
      %jit3A_2721 = arith.constant 1 : i32
      %select_n3A_2722 = arith.select %eq3A_2720, %jit3A_2721, %jit3A_2718 : i32
      %rem3A_2723 = arith.remsi %add3A_2693, %select_n3A_2722 : i32
      %ne3A_2724 = arith.constant 0 : i32
      %ne3A_2725 = arith.cmpi ne, %rem3A_2723, %ne3A_2724 : i32
      %lt3A_2726 = arith.constant 0 : i32
      %lt3A_2727 = arith.cmpi slt, %rem3A_2723, %lt3A_2726 : i32
      %lt3A_2728 = arith.constant 0 : i32
      %lt3A_2729 = arith.cmpi slt, %select_n3A_2722, %lt3A_2728 : i32
      %ne3A_2730 = arith.xori %lt3A_2727, %lt3A_2729 : i1
      %and3A_2731 = arith.andi %ne3A_2730, %ne3A_2725 : i1
      %add3A_2732 = arith.addi %rem3A_2723, %select_n3A_2722 : i32
      %select_n3A_2733 = arith.select %and3A_2731, %add3A_2732, %rem3A_2723 : i32
      %swap3A_2734 = arith.index_cast %select_n3A_2717 : i32 to index
      %swap3A_2735 = arith.index_cast %select_n3A_2733 : i32 to index
      %swap3A_2736 = tpu.vector_load %arg16[%swap3A_2734, %swap3A_2735] {strides = array<i32>} : memref<128x128xf32, #tpu.memory_space<vmem>>, vector<16xf32>,
      tpu.vector_store %arg16[%swap3A_2734, %swap3A_2735], %add3A_2689 {strides = array<i32>} : memref<128x128xf32, #tpu.memory_space<vmem>>, vector<16xf32>,
      %mul3A_2737 = arith.constant 16 : i32
      %mul3A_2738 = arith.muli %scan3A_282, %mul3A_2737 : i32
      %add3A_2739 = arith.constant 8 : i32
      %add3A_2740 = arith.addi %mul3A_2738, %add3A_2739 : i32
      %slice3A_2741 = vector.extract_strided_slice %get3A_286 {offsets = [15], sizes = [1], strides = [1]} : vector<16xi32> to vector<1xi32>
      %squeeze3A_2742 = vector.extract %slice3A_2741[0] : i32 from vector<1xi32>
      %jit3A_2743 = arith.constant 128 : i32
      %div3A_2744 = arith.divsi %squeeze3A_2742, %jit3A_2743 : i32
      %sign3A_2745 = arith.constant 0 : i32
      %sign3A_2746 = arith.cmpi sgt, %squeeze3A_2742, %sign3A_2745 : i32
      %sign3A_2747 = arith.extui %sign3A_2746 : i1 to i32
      %sign3A_2748 = arith.constant 0 : i32
      %sign3A_2749 = arith.cmpi slt, %squeeze3A_2742, %sign3A_2748 : i32
      %sign3A_2750 = arith.extui %sign3A_2749 : i1 to i32
      %sign3A_2751 = arith.subi %sign3A_2747, %sign3A_2750 : i32
      %sign3A_2752 = arith.constant 0 : i32
      %sign3A_2753 = arith.cmpi sgt, %jit3A_2743, %sign3A_2752 : i32
      %sign3A_2754 = arith.extui %sign3A_2753 : i1 to i32
      %sign3A_2755 = arith.constant 0 : i32
      %sign3A_2756 = arith.cmpi slt, %jit3A_2743, %sign3A_2755 : i32
      %sign3A_2757 = arith.extui %sign3A_2756 : i1 to i32
      %sign3A_2758 = arith.subi %sign3A_2754, %sign3A_2757 : i32
      %ne3A_2759 = arith.cmpi ne, %sign3A_2751, %sign3A_2758 : i32
      %rem3A_2760 = arith.remsi %squeeze3A_2742, %jit3A_2743 : i32
      %ne3A_2761 = arith.constant 0 : i32
      %ne3A_2762 = arith.cmpi ne, %rem3A_2760, %ne3A_2761 : i32
      %and3A_2763 = arith.andi %ne3A_2759, %ne3A_2762 : i1
      %sub3A_2764 = arith.constant 1 : i32
      %sub3A_2765 = arith.subi %div3A_2744, %sub3A_2764 : i32
      %select_n3A_2766 = arith.select %and3A_2763, %sub3A_2765, %div3A_2744 : i32
      %mul3A_2767 = arith.constant 128 : i32
      %mul3A_2768 = arith.muli %select_n3A_2766, %mul3A_2767 : i32
      %multiple_of3A_2769 = tpu.assume_multiple %mul3A_2768, 128 : i32
      %dma_start3A_2770 = arith.constant 0 : i32
      %dma_start3A_2771 = tpu.memref_slice %arg2[%dma_start3A_2770, %multiple_of3A_2769] : memref<64x1000000xf32, #tpu.memory_space<hbm>> -> memref<64x128xf32, #tpu.memory_space<hbm>>
      %dma_start3A_2772 = arith.constant 0 : i32
      %dma_start3A_2773 = tpu.memref_slice %arg2[%dma_start3A_2772, %multiple_of3A_2769] : memref<64x1000000xf32, #tpu.memory_space<hbm>> -> memref<64x128xf32, #tpu.memory_space<hbm>>
      tpu.enqueue_dma source(%dma_start3A_2773 : memref<64x128xf32, #tpu.memory_space<hbm>>) target(%arg14 : memref<64x128xf32, #tpu.memory_space<vmem>>) target_semaphore(%arg24 : memref<!tpu.dma_semaphore, #tpu.memory_space<semaphore_mem>>)
      %dma_wait3A_2774 = arith.constant 0 : i32
      %dma_wait3A_2775 = arith.constant 0 : i32
      %dma_wait3A_2776 = tpu.memref_slice %arg2[%dma_wait3A_2774, %dma_wait3A_2775] : memref<64x1000000xf32, #tpu.memory_space<hbm>> -> memref<64x128xf32, #tpu.memory_space<hbm>>
      %dma_wait3A_2777 = arith.constant 0 : i32
      %dma_wait3A_2778 = arith.constant 0 : i32
      %dma_wait3A_2779 = tpu.memref_slice %arg2[%dma_wait3A_2777, %dma_wait3A_2778] : memref<64x1000000xf32, #tpu.memory_space<hbm>> -> memref<64x128xf32, #tpu.memory_space<hbm>>
      tpu.wait_dma2 semaphore(%arg17 : memref<!tpu.dma_semaphore, #tpu.memory_space<semaphore_mem>>) src(%dma_wait3A_2779 : memref<64x128xf32, #tpu.memory_space<hbm>>) dst(%arg7 : memref<64x128xf32, #tpu.memory_space<vmem>>)
      %slice3A_2780 = vector.extract_strided_slice %get3A_286 {offsets = [8], sizes = [1], strides = [1]} : vector<16xi32> to vector<1xi32>
      %squeeze3A_2781 = vector.extract %slice3A_2780[0] : i32 from vector<1xi32>
      %broadcast_in_dim3A_2782 = vector.broadcast %squeeze3A_2781 : i32 to vector<16xi32>
      %jit3A_2783 = arith.constant 128 : i32
      %div3A_2784 = arith.divsi %squeeze3A_2781, %jit3A_2783 : i32
      %sign3A_2785 = arith.constant 0 : i32
      %sign3A_2786 = arith.cmpi sgt, %squeeze3A_2781, %sign3A_2785 : i32
      %sign3A_2787 = arith.extui %sign3A_2786 : i1 to i32
      %sign3A_2788 = arith.constant 0 : i32
      %sign3A_2789 = arith.cmpi slt, %squeeze3A_2781, %sign3A_2788 : i32
      %sign3A_2790 = arith.extui %sign3A_2789 : i1 to i32
      %sign3A_2791 = arith.subi %sign3A_2787, %sign3A_2790 : i32
      %sign3A_2792 = arith.constant 0 : i32
      %sign3A_2793 = arith.cmpi sgt, %jit3A_2783, %sign3A_2792 : i32
      %sign3A_2794 = arith.extui %sign3A_2793 : i1 to i32
      %sign3A_2795 = arith.constant 0 : i32
      %sign3A_2796 = arith.cmpi slt, %jit3A_2783, %sign3A_2795 : i32
      %sign3A_2797 = arith.extui %sign3A_2796 : i1 to i32
      %sign3A_2798 = arith.subi %sign3A_2794, %sign3A_2797 : i32
      %ne3A_2799 = arith.cmpi ne, %sign3A_2791, %sign3A_2798 : i32
      %rem3A_2800 = arith.remsi %squeeze3A_2781, %jit3A_2783 : i32
      %ne3A_2801 = arith.constant 0 : i32
      %ne3A_2802 = arith.cmpi ne, %rem3A_2800, %ne3A_2801 : i32
      %and3A_2803 = arith.andi %ne3A_2799, %ne3A_2802 : i1
      %sub3A_2804 = arith.constant 1 : i32
      %sub3A_2805 = arith.subi %div3A_2784, %sub3A_2804 : i32
      %select_n3A_2806 = arith.select %and3A_2803, %sub3A_2805, %div3A_2784 : i32
      %mul3A_2807 = arith.constant 128 : i32
      %mul3A_2808 = arith.muli %select_n3A_2806, %mul3A_2807 : i32
      %broadcast_in_dim3A_2809 = vector.broadcast %mul3A_2808 : i32 to vector<16xi32>
      %sub3A_2810 = arith.subi %broadcast_in_dim3A_2782, %broadcast_in_dim3A_2809 : vector<16xi32>
      %iota3A_2811 = tpu.iota {dimensions = array<i32: 0>} : vector<16xi32>
      %add3A_2812 = arith.constant 0 : i32
      %add3A_2813 = vector.broadcast %add3A_2812 : i32 to vector<16xi32>
      %add3A_2814 = arith.addi %iota3A_2811, %add3A_2813 : vector<16xi32>
      %gather3A_2815 = tpu.vector_load_idx %arg7[%add3A_2814, %sub3A_2810] : memref<64x128xf32, #tpu.memory_space<vmem>>[vector<16xi32>, vector<16xi32>], vector<16xf32>,
      %mul3A_2816 = vector.broadcast %scan3A_232 : f32 to vector<16xf32>
      %mul3A_2817 = arith.mulf %gather3A_2815, %mul3A_2816 : vector<16xf32>
      %get3A_2818 = arith.index_cast %add3A_2740 : i32 to index
      %get3A_2819 = arith.constant 0 : index
      %get3A_2820 = tpu.vector_load %arg15[%get3A_2818, %get3A_2819] {strides = array<i32>} : memref<256x128xf32, #tpu.memory_space<vmem>>, vector<16xf32>,
      %add3A_2821 = arith.addf %mul3A_2817, %get3A_2820 : vector<16xf32>
      %mul3A_2822 = arith.constant 64 : i32
      %mul3A_2823 = arith.muli %add3A_2740, %mul3A_2822 : i32
      %add3A_2824 = arith.constant 0 : i32
      %add3A_2825 = arith.addi %mul3A_2823, %add3A_2824 : i32
      %jit3A_2826 = arith.constant 128 : i32
      %div3A_2827 = arith.divsi %add3A_2825, %jit3A_2826 : i32
      %sign3A_2828 = arith.constant 0 : i32
      %sign3A_2829 = arith.cmpi sgt, %add3A_2825, %sign3A_2828 : i32
      %sign3A_2830 = arith.extui %sign3A_2829 : i1 to i32
      %sign3A_2831 = arith.constant 0 : i32
      %sign3A_2832 = arith.cmpi slt, %add3A_2825, %sign3A_2831 : i32
      %sign3A_2833 = arith.extui %sign3A_2832 : i1 to i32
      %sign3A_2834 = arith.subi %sign3A_2830, %sign3A_2833 : i32
      %sign3A_2835 = arith.constant 0 : i32
      %sign3A_2836 = arith.cmpi sgt, %jit3A_2826, %sign3A_2835 : i32
      %sign3A_2837 = arith.extui %sign3A_2836 : i1 to i32
      %sign3A_2838 = arith.constant 0 : i32
      %sign3A_2839 = arith.cmpi slt, %jit3A_2826, %sign3A_2838 : i32
      %sign3A_2840 = arith.extui %sign3A_2839 : i1 to i32
      %sign3A_2841 = arith.subi %sign3A_2837, %sign3A_2840 : i32
      %ne3A_2842 = arith.cmpi ne, %sign3A_2834, %sign3A_2841 : i32
      %rem3A_2843 = arith.remsi %add3A_2825, %jit3A_2826 : i32
      %ne3A_2844 = arith.constant 0 : i32
      %ne3A_2845 = arith.cmpi ne, %rem3A_2843, %ne3A_2844 : i32
      %and3A_2846 = arith.andi %ne3A_2842, %ne3A_2845 : i1
      %sub3A_2847 = arith.constant 1 : i32
      %sub3A_2848 = arith.subi %div3A_2827, %sub3A_2847 : i32
      %select_n3A_2849 = arith.select %and3A_2846, %sub3A_2848, %div3A_2827 : i32
      %jit3A_2850 = arith.constant 128 : i32
      %eq3A_2851 = arith.constant 0 : i32
      %eq3A_2852 = arith.cmpi eq, %jit3A_2850, %eq3A_2851 : i32
      %jit3A_2853 = arith.constant 1 : i32
      %select_n3A_2854 = arith.select %eq3A_2852, %jit3A_2853, %jit3A_2850 : i32
      %rem3A_2855 = arith.remsi %add3A_2825, %select_n3A_2854 : i32
      %ne3A_2856 = arith.constant 0 : i32
      %ne3A_2857 = arith.cmpi ne, %rem3A_2855, %ne3A_2856 : i32
      %lt3A_2858 = arith.constant 0 : i32
      %lt3A_2859 = arith.cmpi slt, %rem3A_2855, %lt3A_2858 : i32
      %lt3A_2860 = arith.constant 0 : i32
      %lt3A_2861 = arith.cmpi slt, %select_n3A_2854, %lt3A_2860 : i32
      %ne3A_2862 = arith.xori %lt3A_2859, %lt3A_2861 : i1
      %and3A_2863 = arith.andi %ne3A_2862, %ne3A_2857 : i1
      %add3A_2864 = arith.addi %rem3A_2855, %select_n3A_2854 : i32
      %select_n3A_2865 = arith.select %and3A_2863, %add3A_2864, %rem3A_2855 : i32
      %swap3A_2866 = arith.index_cast %select_n3A_2849 : i32 to index
      %swap3A_2867 = arith.index_cast %select_n3A_2865 : i32 to index
      %swap3A_2868 = tpu.vector_load %arg16[%swap3A_2866, %swap3A_2867] {strides = array<i32>} : memref<128x128xf32, #tpu.memory_space<vmem>>, vector<16xf32>,
      tpu.vector_store %arg16[%swap3A_2866, %swap3A_2867], %add3A_2821 {strides = array<i32>} : memref<128x128xf32, #tpu.memory_space<vmem>>, vector<16xf32>,
      %iota3A_2869 = tpu.iota {dimensions = array<i32: 0>} : vector<16xi32>
      %add3A_2870 = arith.constant 16 : i32
      %add3A_2871 = vector.broadcast %add3A_2870 : i32 to vector<16xi32>
      %add3A_2872 = arith.addi %iota3A_2869, %add3A_2871 : vector<16xi32>
      %gather3A_2873 = tpu.vector_load_idx %arg7[%add3A_2872, %sub3A_2810] : memref<64x128xf32, #tpu.memory_space<vmem>>[vector<16xi32>, vector<16xi32>], vector<16xf32>,
      %mul3A_2874 = vector.broadcast %scan3A_232 : f32 to vector<16xf32>
      %mul3A_2875 = arith.mulf %gather3A_2873, %mul3A_2874 : vector<16xf32>
      %get3A_2876 = arith.index_cast %add3A_2740 : i32 to index
      %get3A_2877 = arith.constant 16 : index
      %get3A_2878 = tpu.vector_load %arg15[%get3A_2876, %get3A_2877] {strides = array<i32>} : memref<256x128xf32, #tpu.memory_space<vmem>>, vector<16xf32>,
      %add3A_2879 = arith.addf %mul3A_2875, %get3A_2878 : vector<16xf32>
      %mul3A_2880 = arith.constant 64 : i32
      %mul3A_2881 = arith.muli %add3A_2740, %mul3A_2880 : i32
      %add3A_2882 = arith.constant 16 : i32
      %add3A_2883 = arith.addi %mul3A_2881, %add3A_2882 : i32
      %jit3A_2884 = arith.constant 128 : i32
      %div3A_2885 = arith.divsi %add3A_2883, %jit3A_2884 : i32
      %sign3A_2886 = arith.constant 0 : i32
      %sign3A_2887 = arith.cmpi sgt, %add3A_2883, %sign3A_2886 : i32
      %sign3A_2888 = arith.extui %sign3A_2887 : i1 to i32
      %sign3A_2889 = arith.constant 0 : i32
      %sign3A_2890 = arith.cmpi slt, %add3A_2883, %sign3A_2889 : i32
      %sign3A_2891 = arith.extui %sign3A_2890 : i1 to i32
      %sign3A_2892 = arith.subi %sign3A_2888, %sign3A_2891 : i32
      %sign3A_2893 = arith.constant 0 : i32
      %sign3A_2894 = arith.cmpi sgt, %jit3A_2884, %sign3A_2893 : i32
      %sign3A_2895 = arith.extui %sign3A_2894 : i1 to i32
      %sign3A_2896 = arith.constant 0 : i32
      %sign3A_2897 = arith.cmpi slt, %jit3A_2884, %sign3A_2896 : i32
      %sign3A_2898 = arith.extui %sign3A_2897 : i1 to i32
      %sign3A_2899 = arith.subi %sign3A_2895, %sign3A_2898 : i32
      %ne3A_2900 = arith.cmpi ne, %sign3A_2892, %sign3A_2899 : i32
      %rem3A_2901 = arith.remsi %add3A_2883, %jit3A_2884 : i32
      %ne3A_2902 = arith.constant 0 : i32
      %ne3A_2903 = arith.cmpi ne, %rem3A_2901, %ne3A_2902 : i32
      %and3A_2904 = arith.andi %ne3A_2900, %ne3A_2903 : i1
      %sub3A_2905 = arith.constant 1 : i32
      %sub3A_2906 = arith.subi %div3A_2885, %sub3A_2905 : i32
      %select_n3A_2907 = arith.select %and3A_2904, %sub3A_2906, %div3A_2885 : i32
      %jit3A_2908 = arith.constant 128 : i32
      %eq3A_2909 = arith.constant 0 : i32
      %eq3A_2910 = arith.cmpi eq, %jit3A_2908, %eq3A_2909 : i32
      %jit3A_2911 = arith.constant 1 : i32
      %select_n3A_2912 = arith.select %eq3A_2910, %jit3A_2911, %jit3A_2908 : i32
      %rem3A_2913 = arith.remsi %add3A_2883, %select_n3A_2912 : i32
      %ne3A_2914 = arith.constant 0 : i32
      %ne3A_2915 = arith.cmpi ne, %rem3A_2913, %ne3A_2914 : i32
      %lt3A_2916 = arith.constant 0 : i32
      %lt3A_2917 = arith.cmpi slt, %rem3A_2913, %lt3A_2916 : i32
      %lt3A_2918 = arith.constant 0 : i32
      %lt3A_2919 = arith.cmpi slt, %select_n3A_2912, %lt3A_2918 : i32
      %ne3A_2920 = arith.xori %lt3A_2917, %lt3A_2919 : i1
      %and3A_2921 = arith.andi %ne3A_2920, %ne3A_2915 : i1
      %add3A_2922 = arith.addi %rem3A_2913, %select_n3A_2912 : i32
      %select_n3A_2923 = arith.select %and3A_2921, %add3A_2922, %rem3A_2913 : i32
      %swap3A_2924 = arith.index_cast %select_n3A_2907 : i32 to index
      %swap3A_2925 = arith.index_cast %select_n3A_2923 : i32 to index
      %swap3A_2926 = tpu.vector_load %arg16[%swap3A_2924, %swap3A_2925] {strides = array<i32>} : memref<128x128xf32, #tpu.memory_space<vmem>>, vector<16xf32>,
      tpu.vector_store %arg16[%swap3A_2924, %swap3A_2925], %add3A_2879 {strides = array<i32>} : memref<128x128xf32, #tpu.memory_space<vmem>>, vector<16xf32>,
      %iota3A_2927 = tpu.iota {dimensions = array<i32: 0>} : vector<16xi32>
      %add3A_2928 = arith.constant 32 : i32
      %add3A_2929 = vector.broadcast %add3A_2928 : i32 to vector<16xi32>
      %add3A_2930 = arith.addi %iota3A_2927, %add3A_2929 : vector<16xi32>
      %gather3A_2931 = tpu.vector_load_idx %arg7[%add3A_2930, %sub3A_2810] : memref<64x128xf32, #tpu.memory_space<vmem>>[vector<16xi32>, vector<16xi32>], vector<16xf32>,
      %mul3A_2932 = vector.broadcast %scan3A_232 : f32 to vector<16xf32>
      %mul3A_2933 = arith.mulf %gather3A_2931, %mul3A_2932 : vector<16xf32>
      %get3A_2934 = arith.index_cast %add3A_2740 : i32 to index
      %get3A_2935 = arith.constant 32 : index
      %get3A_2936 = tpu.vector_load %arg15[%get3A_2934, %get3A_2935] {strides = array<i32>} : memref<256x128xf32, #tpu.memory_space<vmem>>, vector<16xf32>,
      %add3A_2937 = arith.addf %mul3A_2933, %get3A_2936 : vector<16xf32>
      %mul3A_2938 = arith.constant 64 : i32
      %mul3A_2939 = arith.muli %add3A_2740, %mul3A_2938 : i32
      %add3A_2940 = arith.constant 32 : i32
      %add3A_2941 = arith.addi %mul3A_2939, %add3A_2940 : i32
      %jit3A_2942 = arith.constant 128 : i32
      %div3A_2943 = arith.divsi %add3A_2941, %jit3A_2942 : i32
      %sign3A_2944 = arith.constant 0 : i32
      %sign3A_2945 = arith.cmpi sgt, %add3A_2941, %sign3A_2944 : i32
      %sign3A_2946 = arith.extui %sign3A_2945 : i1 to i32
      %sign3A_2947 = arith.constant 0 : i32
      %sign3A_2948 = arith.cmpi slt, %add3A_2941, %sign3A_2947 : i32
      %sign3A_2949 = arith.extui %sign3A_2948 : i1 to i32
      %sign3A_2950 = arith.subi %sign3A_2946, %sign3A_2949 : i32
      %sign3A_2951 = arith.constant 0 : i32
      %sign3A_2952 = arith.cmpi sgt, %jit3A_2942, %sign3A_2951 : i32
      %sign3A_2953 = arith.extui %sign3A_2952 : i1 to i32
      %sign3A_2954 = arith.constant 0 : i32
      %sign3A_2955 = arith.cmpi slt, %jit3A_2942, %sign3A_2954 : i32
      %sign3A_2956 = arith.extui %sign3A_2955 : i1 to i32
      %sign3A_2957 = arith.subi %sign3A_2953, %sign3A_2956 : i32
      %ne3A_2958 = arith.cmpi ne, %sign3A_2950, %sign3A_2957 : i32
      %rem3A_2959 = arith.remsi %add3A_2941, %jit3A_2942 : i32
      %ne3A_2960 = arith.constant 0 : i32
      %ne3A_2961 = arith.cmpi ne, %rem3A_2959, %ne3A_2960 : i32
      %and3A_2962 = arith.andi %ne3A_2958, %ne3A_2961 : i1
      %sub3A_2963 = arith.constant 1 : i32
      %sub3A_2964 = arith.subi %div3A_2943, %sub3A_2963 : i32
      %select_n3A_2965 = arith.select %and3A_2962, %sub3A_2964, %div3A_2943 : i32
      %jit3A_2966 = arith.constant 128 : i32
      %eq3A_2967 = arith.constant 0 : i32
      %eq3A_2968 = arith.cmpi eq, %jit3A_2966, %eq3A_2967 : i32
      %jit3A_2969 = arith.constant 1 : i32
      %select_n3A_2970 = arith.select %eq3A_2968, %jit3A_2969, %jit3A_2966 : i32
      %rem3A_2971 = arith.remsi %add3A_2941, %select_n3A_2970 : i32
      %ne3A_2972 = arith.constant 0 : i32
      %ne3A_2973 = arith.cmpi ne, %rem3A_2971, %ne3A_2972 : i32
      %lt3A_2974 = arith.constant 0 : i32
      %lt3A_2975 = arith.cmpi slt, %rem3A_2971, %lt3A_2974 : i32
      %lt3A_2976 = arith.constant 0 : i32
      %lt3A_2977 = arith.cmpi slt, %select_n3A_2970, %lt3A_2976 : i32
      %ne3A_2978 = arith.xori %lt3A_2975, %lt3A_2977 : i1
      %and3A_2979 = arith.andi %ne3A_2978, %ne3A_2973 : i1
      %add3A_2980 = arith.addi %rem3A_2971, %select_n3A_2970 : i32
      %select_n3A_2981 = arith.select %and3A_2979, %add3A_2980, %rem3A_2971 : i32
      %swap3A_2982 = arith.index_cast %select_n3A_2965 : i32 to index
      %swap3A_2983 = arith.index_cast %select_n3A_2981 : i32 to index
      %swap3A_2984 = tpu.vector_load %arg16[%swap3A_2982, %swap3A_2983] {strides = array<i32>} : memref<128x128xf32, #tpu.memory_space<vmem>>, vector<16xf32>,
      tpu.vector_store %arg16[%swap3A_2982, %swap3A_2983], %add3A_2937 {strides = array<i32>} : memref<128x128xf32, #tpu.memory_space<vmem>>, vector<16xf32>,
      %iota3A_2985 = tpu.iota {dimensions = array<i32: 0>} : vector<16xi32>
      %add3A_2986 = arith.constant 48 : i32
      %add3A_2987 = vector.broadcast %add3A_2986 : i32 to vector<16xi32>
      %add3A_2988 = arith.addi %iota3A_2985, %add3A_2987 : vector<16xi32>
      %gather3A_2989 = tpu.vector_load_idx %arg7[%add3A_2988, %sub3A_2810] : memref<64x128xf32, #tpu.memory_space<vmem>>[vector<16xi32>, vector<16xi32>], vector<16xf32>,
      %mul3A_2990 = vector.broadcast %scan3A_232 : f32 to vector<16xf32>
      %mul3A_2991 = arith.mulf %gather3A_2989, %mul3A_2990 : vector<16xf32>
      %get3A_2992 = arith.index_cast %add3A_2740 : i32 to index
      %get3A_2993 = arith.constant 48 : index
      %get3A_2994 = tpu.vector_load %arg15[%get3A_2992, %get3A_2993] {strides = array<i32>} : memref<256x128xf32, #tpu.memory_space<vmem>>, vector<16xf32>,
      %add3A_2995 = arith.addf %mul3A_2991, %get3A_2994 : vector<16xf32>
      %mul3A_2996 = arith.constant 64 : i32
      %mul3A_2997 = arith.muli %add3A_2740, %mul3A_2996 : i32
      %add3A_2998 = arith.constant 48 : i32
      %add3A_2999 = arith.addi %mul3A_2997, %add3A_2998 : i32
      %jit3A_3000 = arith.constant 128 : i32
      %div3A_3001 = arith.divsi %add3A_2999, %jit3A_3000 : i32
      %sign3A_3002 = arith.constant 0 : i32
      %sign3A_3003 = arith.cmpi sgt, %add3A_2999, %sign3A_3002 : i32
      %sign3A_3004 = arith.extui %sign3A_3003 : i1 to i32
      %sign3A_3005 = arith.constant 0 : i32
      %sign3A_3006 = arith.cmpi slt, %add3A_2999, %sign3A_3005 : i32
      %sign3A_3007 = arith.extui %sign3A_3006 : i1 to i32
      %sign3A_3008 = arith.subi %sign3A_3004, %sign3A_3007 : i32
      %sign3A_3009 = arith.constant 0 : i32
      %sign3A_3010 = arith.cmpi sgt, %jit3A_3000, %sign3A_3009 : i32
      %sign3A_3011 = arith.extui %sign3A_3010 : i1 to i32
      %sign3A_3012 = arith.constant 0 : i32
      %sign3A_3013 = arith.cmpi slt, %jit3A_3000, %sign3A_3012 : i32
      %sign3A_3014 = arith.extui %sign3A_3013 : i1 to i32
      %sign3A_3015 = arith.subi %sign3A_3011, %sign3A_3014 : i32
      %ne3A_3016 = arith.cmpi ne, %sign3A_3008, %sign3A_3015 : i32
      %rem3A_3017 = arith.remsi %add3A_2999, %jit3A_3000 : i32
      %ne3A_3018 = arith.constant 0 : i32
      %ne3A_3019 = arith.cmpi ne, %rem3A_3017, %ne3A_3018 : i32
      %and3A_3020 = arith.andi %ne3A_3016, %ne3A_3019 : i1
      %sub3A_3021 = arith.constant 1 : i32
      %sub3A_3022 = arith.subi %div3A_3001, %sub3A_3021 : i32
      %select_n3A_3023 = arith.select %and3A_3020, %sub3A_3022, %div3A_3001 : i32
      %jit3A_3024 = arith.constant 128 : i32
      %eq3A_3025 = arith.constant 0 : i32
      %eq3A_3026 = arith.cmpi eq, %jit3A_3024, %eq3A_3025 : i32
      %jit3A_3027 = arith.constant 1 : i32
      %select_n3A_3028 = arith.select %eq3A_3026, %jit3A_3027, %jit3A_3024 : i32
      %rem3A_3029 = arith.remsi %add3A_2999, %select_n3A_3028 : i32
      %ne3A_3030 = arith.constant 0 : i32
      %ne3A_3031 = arith.cmpi ne, %rem3A_3029, %ne3A_3030 : i32
      %lt3A_3032 = arith.constant 0 : i32
      %lt3A_3033 = arith.cmpi slt, %rem3A_3029, %lt3A_3032 : i32
      %lt3A_3034 = arith.constant 0 : i32
      %lt3A_3035 = arith.cmpi slt, %select_n3A_3028, %lt3A_3034 : i32
      %ne3A_3036 = arith.xori %lt3A_3033, %lt3A_3035 : i1
      %and3A_3037 = arith.andi %ne3A_3036, %ne3A_3031 : i1
      %add3A_3038 = arith.addi %rem3A_3029, %select_n3A_3028 : i32
      %select_n3A_3039 = arith.select %and3A_3037, %add3A_3038, %rem3A_3029 : i32
      %swap3A_3040 = arith.index_cast %select_n3A_3023 : i32 to index
      %swap3A_3041 = arith.index_cast %select_n3A_3039 : i32 to index
      %swap3A_3042 = tpu.vector_load %arg16[%swap3A_3040, %swap3A_3041] {strides = array<i32>} : memref<128x128xf32, #tpu.memory_space<vmem>>, vector<16xf32>,
      tpu.vector_store %arg16[%swap3A_3040, %swap3A_3041], %add3A_2995 {strides = array<i32>} : memref<128x128xf32, #tpu.memory_space<vmem>>, vector<16xf32>,
      %mul3A_3043 = arith.constant 16 : i32
      %mul3A_3044 = arith.muli %scan3A_282, %mul3A_3043 : i32
      %add3A_3045 = arith.constant 9 : i32
      %add3A_3046 = arith.addi %mul3A_3044, %add3A_3045 : i32
      %slice3A_3047 = vector.extract_strided_slice %get3A_294 {offsets = [0], sizes = [1], strides = [1]} : vector<16xi32> to vector<1xi32>
      %squeeze3A_3048 = vector.extract %slice3A_3047[0] : i32 from vector<1xi32>
      %jit3A_3049 = arith.constant 128 : i32
      %div3A_3050 = arith.divsi %squeeze3A_3048, %jit3A_3049 : i32
      %sign3A_3051 = arith.constant 0 : i32
      %sign3A_3052 = arith.cmpi sgt, %squeeze3A_3048, %sign3A_3051 : i32
      %sign3A_3053 = arith.extui %sign3A_3052 : i1 to i32
      %sign3A_3054 = arith.constant 0 : i32
      %sign3A_3055 = arith.cmpi slt, %squeeze3A_3048, %sign3A_3054 : i32
      %sign3A_3056 = arith.extui %sign3A_3055 : i1 to i32
      %sign3A_3057 = arith.subi %sign3A_3053, %sign3A_3056 : i32
      %sign3A_3058 = arith.constant 0 : i32
      %sign3A_3059 = arith.cmpi sgt, %jit3A_3049, %sign3A_3058 : i32
      %sign3A_3060 = arith.extui %sign3A_3059 : i1 to i32
      %sign3A_3061 = arith.constant 0 : i32
      %sign3A_3062 = arith.cmpi slt, %jit3A_3049, %sign3A_3061 : i32
      %sign3A_3063 = arith.extui %sign3A_3062 : i1 to i32
      %sign3A_3064 = arith.subi %sign3A_3060, %sign3A_3063 : i32
      %ne3A_3065 = arith.cmpi ne, %sign3A_3057, %sign3A_3064 : i32
      %rem3A_3066 = arith.remsi %squeeze3A_3048, %jit3A_3049 : i32
      %ne3A_3067 = arith.constant 0 : i32
      %ne3A_3068 = arith.cmpi ne, %rem3A_3066, %ne3A_3067 : i32
      %and3A_3069 = arith.andi %ne3A_3065, %ne3A_3068 : i1
      %sub3A_3070 = arith.constant 1 : i32
      %sub3A_3071 = arith.subi %div3A_3050, %sub3A_3070 : i32
      %select_n3A_3072 = arith.select %and3A_3069, %sub3A_3071, %div3A_3050 : i32
      %mul3A_3073 = arith.constant 128 : i32
      %mul3A_3074 = arith.muli %select_n3A_3072, %mul3A_3073 : i32
      %multiple_of3A_3075 = tpu.assume_multiple %mul3A_3074, 128 : i32
      %dma_start3A_3076 = arith.constant 0 : i32
      %dma_start3A_3077 = tpu.memref_slice %arg2[%dma_start3A_3076, %multiple_of3A_3075] : memref<64x1000000xf32, #tpu.memory_space<hbm>> -> memref<64x128xf32, #tpu.memory_space<hbm>>
      %dma_start3A_3078 = arith.constant 0 : i32
      %dma_start3A_3079 = tpu.memref_slice %arg2[%dma_start3A_3078, %multiple_of3A_3075] : memref<64x1000000xf32, #tpu.memory_space<hbm>> -> memref<64x128xf32, #tpu.memory_space<hbm>>
      tpu.enqueue_dma source(%dma_start3A_3079 : memref<64x128xf32, #tpu.memory_space<hbm>>) target(%arg7 : memref<64x128xf32, #tpu.memory_space<vmem>>) target_semaphore(%arg17 : memref<!tpu.dma_semaphore, #tpu.memory_space<semaphore_mem>>)
      %dma_wait3A_3080 = arith.constant 0 : i32
      %dma_wait3A_3081 = arith.constant 0 : i32
      %dma_wait3A_3082 = tpu.memref_slice %arg2[%dma_wait3A_3080, %dma_wait3A_3081] : memref<64x1000000xf32, #tpu.memory_space<hbm>> -> memref<64x128xf32, #tpu.memory_space<hbm>>
      %dma_wait3A_3083 = arith.constant 0 : i32
      %dma_wait3A_3084 = arith.constant 0 : i32
      %dma_wait3A_3085 = tpu.memref_slice %arg2[%dma_wait3A_3083, %dma_wait3A_3084] : memref<64x1000000xf32, #tpu.memory_space<hbm>> -> memref<64x128xf32, #tpu.memory_space<hbm>>
      tpu.wait_dma2 semaphore(%arg18 : memref<!tpu.dma_semaphore, #tpu.memory_space<semaphore_mem>>) src(%dma_wait3A_3085 : memref<64x128xf32, #tpu.memory_space<hbm>>) dst(%arg8 : memref<64x128xf32, #tpu.memory_space<vmem>>)
      %slice3A_3086 = vector.extract_strided_slice %get3A_286 {offsets = [9], sizes = [1], strides = [1]} : vector<16xi32> to vector<1xi32>
      %squeeze3A_3087 = vector.extract %slice3A_3086[0] : i32 from vector<1xi32>
      %broadcast_in_dim3A_3088 = vector.broadcast %squeeze3A_3087 : i32 to vector<16xi32>
      %jit3A_3089 = arith.constant 128 : i32
      %div3A_3090 = arith.divsi %squeeze3A_3087, %jit3A_3089 : i32
      %sign3A_3091 = arith.constant 0 : i32
      %sign3A_3092 = arith.cmpi sgt, %squeeze3A_3087, %sign3A_3091 : i32
      %sign3A_3093 = arith.extui %sign3A_3092 : i1 to i32
      %sign3A_3094 = arith.constant 0 : i32
      %sign3A_3095 = arith.cmpi slt, %squeeze3A_3087, %sign3A_3094 : i32
      %sign3A_3096 = arith.extui %sign3A_3095 : i1 to i32
      %sign3A_3097 = arith.subi %sign3A_3093, %sign3A_3096 : i32
      %sign3A_3098 = arith.constant 0 : i32
      %sign3A_3099 = arith.cmpi sgt, %jit3A_3089, %sign3A_3098 : i32
      %sign3A_3100 = arith.extui %sign3A_3099 : i1 to i32
      %sign3A_3101 = arith.constant 0 : i32
      %sign3A_3102 = arith.cmpi slt, %jit3A_3089, %sign3A_3101 : i32
      %sign3A_3103 = arith.extui %sign3A_3102 : i1 to i32
      %sign3A_3104 = arith.subi %sign3A_3100, %sign3A_3103 : i32
      %ne3A_3105 = arith.cmpi ne, %sign3A_3097, %sign3A_3104 : i32
      %rem3A_3106 = arith.remsi %squeeze3A_3087, %jit3A_3089 : i32
      %ne3A_3107 = arith.constant 0 : i32
      %ne3A_3108 = arith.cmpi ne, %rem3A_3106, %ne3A_3107 : i32
      %and3A_3109 = arith.andi %ne3A_3105, %ne3A_3108 : i1
      %sub3A_3110 = arith.constant 1 : i32
      %sub3A_3111 = arith.subi %div3A_3090, %sub3A_3110 : i32
      %select_n3A_3112 = arith.select %and3A_3109, %sub3A_3111, %div3A_3090 : i32
      %mul3A_3113 = arith.constant 128 : i32
      %mul3A_3114 = arith.muli %select_n3A_3112, %mul3A_3113 : i32
      %broadcast_in_dim3A_3115 = vector.broadcast %mul3A_3114 : i32 to vector<16xi32>
      %sub3A_3116 = arith.subi %broadcast_in_dim3A_3088, %broadcast_in_dim3A_3115 : vector<16xi32>
      %iota3A_3117 = tpu.iota {dimensions = array<i32: 0>} : vector<16xi32>
      %add3A_3118 = arith.constant 0 : i32
      %add3A_3119 = vector.broadcast %add3A_3118 : i32 to vector<16xi32>
      %add3A_3120 = arith.addi %iota3A_3117, %add3A_3119 : vector<16xi32>
      %gather3A_3121 = tpu.vector_load_idx %arg8[%add3A_3120, %sub3A_3116] : memref<64x128xf32, #tpu.memory_space<vmem>>[vector<16xi32>, vector<16xi32>], vector<16xf32>,
      %mul3A_3122 = vector.broadcast %scan3A_232 : f32 to vector<16xf32>
      %mul3A_3123 = arith.mulf %gather3A_3121, %mul3A_3122 : vector<16xf32>
      %get3A_3124 = arith.index_cast %add3A_3046 : i32 to index
      %get3A_3125 = arith.constant 0 : index
      %get3A_3126 = tpu.vector_load %arg15[%get3A_3124, %get3A_3125] {strides = array<i32>} : memref<256x128xf32, #tpu.memory_space<vmem>>, vector<16xf32>,
      %add3A_3127 = arith.addf %mul3A_3123, %get3A_3126 : vector<16xf32>
      %mul3A_3128 = arith.constant 64 : i32
      %mul3A_3129 = arith.muli %add3A_3046, %mul3A_3128 : i32
      %add3A_3130 = arith.constant 0 : i32
      %add3A_3131 = arith.addi %mul3A_3129, %add3A_3130 : i32
      %jit3A_3132 = arith.constant 128 : i32
      %div3A_3133 = arith.divsi %add3A_3131, %jit3A_3132 : i32
      %sign3A_3134 = arith.constant 0 : i32
      %sign3A_3135 = arith.cmpi sgt, %add3A_3131, %sign3A_3134 : i32
      %sign3A_3136 = arith.extui %sign3A_3135 : i1 to i32
      %sign3A_3137 = arith.constant 0 : i32
      %sign3A_3138 = arith.cmpi slt, %add3A_3131, %sign3A_3137 : i32
      %sign3A_3139 = arith.extui %sign3A_3138 : i1 to i32
      %sign3A_3140 = arith.subi %sign3A_3136, %sign3A_3139 : i32
      %sign3A_3141 = arith.constant 0 : i32
      %sign3A_3142 = arith.cmpi sgt, %jit3A_3132, %sign3A_3141 : i32
      %sign3A_3143 = arith.extui %sign3A_3142 : i1 to i32
      %sign3A_3144 = arith.constant 0 : i32
      %sign3A_3145 = arith.cmpi slt, %jit3A_3132, %sign3A_3144 : i32
      %sign3A_3146 = arith.extui %sign3A_3145 : i1 to i32
      %sign3A_3147 = arith.subi %sign3A_3143, %sign3A_3146 : i32
      %ne3A_3148 = arith.cmpi ne, %sign3A_3140, %sign3A_3147 : i32
      %rem3A_3149 = arith.remsi %add3A_3131, %jit3A_3132 : i32
      %ne3A_3150 = arith.constant 0 : i32
      %ne3A_3151 = arith.cmpi ne, %rem3A_3149, %ne3A_3150 : i32
      %and3A_3152 = arith.andi %ne3A_3148, %ne3A_3151 : i1
      %sub3A_3153 = arith.constant 1 : i32
      %sub3A_3154 = arith.subi %div3A_3133, %sub3A_3153 : i32
      %select_n3A_3155 = arith.select %and3A_3152, %sub3A_3154, %div3A_3133 : i32
      %jit3A_3156 = arith.constant 128 : i32
      %eq3A_3157 = arith.constant 0 : i32
      %eq3A_3158 = arith.cmpi eq, %jit3A_3156, %eq3A_3157 : i32
      %jit3A_3159 = arith.constant 1 : i32
      %select_n3A_3160 = arith.select %eq3A_3158, %jit3A_3159, %jit3A_3156 : i32
      %rem3A_3161 = arith.remsi %add3A_3131, %select_n3A_3160 : i32
      %ne3A_3162 = arith.constant 0 : i32
      %ne3A_3163 = arith.cmpi ne, %rem3A_3161, %ne3A_3162 : i32
      %lt3A_3164 = arith.constant 0 : i32
      %lt3A_3165 = arith.cmpi slt, %rem3A_3161, %lt3A_3164 : i32
      %lt3A_3166 = arith.constant 0 : i32
      %lt3A_3167 = arith.cmpi slt, %select_n3A_3160, %lt3A_3166 : i32
      %ne3A_3168 = arith.xori %lt3A_3165, %lt3A_3167 : i1
      %and3A_3169 = arith.andi %ne3A_3168, %ne3A_3163 : i1
      %add3A_3170 = arith.addi %rem3A_3161, %select_n3A_3160 : i32
      %select_n3A_3171 = arith.select %and3A_3169, %add3A_3170, %rem3A_3161 : i32
      %swap3A_3172 = arith.index_cast %select_n3A_3155 : i32 to index
      %swap3A_3173 = arith.index_cast %select_n3A_3171 : i32 to index
      %swap3A_3174 = tpu.vector_load %arg16[%swap3A_3172, %swap3A_3173] {strides = array<i32>} : memref<128x128xf32, #tpu.memory_space<vmem>>, vector<16xf32>,
      tpu.vector_store %arg16[%swap3A_3172, %swap3A_3173], %add3A_3127 {strides = array<i32>} : memref<128x128xf32, #tpu.memory_space<vmem>>, vector<16xf32>,
      %iota3A_3175 = tpu.iota {dimensions = array<i32: 0>} : vector<16xi32>
      %add3A_3176 = arith.constant 16 : i32
      %add3A_3177 = vector.broadcast %add3A_3176 : i32 to vector<16xi32>
      %add3A_3178 = arith.addi %iota3A_3175, %add3A_3177 : vector<16xi32>
      %gather3A_3179 = tpu.vector_load_idx %arg8[%add3A_3178, %sub3A_3116] : memref<64x128xf32, #tpu.memory_space<vmem>>[vector<16xi32>, vector<16xi32>], vector<16xf32>,
      %mul3A_3180 = vector.broadcast %scan3A_232 : f32 to vector<16xf32>
      %mul3A_3181 = arith.mulf %gather3A_3179, %mul3A_3180 : vector<16xf32>
      %get3A_3182 = arith.index_cast %add3A_3046 : i32 to index
      %get3A_3183 = arith.constant 16 : index
      %get3A_3184 = tpu.vector_load %arg15[%get3A_3182, %get3A_3183] {strides = array<i32>} : memref<256x128xf32, #tpu.memory_space<vmem>>, vector<16xf32>,
      %add3A_3185 = arith.addf %mul3A_3181, %get3A_3184 : vector<16xf32>
      %mul3A_3186 = arith.constant 64 : i32
      %mul3A_3187 = arith.muli %add3A_3046, %mul3A_3186 : i32
      %add3A_3188 = arith.constant 16 : i32
      %add3A_3189 = arith.addi %mul3A_3187, %add3A_3188 : i32
      %jit3A_3190 = arith.constant 128 : i32
      %div3A_3191 = arith.divsi %add3A_3189, %jit3A_3190 : i32
      %sign3A_3192 = arith.constant 0 : i32
      %sign3A_3193 = arith.cmpi sgt, %add3A_3189, %sign3A_3192 : i32
      %sign3A_3194 = arith.extui %sign3A_3193 : i1 to i32
      %sign3A_3195 = arith.constant 0 : i32
      %sign3A_3196 = arith.cmpi slt, %add3A_3189, %sign3A_3195 : i32
      %sign3A_3197 = arith.extui %sign3A_3196 : i1 to i32
      %sign3A_3198 = arith.subi %sign3A_3194, %sign3A_3197 : i32
      %sign3A_3199 = arith.constant 0 : i32
      %sign3A_3200 = arith.cmpi sgt, %jit3A_3190, %sign3A_3199 : i32
      %sign3A_3201 = arith.extui %sign3A_3200 : i1 to i32
      %sign3A_3202 = arith.constant 0 : i32
      %sign3A_3203 = arith.cmpi slt, %jit3A_3190, %sign3A_3202 : i32
      %sign3A_3204 = arith.extui %sign3A_3203 : i1 to i32
      %sign3A_3205 = arith.subi %sign3A_3201, %sign3A_3204 : i32
      %ne3A_3206 = arith.cmpi ne, %sign3A_3198, %sign3A_3205 : i32
      %rem3A_3207 = arith.remsi %add3A_3189, %jit3A_3190 : i32
      %ne3A_3208 = arith.constant 0 : i32
      %ne3A_3209 = arith.cmpi ne, %rem3A_3207, %ne3A_3208 : i32
      %and3A_3210 = arith.andi %ne3A_3206, %ne3A_3209 : i1
      %sub3A_3211 = arith.constant 1 : i32
      %sub3A_3212 = arith.subi %div3A_3191, %sub3A_3211 : i32
      %select_n3A_3213 = arith.select %and3A_3210, %sub3A_3212, %div3A_3191 : i32
      %jit3A_3214 = arith.constant 128 : i32
      %eq3A_3215 = arith.constant 0 : i32
      %eq3A_3216 = arith.cmpi eq, %jit3A_3214, %eq3A_3215 : i32
      %jit3A_3217 = arith.constant 1 : i32
      %select_n3A_3218 = arith.select %eq3A_3216, %jit3A_3217, %jit3A_3214 : i32
      %rem3A_3219 = arith.remsi %add3A_3189, %select_n3A_3218 : i32
      %ne3A_3220 = arith.constant 0 : i32
      %ne3A_3221 = arith.cmpi ne, %rem3A_3219, %ne3A_3220 : i32
      %lt3A_3222 = arith.constant 0 : i32
      %lt3A_3223 = arith.cmpi slt, %rem3A_3219, %lt3A_3222 : i32
      %lt3A_3224 = arith.constant 0 : i32
      %lt3A_3225 = arith.cmpi slt, %select_n3A_3218, %lt3A_3224 : i32
      %ne3A_3226 = arith.xori %lt3A_3223, %lt3A_3225 : i1
      %and3A_3227 = arith.andi %ne3A_3226, %ne3A_3221 : i1
      %add3A_3228 = arith.addi %rem3A_3219, %select_n3A_3218 : i32
      %select_n3A_3229 = arith.select %and3A_3227, %add3A_3228, %rem3A_3219 : i32
      %swap3A_3230 = arith.index_cast %select_n3A_3213 : i32 to index
      %swap3A_3231 = arith.index_cast %select_n3A_3229 : i32 to index
      %swap3A_3232 = tpu.vector_load %arg16[%swap3A_3230, %swap3A_3231] {strides = array<i32>} : memref<128x128xf32, #tpu.memory_space<vmem>>, vector<16xf32>,
      tpu.vector_store %arg16[%swap3A_3230, %swap3A_3231], %add3A_3185 {strides = array<i32>} : memref<128x128xf32, #tpu.memory_space<vmem>>, vector<16xf32>,
      %iota3A_3233 = tpu.iota {dimensions = array<i32: 0>} : vector<16xi32>
      %add3A_3234 = arith.constant 32 : i32
      %add3A_3235 = vector.broadcast %add3A_3234 : i32 to vector<16xi32>
      %add3A_3236 = arith.addi %iota3A_3233, %add3A_3235 : vector<16xi32>
      %gather3A_3237 = tpu.vector_load_idx %arg8[%add3A_3236, %sub3A_3116] : memref<64x128xf32, #tpu.memory_space<vmem>>[vector<16xi32>, vector<16xi32>], vector<16xf32>,
      %mul3A_3238 = vector.broadcast %scan3A_232 : f32 to vector<16xf32>
      %mul3A_3239 = arith.mulf %gather3A_3237, %mul3A_3238 : vector<16xf32>
      %get3A_3240 = arith.index_cast %add3A_3046 : i32 to index
      %get3A_3241 = arith.constant 32 : index
      %get3A_3242 = tpu.vector_load %arg15[%get3A_3240, %get3A_3241] {strides = array<i32>} : memref<256x128xf32, #tpu.memory_space<vmem>>, vector<16xf32>,
      %add3A_3243 = arith.addf %mul3A_3239, %get3A_3242 : vector<16xf32>
      %mul3A_3244 = arith.constant 64 : i32
      %mul3A_3245 = arith.muli %add3A_3046, %mul3A_3244 : i32
      %add3A_3246 = arith.constant 32 : i32
      %add3A_3247 = arith.addi %mul3A_3245, %add3A_3246 : i32
      %jit3A_3248 = arith.constant 128 : i32
      %div3A_3249 = arith.divsi %add3A_3247, %jit3A_3248 : i32
      %sign3A_3250 = arith.constant 0 : i32
      %sign3A_3251 = arith.cmpi sgt, %add3A_3247, %sign3A_3250 : i32
      %sign3A_3252 = arith.extui %sign3A_3251 : i1 to i32
      %sign3A_3253 = arith.constant 0 : i32
      %sign3A_3254 = arith.cmpi slt, %add3A_3247, %sign3A_3253 : i32
      %sign3A_3255 = arith.extui %sign3A_3254 : i1 to i32
      %sign3A_3256 = arith.subi %sign3A_3252, %sign3A_3255 : i32
      %sign3A_3257 = arith.constant 0 : i32
      %sign3A_3258 = arith.cmpi sgt, %jit3A_3248, %sign3A_3257 : i32
      %sign3A_3259 = arith.extui %sign3A_3258 : i1 to i32
      %sign3A_3260 = arith.constant 0 : i32
      %sign3A_3261 = arith.cmpi slt, %jit3A_3248, %sign3A_3260 : i32
      %sign3A_3262 = arith.extui %sign3A_3261 : i1 to i32
      %sign3A_3263 = arith.subi %sign3A_3259, %sign3A_3262 : i32
      %ne3A_3264 = arith.cmpi ne, %sign3A_3256, %sign3A_3263 : i32
      %rem3A_3265 = arith.remsi %add3A_3247, %jit3A_3248 : i32
      %ne3A_3266 = arith.constant 0 : i32
      %ne3A_3267 = arith.cmpi ne, %rem3A_3265, %ne3A_3266 : i32
      %and3A_3268 = arith.andi %ne3A_3264, %ne3A_3267 : i1
      %sub3A_3269 = arith.constant 1 : i32
      %sub3A_3270 = arith.subi %div3A_3249, %sub3A_3269 : i32
      %select_n3A_3271 = arith.select %and3A_3268, %sub3A_3270, %div3A_3249 : i32
      %jit3A_3272 = arith.constant 128 : i32
      %eq3A_3273 = arith.constant 0 : i32
      %eq3A_3274 = arith.cmpi eq, %jit3A_3272, %eq3A_3273 : i32
      %jit3A_3275 = arith.constant 1 : i32
      %select_n3A_3276 = arith.select %eq3A_3274, %jit3A_3275, %jit3A_3272 : i32
      %rem3A_3277 = arith.remsi %add3A_3247, %select_n3A_3276 : i32
      %ne3A_3278 = arith.constant 0 : i32
      %ne3A_3279 = arith.cmpi ne, %rem3A_3277, %ne3A_3278 : i32
      %lt3A_3280 = arith.constant 0 : i32
      %lt3A_3281 = arith.cmpi slt, %rem3A_3277, %lt3A_3280 : i32
      %lt3A_3282 = arith.constant 0 : i32
      %lt3A_3283 = arith.cmpi slt, %select_n3A_3276, %lt3A_3282 : i32
      %ne3A_3284 = arith.xori %lt3A_3281, %lt3A_3283 : i1
      %and3A_3285 = arith.andi %ne3A_3284, %ne3A_3279 : i1
      %add3A_3286 = arith.addi %rem3A_3277, %select_n3A_3276 : i32
      %select_n3A_3287 = arith.select %and3A_3285, %add3A_3286, %rem3A_3277 : i32
      %swap3A_3288 = arith.index_cast %select_n3A_3271 : i32 to index
      %swap3A_3289 = arith.index_cast %select_n3A_3287 : i32 to index
      %swap3A_3290 = tpu.vector_load %arg16[%swap3A_3288, %swap3A_3289] {strides = array<i32>} : memref<128x128xf32, #tpu.memory_space<vmem>>, vector<16xf32>,
      tpu.vector_store %arg16[%swap3A_3288, %swap3A_3289], %add3A_3243 {strides = array<i32>} : memref<128x128xf32, #tpu.memory_space<vmem>>, vector<16xf32>,
      %iota3A_3291 = tpu.iota {dimensions = array<i32: 0>} : vector<16xi32>
      %add3A_3292 = arith.constant 48 : i32
      %add3A_3293 = vector.broadcast %add3A_3292 : i32 to vector<16xi32>
      %add3A_3294 = arith.addi %iota3A_3291, %add3A_3293 : vector<16xi32>
      %gather3A_3295 = tpu.vector_load_idx %arg8[%add3A_3294, %sub3A_3116] : memref<64x128xf32, #tpu.memory_space<vmem>>[vector<16xi32>, vector<16xi32>], vector<16xf32>,
      %mul3A_3296 = vector.broadcast %scan3A_232 : f32 to vector<16xf32>
      %mul3A_3297 = arith.mulf %gather3A_3295, %mul3A_3296 : vector<16xf32>
      %get3A_3298 = arith.index_cast %add3A_3046 : i32 to index
      %get3A_3299 = arith.constant 48 : index
      %get3A_3300 = tpu.vector_load %arg15[%get3A_3298, %get3A_3299] {strides = array<i32>} : memref<256x128xf32, #tpu.memory_space<vmem>>, vector<16xf32>,
      %add3A_3301 = arith.addf %mul3A_3297, %get3A_3300 : vector<16xf32>
      %mul3A_3302 = arith.constant 64 : i32
      %mul3A_3303 = arith.muli %add3A_3046, %mul3A_3302 : i32
      %add3A_3304 = arith.constant 48 : i32
      %add3A_3305 = arith.addi %mul3A_3303, %add3A_3304 : i32
      %jit3A_3306 = arith.constant 128 : i32
      %div3A_3307 = arith.divsi %add3A_3305, %jit3A_3306 : i32
      %sign3A_3308 = arith.constant 0 : i32
      %sign3A_3309 = arith.cmpi sgt, %add3A_3305, %sign3A_3308 : i32
      %sign3A_3310 = arith.extui %sign3A_3309 : i1 to i32
      %sign3A_3311 = arith.constant 0 : i32
      %sign3A_3312 = arith.cmpi slt, %add3A_3305, %sign3A_3311 : i32
      %sign3A_3313 = arith.extui %sign3A_3312 : i1 to i32
      %sign3A_3314 = arith.subi %sign3A_3310, %sign3A_3313 : i32
      %sign3A_3315 = arith.constant 0 : i32
      %sign3A_3316 = arith.cmpi sgt, %jit3A_3306, %sign3A_3315 : i32
      %sign3A_3317 = arith.extui %sign3A_3316 : i1 to i32
      %sign3A_3318 = arith.constant 0 : i32
      %sign3A_3319 = arith.cmpi slt, %jit3A_3306, %sign3A_3318 : i32
      %sign3A_3320 = arith.extui %sign3A_3319 : i1 to i32
      %sign3A_3321 = arith.subi %sign3A_3317, %sign3A_3320 : i32
      %ne3A_3322 = arith.cmpi ne, %sign3A_3314, %sign3A_3321 : i32
      %rem3A_3323 = arith.remsi %add3A_3305, %jit3A_3306 : i32
      %ne3A_3324 = arith.constant 0 : i32
      %ne3A_3325 = arith.cmpi ne, %rem3A_3323, %ne3A_3324 : i32
      %and3A_3326 = arith.andi %ne3A_3322, %ne3A_3325 : i1
      %sub3A_3327 = arith.constant 1 : i32
      %sub3A_3328 = arith.subi %div3A_3307, %sub3A_3327 : i32
      %select_n3A_3329 = arith.select %and3A_3326, %sub3A_3328, %div3A_3307 : i32
      %jit3A_3330 = arith.constant 128 : i32
      %eq3A_3331 = arith.constant 0 : i32
      %eq3A_3332 = arith.cmpi eq, %jit3A_3330, %eq3A_3331 : i32
      %jit3A_3333 = arith.constant 1 : i32
      %select_n3A_3334 = arith.select %eq3A_3332, %jit3A_3333, %jit3A_3330 : i32
      %rem3A_3335 = arith.remsi %add3A_3305, %select_n3A_3334 : i32
      %ne3A_3336 = arith.constant 0 : i32
      %ne3A_3337 = arith.cmpi ne, %rem3A_3335, %ne3A_3336 : i32
      %lt3A_3338 = arith.constant 0 : i32
      %lt3A_3339 = arith.cmpi slt, %rem3A_3335, %lt3A_3338 : i32
      %lt3A_3340 = arith.constant 0 : i32
      %lt3A_3341 = arith.cmpi slt, %select_n3A_3334, %lt3A_3340 : i32
      %ne3A_3342 = arith.xori %lt3A_3339, %lt3A_3341 : i1
      %and3A_3343 = arith.andi %ne3A_3342, %ne3A_3337 : i1
      %add3A_3344 = arith.addi %rem3A_3335, %select_n3A_3334 : i32
      %select_n3A_3345 = arith.select %and3A_3343, %add3A_3344, %rem3A_3335 : i32
      %swap3A_3346 = arith.index_cast %select_n3A_3329 : i32 to index
      %swap3A_3347 = arith.index_cast %select_n3A_3345 : i32 to index
      %swap3A_3348 = tpu.vector_load %arg16[%swap3A_3346, %swap3A_3347] {strides = array<i32>} : memref<128x128xf32, #tpu.memory_space<vmem>>, vector<16xf32>,
      tpu.vector_store %arg16[%swap3A_3346, %swap3A_3347], %add3A_3301 {strides = array<i32>} : memref<128x128xf32, #tpu.memory_space<vmem>>, vector<16xf32>,
      %mul3A_3349 = arith.constant 16 : i32
      %mul3A_3350 = arith.muli %scan3A_282, %mul3A_3349 : i32
      %add3A_3351 = arith.constant 10 : i32
      %add3A_3352 = arith.addi %mul3A_3350, %add3A_3351 : i32
      %slice3A_3353 = vector.extract_strided_slice %get3A_294 {offsets = [1], sizes = [1], strides = [1]} : vector<16xi32> to vector<1xi32>
      %squeeze3A_3354 = vector.extract %slice3A_3353[0] : i32 from vector<1xi32>
      %jit3A_3355 = arith.constant 128 : i32
      %div3A_3356 = arith.divsi %squeeze3A_3354, %jit3A_3355 : i32
      %sign3A_3357 = arith.constant 0 : i32
      %sign3A_3358 = arith.cmpi sgt, %squeeze3A_3354, %sign3A_3357 : i32
      %sign3A_3359 = arith.extui %sign3A_3358 : i1 to i32
      %sign3A_3360 = arith.constant 0 : i32
      %sign3A_3361 = arith.cmpi slt, %squeeze3A_3354, %sign3A_3360 : i32
      %sign3A_3362 = arith.extui %sign3A_3361 : i1 to i32
      %sign3A_3363 = arith.subi %sign3A_3359, %sign3A_3362 : i32
      %sign3A_3364 = arith.constant 0 : i32
      %sign3A_3365 = arith.cmpi sgt, %jit3A_3355, %sign3A_3364 : i32
      %sign3A_3366 = arith.extui %sign3A_3365 : i1 to i32
      %sign3A_3367 = arith.constant 0 : i32
      %sign3A_3368 = arith.cmpi slt, %jit3A_3355, %sign3A_3367 : i32
      %sign3A_3369 = arith.extui %sign3A_3368 : i1 to i32
      %sign3A_3370 = arith.subi %sign3A_3366, %sign3A_3369 : i32
      %ne3A_3371 = arith.cmpi ne, %sign3A_3363, %sign3A_3370 : i32
      %rem3A_3372 = arith.remsi %squeeze3A_3354, %jit3A_3355 : i32
      %ne3A_3373 = arith.constant 0 : i32
      %ne3A_3374 = arith.cmpi ne, %rem3A_3372, %ne3A_3373 : i32
      %and3A_3375 = arith.andi %ne3A_3371, %ne3A_3374 : i1
      %sub3A_3376 = arith.constant 1 : i32
      %sub3A_3377 = arith.subi %div3A_3356, %sub3A_3376 : i32
      %select_n3A_3378 = arith.select %and3A_3375, %sub3A_3377, %div3A_3356 : i32
      %mul3A_3379 = arith.constant 128 : i32
      %mul3A_3380 = arith.muli %select_n3A_3378, %mul3A_3379 : i32
      %multiple_of3A_3381 = tpu.assume_multiple %mul3A_3380, 128 : i32
      %dma_start3A_3382 = arith.constant 0 : i32
      %dma_start3A_3383 = tpu.memref_slice %arg2[%dma_start3A_3382, %multiple_of3A_3381] : memref<64x1000000xf32, #tpu.memory_space<hbm>> -> memref<64x128xf32, #tpu.memory_space<hbm>>
      %dma_start3A_3384 = arith.constant 0 : i32
      %dma_start3A_3385 = tpu.memref_slice %arg2[%dma_start3A_3384, %multiple_of3A_3381] : memref<64x1000000xf32, #tpu.memory_space<hbm>> -> memref<64x128xf32, #tpu.memory_space<hbm>>
      tpu.enqueue_dma source(%dma_start3A_3385 : memref<64x128xf32, #tpu.memory_space<hbm>>) target(%arg8 : memref<64x128xf32, #tpu.memory_space<vmem>>) target_semaphore(%arg18 : memref<!tpu.dma_semaphore, #tpu.memory_space<semaphore_mem>>)
      %dma_wait3A_3386 = arith.constant 0 : i32
      %dma_wait3A_3387 = arith.constant 0 : i32
      %dma_wait3A_3388 = tpu.memref_slice %arg2[%dma_wait3A_3386, %dma_wait3A_3387] : memref<64x1000000xf32, #tpu.memory_space<hbm>> -> memref<64x128xf32, #tpu.memory_space<hbm>>
      %dma_wait3A_3389 = arith.constant 0 : i32
      %dma_wait3A_3390 = arith.constant 0 : i32
      %dma_wait3A_3391 = tpu.memref_slice %arg2[%dma_wait3A_3389, %dma_wait3A_3390] : memref<64x1000000xf32, #tpu.memory_space<hbm>> -> memref<64x128xf32, #tpu.memory_space<hbm>>
      tpu.wait_dma2 semaphore(%arg19 : memref<!tpu.dma_semaphore, #tpu.memory_space<semaphore_mem>>) src(%dma_wait3A_3391 : memref<64x128xf32, #tpu.memory_space<hbm>>) dst(%arg9 : memref<64x128xf32, #tpu.memory_space<vmem>>)
      %slice3A_3392 = vector.extract_strided_slice %get3A_286 {offsets = [10], sizes = [1], strides = [1]} : vector<16xi32> to vector<1xi32>
      %squeeze3A_3393 = vector.extract %slice3A_3392[0] : i32 from vector<1xi32>
      %broadcast_in_dim3A_3394 = vector.broadcast %squeeze3A_3393 : i32 to vector<16xi32>
      %jit3A_3395 = arith.constant 128 : i32
      %div3A_3396 = arith.divsi %squeeze3A_3393, %jit3A_3395 : i32
      %sign3A_3397 = arith.constant 0 : i32
      %sign3A_3398 = arith.cmpi sgt, %squeeze3A_3393, %sign3A_3397 : i32
      %sign3A_3399 = arith.extui %sign3A_3398 : i1 to i32
      %sign3A_3400 = arith.constant 0 : i32
      %sign3A_3401 = arith.cmpi slt, %squeeze3A_3393, %sign3A_3400 : i32
      %sign3A_3402 = arith.extui %sign3A_3401 : i1 to i32
      %sign3A_3403 = arith.subi %sign3A_3399, %sign3A_3402 : i32
      %sign3A_3404 = arith.constant 0 : i32
      %sign3A_3405 = arith.cmpi sgt, %jit3A_3395, %sign3A_3404 : i32
      %sign3A_3406 = arith.extui %sign3A_3405 : i1 to i32
      %sign3A_3407 = arith.constant 0 : i32
      %sign3A_3408 = arith.cmpi slt, %jit3A_3395, %sign3A_3407 : i32
      %sign3A_3409 = arith.extui %sign3A_3408 : i1 to i32
      %sign3A_3410 = arith.subi %sign3A_3406, %sign3A_3409 : i32
      %ne3A_3411 = arith.cmpi ne, %sign3A_3403, %sign3A_3410 : i32
      %rem3A_3412 = arith.remsi %squeeze3A_3393, %jit3A_3395 : i32
      %ne3A_3413 = arith.constant 0 : i32
      %ne3A_3414 = arith.cmpi ne, %rem3A_3412, %ne3A_3413 : i32
      %and3A_3415 = arith.andi %ne3A_3411, %ne3A_3414 : i1
      %sub3A_3416 = arith.constant 1 : i32
      %sub3A_3417 = arith.subi %div3A_3396, %sub3A_3416 : i32
      %select_n3A_3418 = arith.select %and3A_3415, %sub3A_3417, %div3A_3396 : i32
      %mul3A_3419 = arith.constant 128 : i32
      %mul3A_3420 = arith.muli %select_n3A_3418, %mul3A_3419 : i32
      %broadcast_in_dim3A_3421 = vector.broadcast %mul3A_3420 : i32 to vector<16xi32>
      %sub3A_3422 = arith.subi %broadcast_in_dim3A_3394, %broadcast_in_dim3A_3421 : vector<16xi32>
      %iota3A_3423 = tpu.iota {dimensions = array<i32: 0>} : vector<16xi32>
      %add3A_3424 = arith.constant 0 : i32
      %add3A_3425 = vector.broadcast %add3A_3424 : i32 to vector<16xi32>
      %add3A_3426 = arith.addi %iota3A_3423, %add3A_3425 : vector<16xi32>
      %gather3A_3427 = tpu.vector_load_idx %arg9[%add3A_3426, %sub3A_3422] : memref<64x128xf32, #tpu.memory_space<vmem>>[vector<16xi32>, vector<16xi32>], vector<16xf32>,
      %mul3A_3428 = vector.broadcast %scan3A_232 : f32 to vector<16xf32>
      %mul3A_3429 = arith.mulf %gather3A_3427, %mul3A_3428 : vector<16xf32>
      %get3A_3430 = arith.index_cast %add3A_3352 : i32 to index
      %get3A_3431 = arith.constant 0 : index
      %get3A_3432 = tpu.vector_load %arg15[%get3A_3430, %get3A_3431] {strides = array<i32>} : memref<256x128xf32, #tpu.memory_space<vmem>>, vector<16xf32>,
      %add3A_3433 = arith.addf %mul3A_3429, %get3A_3432 : vector<16xf32>
      %mul3A_3434 = arith.constant 64 : i32
      %mul3A_3435 = arith.muli %add3A_3352, %mul3A_3434 : i32
      %add3A_3436 = arith.constant 0 : i32
      %add3A_3437 = arith.addi %mul3A_3435, %add3A_3436 : i32
      %jit3A_3438 = arith.constant 128 : i32
      %div3A_3439 = arith.divsi %add3A_3437, %jit3A_3438 : i32
      %sign3A_3440 = arith.constant 0 : i32
      %sign3A_3441 = arith.cmpi sgt, %add3A_3437, %sign3A_3440 : i32
      %sign3A_3442 = arith.extui %sign3A_3441 : i1 to i32
      %sign3A_3443 = arith.constant 0 : i32
      %sign3A_3444 = arith.cmpi slt, %add3A_3437, %sign3A_3443 : i32
      %sign3A_3445 = arith.extui %sign3A_3444 : i1 to i32
      %sign3A_3446 = arith.subi %sign3A_3442, %sign3A_3445 : i32
      %sign3A_3447 = arith.constant 0 : i32
      %sign3A_3448 = arith.cmpi sgt, %jit3A_3438, %sign3A_3447 : i32
      %sign3A_3449 = arith.extui %sign3A_3448 : i1 to i32
      %sign3A_3450 = arith.constant 0 : i32
      %sign3A_3451 = arith.cmpi slt, %jit3A_3438, %sign3A_3450 : i32
      %sign3A_3452 = arith.extui %sign3A_3451 : i1 to i32
      %sign3A_3453 = arith.subi %sign3A_3449, %sign3A_3452 : i32
      %ne3A_3454 = arith.cmpi ne, %sign3A_3446, %sign3A_3453 : i32
      %rem3A_3455 = arith.remsi %add3A_3437, %jit3A_3438 : i32
      %ne3A_3456 = arith.constant 0 : i32
      %ne3A_3457 = arith.cmpi ne, %rem3A_3455, %ne3A_3456 : i32
      %and3A_3458 = arith.andi %ne3A_3454, %ne3A_3457 : i1
      %sub3A_3459 = arith.constant 1 : i32
      %sub3A_3460 = arith.subi %div3A_3439, %sub3A_3459 : i32
      %select_n3A_3461 = arith.select %and3A_3458, %sub3A_3460, %div3A_3439 : i32
      %jit3A_3462 = arith.constant 128 : i32
      %eq3A_3463 = arith.constant 0 : i32
      %eq3A_3464 = arith.cmpi eq, %jit3A_3462, %eq3A_3463 : i32
      %jit3A_3465 = arith.constant 1 : i32
      %select_n3A_3466 = arith.select %eq3A_3464, %jit3A_3465, %jit3A_3462 : i32
      %rem3A_3467 = arith.remsi %add3A_3437, %select_n3A_3466 : i32
      %ne3A_3468 = arith.constant 0 : i32
      %ne3A_3469 = arith.cmpi ne, %rem3A_3467, %ne3A_3468 : i32
      %lt3A_3470 = arith.constant 0 : i32
      %lt3A_3471 = arith.cmpi slt, %rem3A_3467, %lt3A_3470 : i32
      %lt3A_3472 = arith.constant 0 : i32
      %lt3A_3473 = arith.cmpi slt, %select_n3A_3466, %lt3A_3472 : i32
      %ne3A_3474 = arith.xori %lt3A_3471, %lt3A_3473 : i1
      %and3A_3475 = arith.andi %ne3A_3474, %ne3A_3469 : i1
      %add3A_3476 = arith.addi %rem3A_3467, %select_n3A_3466 : i32
      %select_n3A_3477 = arith.select %and3A_3475, %add3A_3476, %rem3A_3467 : i32
      %swap3A_3478 = arith.index_cast %select_n3A_3461 : i32 to index
      %swap3A_3479 = arith.index_cast %select_n3A_3477 : i32 to index
      %swap3A_3480 = tpu.vector_load %arg16[%swap3A_3478, %swap3A_3479] {strides = array<i32>} : memref<128x128xf32, #tpu.memory_space<vmem>>, vector<16xf32>,
      tpu.vector_store %arg16[%swap3A_3478, %swap3A_3479], %add3A_3433 {strides = array<i32>} : memref<128x128xf32, #tpu.memory_space<vmem>>, vector<16xf32>,
      %iota3A_3481 = tpu.iota {dimensions = array<i32: 0>} : vector<16xi32>
      %add3A_3482 = arith.constant 16 : i32
      %add3A_3483 = vector.broadcast %add3A_3482 : i32 to vector<16xi32>
      %add3A_3484 = arith.addi %iota3A_3481, %add3A_3483 : vector<16xi32>
      %gather3A_3485 = tpu.vector_load_idx %arg9[%add3A_3484, %sub3A_3422] : memref<64x128xf32, #tpu.memory_space<vmem>>[vector<16xi32>, vector<16xi32>], vector<16xf32>,
      %mul3A_3486 = vector.broadcast %scan3A_232 : f32 to vector<16xf32>
      %mul3A_3487 = arith.mulf %gather3A_3485, %mul3A_3486 : vector<16xf32>
      %get3A_3488 = arith.index_cast %add3A_3352 : i32 to index
      %get3A_3489 = arith.constant 16 : index
      %get3A_3490 = tpu.vector_load %arg15[%get3A_3488, %get3A_3489] {strides = array<i32>} : memref<256x128xf32, #tpu.memory_space<vmem>>, vector<16xf32>,
      %add3A_3491 = arith.addf %mul3A_3487, %get3A_3490 : vector<16xf32>
      %mul3A_3492 = arith.constant 64 : i32
      %mul3A_3493 = arith.muli %add3A_3352, %mul3A_3492 : i32
      %add3A_3494 = arith.constant 16 : i32
      %add3A_3495 = arith.addi %mul3A_3493, %add3A_3494 : i32
      %jit3A_3496 = arith.constant 128 : i32
      %div3A_3497 = arith.divsi %add3A_3495, %jit3A_3496 : i32
      %sign3A_3498 = arith.constant 0 : i32
      %sign3A_3499 = arith.cmpi sgt, %add3A_3495, %sign3A_3498 : i32
      %sign3A_3500 = arith.extui %sign3A_3499 : i1 to i32
      %sign3A_3501 = arith.constant 0 : i32
      %sign3A_3502 = arith.cmpi slt, %add3A_3495, %sign3A_3501 : i32
      %sign3A_3503 = arith.extui %sign3A_3502 : i1 to i32
      %sign3A_3504 = arith.subi %sign3A_3500, %sign3A_3503 : i32
      %sign3A_3505 = arith.constant 0 : i32
      %sign3A_3506 = arith.cmpi sgt, %jit3A_3496, %sign3A_3505 : i32
      %sign3A_3507 = arith.extui %sign3A_3506 : i1 to i32
      %sign3A_3508 = arith.constant 0 : i32
      %sign3A_3509 = arith.cmpi slt, %jit3A_3496, %sign3A_3508 : i32
      %sign3A_3510 = arith.extui %sign3A_3509 : i1 to i32
      %sign3A_3511 = arith.subi %sign3A_3507, %sign3A_3510 : i32
      %ne3A_3512 = arith.cmpi ne, %sign3A_3504, %sign3A_3511 : i32
      %rem3A_3513 = arith.remsi %add3A_3495, %jit3A_3496 : i32
      %ne3A_3514 = arith.constant 0 : i32
      %ne3A_3515 = arith.cmpi ne, %rem3A_3513, %ne3A_3514 : i32
      %and3A_3516 = arith.andi %ne3A_3512, %ne3A_3515 : i1
      %sub3A_3517 = arith.constant 1 : i32
      %sub3A_3518 = arith.subi %div3A_3497, %sub3A_3517 : i32
      %select_n3A_3519 = arith.select %and3A_3516, %sub3A_3518, %div3A_3497 : i32
      %jit3A_3520 = arith.constant 128 : i32
      %eq3A_3521 = arith.constant 0 : i32
      %eq3A_3522 = arith.cmpi eq, %jit3A_3520, %eq3A_3521 : i32
      %jit3A_3523 = arith.constant 1 : i32
      %select_n3A_3524 = arith.select %eq3A_3522, %jit3A_3523, %jit3A_3520 : i32
      %rem3A_3525 = arith.remsi %add3A_3495, %select_n3A_3524 : i32
      %ne3A_3526 = arith.constant 0 : i32
      %ne3A_3527 = arith.cmpi ne, %rem3A_3525, %ne3A_3526 : i32
      %lt3A_3528 = arith.constant 0 : i32
      %lt3A_3529 = arith.cmpi slt, %rem3A_3525, %lt3A_3528 : i32
      %lt3A_3530 = arith.constant 0 : i32
      %lt3A_3531 = arith.cmpi slt, %select_n3A_3524, %lt3A_3530 : i32
      %ne3A_3532 = arith.xori %lt3A_3529, %lt3A_3531 : i1
      %and3A_3533 = arith.andi %ne3A_3532, %ne3A_3527 : i1
      %add3A_3534 = arith.addi %rem3A_3525, %select_n3A_3524 : i32
      %select_n3A_3535 = arith.select %and3A_3533, %add3A_3534, %rem3A_3525 : i32
      %swap3A_3536 = arith.index_cast %select_n3A_3519 : i32 to index
      %swap3A_3537 = arith.index_cast %select_n3A_3535 : i32 to index
      %swap3A_3538 = tpu.vector_load %arg16[%swap3A_3536, %swap3A_3537] {strides = array<i32>} : memref<128x128xf32, #tpu.memory_space<vmem>>, vector<16xf32>,
      tpu.vector_store %arg16[%swap3A_3536, %swap3A_3537], %add3A_3491 {strides = array<i32>} : memref<128x128xf32, #tpu.memory_space<vmem>>, vector<16xf32>,
      %iota3A_3539 = tpu.iota {dimensions = array<i32: 0>} : vector<16xi32>
      %add3A_3540 = arith.constant 32 : i32
      %add3A_3541 = vector.broadcast %add3A_3540 : i32 to vector<16xi32>
      %add3A_3542 = arith.addi %iota3A_3539, %add3A_3541 : vector<16xi32>
      %gather3A_3543 = tpu.vector_load_idx %arg9[%add3A_3542, %sub3A_3422] : memref<64x128xf32, #tpu.memory_space<vmem>>[vector<16xi32>, vector<16xi32>], vector<16xf32>,
      %mul3A_3544 = vector.broadcast %scan3A_232 : f32 to vector<16xf32>
      %mul3A_3545 = arith.mulf %gather3A_3543, %mul3A_3544 : vector<16xf32>
      %get3A_3546 = arith.index_cast %add3A_3352 : i32 to index
      %get3A_3547 = arith.constant 32 : index
      %get3A_3548 = tpu.vector_load %arg15[%get3A_3546, %get3A_3547] {strides = array<i32>} : memref<256x128xf32, #tpu.memory_space<vmem>>, vector<16xf32>,
      %add3A_3549 = arith.addf %mul3A_3545, %get3A_3548 : vector<16xf32>
      %mul3A_3550 = arith.constant 64 : i32
      %mul3A_3551 = arith.muli %add3A_3352, %mul3A_3550 : i32
      %add3A_3552 = arith.constant 32 : i32
      %add3A_3553 = arith.addi %mul3A_3551, %add3A_3552 : i32
      %jit3A_3554 = arith.constant 128 : i32
      %div3A_3555 = arith.divsi %add3A_3553, %jit3A_3554 : i32
      %sign3A_3556 = arith.constant 0 : i32
      %sign3A_3557 = arith.cmpi sgt, %add3A_3553, %sign3A_3556 : i32
      %sign3A_3558 = arith.extui %sign3A_3557 : i1 to i32
      %sign3A_3559 = arith.constant 0 : i32
      %sign3A_3560 = arith.cmpi slt, %add3A_3553, %sign3A_3559 : i32
      %sign3A_3561 = arith.extui %sign3A_3560 : i1 to i32
      %sign3A_3562 = arith.subi %sign3A_3558, %sign3A_3561 : i32
      %sign3A_3563 = arith.constant 0 : i32
      %sign3A_3564 = arith.cmpi sgt, %jit3A_3554, %sign3A_3563 : i32
      %sign3A_3565 = arith.extui %sign3A_3564 : i1 to i32
      %sign3A_3566 = arith.constant 0 : i32
      %sign3A_3567 = arith.cmpi slt, %jit3A_3554, %sign3A_3566 : i32
      %sign3A_3568 = arith.extui %sign3A_3567 : i1 to i32
      %sign3A_3569 = arith.subi %sign3A_3565, %sign3A_3568 : i32
      %ne3A_3570 = arith.cmpi ne, %sign3A_3562, %sign3A_3569 : i32
      %rem3A_3571 = arith.remsi %add3A_3553, %jit3A_3554 : i32
      %ne3A_3572 = arith.constant 0 : i32
      %ne3A_3573 = arith.cmpi ne, %rem3A_3571, %ne3A_3572 : i32
      %and3A_3574 = arith.andi %ne3A_3570, %ne3A_3573 : i1
      %sub3A_3575 = arith.constant 1 : i32
      %sub3A_3576 = arith.subi %div3A_3555, %sub3A_3575 : i32
      %select_n3A_3577 = arith.select %and3A_3574, %sub3A_3576, %div3A_3555 : i32
      %jit3A_3578 = arith.constant 128 : i32
      %eq3A_3579 = arith.constant 0 : i32
      %eq3A_3580 = arith.cmpi eq, %jit3A_3578, %eq3A_3579 : i32
      %jit3A_3581 = arith.constant 1 : i32
      %select_n3A_3582 = arith.select %eq3A_3580, %jit3A_3581, %jit3A_3578 : i32
      %rem3A_3583 = arith.remsi %add3A_3553, %select_n3A_3582 : i32
      %ne3A_3584 = arith.constant 0 : i32
      %ne3A_3585 = arith.cmpi ne, %rem3A_3583, %ne3A_3584 : i32
      %lt3A_3586 = arith.constant 0 : i32
      %lt3A_3587 = arith.cmpi slt, %rem3A_3583, %lt3A_3586 : i32
      %lt3A_3588 = arith.constant 0 : i32
      %lt3A_3589 = arith.cmpi slt, %select_n3A_3582, %lt3A_3588 : i32
      %ne3A_3590 = arith.xori %lt3A_3587, %lt3A_3589 : i1
      %and3A_3591 = arith.andi %ne3A_3590, %ne3A_3585 : i1
      %add3A_3592 = arith.addi %rem3A_3583, %select_n3A_3582 : i32
      %select_n3A_3593 = arith.select %and3A_3591, %add3A_3592, %rem3A_3583 : i32
      %swap3A_3594 = arith.index_cast %select_n3A_3577 : i32 to index
      %swap3A_3595 = arith.index_cast %select_n3A_3593 : i32 to index
      %swap3A_3596 = tpu.vector_load %arg16[%swap3A_3594, %swap3A_3595] {strides = array<i32>} : memref<128x128xf32, #tpu.memory_space<vmem>>, vector<16xf32>,
      tpu.vector_store %arg16[%swap3A_3594, %swap3A_3595], %add3A_3549 {strides = array<i32>} : memref<128x128xf32, #tpu.memory_space<vmem>>, vector<16xf32>,
      %iota3A_3597 = tpu.iota {dimensions = array<i32: 0>} : vector<16xi32>
      %add3A_3598 = arith.constant 48 : i32
      %add3A_3599 = vector.broadcast %add3A_3598 : i32 to vector<16xi32>
      %add3A_3600 = arith.addi %iota3A_3597, %add3A_3599 : vector<16xi32>
      %gather3A_3601 = tpu.vector_load_idx %arg9[%add3A_3600, %sub3A_3422] : memref<64x128xf32, #tpu.memory_space<vmem>>[vector<16xi32>, vector<16xi32>], vector<16xf32>,
      %mul3A_3602 = vector.broadcast %scan3A_232 : f32 to vector<16xf32>
      %mul3A_3603 = arith.mulf %gather3A_3601, %mul3A_3602 : vector<16xf32>
      %get3A_3604 = arith.index_cast %add3A_3352 : i32 to index
      %get3A_3605 = arith.constant 48 : index
      %get3A_3606 = tpu.vector_load %arg15[%get3A_3604, %get3A_3605] {strides = array<i32>} : memref<256x128xf32, #tpu.memory_space<vmem>>, vector<16xf32>,
      %add3A_3607 = arith.addf %mul3A_3603, %get3A_3606 : vector<16xf32>
      %mul3A_3608 = arith.constant 64 : i32
      %mul3A_3609 = arith.muli %add3A_3352, %mul3A_3608 : i32
      %add3A_3610 = arith.constant 48 : i32
      %add3A_3611 = arith.addi %mul3A_3609, %add3A_3610 : i32
      %jit3A_3612 = arith.constant 128 : i32
      %div3A_3613 = arith.divsi %add3A_3611, %jit3A_3612 : i32
      %sign3A_3614 = arith.constant 0 : i32
      %sign3A_3615 = arith.cmpi sgt, %add3A_3611, %sign3A_3614 : i32
      %sign3A_3616 = arith.extui %sign3A_3615 : i1 to i32
      %sign3A_3617 = arith.constant 0 : i32
      %sign3A_3618 = arith.cmpi slt, %add3A_3611, %sign3A_3617 : i32
      %sign3A_3619 = arith.extui %sign3A_3618 : i1 to i32
      %sign3A_3620 = arith.subi %sign3A_3616, %sign3A_3619 : i32
      %sign3A_3621 = arith.constant 0 : i32
      %sign3A_3622 = arith.cmpi sgt, %jit3A_3612, %sign3A_3621 : i32
      %sign3A_3623 = arith.extui %sign3A_3622 : i1 to i32
      %sign3A_3624 = arith.constant 0 : i32
      %sign3A_3625 = arith.cmpi slt, %jit3A_3612, %sign3A_3624 : i32
      %sign3A_3626 = arith.extui %sign3A_3625 : i1 to i32
      %sign3A_3627 = arith.subi %sign3A_3623, %sign3A_3626 : i32
      %ne3A_3628 = arith.cmpi ne, %sign3A_3620, %sign3A_3627 : i32
      %rem3A_3629 = arith.remsi %add3A_3611, %jit3A_3612 : i32
      %ne3A_3630 = arith.constant 0 : i32
      %ne3A_3631 = arith.cmpi ne, %rem3A_3629, %ne3A_3630 : i32
      %and3A_3632 = arith.andi %ne3A_3628, %ne3A_3631 : i1
      %sub3A_3633 = arith.constant 1 : i32
      %sub3A_3634 = arith.subi %div3A_3613, %sub3A_3633 : i32
      %select_n3A_3635 = arith.select %and3A_3632, %sub3A_3634, %div3A_3613 : i32
      %jit3A_3636 = arith.constant 128 : i32
      %eq3A_3637 = arith.constant 0 : i32
      %eq3A_3638 = arith.cmpi eq, %jit3A_3636, %eq3A_3637 : i32
      %jit3A_3639 = arith.constant 1 : i32
      %select_n3A_3640 = arith.select %eq3A_3638, %jit3A_3639, %jit3A_3636 : i32
      %rem3A_3641 = arith.remsi %add3A_3611, %select_n3A_3640 : i32
      %ne3A_3642 = arith.constant 0 : i32
      %ne3A_3643 = arith.cmpi ne, %rem3A_3641, %ne3A_3642 : i32
      %lt3A_3644 = arith.constant 0 : i32
      %lt3A_3645 = arith.cmpi slt, %rem3A_3641, %lt3A_3644 : i32
      %lt3A_3646 = arith.constant 0 : i32
      %lt3A_3647 = arith.cmpi slt, %select_n3A_3640, %lt3A_3646 : i32
      %ne3A_3648 = arith.xori %lt3A_3645, %lt3A_3647 : i1
      %and3A_3649 = arith.andi %ne3A_3648, %ne3A_3643 : i1
      %add3A_3650 = arith.addi %rem3A_3641, %select_n3A_3640 : i32
      %select_n3A_3651 = arith.select %and3A_3649, %add3A_3650, %rem3A_3641 : i32
      %swap3A_3652 = arith.index_cast %select_n3A_3635 : i32 to index
      %swap3A_3653 = arith.index_cast %select_n3A_3651 : i32 to index
      %swap3A_3654 = tpu.vector_load %arg16[%swap3A_3652, %swap3A_3653] {strides = array<i32>} : memref<128x128xf32, #tpu.memory_space<vmem>>, vector<16xf32>,
      tpu.vector_store %arg16[%swap3A_3652, %swap3A_3653], %add3A_3607 {strides = array<i32>} : memref<128x128xf32, #tpu.memory_space<vmem>>, vector<16xf32>,
      %mul3A_3655 = arith.constant 16 : i32
      %mul3A_3656 = arith.muli %scan3A_282, %mul3A_3655 : i32
      %add3A_3657 = arith.constant 11 : i32
      %add3A_3658 = arith.addi %mul3A_3656, %add3A_3657 : i32
      %slice3A_3659 = vector.extract_strided_slice %get3A_294 {offsets = [2], sizes = [1], strides = [1]} : vector<16xi32> to vector<1xi32>
      %squeeze3A_3660 = vector.extract %slice3A_3659[0] : i32 from vector<1xi32>
      %jit3A_3661 = arith.constant 128 : i32
      %div3A_3662 = arith.divsi %squeeze3A_3660, %jit3A_3661 : i32
      %sign3A_3663 = arith.constant 0 : i32
      %sign3A_3664 = arith.cmpi sgt, %squeeze3A_3660, %sign3A_3663 : i32
      %sign3A_3665 = arith.extui %sign3A_3664 : i1 to i32
      %sign3A_3666 = arith.constant 0 : i32
      %sign3A_3667 = arith.cmpi slt, %squeeze3A_3660, %sign3A_3666 : i32
      %sign3A_3668 = arith.extui %sign3A_3667 : i1 to i32
      %sign3A_3669 = arith.subi %sign3A_3665, %sign3A_3668 : i32
      %sign3A_3670 = arith.constant 0 : i32
      %sign3A_3671 = arith.cmpi sgt, %jit3A_3661, %sign3A_3670 : i32
      %sign3A_3672 = arith.extui %sign3A_3671 : i1 to i32
      %sign3A_3673 = arith.constant 0 : i32
      %sign3A_3674 = arith.cmpi slt, %jit3A_3661, %sign3A_3673 : i32
      %sign3A_3675 = arith.extui %sign3A_3674 : i1 to i32
      %sign3A_3676 = arith.subi %sign3A_3672, %sign3A_3675 : i32
      %ne3A_3677 = arith.cmpi ne, %sign3A_3669, %sign3A_3676 : i32
      %rem3A_3678 = arith.remsi %squeeze3A_3660, %jit3A_3661 : i32
      %ne3A_3679 = arith.constant 0 : i32
      %ne3A_3680 = arith.cmpi ne, %rem3A_3678, %ne3A_3679 : i32
      %and3A_3681 = arith.andi %ne3A_3677, %ne3A_3680 : i1
      %sub3A_3682 = arith.constant 1 : i32
      %sub3A_3683 = arith.subi %div3A_3662, %sub3A_3682 : i32
      %select_n3A_3684 = arith.select %and3A_3681, %sub3A_3683, %div3A_3662 : i32
      %mul3A_3685 = arith.constant 128 : i32
      %mul3A_3686 = arith.muli %select_n3A_3684, %mul3A_3685 : i32
      %multiple_of3A_3687 = tpu.assume_multiple %mul3A_3686, 128 : i32
      %dma_start3A_3688 = arith.constant 0 : i32
      %dma_start3A_3689 = tpu.memref_slice %arg2[%dma_start3A_3688, %multiple_of3A_3687] : memref<64x1000000xf32, #tpu.memory_space<hbm>> -> memref<64x128xf32, #tpu.memory_space<hbm>>
      %dma_start3A_3690 = arith.constant 0 : i32
      %dma_start3A_3691 = tpu.memref_slice %arg2[%dma_start3A_3690, %multiple_of3A_3687] : memref<64x1000000xf32, #tpu.memory_space<hbm>> -> memref<64x128xf32, #tpu.memory_space<hbm>>
      tpu.enqueue_dma source(%dma_start3A_3691 : memref<64x128xf32, #tpu.memory_space<hbm>>) target(%arg9 : memref<64x128xf32, #tpu.memory_space<vmem>>) target_semaphore(%arg19 : memref<!tpu.dma_semaphore, #tpu.memory_space<semaphore_mem>>)
      %dma_wait3A_3692 = arith.constant 0 : i32
      %dma_wait3A_3693 = arith.constant 0 : i32
      %dma_wait3A_3694 = tpu.memref_slice %arg2[%dma_wait3A_3692, %dma_wait3A_3693] : memref<64x1000000xf32, #tpu.memory_space<hbm>> -> memref<64x128xf32, #tpu.memory_space<hbm>>
      %dma_wait3A_3695 = arith.constant 0 : i32
      %dma_wait3A_3696 = arith.constant 0 : i32
      %dma_wait3A_3697 = tpu.memref_slice %arg2[%dma_wait3A_3695, %dma_wait3A_3696] : memref<64x1000000xf32, #tpu.memory_space<hbm>> -> memref<64x128xf32, #tpu.memory_space<hbm>>
      tpu.wait_dma2 semaphore(%arg20 : memref<!tpu.dma_semaphore, #tpu.memory_space<semaphore_mem>>) src(%dma_wait3A_3697 : memref<64x128xf32, #tpu.memory_space<hbm>>) dst(%arg10 : memref<64x128xf32, #tpu.memory_space<vmem>>)
      %slice3A_3698 = vector.extract_strided_slice %get3A_286 {offsets = [11], sizes = [1], strides = [1]} : vector<16xi32> to vector<1xi32>
      %squeeze3A_3699 = vector.extract %slice3A_3698[0] : i32 from vector<1xi32>
      %broadcast_in_dim3A_3700 = vector.broadcast %squeeze3A_3699 : i32 to vector<16xi32>
      %jit3A_3701 = arith.constant 128 : i32
      %div3A_3702 = arith.divsi %squeeze3A_3699, %jit3A_3701 : i32
      %sign3A_3703 = arith.constant 0 : i32
      %sign3A_3704 = arith.cmpi sgt, %squeeze3A_3699, %sign3A_3703 : i32
      %sign3A_3705 = arith.extui %sign3A_3704 : i1 to i32
      %sign3A_3706 = arith.constant 0 : i32
      %sign3A_3707 = arith.cmpi slt, %squeeze3A_3699, %sign3A_3706 : i32
      %sign3A_3708 = arith.extui %sign3A_3707 : i1 to i32
      %sign3A_3709 = arith.subi %sign3A_3705, %sign3A_3708 : i32
      %sign3A_3710 = arith.constant 0 : i32
      %sign3A_3711 = arith.cmpi sgt, %jit3A_3701, %sign3A_3710 : i32
      %sign3A_3712 = arith.extui %sign3A_3711 : i1 to i32
      %sign3A_3713 = arith.constant 0 : i32
      %sign3A_3714 = arith.cmpi slt, %jit3A_3701, %sign3A_3713 : i32
      %sign3A_3715 = arith.extui %sign3A_3714 : i1 to i32
      %sign3A_3716 = arith.subi %sign3A_3712, %sign3A_3715 : i32
      %ne3A_3717 = arith.cmpi ne, %sign3A_3709, %sign3A_3716 : i32
      %rem3A_3718 = arith.remsi %squeeze3A_3699, %jit3A_3701 : i32
      %ne3A_3719 = arith.constant 0 : i32
      %ne3A_3720 = arith.cmpi ne, %rem3A_3718, %ne3A_3719 : i32
      %and3A_3721 = arith.andi %ne3A_3717, %ne3A_3720 : i1
      %sub3A_3722 = arith.constant 1 : i32
      %sub3A_3723 = arith.subi %div3A_3702, %sub3A_3722 : i32
      %select_n3A_3724 = arith.select %and3A_3721, %sub3A_3723, %div3A_3702 : i32
      %mul3A_3725 = arith.constant 128 : i32
      %mul3A_3726 = arith.muli %select_n3A_3724, %mul3A_3725 : i32
      %broadcast_in_dim3A_3727 = vector.broadcast %mul3A_3726 : i32 to vector<16xi32>
      %sub3A_3728 = arith.subi %broadcast_in_dim3A_3700, %broadcast_in_dim3A_3727 : vector<16xi32>
      %iota3A_3729 = tpu.iota {dimensions = array<i32: 0>} : vector<16xi32>
      %add3A_3730 = arith.constant 0 : i32
      %add3A_3731 = vector.broadcast %add3A_3730 : i32 to vector<16xi32>
      %add3A_3732 = arith.addi %iota3A_3729, %add3A_3731 : vector<16xi32>
      %gather3A_3733 = tpu.vector_load_idx %arg10[%add3A_3732, %sub3A_3728] : memref<64x128xf32, #tpu.memory_space<vmem>>[vector<16xi32>, vector<16xi32>], vector<16xf32>,
      %mul3A_3734 = vector.broadcast %scan3A_232 : f32 to vector<16xf32>
      %mul3A_3735 = arith.mulf %gather3A_3733, %mul3A_3734 : vector<16xf32>
      %get3A_3736 = arith.index_cast %add3A_3658 : i32 to index
      %get3A_3737 = arith.constant 0 : index
      %get3A_3738 = tpu.vector_load %arg15[%get3A_3736, %get3A_3737] {strides = array<i32>} : memref<256x128xf32, #tpu.memory_space<vmem>>, vector<16xf32>,
      %add3A_3739 = arith.addf %mul3A_3735, %get3A_3738 : vector<16xf32>
      %mul3A_3740 = arith.constant 64 : i32
      %mul3A_3741 = arith.muli %add3A_3658, %mul3A_3740 : i32
      %add3A_3742 = arith.constant 0 : i32
      %add3A_3743 = arith.addi %mul3A_3741, %add3A_3742 : i32
      %jit3A_3744 = arith.constant 128 : i32
      %div3A_3745 = arith.divsi %add3A_3743, %jit3A_3744 : i32
      %sign3A_3746 = arith.constant 0 : i32
      %sign3A_3747 = arith.cmpi sgt, %add3A_3743, %sign3A_3746 : i32
      %sign3A_3748 = arith.extui %sign3A_3747 : i1 to i32
      %sign3A_3749 = arith.constant 0 : i32
      %sign3A_3750 = arith.cmpi slt, %add3A_3743, %sign3A_3749 : i32
      %sign3A_3751 = arith.extui %sign3A_3750 : i1 to i32
      %sign3A_3752 = arith.subi %sign3A_3748, %sign3A_3751 : i32
      %sign3A_3753 = arith.constant 0 : i32
      %sign3A_3754 = arith.cmpi sgt, %jit3A_3744, %sign3A_3753 : i32
      %sign3A_3755 = arith.extui %sign3A_3754 : i1 to i32
      %sign3A_3756 = arith.constant 0 : i32
      %sign3A_3757 = arith.cmpi slt, %jit3A_3744, %sign3A_3756 : i32
      %sign3A_3758 = arith.extui %sign3A_3757 : i1 to i32
      %sign3A_3759 = arith.subi %sign3A_3755, %sign3A_3758 : i32
      %ne3A_3760 = arith.cmpi ne, %sign3A_3752, %sign3A_3759 : i32
      %rem3A_3761 = arith.remsi %add3A_3743, %jit3A_3744 : i32
      %ne3A_3762 = arith.constant 0 : i32
      %ne3A_3763 = arith.cmpi ne, %rem3A_3761, %ne3A_3762 : i32
      %and3A_3764 = arith.andi %ne3A_3760, %ne3A_3763 : i1
      %sub3A_3765 = arith.constant 1 : i32
      %sub3A_3766 = arith.subi %div3A_3745, %sub3A_3765 : i32
      %select_n3A_3767 = arith.select %and3A_3764, %sub3A_3766, %div3A_3745 : i32
      %jit3A_3768 = arith.constant 128 : i32
      %eq3A_3769 = arith.constant 0 : i32
      %eq3A_3770 = arith.cmpi eq, %jit3A_3768, %eq3A_3769 : i32
      %jit3A_3771 = arith.constant 1 : i32
      %select_n3A_3772 = arith.select %eq3A_3770, %jit3A_3771, %jit3A_3768 : i32
      %rem3A_3773 = arith.remsi %add3A_3743, %select_n3A_3772 : i32
      %ne3A_3774 = arith.constant 0 : i32
      %ne3A_3775 = arith.cmpi ne, %rem3A_3773, %ne3A_3774 : i32
      %lt3A_3776 = arith.constant 0 : i32
      %lt3A_3777 = arith.cmpi slt, %rem3A_3773, %lt3A_3776 : i32
      %lt3A_3778 = arith.constant 0 : i32
      %lt3A_3779 = arith.cmpi slt, %select_n3A_3772, %lt3A_3778 : i32
      %ne3A_3780 = arith.xori %lt3A_3777, %lt3A_3779 : i1
      %and3A_3781 = arith.andi %ne3A_3780, %ne3A_3775 : i1
      %add3A_3782 = arith.addi %rem3A_3773, %select_n3A_3772 : i32
      %select_n3A_3783 = arith.select %and3A_3781, %add3A_3782, %rem3A_3773 : i32
      %swap3A_3784 = arith.index_cast %select_n3A_3767 : i32 to index
      %swap3A_3785 = arith.index_cast %select_n3A_3783 : i32 to index
      %swap3A_3786 = tpu.vector_load %arg16[%swap3A_3784, %swap3A_3785] {strides = array<i32>} : memref<128x128xf32, #tpu.memory_space<vmem>>, vector<16xf32>,
      tpu.vector_store %arg16[%swap3A_3784, %swap3A_3785], %add3A_3739 {strides = array<i32>} : memref<128x128xf32, #tpu.memory_space<vmem>>, vector<16xf32>,
      %iota3A_3787 = tpu.iota {dimensions = array<i32: 0>} : vector<16xi32>
      %add3A_3788 = arith.constant 16 : i32
      %add3A_3789 = vector.broadcast %add3A_3788 : i32 to vector<16xi32>
      %add3A_3790 = arith.addi %iota3A_3787, %add3A_3789 : vector<16xi32>
      %gather3A_3791 = tpu.vector_load_idx %arg10[%add3A_3790, %sub3A_3728] : memref<64x128xf32, #tpu.memory_space<vmem>>[vector<16xi32>, vector<16xi32>], vector<16xf32>,
      %mul3A_3792 = vector.broadcast %scan3A_232 : f32 to vector<16xf32>
      %mul3A_3793 = arith.mulf %gather3A_3791, %mul3A_3792 : vector<16xf32>
      %get3A_3794 = arith.index_cast %add3A_3658 : i32 to index
      %get3A_3795 = arith.constant 16 : index
      %get3A_3796 = tpu.vector_load %arg15[%get3A_3794, %get3A_3795] {strides = array<i32>} : memref<256x128xf32, #tpu.memory_space<vmem>>, vector<16xf32>,
      %add3A_3797 = arith.addf %mul3A_3793, %get3A_3796 : vector<16xf32>
      %mul3A_3798 = arith.constant 64 : i32
      %mul3A_3799 = arith.muli %add3A_3658, %mul3A_3798 : i32
      %add3A_3800 = arith.constant 16 : i32
      %add3A_3801 = arith.addi %mul3A_3799, %add3A_3800 : i32
      %jit3A_3802 = arith.constant 128 : i32
      %div3A_3803 = arith.divsi %add3A_3801, %jit3A_3802 : i32
      %sign3A_3804 = arith.constant 0 : i32
      %sign3A_3805 = arith.cmpi sgt, %add3A_3801, %sign3A_3804 : i32
      %sign3A_3806 = arith.extui %sign3A_3805 : i1 to i32
      %sign3A_3807 = arith.constant 0 : i32
      %sign3A_3808 = arith.cmpi slt, %add3A_3801, %sign3A_3807 : i32
      %sign3A_3809 = arith.extui %sign3A_3808 : i1 to i32
      %sign3A_3810 = arith.subi %sign3A_3806, %sign3A_3809 : i32
      %sign3A_3811 = arith.constant 0 : i32
      %sign3A_3812 = arith.cmpi sgt, %jit3A_3802, %sign3A_3811 : i32
      %sign3A_3813 = arith.extui %sign3A_3812 : i1 to i32
      %sign3A_3814 = arith.constant 0 : i32
      %sign3A_3815 = arith.cmpi slt, %jit3A_3802, %sign3A_3814 : i32
      %sign3A_3816 = arith.extui %sign3A_3815 : i1 to i32
      %sign3A_3817 = arith.subi %sign3A_3813, %sign3A_3816 : i32
      %ne3A_3818 = arith.cmpi ne, %sign3A_3810, %sign3A_3817 : i32
      %rem3A_3819 = arith.remsi %add3A_3801, %jit3A_3802 : i32
      %ne3A_3820 = arith.constant 0 : i32
      %ne3A_3821 = arith.cmpi ne, %rem3A_3819, %ne3A_3820 : i32
      %and3A_3822 = arith.andi %ne3A_3818, %ne3A_3821 : i1
      %sub3A_3823 = arith.constant 1 : i32
      %sub3A_3824 = arith.subi %div3A_3803, %sub3A_3823 : i32
      %select_n3A_3825 = arith.select %and3A_3822, %sub3A_3824, %div3A_3803 : i32
      %jit3A_3826 = arith.constant 128 : i32
      %eq3A_3827 = arith.constant 0 : i32
      %eq3A_3828 = arith.cmpi eq, %jit3A_3826, %eq3A_3827 : i32
      %jit3A_3829 = arith.constant 1 : i32
      %select_n3A_3830 = arith.select %eq3A_3828, %jit3A_3829, %jit3A_3826 : i32
      %rem3A_3831 = arith.remsi %add3A_3801, %select_n3A_3830 : i32
      %ne3A_3832 = arith.constant 0 : i32
      %ne3A_3833 = arith.cmpi ne, %rem3A_3831, %ne3A_3832 : i32
      %lt3A_3834 = arith.constant 0 : i32
      %lt3A_3835 = arith.cmpi slt, %rem3A_3831, %lt3A_3834 : i32
      %lt3A_3836 = arith.constant 0 : i32
      %lt3A_3837 = arith.cmpi slt, %select_n3A_3830, %lt3A_3836 : i32
      %ne3A_3838 = arith.xori %lt3A_3835, %lt3A_3837 : i1
      %and3A_3839 = arith.andi %ne3A_3838, %ne3A_3833 : i1
      %add3A_3840 = arith.addi %rem3A_3831, %select_n3A_3830 : i32
      %select_n3A_3841 = arith.select %and3A_3839, %add3A_3840, %rem3A_3831 : i32
      %swap3A_3842 = arith.index_cast %select_n3A_3825 : i32 to index
      %swap3A_3843 = arith.index_cast %select_n3A_3841 : i32 to index
      %swap3A_3844 = tpu.vector_load %arg16[%swap3A_3842, %swap3A_3843] {strides = array<i32>} : memref<128x128xf32, #tpu.memory_space<vmem>>, vector<16xf32>,
      tpu.vector_store %arg16[%swap3A_3842, %swap3A_3843], %add3A_3797 {strides = array<i32>} : memref<128x128xf32, #tpu.memory_space<vmem>>, vector<16xf32>,
      %iota3A_3845 = tpu.iota {dimensions = array<i32: 0>} : vector<16xi32>
      %add3A_3846 = arith.constant 32 : i32
      %add3A_3847 = vector.broadcast %add3A_3846 : i32 to vector<16xi32>
      %add3A_3848 = arith.addi %iota3A_3845, %add3A_3847 : vector<16xi32>
      %gather3A_3849 = tpu.vector_load_idx %arg10[%add3A_3848, %sub3A_3728] : memref<64x128xf32, #tpu.memory_space<vmem>>[vector<16xi32>, vector<16xi32>], vector<16xf32>,
      %mul3A_3850 = vector.broadcast %scan3A_232 : f32 to vector<16xf32>
      %mul3A_3851 = arith.mulf %gather3A_3849, %mul3A_3850 : vector<16xf32>
      %get3A_3852 = arith.index_cast %add3A_3658 : i32 to index
      %get3A_3853 = arith.constant 32 : index
      %get3A_3854 = tpu.vector_load %arg15[%get3A_3852, %get3A_3853] {strides = array<i32>} : memref<256x128xf32, #tpu.memory_space<vmem>>, vector<16xf32>,
      %add3A_3855 = arith.addf %mul3A_3851, %get3A_3854 : vector<16xf32>
      %mul3A_3856 = arith.constant 64 : i32
      %mul3A_3857 = arith.muli %add3A_3658, %mul3A_3856 : i32
      %add3A_3858 = arith.constant 32 : i32
      %add3A_3859 = arith.addi %mul3A_3857, %add3A_3858 : i32
      %jit3A_3860 = arith.constant 128 : i32
      %div3A_3861 = arith.divsi %add3A_3859, %jit3A_3860 : i32
      %sign3A_3862 = arith.constant 0 : i32
      %sign3A_3863 = arith.cmpi sgt, %add3A_3859, %sign3A_3862 : i32
      %sign3A_3864 = arith.extui %sign3A_3863 : i1 to i32
      %sign3A_3865 = arith.constant 0 : i32
      %sign3A_3866 = arith.cmpi slt, %add3A_3859, %sign3A_3865 : i32
      %sign3A_3867 = arith.extui %sign3A_3866 : i1 to i32
      %sign3A_3868 = arith.subi %sign3A_3864, %sign3A_3867 : i32
      %sign3A_3869 = arith.constant 0 : i32
      %sign3A_3870 = arith.cmpi sgt, %jit3A_3860, %sign3A_3869 : i32
      %sign3A_3871 = arith.extui %sign3A_3870 : i1 to i32
      %sign3A_3872 = arith.constant 0 : i32
      %sign3A_3873 = arith.cmpi slt, %jit3A_3860, %sign3A_3872 : i32
      %sign3A_3874 = arith.extui %sign3A_3873 : i1 to i32
      %sign3A_3875 = arith.subi %sign3A_3871, %sign3A_3874 : i32
      %ne3A_3876 = arith.cmpi ne, %sign3A_3868, %sign3A_3875 : i32
      %rem3A_3877 = arith.remsi %add3A_3859, %jit3A_3860 : i32
      %ne3A_3878 = arith.constant 0 : i32
      %ne3A_3879 = arith.cmpi ne, %rem3A_3877, %ne3A_3878 : i32
      %and3A_3880 = arith.andi %ne3A_3876, %ne3A_3879 : i1
      %sub3A_3881 = arith.constant 1 : i32
      %sub3A_3882 = arith.subi %div3A_3861, %sub3A_3881 : i32
      %select_n3A_3883 = arith.select %and3A_3880, %sub3A_3882, %div3A_3861 : i32
      %jit3A_3884 = arith.constant 128 : i32
      %eq3A_3885 = arith.constant 0 : i32
      %eq3A_3886 = arith.cmpi eq, %jit3A_3884, %eq3A_3885 : i32
      %jit3A_3887 = arith.constant 1 : i32
      %select_n3A_3888 = arith.select %eq3A_3886, %jit3A_3887, %jit3A_3884 : i32
      %rem3A_3889 = arith.remsi %add3A_3859, %select_n3A_3888 : i32
      %ne3A_3890 = arith.constant 0 : i32
      %ne3A_3891 = arith.cmpi ne, %rem3A_3889, %ne3A_3890 : i32
      %lt3A_3892 = arith.constant 0 : i32
      %lt3A_3893 = arith.cmpi slt, %rem3A_3889, %lt3A_3892 : i32
      %lt3A_3894 = arith.constant 0 : i32
      %lt3A_3895 = arith.cmpi slt, %select_n3A_3888, %lt3A_3894 : i32
      %ne3A_3896 = arith.xori %lt3A_3893, %lt3A_3895 : i1
      %and3A_3897 = arith.andi %ne3A_3896, %ne3A_3891 : i1
      %add3A_3898 = arith.addi %rem3A_3889, %select_n3A_3888 : i32
      %select_n3A_3899 = arith.select %and3A_3897, %add3A_3898, %rem3A_3889 : i32
      %swap3A_3900 = arith.index_cast %select_n3A_3883 : i32 to index
      %swap3A_3901 = arith.index_cast %select_n3A_3899 : i32 to index
      %swap3A_3902 = tpu.vector_load %arg16[%swap3A_3900, %swap3A_3901] {strides = array<i32>} : memref<128x128xf32, #tpu.memory_space<vmem>>, vector<16xf32>,
      tpu.vector_store %arg16[%swap3A_3900, %swap3A_3901], %add3A_3855 {strides = array<i32>} : memref<128x128xf32, #tpu.memory_space<vmem>>, vector<16xf32>,
      %iota3A_3903 = tpu.iota {dimensions = array<i32: 0>} : vector<16xi32>
      %add3A_3904 = arith.constant 48 : i32
      %add3A_3905 = vector.broadcast %add3A_3904 : i32 to vector<16xi32>
      %add3A_3906 = arith.addi %iota3A_3903, %add3A_3905 : vector<16xi32>
      %gather3A_3907 = tpu.vector_load_idx %arg10[%add3A_3906, %sub3A_3728] : memref<64x128xf32, #tpu.memory_space<vmem>>[vector<16xi32>, vector<16xi32>], vector<16xf32>,
      %mul3A_3908 = vector.broadcast %scan3A_232 : f32 to vector<16xf32>
      %mul3A_3909 = arith.mulf %gather3A_3907, %mul3A_3908 : vector<16xf32>
      %get3A_3910 = arith.index_cast %add3A_3658 : i32 to index
      %get3A_3911 = arith.constant 48 : index
      %get3A_3912 = tpu.vector_load %arg15[%get3A_3910, %get3A_3911] {strides = array<i32>} : memref<256x128xf32, #tpu.memory_space<vmem>>, vector<16xf32>,
      %add3A_3913 = arith.addf %mul3A_3909, %get3A_3912 : vector<16xf32>
      %mul3A_3914 = arith.constant 64 : i32
      %mul3A_3915 = arith.muli %add3A_3658, %mul3A_3914 : i32
      %add3A_3916 = arith.constant 48 : i32
      %add3A_3917 = arith.addi %mul3A_3915, %add3A_3916 : i32
      %jit3A_3918 = arith.constant 128 : i32
      %div3A_3919 = arith.divsi %add3A_3917, %jit3A_3918 : i32
      %sign3A_3920 = arith.constant 0 : i32
      %sign3A_3921 = arith.cmpi sgt, %add3A_3917, %sign3A_3920 : i32
      %sign3A_3922 = arith.extui %sign3A_3921 : i1 to i32
      %sign3A_3923 = arith.constant 0 : i32
      %sign3A_3924 = arith.cmpi slt, %add3A_3917, %sign3A_3923 : i32
      %sign3A_3925 = arith.extui %sign3A_3924 : i1 to i32
      %sign3A_3926 = arith.subi %sign3A_3922, %sign3A_3925 : i32
      %sign3A_3927 = arith.constant 0 : i32
      %sign3A_3928 = arith.cmpi sgt, %jit3A_3918, %sign3A_3927 : i32
      %sign3A_3929 = arith.extui %sign3A_3928 : i1 to i32
      %sign3A_3930 = arith.constant 0 : i32
      %sign3A_3931 = arith.cmpi slt, %jit3A_3918, %sign3A_3930 : i32
      %sign3A_3932 = arith.extui %sign3A_3931 : i1 to i32
      %sign3A_3933 = arith.subi %sign3A_3929, %sign3A_3932 : i32
      %ne3A_3934 = arith.cmpi ne, %sign3A_3926, %sign3A_3933 : i32
      %rem3A_3935 = arith.remsi %add3A_3917, %jit3A_3918 : i32
      %ne3A_3936 = arith.constant 0 : i32
      %ne3A_3937 = arith.cmpi ne, %rem3A_3935, %ne3A_3936 : i32
      %and3A_3938 = arith.andi %ne3A_3934, %ne3A_3937 : i1
      %sub3A_3939 = arith.constant 1 : i32
      %sub3A_3940 = arith.subi %div3A_3919, %sub3A_3939 : i32
      %select_n3A_3941 = arith.select %and3A_3938, %sub3A_3940, %div3A_3919 : i32
      %jit3A_3942 = arith.constant 128 : i32
      %eq3A_3943 = arith.constant 0 : i32
      %eq3A_3944 = arith.cmpi eq, %jit3A_3942, %eq3A_3943 : i32
      %jit3A_3945 = arith.constant 1 : i32
      %select_n3A_3946 = arith.select %eq3A_3944, %jit3A_3945, %jit3A_3942 : i32
      %rem3A_3947 = arith.remsi %add3A_3917, %select_n3A_3946 : i32
      %ne3A_3948 = arith.constant 0 : i32
      %ne3A_3949 = arith.cmpi ne, %rem3A_3947, %ne3A_3948 : i32
      %lt3A_3950 = arith.constant 0 : i32
      %lt3A_3951 = arith.cmpi slt, %rem3A_3947, %lt3A_3950 : i32
      %lt3A_3952 = arith.constant 0 : i32
      %lt3A_3953 = arith.cmpi slt, %select_n3A_3946, %lt3A_3952 : i32
      %ne3A_3954 = arith.xori %lt3A_3951, %lt3A_3953 : i1
      %and3A_3955 = arith.andi %ne3A_3954, %ne3A_3949 : i1
      %add3A_3956 = arith.addi %rem3A_3947, %select_n3A_3946 : i32
      %select_n3A_3957 = arith.select %and3A_3955, %add3A_3956, %rem3A_3947 : i32
      %swap3A_3958 = arith.index_cast %select_n3A_3941 : i32 to index
      %swap3A_3959 = arith.index_cast %select_n3A_3957 : i32 to index
      %swap3A_3960 = tpu.vector_load %arg16[%swap3A_3958, %swap3A_3959] {strides = array<i32>} : memref<128x128xf32, #tpu.memory_space<vmem>>, vector<16xf32>,
      tpu.vector_store %arg16[%swap3A_3958, %swap3A_3959], %add3A_3913 {strides = array<i32>} : memref<128x128xf32, #tpu.memory_space<vmem>>, vector<16xf32>,
      %mul3A_3961 = arith.constant 16 : i32
      %mul3A_3962 = arith.muli %scan3A_282, %mul3A_3961 : i32
      %add3A_3963 = arith.constant 12 : i32
      %add3A_3964 = arith.addi %mul3A_3962, %add3A_3963 : i32
      %slice3A_3965 = vector.extract_strided_slice %get3A_294 {offsets = [3], sizes = [1], strides = [1]} : vector<16xi32> to vector<1xi32>
      %squeeze3A_3966 = vector.extract %slice3A_3965[0] : i32 from vector<1xi32>
      %jit3A_3967 = arith.constant 128 : i32
      %div3A_3968 = arith.divsi %squeeze3A_3966, %jit3A_3967 : i32
      %sign3A_3969 = arith.constant 0 : i32
      %sign3A_3970 = arith.cmpi sgt, %squeeze3A_3966, %sign3A_3969 : i32
      %sign3A_3971 = arith.extui %sign3A_3970 : i1 to i32
      %sign3A_3972 = arith.constant 0 : i32
      %sign3A_3973 = arith.cmpi slt, %squeeze3A_3966, %sign3A_3972 : i32
      %sign3A_3974 = arith.extui %sign3A_3973 : i1 to i32
      %sign3A_3975 = arith.subi %sign3A_3971, %sign3A_3974 : i32
      %sign3A_3976 = arith.constant 0 : i32
      %sign3A_3977 = arith.cmpi sgt, %jit3A_3967, %sign3A_3976 : i32
      %sign3A_3978 = arith.extui %sign3A_3977 : i1 to i32
      %sign3A_3979 = arith.constant 0 : i32
      %sign3A_3980 = arith.cmpi slt, %jit3A_3967, %sign3A_3979 : i32
      %sign3A_3981 = arith.extui %sign3A_3980 : i1 to i32
      %sign3A_3982 = arith.subi %sign3A_3978, %sign3A_3981 : i32
      %ne3A_3983 = arith.cmpi ne, %sign3A_3975, %sign3A_3982 : i32
      %rem3A_3984 = arith.remsi %squeeze3A_3966, %jit3A_3967 : i32
      %ne3A_3985 = arith.constant 0 : i32
      %ne3A_3986 = arith.cmpi ne, %rem3A_3984, %ne3A_3985 : i32
      %and3A_3987 = arith.andi %ne3A_3983, %ne3A_3986 : i1
      %sub3A_3988 = arith.constant 1 : i32
      %sub3A_3989 = arith.subi %div3A_3968, %sub3A_3988 : i32
      %select_n3A_3990 = arith.select %and3A_3987, %sub3A_3989, %div3A_3968 : i32
      %mul3A_3991 = arith.constant 128 : i32
      %mul3A_3992 = arith.muli %select_n3A_3990, %mul3A_3991 : i32
      %multiple_of3A_3993 = tpu.assume_multiple %mul3A_3992, 128 : i32
      %dma_start3A_3994 = arith.constant 0 : i32
      %dma_start3A_3995 = tpu.memref_slice %arg2[%dma_start3A_3994, %multiple_of3A_3993] : memref<64x1000000xf32, #tpu.memory_space<hbm>> -> memref<64x128xf32, #tpu.memory_space<hbm>>
      %dma_start3A_3996 = arith.constant 0 : i32
      %dma_start3A_3997 = tpu.memref_slice %arg2[%dma_start3A_3996, %multiple_of3A_3993] : memref<64x1000000xf32, #tpu.memory_space<hbm>> -> memref<64x128xf32, #tpu.memory_space<hbm>>
      tpu.enqueue_dma source(%dma_start3A_3997 : memref<64x128xf32, #tpu.memory_space<hbm>>) target(%arg10 : memref<64x128xf32, #tpu.memory_space<vmem>>) target_semaphore(%arg20 : memref<!tpu.dma_semaphore, #tpu.memory_space<semaphore_mem>>)
      %dma_wait3A_3998 = arith.constant 0 : i32
      %dma_wait3A_3999 = arith.constant 0 : i32
      %dma_wait3A_4000 = tpu.memref_slice %arg2[%dma_wait3A_3998, %dma_wait3A_3999] : memref<64x1000000xf32, #tpu.memory_space<hbm>> -> memref<64x128xf32, #tpu.memory_space<hbm>>
      %dma_wait3A_4001 = arith.constant 0 : i32
      %dma_wait3A_4002 = arith.constant 0 : i32
      %dma_wait3A_4003 = tpu.memref_slice %arg2[%dma_wait3A_4001, %dma_wait3A_4002] : memref<64x1000000xf32, #tpu.memory_space<hbm>> -> memref<64x128xf32, #tpu.memory_space<hbm>>
      tpu.wait_dma2 semaphore(%arg21 : memref<!tpu.dma_semaphore, #tpu.memory_space<semaphore_mem>>) src(%dma_wait3A_4003 : memref<64x128xf32, #tpu.memory_space<hbm>>) dst(%arg11 : memref<64x128xf32, #tpu.memory_space<vmem>>)
      %slice3A_4004 = vector.extract_strided_slice %get3A_286 {offsets = [12], sizes = [1], strides = [1]} : vector<16xi32> to vector<1xi32>
      %squeeze3A_4005 = vector.extract %slice3A_4004[0] : i32 from vector<1xi32>
      %broadcast_in_dim3A_4006 = vector.broadcast %squeeze3A_4005 : i32 to vector<16xi32>
      %jit3A_4007 = arith.constant 128 : i32
      %div3A_4008 = arith.divsi %squeeze3A_4005, %jit3A_4007 : i32
      %sign3A_4009 = arith.constant 0 : i32
      %sign3A_4010 = arith.cmpi sgt, %squeeze3A_4005, %sign3A_4009 : i32
      %sign3A_4011 = arith.extui %sign3A_4010 : i1 to i32
      %sign3A_4012 = arith.constant 0 : i32
      %sign3A_4013 = arith.cmpi slt, %squeeze3A_4005, %sign3A_4012 : i32
      %sign3A_4014 = arith.extui %sign3A_4013 : i1 to i32
      %sign3A_4015 = arith.subi %sign3A_4011, %sign3A_4014 : i32
      %sign3A_4016 = arith.constant 0 : i32
      %sign3A_4017 = arith.cmpi sgt, %jit3A_4007, %sign3A_4016 : i32
      %sign3A_4018 = arith.extui %sign3A_4017 : i1 to i32
      %sign3A_4019 = arith.constant 0 : i32
      %sign3A_4020 = arith.cmpi slt, %jit3A_4007, %sign3A_4019 : i32
      %sign3A_4021 = arith.extui %sign3A_4020 : i1 to i32
      %sign3A_4022 = arith.subi %sign3A_4018, %sign3A_4021 : i32
      %ne3A_4023 = arith.cmpi ne, %sign3A_4015, %sign3A_4022 : i32
      %rem3A_4024 = arith.remsi %squeeze3A_4005, %jit3A_4007 : i32
      %ne3A_4025 = arith.constant 0 : i32
      %ne3A_4026 = arith.cmpi ne, %rem3A_4024, %ne3A_4025 : i32
      %and3A_4027 = arith.andi %ne3A_4023, %ne3A_4026 : i1
      %sub3A_4028 = arith.constant 1 : i32
      %sub3A_4029 = arith.subi %div3A_4008, %sub3A_4028 : i32
      %select_n3A_4030 = arith.select %and3A_4027, %sub3A_4029, %div3A_4008 : i32
      %mul3A_4031 = arith.constant 128 : i32
      %mul3A_4032 = arith.muli %select_n3A_4030, %mul3A_4031 : i32
      %broadcast_in_dim3A_4033 = vector.broadcast %mul3A_4032 : i32 to vector<16xi32>
      %sub3A_4034 = arith.subi %broadcast_in_dim3A_4006, %broadcast_in_dim3A_4033 : vector<16xi32>
      %iota3A_4035 = tpu.iota {dimensions = array<i32: 0>} : vector<16xi32>
      %add3A_4036 = arith.constant 0 : i32
      %add3A_4037 = vector.broadcast %add3A_4036 : i32 to vector<16xi32>
      %add3A_4038 = arith.addi %iota3A_4035, %add3A_4037 : vector<16xi32>
      %gather3A_4039 = tpu.vector_load_idx %arg11[%add3A_4038, %sub3A_4034] : memref<64x128xf32, #tpu.memory_space<vmem>>[vector<16xi32>, vector<16xi32>], vector<16xf32>,
      %mul3A_4040 = vector.broadcast %scan3A_232 : f32 to vector<16xf32>
      %mul3A_4041 = arith.mulf %gather3A_4039, %mul3A_4040 : vector<16xf32>
      %get3A_4042 = arith.index_cast %add3A_3964 : i32 to index
      %get3A_4043 = arith.constant 0 : index
      %get3A_4044 = tpu.vector_load %arg15[%get3A_4042, %get3A_4043] {strides = array<i32>} : memref<256x128xf32, #tpu.memory_space<vmem>>, vector<16xf32>,
      %add3A_4045 = arith.addf %mul3A_4041, %get3A_4044 : vector<16xf32>
      %mul3A_4046 = arith.constant 64 : i32
      %mul3A_4047 = arith.muli %add3A_3964, %mul3A_4046 : i32
      %add3A_4048 = arith.constant 0 : i32
      %add3A_4049 = arith.addi %mul3A_4047, %add3A_4048 : i32
      %jit3A_4050 = arith.constant 128 : i32
      %div3A_4051 = arith.divsi %add3A_4049, %jit3A_4050 : i32
      %sign3A_4052 = arith.constant 0 : i32
      %sign3A_4053 = arith.cmpi sgt, %add3A_4049, %sign3A_4052 : i32
      %sign3A_4054 = arith.extui %sign3A_4053 : i1 to i32
      %sign3A_4055 = arith.constant 0 : i32
      %sign3A_4056 = arith.cmpi slt, %add3A_4049, %sign3A_4055 : i32
      %sign3A_4057 = arith.extui %sign3A_4056 : i1 to i32
      %sign3A_4058 = arith.subi %sign3A_4054, %sign3A_4057 : i32
      %sign3A_4059 = arith.constant 0 : i32
      %sign3A_4060 = arith.cmpi sgt, %jit3A_4050, %sign3A_4059 : i32
      %sign3A_4061 = arith.extui %sign3A_4060 : i1 to i32
      %sign3A_4062 = arith.constant 0 : i32
      %sign3A_4063 = arith.cmpi slt, %jit3A_4050, %sign3A_4062 : i32
      %sign3A_4064 = arith.extui %sign3A_4063 : i1 to i32
      %sign3A_4065 = arith.subi %sign3A_4061, %sign3A_4064 : i32
      %ne3A_4066 = arith.cmpi ne, %sign3A_4058, %sign3A_4065 : i32
      %rem3A_4067 = arith.remsi %add3A_4049, %jit3A_4050 : i32
      %ne3A_4068 = arith.constant 0 : i32
      %ne3A_4069 = arith.cmpi ne, %rem3A_4067, %ne3A_4068 : i32
      %and3A_4070 = arith.andi %ne3A_4066, %ne3A_4069 : i1
      %sub3A_4071 = arith.constant 1 : i32
      %sub3A_4072 = arith.subi %div3A_4051, %sub3A_4071 : i32
      %select_n3A_4073 = arith.select %and3A_4070, %sub3A_4072, %div3A_4051 : i32
      %jit3A_4074 = arith.constant 128 : i32
      %eq3A_4075 = arith.constant 0 : i32
      %eq3A_4076 = arith.cmpi eq, %jit3A_4074, %eq3A_4075 : i32
      %jit3A_4077 = arith.constant 1 : i32
      %select_n3A_4078 = arith.select %eq3A_4076, %jit3A_4077, %jit3A_4074 : i32
      %rem3A_4079 = arith.remsi %add3A_4049, %select_n3A_4078 : i32
      %ne3A_4080 = arith.constant 0 : i32
      %ne3A_4081 = arith.cmpi ne, %rem3A_4079, %ne3A_4080 : i32
      %lt3A_4082 = arith.constant 0 : i32
      %lt3A_4083 = arith.cmpi slt, %rem3A_4079, %lt3A_4082 : i32
      %lt3A_4084 = arith.constant 0 : i32
      %lt3A_4085 = arith.cmpi slt, %select_n3A_4078, %lt3A_4084 : i32
      %ne3A_4086 = arith.xori %lt3A_4083, %lt3A_4085 : i1
      %and3A_4087 = arith.andi %ne3A_4086, %ne3A_4081 : i1
      %add3A_4088 = arith.addi %rem3A_4079, %select_n3A_4078 : i32
      %select_n3A_4089 = arith.select %and3A_4087, %add3A_4088, %rem3A_4079 : i32
      %swap3A_4090 = arith.index_cast %select_n3A_4073 : i32 to index
      %swap3A_4091 = arith.index_cast %select_n3A_4089 : i32 to index
      %swap3A_4092 = tpu.vector_load %arg16[%swap3A_4090, %swap3A_4091] {strides = array<i32>} : memref<128x128xf32, #tpu.memory_space<vmem>>, vector<16xf32>,
      tpu.vector_store %arg16[%swap3A_4090, %swap3A_4091], %add3A_4045 {strides = array<i32>} : memref<128x128xf32, #tpu.memory_space<vmem>>, vector<16xf32>,
      %iota3A_4093 = tpu.iota {dimensions = array<i32: 0>} : vector<16xi32>
      %add3A_4094 = arith.constant 16 : i32
      %add3A_4095 = vector.broadcast %add3A_4094 : i32 to vector<16xi32>
      %add3A_4096 = arith.addi %iota3A_4093, %add3A_4095 : vector<16xi32>
      %gather3A_4097 = tpu.vector_load_idx %arg11[%add3A_4096, %sub3A_4034] : memref<64x128xf32, #tpu.memory_space<vmem>>[vector<16xi32>, vector<16xi32>], vector<16xf32>,
      %mul3A_4098 = vector.broadcast %scan3A_232 : f32 to vector<16xf32>
      %mul3A_4099 = arith.mulf %gather3A_4097, %mul3A_4098 : vector<16xf32>
      %get3A_4100 = arith.index_cast %add3A_3964 : i32 to index
      %get3A_4101 = arith.constant 16 : index
      %get3A_4102 = tpu.vector_load %arg15[%get3A_4100, %get3A_4101] {strides = array<i32>} : memref<256x128xf32, #tpu.memory_space<vmem>>, vector<16xf32>,
      %add3A_4103 = arith.addf %mul3A_4099, %get3A_4102 : vector<16xf32>
      %mul3A_4104 = arith.constant 64 : i32
      %mul3A_4105 = arith.muli %add3A_3964, %mul3A_4104 : i32
      %add3A_4106 = arith.constant 16 : i32
      %add3A_4107 = arith.addi %mul3A_4105, %add3A_4106 : i32
      %jit3A_4108 = arith.constant 128 : i32
      %div3A_4109 = arith.divsi %add3A_4107, %jit3A_4108 : i32
      %sign3A_4110 = arith.constant 0 : i32
      %sign3A_4111 = arith.cmpi sgt, %add3A_4107, %sign3A_4110 : i32
      %sign3A_4112 = arith.extui %sign3A_4111 : i1 to i32
      %sign3A_4113 = arith.constant 0 : i32
      %sign3A_4114 = arith.cmpi slt, %add3A_4107, %sign3A_4113 : i32
      %sign3A_4115 = arith.extui %sign3A_4114 : i1 to i32
      %sign3A_4116 = arith.subi %sign3A_4112, %sign3A_4115 : i32
      %sign3A_4117 = arith.constant 0 : i32
      %sign3A_4118 = arith.cmpi sgt, %jit3A_4108, %sign3A_4117 : i32
      %sign3A_4119 = arith.extui %sign3A_4118 : i1 to i32
      %sign3A_4120 = arith.constant 0 : i32
      %sign3A_4121 = arith.cmpi slt, %jit3A_4108, %sign3A_4120 : i32
      %sign3A_4122 = arith.extui %sign3A_4121 : i1 to i32
      %sign3A_4123 = arith.subi %sign3A_4119, %sign3A_4122 : i32
      %ne3A_4124 = arith.cmpi ne, %sign3A_4116, %sign3A_4123 : i32
      %rem3A_4125 = arith.remsi %add3A_4107, %jit3A_4108 : i32
      %ne3A_4126 = arith.constant 0 : i32
      %ne3A_4127 = arith.cmpi ne, %rem3A_4125, %ne3A_4126 : i32
      %and3A_4128 = arith.andi %ne3A_4124, %ne3A_4127 : i1
      %sub3A_4129 = arith.constant 1 : i32
      %sub3A_4130 = arith.subi %div3A_4109, %sub3A_4129 : i32
      %select_n3A_4131 = arith.select %and3A_4128, %sub3A_4130, %div3A_4109 : i32
      %jit3A_4132 = arith.constant 128 : i32
      %eq3A_4133 = arith.constant 0 : i32
      %eq3A_4134 = arith.cmpi eq, %jit3A_4132, %eq3A_4133 : i32
      %jit3A_4135 = arith.constant 1 : i32
      %select_n3A_4136 = arith.select %eq3A_4134, %jit3A_4135, %jit3A_4132 : i32
      %rem3A_4137 = arith.remsi %add3A_4107, %select_n3A_4136 : i32
      %ne3A_4138 = arith.constant 0 : i32
      %ne3A_4139 = arith.cmpi ne, %rem3A_4137, %ne3A_4138 : i32
      %lt3A_4140 = arith.constant 0 : i32
      %lt3A_4141 = arith.cmpi slt, %rem3A_4137, %lt3A_4140 : i32
      %lt3A_4142 = arith.constant 0 : i32
      %lt3A_4143 = arith.cmpi slt, %select_n3A_4136, %lt3A_4142 : i32
      %ne3A_4144 = arith.xori %lt3A_4141, %lt3A_4143 : i1
      %and3A_4145 = arith.andi %ne3A_4144, %ne3A_4139 : i1
      %add3A_4146 = arith.addi %rem3A_4137, %select_n3A_4136 : i32
      %select_n3A_4147 = arith.select %and3A_4145, %add3A_4146, %rem3A_4137 : i32
      %swap3A_4148 = arith.index_cast %select_n3A_4131 : i32 to index
      %swap3A_4149 = arith.index_cast %select_n3A_4147 : i32 to index
      %swap3A_4150 = tpu.vector_load %arg16[%swap3A_4148, %swap3A_4149] {strides = array<i32>} : memref<128x128xf32, #tpu.memory_space<vmem>>, vector<16xf32>,
      tpu.vector_store %arg16[%swap3A_4148, %swap3A_4149], %add3A_4103 {strides = array<i32>} : memref<128x128xf32, #tpu.memory_space<vmem>>, vector<16xf32>,
      %iota3A_4151 = tpu.iota {dimensions = array<i32: 0>} : vector<16xi32>
      %add3A_4152 = arith.constant 32 : i32
      %add3A_4153 = vector.broadcast %add3A_4152 : i32 to vector<16xi32>
      %add3A_4154 = arith.addi %iota3A_4151, %add3A_4153 : vector<16xi32>
      %gather3A_4155 = tpu.vector_load_idx %arg11[%add3A_4154, %sub3A_4034] : memref<64x128xf32, #tpu.memory_space<vmem>>[vector<16xi32>, vector<16xi32>], vector<16xf32>,
      %mul3A_4156 = vector.broadcast %scan3A_232 : f32 to vector<16xf32>
      %mul3A_4157 = arith.mulf %gather3A_4155, %mul3A_4156 : vector<16xf32>
      %get3A_4158 = arith.index_cast %add3A_3964 : i32 to index
      %get3A_4159 = arith.constant 32 : index
      %get3A_4160 = tpu.vector_load %arg15[%get3A_4158, %get3A_4159] {strides = array<i32>} : memref<256x128xf32, #tpu.memory_space<vmem>>, vector<16xf32>,
      %add3A_4161 = arith.addf %mul3A_4157, %get3A_4160 : vector<16xf32>
      %mul3A_4162 = arith.constant 64 : i32
      %mul3A_4163 = arith.muli %add3A_3964, %mul3A_4162 : i32
      %add3A_4164 = arith.constant 32 : i32
      %add3A_4165 = arith.addi %mul3A_4163, %add3A_4164 : i32
      %jit3A_4166 = arith.constant 128 : i32
      %div3A_4167 = arith.divsi %add3A_4165, %jit3A_4166 : i32
      %sign3A_4168 = arith.constant 0 : i32
      %sign3A_4169 = arith.cmpi sgt, %add3A_4165, %sign3A_4168 : i32
      %sign3A_4170 = arith.extui %sign3A_4169 : i1 to i32
      %sign3A_4171 = arith.constant 0 : i32
      %sign3A_4172 = arith.cmpi slt, %add3A_4165, %sign3A_4171 : i32
      %sign3A_4173 = arith.extui %sign3A_4172 : i1 to i32
      %sign3A_4174 = arith.subi %sign3A_4170, %sign3A_4173 : i32
      %sign3A_4175 = arith.constant 0 : i32
      %sign3A_4176 = arith.cmpi sgt, %jit3A_4166, %sign3A_4175 : i32
      %sign3A_4177 = arith.extui %sign3A_4176 : i1 to i32
      %sign3A_4178 = arith.constant 0 : i32
      %sign3A_4179 = arith.cmpi slt, %jit3A_4166, %sign3A_4178 : i32
      %sign3A_4180 = arith.extui %sign3A_4179 : i1 to i32
      %sign3A_4181 = arith.subi %sign3A_4177, %sign3A_4180 : i32
      %ne3A_4182 = arith.cmpi ne, %sign3A_4174, %sign3A_4181 : i32
      %rem3A_4183 = arith.remsi %add3A_4165, %jit3A_4166 : i32
      %ne3A_4184 = arith.constant 0 : i32
      %ne3A_4185 = arith.cmpi ne, %rem3A_4183, %ne3A_4184 : i32
      %and3A_4186 = arith.andi %ne3A_4182, %ne3A_4185 : i1
      %sub3A_4187 = arith.constant 1 : i32
      %sub3A_4188 = arith.subi %div3A_4167, %sub3A_4187 : i32
      %select_n3A_4189 = arith.select %and3A_4186, %sub3A_4188, %div3A_4167 : i32
      %jit3A_4190 = arith.constant 128 : i32
      %eq3A_4191 = arith.constant 0 : i32
      %eq3A_4192 = arith.cmpi eq, %jit3A_4190, %eq3A_4191 : i32
      %jit3A_4193 = arith.constant 1 : i32
      %select_n3A_4194 = arith.select %eq3A_4192, %jit3A_4193, %jit3A_4190 : i32
      %rem3A_4195 = arith.remsi %add3A_4165, %select_n3A_4194 : i32
      %ne3A_4196 = arith.constant 0 : i32
      %ne3A_4197 = arith.cmpi ne, %rem3A_4195, %ne3A_4196 : i32
      %lt3A_4198 = arith.constant 0 : i32
      %lt3A_4199 = arith.cmpi slt, %rem3A_4195, %lt3A_4198 : i32
      %lt3A_4200 = arith.constant 0 : i32
      %lt3A_4201 = arith.cmpi slt, %select_n3A_4194, %lt3A_4200 : i32
      %ne3A_4202 = arith.xori %lt3A_4199, %lt3A_4201 : i1
      %and3A_4203 = arith.andi %ne3A_4202, %ne3A_4197 : i1
      %add3A_4204 = arith.addi %rem3A_4195, %select_n3A_4194 : i32
      %select_n3A_4205 = arith.select %and3A_4203, %add3A_4204, %rem3A_4195 : i32
      %swap3A_4206 = arith.index_cast %select_n3A_4189 : i32 to index
      %swap3A_4207 = arith.index_cast %select_n3A_4205 : i32 to index
      %swap3A_4208 = tpu.vector_load %arg16[%swap3A_4206, %swap3A_4207] {strides = array<i32>} : memref<128x128xf32, #tpu.memory_space<vmem>>, vector<16xf32>,
      tpu.vector_store %arg16[%swap3A_4206, %swap3A_4207], %add3A_4161 {strides = array<i32>} : memref<128x128xf32, #tpu.memory_space<vmem>>, vector<16xf32>,
      %iota3A_4209 = tpu.iota {dimensions = array<i32: 0>} : vector<16xi32>
      %add3A_4210 = arith.constant 48 : i32
      %add3A_4211 = vector.broadcast %add3A_4210 : i32 to vector<16xi32>
      %add3A_4212 = arith.addi %iota3A_4209, %add3A_4211 : vector<16xi32>
      %gather3A_4213 = tpu.vector_load_idx %arg11[%add3A_4212, %sub3A_4034] : memref<64x128xf32, #tpu.memory_space<vmem>>[vector<16xi32>, vector<16xi32>], vector<16xf32>,
      %mul3A_4214 = vector.broadcast %scan3A_232 : f32 to vector<16xf32>
      %mul3A_4215 = arith.mulf %gather3A_4213, %mul3A_4214 : vector<16xf32>
      %get3A_4216 = arith.index_cast %add3A_3964 : i32 to index
      %get3A_4217 = arith.constant 48 : index
      %get3A_4218 = tpu.vector_load %arg15[%get3A_4216, %get3A_4217] {strides = array<i32>} : memref<256x128xf32, #tpu.memory_space<vmem>>, vector<16xf32>,
      %add3A_4219 = arith.addf %mul3A_4215, %get3A_4218 : vector<16xf32>
      %mul3A_4220 = arith.constant 64 : i32
      %mul3A_4221 = arith.muli %add3A_3964, %mul3A_4220 : i32
      %add3A_4222 = arith.constant 48 : i32
      %add3A_4223 = arith.addi %mul3A_4221, %add3A_4222 : i32
      %jit3A_4224 = arith.constant 128 : i32
      %div3A_4225 = arith.divsi %add3A_4223, %jit3A_4224 : i32
      %sign3A_4226 = arith.constant 0 : i32
      %sign3A_4227 = arith.cmpi sgt, %add3A_4223, %sign3A_4226 : i32
      %sign3A_4228 = arith.extui %sign3A_4227 : i1 to i32
      %sign3A_4229 = arith.constant 0 : i32
      %sign3A_4230 = arith.cmpi slt, %add3A_4223, %sign3A_4229 : i32
      %sign3A_4231 = arith.extui %sign3A_4230 : i1 to i32
      %sign3A_4232 = arith.subi %sign3A_4228, %sign3A_4231 : i32
      %sign3A_4233 = arith.constant 0 : i32
      %sign3A_4234 = arith.cmpi sgt, %jit3A_4224, %sign3A_4233 : i32
      %sign3A_4235 = arith.extui %sign3A_4234 : i1 to i32
      %sign3A_4236 = arith.constant 0 : i32
      %sign3A_4237 = arith.cmpi slt, %jit3A_4224, %sign3A_4236 : i32
      %sign3A_4238 = arith.extui %sign3A_4237 : i1 to i32
      %sign3A_4239 = arith.subi %sign3A_4235, %sign3A_4238 : i32
      %ne3A_4240 = arith.cmpi ne, %sign3A_4232, %sign3A_4239 : i32
      %rem3A_4241 = arith.remsi %add3A_4223, %jit3A_4224 : i32
      %ne3A_4242 = arith.constant 0 : i32
      %ne3A_4243 = arith.cmpi ne, %rem3A_4241, %ne3A_4242 : i32
      %and3A_4244 = arith.andi %ne3A_4240, %ne3A_4243 : i1
      %sub3A_4245 = arith.constant 1 : i32
      %sub3A_4246 = arith.subi %div3A_4225, %sub3A_4245 : i32
      %select_n3A_4247 = arith.select %and3A_4244, %sub3A_4246, %div3A_4225 : i32
      %jit3A_4248 = arith.constant 128 : i32
      %eq3A_4249 = arith.constant 0 : i32
      %eq3A_4250 = arith.cmpi eq, %jit3A_4248, %eq3A_4249 : i32
      %jit3A_4251 = arith.constant 1 : i32
      %select_n3A_4252 = arith.select %eq3A_4250, %jit3A_4251, %jit3A_4248 : i32
      %rem3A_4253 = arith.remsi %add3A_4223, %select_n3A_4252 : i32
      %ne3A_4254 = arith.constant 0 : i32
      %ne3A_4255 = arith.cmpi ne, %rem3A_4253, %ne3A_4254 : i32
      %lt3A_4256 = arith.constant 0 : i32
      %lt3A_4257 = arith.cmpi slt, %rem3A_4253, %lt3A_4256 : i32
      %lt3A_4258 = arith.constant 0 : i32
      %lt3A_4259 = arith.cmpi slt, %select_n3A_4252, %lt3A_4258 : i32
      %ne3A_4260 = arith.xori %lt3A_4257, %lt3A_4259 : i1
      %and3A_4261 = arith.andi %ne3A_4260, %ne3A_4255 : i1
      %add3A_4262 = arith.addi %rem3A_4253, %select_n3A_4252 : i32
      %select_n3A_4263 = arith.select %and3A_4261, %add3A_4262, %rem3A_4253 : i32
      %swap3A_4264 = arith.index_cast %select_n3A_4247 : i32 to index
      %swap3A_4265 = arith.index_cast %select_n3A_4263 : i32 to index
      %swap3A_4266 = tpu.vector_load %arg16[%swap3A_4264, %swap3A_4265] {strides = array<i32>} : memref<128x128xf32, #tpu.memory_space<vmem>>, vector<16xf32>,
      tpu.vector_store %arg16[%swap3A_4264, %swap3A_4265], %add3A_4219 {strides = array<i32>} : memref<128x128xf32, #tpu.memory_space<vmem>>, vector<16xf32>,
      %mul3A_4267 = arith.constant 16 : i32
      %mul3A_4268 = arith.muli %scan3A_282, %mul3A_4267 : i32
      %add3A_4269 = arith.constant 13 : i32
      %add3A_4270 = arith.addi %mul3A_4268, %add3A_4269 : i32
      %slice3A_4271 = vector.extract_strided_slice %get3A_294 {offsets = [4], sizes = [1], strides = [1]} : vector<16xi32> to vector<1xi32>
      %squeeze3A_4272 = vector.extract %slice3A_4271[0] : i32 from vector<1xi32>
      %jit3A_4273 = arith.constant 128 : i32
      %div3A_4274 = arith.divsi %squeeze3A_4272, %jit3A_4273 : i32
      %sign3A_4275 = arith.constant 0 : i32
      %sign3A_4276 = arith.cmpi sgt, %squeeze3A_4272, %sign3A_4275 : i32
      %sign3A_4277 = arith.extui %sign3A_4276 : i1 to i32
      %sign3A_4278 = arith.constant 0 : i32
      %sign3A_4279 = arith.cmpi slt, %squeeze3A_4272, %sign3A_4278 : i32
      %sign3A_4280 = arith.extui %sign3A_4279 : i1 to i32
      %sign3A_4281 = arith.subi %sign3A_4277, %sign3A_4280 : i32
      %sign3A_4282 = arith.constant 0 : i32
      %sign3A_4283 = arith.cmpi sgt, %jit3A_4273, %sign3A_4282 : i32
      %sign3A_4284 = arith.extui %sign3A_4283 : i1 to i32
      %sign3A_4285 = arith.constant 0 : i32
      %sign3A_4286 = arith.cmpi slt, %jit3A_4273, %sign3A_4285 : i32
      %sign3A_4287 = arith.extui %sign3A_4286 : i1 to i32
      %sign3A_4288 = arith.subi %sign3A_4284, %sign3A_4287 : i32
      %ne3A_4289 = arith.cmpi ne, %sign3A_4281, %sign3A_4288 : i32
      %rem3A_4290 = arith.remsi %squeeze3A_4272, %jit3A_4273 : i32
      %ne3A_4291 = arith.constant 0 : i32
      %ne3A_4292 = arith.cmpi ne, %rem3A_4290, %ne3A_4291 : i32
      %and3A_4293 = arith.andi %ne3A_4289, %ne3A_4292 : i1
      %sub3A_4294 = arith.constant 1 : i32
      %sub3A_4295 = arith.subi %div3A_4274, %sub3A_4294 : i32
      %select_n3A_4296 = arith.select %and3A_4293, %sub3A_4295, %div3A_4274 : i32
      %mul3A_4297 = arith.constant 128 : i32
      %mul3A_4298 = arith.muli %select_n3A_4296, %mul3A_4297 : i32
      %multiple_of3A_4299 = tpu.assume_multiple %mul3A_4298, 128 : i32
      %dma_start3A_4300 = arith.constant 0 : i32
      %dma_start3A_4301 = tpu.memref_slice %arg2[%dma_start3A_4300, %multiple_of3A_4299] : memref<64x1000000xf32, #tpu.memory_space<hbm>> -> memref<64x128xf32, #tpu.memory_space<hbm>>
      %dma_start3A_4302 = arith.constant 0 : i32
      %dma_start3A_4303 = tpu.memref_slice %arg2[%dma_start3A_4302, %multiple_of3A_4299] : memref<64x1000000xf32, #tpu.memory_space<hbm>> -> memref<64x128xf32, #tpu.memory_space<hbm>>
      tpu.enqueue_dma source(%dma_start3A_4303 : memref<64x128xf32, #tpu.memory_space<hbm>>) target(%arg11 : memref<64x128xf32, #tpu.memory_space<vmem>>) target_semaphore(%arg21 : memref<!tpu.dma_semaphore, #tpu.memory_space<semaphore_mem>>)
      %dma_wait3A_4304 = arith.constant 0 : i32
      %dma_wait3A_4305 = arith.constant 0 : i32
      %dma_wait3A_4306 = tpu.memref_slice %arg2[%dma_wait3A_4304, %dma_wait3A_4305] : memref<64x1000000xf32, #tpu.memory_space<hbm>> -> memref<64x128xf32, #tpu.memory_space<hbm>>
      %dma_wait3A_4307 = arith.constant 0 : i32
      %dma_wait3A_4308 = arith.constant 0 : i32
      %dma_wait3A_4309 = tpu.memref_slice %arg2[%dma_wait3A_4307, %dma_wait3A_4308] : memref<64x1000000xf32, #tpu.memory_space<hbm>> -> memref<64x128xf32, #tpu.memory_space<hbm>>
      tpu.wait_dma2 semaphore(%arg22 : memref<!tpu.dma_semaphore, #tpu.memory_space<semaphore_mem>>) src(%dma_wait3A_4309 : memref<64x128xf32, #tpu.memory_space<hbm>>) dst(%arg12 : memref<64x128xf32, #tpu.memory_space<vmem>>)
      %slice3A_4310 = vector.extract_strided_slice %get3A_286 {offsets = [13], sizes = [1], strides = [1]} : vector<16xi32> to vector<1xi32>
      %squeeze3A_4311 = vector.extract %slice3A_4310[0] : i32 from vector<1xi32>
      %broadcast_in_dim3A_4312 = vector.broadcast %squeeze3A_4311 : i32 to vector<16xi32>
      %jit3A_4313 = arith.constant 128 : i32
      %div3A_4314 = arith.divsi %squeeze3A_4311, %jit3A_4313 : i32
      %sign3A_4315 = arith.constant 0 : i32
      %sign3A_4316 = arith.cmpi sgt, %squeeze3A_4311, %sign3A_4315 : i32
      %sign3A_4317 = arith.extui %sign3A_4316 : i1 to i32
      %sign3A_4318 = arith.constant 0 : i32
      %sign3A_4319 = arith.cmpi slt, %squeeze3A_4311, %sign3A_4318 : i32
      %sign3A_4320 = arith.extui %sign3A_4319 : i1 to i32
      %sign3A_4321 = arith.subi %sign3A_4317, %sign3A_4320 : i32
      %sign3A_4322 = arith.constant 0 : i32
      %sign3A_4323 = arith.cmpi sgt, %jit3A_4313, %sign3A_4322 : i32
      %sign3A_4324 = arith.extui %sign3A_4323 : i1 to i32
      %sign3A_4325 = arith.constant 0 : i32
      %sign3A_4326 = arith.cmpi slt, %jit3A_4313, %sign3A_4325 : i32
      %sign3A_4327 = arith.extui %sign3A_4326 : i1 to i32
      %sign3A_4328 = arith.subi %sign3A_4324, %sign3A_4327 : i32
      %ne3A_4329 = arith.cmpi ne, %sign3A_4321, %sign3A_4328 : i32
      %rem3A_4330 = arith.remsi %squeeze3A_4311, %jit3A_4313 : i32
      %ne3A_4331 = arith.constant 0 : i32
      %ne3A_4332 = arith.cmpi ne, %rem3A_4330, %ne3A_4331 : i32
      %and3A_4333 = arith.andi %ne3A_4329, %ne3A_4332 : i1
      %sub3A_4334 = arith.constant 1 : i32
      %sub3A_4335 = arith.subi %div3A_4314, %sub3A_4334 : i32
      %select_n3A_4336 = arith.select %and3A_4333, %sub3A_4335, %div3A_4314 : i32
      %mul3A_4337 = arith.constant 128 : i32
      %mul3A_4338 = arith.muli %select_n3A_4336, %mul3A_4337 : i32
      %broadcast_in_dim3A_4339 = vector.broadcast %mul3A_4338 : i32 to vector<16xi32>
      %sub3A_4340 = arith.subi %broadcast_in_dim3A_4312, %broadcast_in_dim3A_4339 : vector<16xi32>
      %iota3A_4341 = tpu.iota {dimensions = array<i32: 0>} : vector<16xi32>
      %add3A_4342 = arith.constant 0 : i32
      %add3A_4343 = vector.broadcast %add3A_4342 : i32 to vector<16xi32>
      %add3A_4344 = arith.addi %iota3A_4341, %add3A_4343 : vector<16xi32>
      %gather3A_4345 = tpu.vector_load_idx %arg12[%add3A_4344, %sub3A_4340] : memref<64x128xf32, #tpu.memory_space<vmem>>[vector<16xi32>, vector<16xi32>], vector<16xf32>,
      %mul3A_4346 = vector.broadcast %scan3A_232 : f32 to vector<16xf32>
      %mul3A_4347 = arith.mulf %gather3A_4345, %mul3A_4346 : vector<16xf32>
      %get3A_4348 = arith.index_cast %add3A_4270 : i32 to index
      %get3A_4349 = arith.constant 0 : index
      %get3A_4350 = tpu.vector_load %arg15[%get3A_4348, %get3A_4349] {strides = array<i32>} : memref<256x128xf32, #tpu.memory_space<vmem>>, vector<16xf32>,
      %add3A_4351 = arith.addf %mul3A_4347, %get3A_4350 : vector<16xf32>
      %mul3A_4352 = arith.constant 64 : i32
      %mul3A_4353 = arith.muli %add3A_4270, %mul3A_4352 : i32
      %add3A_4354 = arith.constant 0 : i32
      %add3A_4355 = arith.addi %mul3A_4353, %add3A_4354 : i32
      %jit3A_4356 = arith.constant 128 : i32
      %div3A_4357 = arith.divsi %add3A_4355, %jit3A_4356 : i32
      %sign3A_4358 = arith.constant 0 : i32
      %sign3A_4359 = arith.cmpi sgt, %add3A_4355, %sign3A_4358 : i32
      %sign3A_4360 = arith.extui %sign3A_4359 : i1 to i32
      %sign3A_4361 = arith.constant 0 : i32
      %sign3A_4362 = arith.cmpi slt, %add3A_4355, %sign3A_4361 : i32
      %sign3A_4363 = arith.extui %sign3A_4362 : i1 to i32
      %sign3A_4364 = arith.subi %sign3A_4360, %sign3A_4363 : i32
      %sign3A_4365 = arith.constant 0 : i32
      %sign3A_4366 = arith.cmpi sgt, %jit3A_4356, %sign3A_4365 : i32
      %sign3A_4367 = arith.extui %sign3A_4366 : i1 to i32
      %sign3A_4368 = arith.constant 0 : i32
      %sign3A_4369 = arith.cmpi slt, %jit3A_4356, %sign3A_4368 : i32
      %sign3A_4370 = arith.extui %sign3A_4369 : i1 to i32
      %sign3A_4371 = arith.subi %sign3A_4367, %sign3A_4370 : i32
      %ne3A_4372 = arith.cmpi ne, %sign3A_4364, %sign3A_4371 : i32
      %rem3A_4373 = arith.remsi %add3A_4355, %jit3A_4356 : i32
      %ne3A_4374 = arith.constant 0 : i32
      %ne3A_4375 = arith.cmpi ne, %rem3A_4373, %ne3A_4374 : i32
      %and3A_4376 = arith.andi %ne3A_4372, %ne3A_4375 : i1
      %sub3A_4377 = arith.constant 1 : i32
      %sub3A_4378 = arith.subi %div3A_4357, %sub3A_4377 : i32
      %select_n3A_4379 = arith.select %and3A_4376, %sub3A_4378, %div3A_4357 : i32
      %jit3A_4380 = arith.constant 128 : i32
      %eq3A_4381 = arith.constant 0 : i32
      %eq3A_4382 = arith.cmpi eq, %jit3A_4380, %eq3A_4381 : i32
      %jit3A_4383 = arith.constant 1 : i32
      %select_n3A_4384 = arith.select %eq3A_4382, %jit3A_4383, %jit3A_4380 : i32
      %rem3A_4385 = arith.remsi %add3A_4355, %select_n3A_4384 : i32
      %ne3A_4386 = arith.constant 0 : i32
      %ne3A_4387 = arith.cmpi ne, %rem3A_4385, %ne3A_4386 : i32
      %lt3A_4388 = arith.constant 0 : i32
      %lt3A_4389 = arith.cmpi slt, %rem3A_4385, %lt3A_4388 : i32
      %lt3A_4390 = arith.constant 0 : i32
      %lt3A_4391 = arith.cmpi slt, %select_n3A_4384, %lt3A_4390 : i32
      %ne3A_4392 = arith.xori %lt3A_4389, %lt3A_4391 : i1
      %and3A_4393 = arith.andi %ne3A_4392, %ne3A_4387 : i1
      %add3A_4394 = arith.addi %rem3A_4385, %select_n3A_4384 : i32
      %select_n3A_4395 = arith.select %and3A_4393, %add3A_4394, %rem3A_4385 : i32
      %swap3A_4396 = arith.index_cast %select_n3A_4379 : i32 to index
      %swap3A_4397 = arith.index_cast %select_n3A_4395 : i32 to index
      %swap3A_4398 = tpu.vector_load %arg16[%swap3A_4396, %swap3A_4397] {strides = array<i32>} : memref<128x128xf32, #tpu.memory_space<vmem>>, vector<16xf32>,
      tpu.vector_store %arg16[%swap3A_4396, %swap3A_4397], %add3A_4351 {strides = array<i32>} : memref<128x128xf32, #tpu.memory_space<vmem>>, vector<16xf32>,
      %iota3A_4399 = tpu.iota {dimensions = array<i32: 0>} : vector<16xi32>
      %add3A_4400 = arith.constant 16 : i32
      %add3A_4401 = vector.broadcast %add3A_4400 : i32 to vector<16xi32>
      %add3A_4402 = arith.addi %iota3A_4399, %add3A_4401 : vector<16xi32>
      %gather3A_4403 = tpu.vector_load_idx %arg12[%add3A_4402, %sub3A_4340] : memref<64x128xf32, #tpu.memory_space<vmem>>[vector<16xi32>, vector<16xi32>], vector<16xf32>,
      %mul3A_4404 = vector.broadcast %scan3A_232 : f32 to vector<16xf32>
      %mul3A_4405 = arith.mulf %gather3A_4403, %mul3A_4404 : vector<16xf32>
      %get3A_4406 = arith.index_cast %add3A_4270 : i32 to index
      %get3A_4407 = arith.constant 16 : index
      %get3A_4408 = tpu.vector_load %arg15[%get3A_4406, %get3A_4407] {strides = array<i32>} : memref<256x128xf32, #tpu.memory_space<vmem>>, vector<16xf32>,
      %add3A_4409 = arith.addf %mul3A_4405, %get3A_4408 : vector<16xf32>
      %mul3A_4410 = arith.constant 64 : i32
      %mul3A_4411 = arith.muli %add3A_4270, %mul3A_4410 : i32
      %add3A_4412 = arith.constant 16 : i32
      %add3A_4413 = arith.addi %mul3A_4411, %add3A_4412 : i32
      %jit3A_4414 = arith.constant 128 : i32
      %div3A_4415 = arith.divsi %add3A_4413, %jit3A_4414 : i32
      %sign3A_4416 = arith.constant 0 : i32
      %sign3A_4417 = arith.cmpi sgt, %add3A_4413, %sign3A_4416 : i32
      %sign3A_4418 = arith.extui %sign3A_4417 : i1 to i32
      %sign3A_4419 = arith.constant 0 : i32
      %sign3A_4420 = arith.cmpi slt, %add3A_4413, %sign3A_4419 : i32
      %sign3A_4421 = arith.extui %sign3A_4420 : i1 to i32
      %sign3A_4422 = arith.subi %sign3A_4418, %sign3A_4421 : i32
      %sign3A_4423 = arith.constant 0 : i32
      %sign3A_4424 = arith.cmpi sgt, %jit3A_4414, %sign3A_4423 : i32
      %sign3A_4425 = arith.extui %sign3A_4424 : i1 to i32
      %sign3A_4426 = arith.constant 0 : i32
      %sign3A_4427 = arith.cmpi slt, %jit3A_4414, %sign3A_4426 : i32
      %sign3A_4428 = arith.extui %sign3A_4427 : i1 to i32
      %sign3A_4429 = arith.subi %sign3A_4425, %sign3A_4428 : i32
      %ne3A_4430 = arith.cmpi ne, %sign3A_4422, %sign3A_4429 : i32
      %rem3A_4431 = arith.remsi %add3A_4413, %jit3A_4414 : i32
      %ne3A_4432 = arith.constant 0 : i32
      %ne3A_4433 = arith.cmpi ne, %rem3A_4431, %ne3A_4432 : i32
      %and3A_4434 = arith.andi %ne3A_4430, %ne3A_4433 : i1
      %sub3A_4435 = arith.constant 1 : i32
      %sub3A_4436 = arith.subi %div3A_4415, %sub3A_4435 : i32
      %select_n3A_4437 = arith.select %and3A_4434, %sub3A_4436, %div3A_4415 : i32
      %jit3A_4438 = arith.constant 128 : i32
      %eq3A_4439 = arith.constant 0 : i32
      %eq3A_4440 = arith.cmpi eq, %jit3A_4438, %eq3A_4439 : i32
      %jit3A_4441 = arith.constant 1 : i32
      %select_n3A_4442 = arith.select %eq3A_4440, %jit3A_4441, %jit3A_4438 : i32
      %rem3A_4443 = arith.remsi %add3A_4413, %select_n3A_4442 : i32
      %ne3A_4444 = arith.constant 0 : i32
      %ne3A_4445 = arith.cmpi ne, %rem3A_4443, %ne3A_4444 : i32
      %lt3A_4446 = arith.constant 0 : i32
      %lt3A_4447 = arith.cmpi slt, %rem3A_4443, %lt3A_4446 : i32
      %lt3A_4448 = arith.constant 0 : i32
      %lt3A_4449 = arith.cmpi slt, %select_n3A_4442, %lt3A_4448 : i32
      %ne3A_4450 = arith.xori %lt3A_4447, %lt3A_4449 : i1
      %and3A_4451 = arith.andi %ne3A_4450, %ne3A_4445 : i1
      %add3A_4452 = arith.addi %rem3A_4443, %select_n3A_4442 : i32
      %select_n3A_4453 = arith.select %and3A_4451, %add3A_4452, %rem3A_4443 : i32
      %swap3A_4454 = arith.index_cast %select_n3A_4437 : i32 to index
      %swap3A_4455 = arith.index_cast %select_n3A_4453 : i32 to index
      %swap3A_4456 = tpu.vector_load %arg16[%swap3A_4454, %swap3A_4455] {strides = array<i32>} : memref<128x128xf32, #tpu.memory_space<vmem>>, vector<16xf32>,
      tpu.vector_store %arg16[%swap3A_4454, %swap3A_4455], %add3A_4409 {strides = array<i32>} : memref<128x128xf32, #tpu.memory_space<vmem>>, vector<16xf32>,
      %iota3A_4457 = tpu.iota {dimensions = array<i32: 0>} : vector<16xi32>
      %add3A_4458 = arith.constant 32 : i32
      %add3A_4459 = vector.broadcast %add3A_4458 : i32 to vector<16xi32>
      %add3A_4460 = arith.addi %iota3A_4457, %add3A_4459 : vector<16xi32>
      %gather3A_4461 = tpu.vector_load_idx %arg12[%add3A_4460, %sub3A_4340] : memref<64x128xf32, #tpu.memory_space<vmem>>[vector<16xi32>, vector<16xi32>], vector<16xf32>,
      %mul3A_4462 = vector.broadcast %scan3A_232 : f32 to vector<16xf32>
      %mul3A_4463 = arith.mulf %gather3A_4461, %mul3A_4462 : vector<16xf32>
      %get3A_4464 = arith.index_cast %add3A_4270 : i32 to index
      %get3A_4465 = arith.constant 32 : index
      %get3A_4466 = tpu.vector_load %arg15[%get3A_4464, %get3A_4465] {strides = array<i32>} : memref<256x128xf32, #tpu.memory_space<vmem>>, vector<16xf32>,
      %add3A_4467 = arith.addf %mul3A_4463, %get3A_4466 : vector<16xf32>
      %mul3A_4468 = arith.constant 64 : i32
      %mul3A_4469 = arith.muli %add3A_4270, %mul3A_4468 : i32
      %add3A_4470 = arith.constant 32 : i32
      %add3A_4471 = arith.addi %mul3A_4469, %add3A_4470 : i32
      %jit3A_4472 = arith.constant 128 : i32
      %div3A_4473 = arith.divsi %add3A_4471, %jit3A_4472 : i32
      %sign3A_4474 = arith.constant 0 : i32
      %sign3A_4475 = arith.cmpi sgt, %add3A_4471, %sign3A_4474 : i32
      %sign3A_4476 = arith.extui %sign3A_4475 : i1 to i32
      %sign3A_4477 = arith.constant 0 : i32
      %sign3A_4478 = arith.cmpi slt, %add3A_4471, %sign3A_4477 : i32
      %sign3A_4479 = arith.extui %sign3A_4478 : i1 to i32
      %sign3A_4480 = arith.subi %sign3A_4476, %sign3A_4479 : i32
      %sign3A_4481 = arith.constant 0 : i32
      %sign3A_4482 = arith.cmpi sgt, %jit3A_4472, %sign3A_4481 : i32
      %sign3A_4483 = arith.extui %sign3A_4482 : i1 to i32
      %sign3A_4484 = arith.constant 0 : i32
      %sign3A_4485 = arith.cmpi slt, %jit3A_4472, %sign3A_4484 : i32
      %sign3A_4486 = arith.extui %sign3A_4485 : i1 to i32
      %sign3A_4487 = arith.subi %sign3A_4483, %sign3A_4486 : i32
      %ne3A_4488 = arith.cmpi ne, %sign3A_4480, %sign3A_4487 : i32
      %rem3A_4489 = arith.remsi %add3A_4471, %jit3A_4472 : i32
      %ne3A_4490 = arith.constant 0 : i32
      %ne3A_4491 = arith.cmpi ne, %rem3A_4489, %ne3A_4490 : i32
      %and3A_4492 = arith.andi %ne3A_4488, %ne3A_4491 : i1
      %sub3A_4493 = arith.constant 1 : i32
      %sub3A_4494 = arith.subi %div3A_4473, %sub3A_4493 : i32
      %select_n3A_4495 = arith.select %and3A_4492, %sub3A_4494, %div3A_4473 : i32
      %jit3A_4496 = arith.constant 128 : i32
      %eq3A_4497 = arith.constant 0 : i32
      %eq3A_4498 = arith.cmpi eq, %jit3A_4496, %eq3A_4497 : i32
      %jit3A_4499 = arith.constant 1 : i32
      %select_n3A_4500 = arith.select %eq3A_4498, %jit3A_4499, %jit3A_4496 : i32
      %rem3A_4501 = arith.remsi %add3A_4471, %select_n3A_4500 : i32
      %ne3A_4502 = arith.constant 0 : i32
      %ne3A_4503 = arith.cmpi ne, %rem3A_4501, %ne3A_4502 : i32
      %lt3A_4504 = arith.constant 0 : i32
      %lt3A_4505 = arith.cmpi slt, %rem3A_4501, %lt3A_4504 : i32
      %lt3A_4506 = arith.constant 0 : i32
      %lt3A_4507 = arith.cmpi slt, %select_n3A_4500, %lt3A_4506 : i32
      %ne3A_4508 = arith.xori %lt3A_4505, %lt3A_4507 : i1
      %and3A_4509 = arith.andi %ne3A_4508, %ne3A_4503 : i1
      %add3A_4510 = arith.addi %rem3A_4501, %select_n3A_4500 : i32
      %select_n3A_4511 = arith.select %and3A_4509, %add3A_4510, %rem3A_4501 : i32
      %swap3A_4512 = arith.index_cast %select_n3A_4495 : i32 to index
      %swap3A_4513 = arith.index_cast %select_n3A_4511 : i32 to index
      %swap3A_4514 = tpu.vector_load %arg16[%swap3A_4512, %swap3A_4513] {strides = array<i32>} : memref<128x128xf32, #tpu.memory_space<vmem>>, vector<16xf32>,
      tpu.vector_store %arg16[%swap3A_4512, %swap3A_4513], %add3A_4467 {strides = array<i32>} : memref<128x128xf32, #tpu.memory_space<vmem>>, vector<16xf32>,
      %iota3A_4515 = tpu.iota {dimensions = array<i32: 0>} : vector<16xi32>
      %add3A_4516 = arith.constant 48 : i32
      %add3A_4517 = vector.broadcast %add3A_4516 : i32 to vector<16xi32>
      %add3A_4518 = arith.addi %iota3A_4515, %add3A_4517 : vector<16xi32>
      %gather3A_4519 = tpu.vector_load_idx %arg12[%add3A_4518, %sub3A_4340] : memref<64x128xf32, #tpu.memory_space<vmem>>[vector<16xi32>, vector<16xi32>], vector<16xf32>,
      %mul3A_4520 = vector.broadcast %scan3A_232 : f32 to vector<16xf32>
      %mul3A_4521 = arith.mulf %gather3A_4519, %mul3A_4520 : vector<16xf32>
      %get3A_4522 = arith.index_cast %add3A_4270 : i32 to index
      %get3A_4523 = arith.constant 48 : index
      %get3A_4524 = tpu.vector_load %arg15[%get3A_4522, %get3A_4523] {strides = array<i32>} : memref<256x128xf32, #tpu.memory_space<vmem>>, vector<16xf32>,
      %add3A_4525 = arith.addf %mul3A_4521, %get3A_4524 : vector<16xf32>
      %mul3A_4526 = arith.constant 64 : i32
      %mul3A_4527 = arith.muli %add3A_4270, %mul3A_4526 : i32
      %add3A_4528 = arith.constant 48 : i32
      %add3A_4529 = arith.addi %mul3A_4527, %add3A_4528 : i32
      %jit3A_4530 = arith.constant 128 : i32
      %div3A_4531 = arith.divsi %add3A_4529, %jit3A_4530 : i32
      %sign3A_4532 = arith.constant 0 : i32
      %sign3A_4533 = arith.cmpi sgt, %add3A_4529, %sign3A_4532 : i32
      %sign3A_4534 = arith.extui %sign3A_4533 : i1 to i32
      %sign3A_4535 = arith.constant 0 : i32
      %sign3A_4536 = arith.cmpi slt, %add3A_4529, %sign3A_4535 : i32
      %sign3A_4537 = arith.extui %sign3A_4536 : i1 to i32
      %sign3A_4538 = arith.subi %sign3A_4534, %sign3A_4537 : i32
      %sign3A_4539 = arith.constant 0 : i32
      %sign3A_4540 = arith.cmpi sgt, %jit3A_4530, %sign3A_4539 : i32
      %sign3A_4541 = arith.extui %sign3A_4540 : i1 to i32
      %sign3A_4542 = arith.constant 0 : i32
      %sign3A_4543 = arith.cmpi slt, %jit3A_4530, %sign3A_4542 : i32
      %sign3A_4544 = arith.extui %sign3A_4543 : i1 to i32
      %sign3A_4545 = arith.subi %sign3A_4541, %sign3A_4544 : i32
      %ne3A_4546 = arith.cmpi ne, %sign3A_4538, %sign3A_4545 : i32
      %rem3A_4547 = arith.remsi %add3A_4529, %jit3A_4530 : i32
      %ne3A_4548 = arith.constant 0 : i32
      %ne3A_4549 = arith.cmpi ne, %rem3A_4547, %ne3A_4548 : i32
      %and3A_4550 = arith.andi %ne3A_4546, %ne3A_4549 : i1
      %sub3A_4551 = arith.constant 1 : i32
      %sub3A_4552 = arith.subi %div3A_4531, %sub3A_4551 : i32
      %select_n3A_4553 = arith.select %and3A_4550, %sub3A_4552, %div3A_4531 : i32
      %jit3A_4554 = arith.constant 128 : i32
      %eq3A_4555 = arith.constant 0 : i32
      %eq3A_4556 = arith.cmpi eq, %jit3A_4554, %eq3A_4555 : i32
      %jit3A_4557 = arith.constant 1 : i32
      %select_n3A_4558 = arith.select %eq3A_4556, %jit3A_4557, %jit3A_4554 : i32
      %rem3A_4559 = arith.remsi %add3A_4529, %select_n3A_4558 : i32
      %ne3A_4560 = arith.constant 0 : i32
      %ne3A_4561 = arith.cmpi ne, %rem3A_4559, %ne3A_4560 : i32
      %lt3A_4562 = arith.constant 0 : i32
      %lt3A_4563 = arith.cmpi slt, %rem3A_4559, %lt3A_4562 : i32
      %lt3A_4564 = arith.constant 0 : i32
      %lt3A_4565 = arith.cmpi slt, %select_n3A_4558, %lt3A_4564 : i32
      %ne3A_4566 = arith.xori %lt3A_4563, %lt3A_4565 : i1
      %and3A_4567 = arith.andi %ne3A_4566, %ne3A_4561 : i1
      %add3A_4568 = arith.addi %rem3A_4559, %select_n3A_4558 : i32
      %select_n3A_4569 = arith.select %and3A_4567, %add3A_4568, %rem3A_4559 : i32
      %swap3A_4570 = arith.index_cast %select_n3A_4553 : i32 to index
      %swap3A_4571 = arith.index_cast %select_n3A_4569 : i32 to index
      %swap3A_4572 = tpu.vector_load %arg16[%swap3A_4570, %swap3A_4571] {strides = array<i32>} : memref<128x128xf32, #tpu.memory_space<vmem>>, vector<16xf32>,
      tpu.vector_store %arg16[%swap3A_4570, %swap3A_4571], %add3A_4525 {strides = array<i32>} : memref<128x128xf32, #tpu.memory_space<vmem>>, vector<16xf32>,
      %mul3A_4573 = arith.constant 16 : i32
      %mul3A_4574 = arith.muli %scan3A_282, %mul3A_4573 : i32
      %add3A_4575 = arith.constant 14 : i32
      %add3A_4576 = arith.addi %mul3A_4574, %add3A_4575 : i32
      %slice3A_4577 = vector.extract_strided_slice %get3A_294 {offsets = [5], sizes = [1], strides = [1]} : vector<16xi32> to vector<1xi32>
      %squeeze3A_4578 = vector.extract %slice3A_4577[0] : i32 from vector<1xi32>
      %jit3A_4579 = arith.constant 128 : i32
      %div3A_4580 = arith.divsi %squeeze3A_4578, %jit3A_4579 : i32
      %sign3A_4581 = arith.constant 0 : i32
      %sign3A_4582 = arith.cmpi sgt, %squeeze3A_4578, %sign3A_4581 : i32
      %sign3A_4583 = arith.extui %sign3A_4582 : i1 to i32
      %sign3A_4584 = arith.constant 0 : i32
      %sign3A_4585 = arith.cmpi slt, %squeeze3A_4578, %sign3A_4584 : i32
      %sign3A_4586 = arith.extui %sign3A_4585 : i1 to i32
      %sign3A_4587 = arith.subi %sign3A_4583, %sign3A_4586 : i32
      %sign3A_4588 = arith.constant 0 : i32
      %sign3A_4589 = arith.cmpi sgt, %jit3A_4579, %sign3A_4588 : i32
      %sign3A_4590 = arith.extui %sign3A_4589 : i1 to i32
      %sign3A_4591 = arith.constant 0 : i32
      %sign3A_4592 = arith.cmpi slt, %jit3A_4579, %sign3A_4591 : i32
      %sign3A_4593 = arith.extui %sign3A_4592 : i1 to i32
      %sign3A_4594 = arith.subi %sign3A_4590, %sign3A_4593 : i32
      %ne3A_4595 = arith.cmpi ne, %sign3A_4587, %sign3A_4594 : i32
      %rem3A_4596 = arith.remsi %squeeze3A_4578, %jit3A_4579 : i32
      %ne3A_4597 = arith.constant 0 : i32
      %ne3A_4598 = arith.cmpi ne, %rem3A_4596, %ne3A_4597 : i32
      %and3A_4599 = arith.andi %ne3A_4595, %ne3A_4598 : i1
      %sub3A_4600 = arith.constant 1 : i32
      %sub3A_4601 = arith.subi %div3A_4580, %sub3A_4600 : i32
      %select_n3A_4602 = arith.select %and3A_4599, %sub3A_4601, %div3A_4580 : i32
      %mul3A_4603 = arith.constant 128 : i32
      %mul3A_4604 = arith.muli %select_n3A_4602, %mul3A_4603 : i32
      %multiple_of3A_4605 = tpu.assume_multiple %mul3A_4604, 128 : i32
      %dma_start3A_4606 = arith.constant 0 : i32
      %dma_start3A_4607 = tpu.memref_slice %arg2[%dma_start3A_4606, %multiple_of3A_4605] : memref<64x1000000xf32, #tpu.memory_space<hbm>> -> memref<64x128xf32, #tpu.memory_space<hbm>>
      %dma_start3A_4608 = arith.constant 0 : i32
      %dma_start3A_4609 = tpu.memref_slice %arg2[%dma_start3A_4608, %multiple_of3A_4605] : memref<64x1000000xf32, #tpu.memory_space<hbm>> -> memref<64x128xf32, #tpu.memory_space<hbm>>
      tpu.enqueue_dma source(%dma_start3A_4609 : memref<64x128xf32, #tpu.memory_space<hbm>>) target(%arg12 : memref<64x128xf32, #tpu.memory_space<vmem>>) target_semaphore(%arg22 : memref<!tpu.dma_semaphore, #tpu.memory_space<semaphore_mem>>)
      %dma_wait3A_4610 = arith.constant 0 : i32
      %dma_wait3A_4611 = arith.constant 0 : i32
      %dma_wait3A_4612 = tpu.memref_slice %arg2[%dma_wait3A_4610, %dma_wait3A_4611] : memref<64x1000000xf32, #tpu.memory_space<hbm>> -> memref<64x128xf32, #tpu.memory_space<hbm>>
      %dma_wait3A_4613 = arith.constant 0 : i32
      %dma_wait3A_4614 = arith.constant 0 : i32
      %dma_wait3A_4615 = tpu.memref_slice %arg2[%dma_wait3A_4613, %dma_wait3A_4614] : memref<64x1000000xf32, #tpu.memory_space<hbm>> -> memref<64x128xf32, #tpu.memory_space<hbm>>
      tpu.wait_dma2 semaphore(%arg23 : memref<!tpu.dma_semaphore, #tpu.memory_space<semaphore_mem>>) src(%dma_wait3A_4615 : memref<64x128xf32, #tpu.memory_space<hbm>>) dst(%arg13 : memref<64x128xf32, #tpu.memory_space<vmem>>)
      %slice3A_4616 = vector.extract_strided_slice %get3A_286 {offsets = [14], sizes = [1], strides = [1]} : vector<16xi32> to vector<1xi32>
      %squeeze3A_4617 = vector.extract %slice3A_4616[0] : i32 from vector<1xi32>
      %broadcast_in_dim3A_4618 = vector.broadcast %squeeze3A_4617 : i32 to vector<16xi32>
      %jit3A_4619 = arith.constant 128 : i32
      %div3A_4620 = arith.divsi %squeeze3A_4617, %jit3A_4619 : i32
      %sign3A_4621 = arith.constant 0 : i32
      %sign3A_4622 = arith.cmpi sgt, %squeeze3A_4617, %sign3A_4621 : i32
      %sign3A_4623 = arith.extui %sign3A_4622 : i1 to i32
      %sign3A_4624 = arith.constant 0 : i32
      %sign3A_4625 = arith.cmpi slt, %squeeze3A_4617, %sign3A_4624 : i32
      %sign3A_4626 = arith.extui %sign3A_4625 : i1 to i32
      %sign3A_4627 = arith.subi %sign3A_4623, %sign3A_4626 : i32
      %sign3A_4628 = arith.constant 0 : i32
      %sign3A_4629 = arith.cmpi sgt, %jit3A_4619, %sign3A_4628 : i32
      %sign3A_4630 = arith.extui %sign3A_4629 : i1 to i32
      %sign3A_4631 = arith.constant 0 : i32
      %sign3A_4632 = arith.cmpi slt, %jit3A_4619, %sign3A_4631 : i32
      %sign3A_4633 = arith.extui %sign3A_4632 : i1 to i32
      %sign3A_4634 = arith.subi %sign3A_4630, %sign3A_4633 : i32
      %ne3A_4635 = arith.cmpi ne, %sign3A_4627, %sign3A_4634 : i32
      %rem3A_4636 = arith.remsi %squeeze3A_4617, %jit3A_4619 : i32
      %ne3A_4637 = arith.constant 0 : i32
      %ne3A_4638 = arith.cmpi ne, %rem3A_4636, %ne3A_4637 : i32
      %and3A_4639 = arith.andi %ne3A_4635, %ne3A_4638 : i1
      %sub3A_4640 = arith.constant 1 : i32
      %sub3A_4641 = arith.subi %div3A_4620, %sub3A_4640 : i32
      %select_n3A_4642 = arith.select %and3A_4639, %sub3A_4641, %div3A_4620 : i32
      %mul3A_4643 = arith.constant 128 : i32
      %mul3A_4644 = arith.muli %select_n3A_4642, %mul3A_4643 : i32
      %broadcast_in_dim3A_4645 = vector.broadcast %mul3A_4644 : i32 to vector<16xi32>
      %sub3A_4646 = arith.subi %broadcast_in_dim3A_4618, %broadcast_in_dim3A_4645 : vector<16xi32>
      %iota3A_4647 = tpu.iota {dimensions = array<i32: 0>} : vector<16xi32>
      %add3A_4648 = arith.constant 0 : i32
      %add3A_4649 = vector.broadcast %add3A_4648 : i32 to vector<16xi32>
      %add3A_4650 = arith.addi %iota3A_4647, %add3A_4649 : vector<16xi32>
      %gather3A_4651 = tpu.vector_load_idx %arg13[%add3A_4650, %sub3A_4646] : memref<64x128xf32, #tpu.memory_space<vmem>>[vector<16xi32>, vector<16xi32>], vector<16xf32>,
      %mul3A_4652 = vector.broadcast %scan3A_232 : f32 to vector<16xf32>
      %mul3A_4653 = arith.mulf %gather3A_4651, %mul3A_4652 : vector<16xf32>
      %get3A_4654 = arith.index_cast %add3A_4576 : i32 to index
      %get3A_4655 = arith.constant 0 : index
      %get3A_4656 = tpu.vector_load %arg15[%get3A_4654, %get3A_4655] {strides = array<i32>} : memref<256x128xf32, #tpu.memory_space<vmem>>, vector<16xf32>,
      %add3A_4657 = arith.addf %mul3A_4653, %get3A_4656 : vector<16xf32>
      %mul3A_4658 = arith.constant 64 : i32
      %mul3A_4659 = arith.muli %add3A_4576, %mul3A_4658 : i32
      %add3A_4660 = arith.constant 0 : i32
      %add3A_4661 = arith.addi %mul3A_4659, %add3A_4660 : i32
      %jit3A_4662 = arith.constant 128 : i32
      %div3A_4663 = arith.divsi %add3A_4661, %jit3A_4662 : i32
      %sign3A_4664 = arith.constant 0 : i32
      %sign3A_4665 = arith.cmpi sgt, %add3A_4661, %sign3A_4664 : i32
      %sign3A_4666 = arith.extui %sign3A_4665 : i1 to i32
      %sign3A_4667 = arith.constant 0 : i32
      %sign3A_4668 = arith.cmpi slt, %add3A_4661, %sign3A_4667 : i32
      %sign3A_4669 = arith.extui %sign3A_4668 : i1 to i32
      %sign3A_4670 = arith.subi %sign3A_4666, %sign3A_4669 : i32
      %sign3A_4671 = arith.constant 0 : i32
      %sign3A_4672 = arith.cmpi sgt, %jit3A_4662, %sign3A_4671 : i32
      %sign3A_4673 = arith.extui %sign3A_4672 : i1 to i32
      %sign3A_4674 = arith.constant 0 : i32
      %sign3A_4675 = arith.cmpi slt, %jit3A_4662, %sign3A_4674 : i32
      %sign3A_4676 = arith.extui %sign3A_4675 : i1 to i32
      %sign3A_4677 = arith.subi %sign3A_4673, %sign3A_4676 : i32
      %ne3A_4678 = arith.cmpi ne, %sign3A_4670, %sign3A_4677 : i32
      %rem3A_4679 = arith.remsi %add3A_4661, %jit3A_4662 : i32
      %ne3A_4680 = arith.constant 0 : i32
      %ne3A_4681 = arith.cmpi ne, %rem3A_4679, %ne3A_4680 : i32
      %and3A_4682 = arith.andi %ne3A_4678, %ne3A_4681 : i1
      %sub3A_4683 = arith.constant 1 : i32
      %sub3A_4684 = arith.subi %div3A_4663, %sub3A_4683 : i32
      %select_n3A_4685 = arith.select %and3A_4682, %sub3A_4684, %div3A_4663 : i32
      %jit3A_4686 = arith.constant 128 : i32
      %eq3A_4687 = arith.constant 0 : i32
      %eq3A_4688 = arith.cmpi eq, %jit3A_4686, %eq3A_4687 : i32
      %jit3A_4689 = arith.constant 1 : i32
      %select_n3A_4690 = arith.select %eq3A_4688, %jit3A_4689, %jit3A_4686 : i32
      %rem3A_4691 = arith.remsi %add3A_4661, %select_n3A_4690 : i32
      %ne3A_4692 = arith.constant 0 : i32
      %ne3A_4693 = arith.cmpi ne, %rem3A_4691, %ne3A_4692 : i32
      %lt3A_4694 = arith.constant 0 : i32
      %lt3A_4695 = arith.cmpi slt, %rem3A_4691, %lt3A_4694 : i32
      %lt3A_4696 = arith.constant 0 : i32
      %lt3A_4697 = arith.cmpi slt, %select_n3A_4690, %lt3A_4696 : i32
      %ne3A_4698 = arith.xori %lt3A_4695, %lt3A_4697 : i1
      %and3A_4699 = arith.andi %ne3A_4698, %ne3A_4693 : i1
      %add3A_4700 = arith.addi %rem3A_4691, %select_n3A_4690 : i32
      %select_n3A_4701 = arith.select %and3A_4699, %add3A_4700, %rem3A_4691 : i32
      %swap3A_4702 = arith.index_cast %select_n3A_4685 : i32 to index
      %swap3A_4703 = arith.index_cast %select_n3A_4701 : i32 to index
      %swap3A_4704 = tpu.vector_load %arg16[%swap3A_4702, %swap3A_4703] {strides = array<i32>} : memref<128x128xf32, #tpu.memory_space<vmem>>, vector<16xf32>,
      tpu.vector_store %arg16[%swap3A_4702, %swap3A_4703], %add3A_4657 {strides = array<i32>} : memref<128x128xf32, #tpu.memory_space<vmem>>, vector<16xf32>,
      %iota3A_4705 = tpu.iota {dimensions = array<i32: 0>} : vector<16xi32>
      %add3A_4706 = arith.constant 16 : i32
      %add3A_4707 = vector.broadcast %add3A_4706 : i32 to vector<16xi32>
      %add3A_4708 = arith.addi %iota3A_4705, %add3A_4707 : vector<16xi32>
      %gather3A_4709 = tpu.vector_load_idx %arg13[%add3A_4708, %sub3A_4646] : memref<64x128xf32, #tpu.memory_space<vmem>>[vector<16xi32>, vector<16xi32>], vector<16xf32>,
      %mul3A_4710 = vector.broadcast %scan3A_232 : f32 to vector<16xf32>
      %mul3A_4711 = arith.mulf %gather3A_4709, %mul3A_4710 : vector<16xf32>
      %get3A_4712 = arith.index_cast %add3A_4576 : i32 to index
      %get3A_4713 = arith.constant 16 : index
      %get3A_4714 = tpu.vector_load %arg15[%get3A_4712, %get3A_4713] {strides = array<i32>} : memref<256x128xf32, #tpu.memory_space<vmem>>, vector<16xf32>,
      %add3A_4715 = arith.addf %mul3A_4711, %get3A_4714 : vector<16xf32>
      %mul3A_4716 = arith.constant 64 : i32
      %mul3A_4717 = arith.muli %add3A_4576, %mul3A_4716 : i32
      %add3A_4718 = arith.constant 16 : i32
      %add3A_4719 = arith.addi %mul3A_4717, %add3A_4718 : i32
      %jit3A_4720 = arith.constant 128 : i32
      %div3A_4721 = arith.divsi %add3A_4719, %jit3A_4720 : i32
      %sign3A_4722 = arith.constant 0 : i32
      %sign3A_4723 = arith.cmpi sgt, %add3A_4719, %sign3A_4722 : i32
      %sign3A_4724 = arith.extui %sign3A_4723 : i1 to i32
      %sign3A_4725 = arith.constant 0 : i32
      %sign3A_4726 = arith.cmpi slt, %add3A_4719, %sign3A_4725 : i32
      %sign3A_4727 = arith.extui %sign3A_4726 : i1 to i32
      %sign3A_4728 = arith.subi %sign3A_4724, %sign3A_4727 : i32
      %sign3A_4729 = arith.constant 0 : i32
      %sign3A_4730 = arith.cmpi sgt, %jit3A_4720, %sign3A_4729 : i32
      %sign3A_4731 = arith.extui %sign3A_4730 : i1 to i32
      %sign3A_4732 = arith.constant 0 : i32
      %sign3A_4733 = arith.cmpi slt, %jit3A_4720, %sign3A_4732 : i32
      %sign3A_4734 = arith.extui %sign3A_4733 : i1 to i32
      %sign3A_4735 = arith.subi %sign3A_4731, %sign3A_4734 : i32
      %ne3A_4736 = arith.cmpi ne, %sign3A_4728, %sign3A_4735 : i32
      %rem3A_4737 = arith.remsi %add3A_4719, %jit3A_4720 : i32
      %ne3A_4738 = arith.constant 0 : i32
      %ne3A_4739 = arith.cmpi ne, %rem3A_4737, %ne3A_4738 : i32
      %and3A_4740 = arith.andi %ne3A_4736, %ne3A_4739 : i1
      %sub3A_4741 = arith.constant 1 : i32
      %sub3A_4742 = arith.subi %div3A_4721, %sub3A_4741 : i32
      %select_n3A_4743 = arith.select %and3A_4740, %sub3A_4742, %div3A_4721 : i32
      %jit3A_4744 = arith.constant 128 : i32
      %eq3A_4745 = arith.constant 0 : i32
      %eq3A_4746 = arith.cmpi eq, %jit3A_4744, %eq3A_4745 : i32
      %jit3A_4747 = arith.constant 1 : i32
      %select_n3A_4748 = arith.select %eq3A_4746, %jit3A_4747, %jit3A_4744 : i32
      %rem3A_4749 = arith.remsi %add3A_4719, %select_n3A_4748 : i32
      %ne3A_4750 = arith.constant 0 : i32
      %ne3A_4751 = arith.cmpi ne, %rem3A_4749, %ne3A_4750 : i32
      %lt3A_4752 = arith.constant 0 : i32
      %lt3A_4753 = arith.cmpi slt, %rem3A_4749, %lt3A_4752 : i32
      %lt3A_4754 = arith.constant 0 : i32
      %lt3A_4755 = arith.cmpi slt, %select_n3A_4748, %lt3A_4754 : i32
      %ne3A_4756 = arith.xori %lt3A_4753, %lt3A_4755 : i1
      %and3A_4757 = arith.andi %ne3A_4756, %ne3A_4751 : i1
      %add3A_4758 = arith.addi %rem3A_4749, %select_n3A_4748 : i32
      %select_n3A_4759 = arith.select %and3A_4757, %add3A_4758, %rem3A_4749 : i32
      %swap3A_4760 = arith.index_cast %select_n3A_4743 : i32 to index
      %swap3A_4761 = arith.index_cast %select_n3A_4759 : i32 to index
      %swap3A_4762 = tpu.vector_load %arg16[%swap3A_4760, %swap3A_4761] {strides = array<i32>} : memref<128x128xf32, #tpu.memory_space<vmem>>, vector<16xf32>,
      tpu.vector_store %arg16[%swap3A_4760, %swap3A_4761], %add3A_4715 {strides = array<i32>} : memref<128x128xf32, #tpu.memory_space<vmem>>, vector<16xf32>,
      %iota3A_4763 = tpu.iota {dimensions = array<i32: 0>} : vector<16xi32>
      %add3A_4764 = arith.constant 32 : i32
      %add3A_4765 = vector.broadcast %add3A_4764 : i32 to vector<16xi32>
      %add3A_4766 = arith.addi %iota3A_4763, %add3A_4765 : vector<16xi32>
      %gather3A_4767 = tpu.vector_load_idx %arg13[%add3A_4766, %sub3A_4646] : memref<64x128xf32, #tpu.memory_space<vmem>>[vector<16xi32>, vector<16xi32>], vector<16xf32>,
      %mul3A_4768 = vector.broadcast %scan3A_232 : f32 to vector<16xf32>
      %mul3A_4769 = arith.mulf %gather3A_4767, %mul3A_4768 : vector<16xf32>
      %get3A_4770 = arith.index_cast %add3A_4576 : i32 to index
      %get3A_4771 = arith.constant 32 : index
      %get3A_4772 = tpu.vector_load %arg15[%get3A_4770, %get3A_4771] {strides = array<i32>} : memref<256x128xf32, #tpu.memory_space<vmem>>, vector<16xf32>,
      %add3A_4773 = arith.addf %mul3A_4769, %get3A_4772 : vector<16xf32>
      %mul3A_4774 = arith.constant 64 : i32
      %mul3A_4775 = arith.muli %add3A_4576, %mul3A_4774 : i32
      %add3A_4776 = arith.constant 32 : i32
      %add3A_4777 = arith.addi %mul3A_4775, %add3A_4776 : i32
      %jit3A_4778 = arith.constant 128 : i32
      %div3A_4779 = arith.divsi %add3A_4777, %jit3A_4778 : i32
      %sign3A_4780 = arith.constant 0 : i32
      %sign3A_4781 = arith.cmpi sgt, %add3A_4777, %sign3A_4780 : i32
      %sign3A_4782 = arith.extui %sign3A_4781 : i1 to i32
      %sign3A_4783 = arith.constant 0 : i32
      %sign3A_4784 = arith.cmpi slt, %add3A_4777, %sign3A_4783 : i32
      %sign3A_4785 = arith.extui %sign3A_4784 : i1 to i32
      %sign3A_4786 = arith.subi %sign3A_4782, %sign3A_4785 : i32
      %sign3A_4787 = arith.constant 0 : i32
      %sign3A_4788 = arith.cmpi sgt, %jit3A_4778, %sign3A_4787 : i32
      %sign3A_4789 = arith.extui %sign3A_4788 : i1 to i32
      %sign3A_4790 = arith.constant 0 : i32
      %sign3A_4791 = arith.cmpi slt, %jit3A_4778, %sign3A_4790 : i32
      %sign3A_4792 = arith.extui %sign3A_4791 : i1 to i32
      %sign3A_4793 = arith.subi %sign3A_4789, %sign3A_4792 : i32
      %ne3A_4794 = arith.cmpi ne, %sign3A_4786, %sign3A_4793 : i32
      %rem3A_4795 = arith.remsi %add3A_4777, %jit3A_4778 : i32
      %ne3A_4796 = arith.constant 0 : i32
      %ne3A_4797 = arith.cmpi ne, %rem3A_4795, %ne3A_4796 : i32
      %and3A_4798 = arith.andi %ne3A_4794, %ne3A_4797 : i1
      %sub3A_4799 = arith.constant 1 : i32
      %sub3A_4800 = arith.subi %div3A_4779, %sub3A_4799 : i32
      %select_n3A_4801 = arith.select %and3A_4798, %sub3A_4800, %div3A_4779 : i32
      %jit3A_4802 = arith.constant 128 : i32
      %eq3A_4803 = arith.constant 0 : i32
      %eq3A_4804 = arith.cmpi eq, %jit3A_4802, %eq3A_4803 : i32
      %jit3A_4805 = arith.constant 1 : i32
      %select_n3A_4806 = arith.select %eq3A_4804, %jit3A_4805, %jit3A_4802 : i32
      %rem3A_4807 = arith.remsi %add3A_4777, %select_n3A_4806 : i32
      %ne3A_4808 = arith.constant 0 : i32
      %ne3A_4809 = arith.cmpi ne, %rem3A_4807, %ne3A_4808 : i32
      %lt3A_4810 = arith.constant 0 : i32
      %lt3A_4811 = arith.cmpi slt, %rem3A_4807, %lt3A_4810 : i32
      %lt3A_4812 = arith.constant 0 : i32
      %lt3A_4813 = arith.cmpi slt, %select_n3A_4806, %lt3A_4812 : i32
      %ne3A_4814 = arith.xori %lt3A_4811, %lt3A_4813 : i1
      %and3A_4815 = arith.andi %ne3A_4814, %ne3A_4809 : i1
      %add3A_4816 = arith.addi %rem3A_4807, %select_n3A_4806 : i32
      %select_n3A_4817 = arith.select %and3A_4815, %add3A_4816, %rem3A_4807 : i32
      %swap3A_4818 = arith.index_cast %select_n3A_4801 : i32 to index
      %swap3A_4819 = arith.index_cast %select_n3A_4817 : i32 to index
      %swap3A_4820 = tpu.vector_load %arg16[%swap3A_4818, %swap3A_4819] {strides = array<i32>} : memref<128x128xf32, #tpu.memory_space<vmem>>, vector<16xf32>,
      tpu.vector_store %arg16[%swap3A_4818, %swap3A_4819], %add3A_4773 {strides = array<i32>} : memref<128x128xf32, #tpu.memory_space<vmem>>, vector<16xf32>,
      %iota3A_4821 = tpu.iota {dimensions = array<i32: 0>} : vector<16xi32>
      %add3A_4822 = arith.constant 48 : i32
      %add3A_4823 = vector.broadcast %add3A_4822 : i32 to vector<16xi32>
      %add3A_4824 = arith.addi %iota3A_4821, %add3A_4823 : vector<16xi32>
      %gather3A_4825 = tpu.vector_load_idx %arg13[%add3A_4824, %sub3A_4646] : memref<64x128xf32, #tpu.memory_space<vmem>>[vector<16xi32>, vector<16xi32>], vector<16xf32>,
      %mul3A_4826 = vector.broadcast %scan3A_232 : f32 to vector<16xf32>
      %mul3A_4827 = arith.mulf %gather3A_4825, %mul3A_4826 : vector<16xf32>
      %get3A_4828 = arith.index_cast %add3A_4576 : i32 to index
      %get3A_4829 = arith.constant 48 : index
      %get3A_4830 = tpu.vector_load %arg15[%get3A_4828, %get3A_4829] {strides = array<i32>} : memref<256x128xf32, #tpu.memory_space<vmem>>, vector<16xf32>,
      %add3A_4831 = arith.addf %mul3A_4827, %get3A_4830 : vector<16xf32>
      %mul3A_4832 = arith.constant 64 : i32
      %mul3A_4833 = arith.muli %add3A_4576, %mul3A_4832 : i32
      %add3A_4834 = arith.constant 48 : i32
      %add3A_4835 = arith.addi %mul3A_4833, %add3A_4834 : i32
      %jit3A_4836 = arith.constant 128 : i32
      %div3A_4837 = arith.divsi %add3A_4835, %jit3A_4836 : i32
      %sign3A_4838 = arith.constant 0 : i32
      %sign3A_4839 = arith.cmpi sgt, %add3A_4835, %sign3A_4838 : i32
      %sign3A_4840 = arith.extui %sign3A_4839 : i1 to i32
      %sign3A_4841 = arith.constant 0 : i32
      %sign3A_4842 = arith.cmpi slt, %add3A_4835, %sign3A_4841 : i32
      %sign3A_4843 = arith.extui %sign3A_4842 : i1 to i32
      %sign3A_4844 = arith.subi %sign3A_4840, %sign3A_4843 : i32
      %sign3A_4845 = arith.constant 0 : i32
      %sign3A_4846 = arith.cmpi sgt, %jit3A_4836, %sign3A_4845 : i32
      %sign3A_4847 = arith.extui %sign3A_4846 : i1 to i32
      %sign3A_4848 = arith.constant 0 : i32
      %sign3A_4849 = arith.cmpi slt, %jit3A_4836, %sign3A_4848 : i32
      %sign3A_4850 = arith.extui %sign3A_4849 : i1 to i32
      %sign3A_4851 = arith.subi %sign3A_4847, %sign3A_4850 : i32
      %ne3A_4852 = arith.cmpi ne, %sign3A_4844, %sign3A_4851 : i32
      %rem3A_4853 = arith.remsi %add3A_4835, %jit3A_4836 : i32
      %ne3A_4854 = arith.constant 0 : i32
      %ne3A_4855 = arith.cmpi ne, %rem3A_4853, %ne3A_4854 : i32
      %and3A_4856 = arith.andi %ne3A_4852, %ne3A_4855 : i1
      %sub3A_4857 = arith.constant 1 : i32
      %sub3A_4858 = arith.subi %div3A_4837, %sub3A_4857 : i32
      %select_n3A_4859 = arith.select %and3A_4856, %sub3A_4858, %div3A_4837 : i32
      %jit3A_4860 = arith.constant 128 : i32
      %eq3A_4861 = arith.constant 0 : i32
      %eq3A_4862 = arith.cmpi eq, %jit3A_4860, %eq3A_4861 : i32
      %jit3A_4863 = arith.constant 1 : i32
      %select_n3A_4864 = arith.select %eq3A_4862, %jit3A_4863, %jit3A_4860 : i32
      %rem3A_4865 = arith.remsi %add3A_4835, %select_n3A_4864 : i32
      %ne3A_4866 = arith.constant 0 : i32
      %ne3A_4867 = arith.cmpi ne, %rem3A_4865, %ne3A_4866 : i32
      %lt3A_4868 = arith.constant 0 : i32
      %lt3A_4869 = arith.cmpi slt, %rem3A_4865, %lt3A_4868 : i32
      %lt3A_4870 = arith.constant 0 : i32
      %lt3A_4871 = arith.cmpi slt, %select_n3A_4864, %lt3A_4870 : i32
      %ne3A_4872 = arith.xori %lt3A_4869, %lt3A_4871 : i1
      %and3A_4873 = arith.andi %ne3A_4872, %ne3A_4867 : i1
      %add3A_4874 = arith.addi %rem3A_4865, %select_n3A_4864 : i32
      %select_n3A_4875 = arith.select %and3A_4873, %add3A_4874, %rem3A_4865 : i32
      %swap3A_4876 = arith.index_cast %select_n3A_4859 : i32 to index
      %swap3A_4877 = arith.index_cast %select_n3A_4875 : i32 to index
      %swap3A_4878 = tpu.vector_load %arg16[%swap3A_4876, %swap3A_4877] {strides = array<i32>} : memref<128x128xf32, #tpu.memory_space<vmem>>, vector<16xf32>,
      tpu.vector_store %arg16[%swap3A_4876, %swap3A_4877], %add3A_4831 {strides = array<i32>} : memref<128x128xf32, #tpu.memory_space<vmem>>, vector<16xf32>,
      %mul3A_4879 = arith.constant 16 : i32
      %mul3A_4880 = arith.muli %scan3A_282, %mul3A_4879 : i32
      %add3A_4881 = arith.constant 15 : i32
      %add3A_4882 = arith.addi %mul3A_4880, %add3A_4881 : i32
      %slice3A_4883 = vector.extract_strided_slice %get3A_294 {offsets = [6], sizes = [1], strides = [1]} : vector<16xi32> to vector<1xi32>
      %squeeze3A_4884 = vector.extract %slice3A_4883[0] : i32 from vector<1xi32>
      %jit3A_4885 = arith.constant 128 : i32
      %div3A_4886 = arith.divsi %squeeze3A_4884, %jit3A_4885 : i32
      %sign3A_4887 = arith.constant 0 : i32
      %sign3A_4888 = arith.cmpi sgt, %squeeze3A_4884, %sign3A_4887 : i32
      %sign3A_4889 = arith.extui %sign3A_4888 : i1 to i32
      %sign3A_4890 = arith.constant 0 : i32
      %sign3A_4891 = arith.cmpi slt, %squeeze3A_4884, %sign3A_4890 : i32
      %sign3A_4892 = arith.extui %sign3A_4891 : i1 to i32
      %sign3A_4893 = arith.subi %sign3A_4889, %sign3A_4892 : i32
      %sign3A_4894 = arith.constant 0 : i32
      %sign3A_4895 = arith.cmpi sgt, %jit3A_4885, %sign3A_4894 : i32
      %sign3A_4896 = arith.extui %sign3A_4895 : i1 to i32
      %sign3A_4897 = arith.constant 0 : i32
      %sign3A_4898 = arith.cmpi slt, %jit3A_4885, %sign3A_4897 : i32
      %sign3A_4899 = arith.extui %sign3A_4898 : i1 to i32
      %sign3A_4900 = arith.subi %sign3A_4896, %sign3A_4899 : i32
      %ne3A_4901 = arith.cmpi ne, %sign3A_4893, %sign3A_4900 : i32
      %rem3A_4902 = arith.remsi %squeeze3A_4884, %jit3A_4885 : i32
      %ne3A_4903 = arith.constant 0 : i32
      %ne3A_4904 = arith.cmpi ne, %rem3A_4902, %ne3A_4903 : i32
      %and3A_4905 = arith.andi %ne3A_4901, %ne3A_4904 : i1
      %sub3A_4906 = arith.constant 1 : i32
      %sub3A_4907 = arith.subi %div3A_4886, %sub3A_4906 : i32
      %select_n3A_4908 = arith.select %and3A_4905, %sub3A_4907, %div3A_4886 : i32
      %mul3A_4909 = arith.constant 128 : i32
      %mul3A_4910 = arith.muli %select_n3A_4908, %mul3A_4909 : i32
      %multiple_of3A_4911 = tpu.assume_multiple %mul3A_4910, 128 : i32
      %dma_start3A_4912 = arith.constant 0 : i32
      %dma_start3A_4913 = tpu.memref_slice %arg2[%dma_start3A_4912, %multiple_of3A_4911] : memref<64x1000000xf32, #tpu.memory_space<hbm>> -> memref<64x128xf32, #tpu.memory_space<hbm>>
      %dma_start3A_4914 = arith.constant 0 : i32
      %dma_start3A_4915 = tpu.memref_slice %arg2[%dma_start3A_4914, %multiple_of3A_4911] : memref<64x1000000xf32, #tpu.memory_space<hbm>> -> memref<64x128xf32, #tpu.memory_space<hbm>>
      tpu.enqueue_dma source(%dma_start3A_4915 : memref<64x128xf32, #tpu.memory_space<hbm>>) target(%arg13 : memref<64x128xf32, #tpu.memory_space<vmem>>) target_semaphore(%arg23 : memref<!tpu.dma_semaphore, #tpu.memory_space<semaphore_mem>>)
      %dma_wait3A_4916 = arith.constant 0 : i32
      %dma_wait3A_4917 = arith.constant 0 : i32
      %dma_wait3A_4918 = tpu.memref_slice %arg2[%dma_wait3A_4916, %dma_wait3A_4917] : memref<64x1000000xf32, #tpu.memory_space<hbm>> -> memref<64x128xf32, #tpu.memory_space<hbm>>
      %dma_wait3A_4919 = arith.constant 0 : i32
      %dma_wait3A_4920 = arith.constant 0 : i32
      %dma_wait3A_4921 = tpu.memref_slice %arg2[%dma_wait3A_4919, %dma_wait3A_4920] : memref<64x1000000xf32, #tpu.memory_space<hbm>> -> memref<64x128xf32, #tpu.memory_space<hbm>>
      tpu.wait_dma2 semaphore(%arg24 : memref<!tpu.dma_semaphore, #tpu.memory_space<semaphore_mem>>) src(%dma_wait3A_4921 : memref<64x128xf32, #tpu.memory_space<hbm>>) dst(%arg14 : memref<64x128xf32, #tpu.memory_space<vmem>>)
      %slice3A_4922 = vector.extract_strided_slice %get3A_286 {offsets = [15], sizes = [1], strides = [1]} : vector<16xi32> to vector<1xi32>
      %squeeze3A_4923 = vector.extract %slice3A_4922[0] : i32 from vector<1xi32>
      %broadcast_in_dim3A_4924 = vector.broadcast %squeeze3A_4923 : i32 to vector<16xi32>
      %jit3A_4925 = arith.constant 128 : i32
      %div3A_4926 = arith.divsi %squeeze3A_4923, %jit3A_4925 : i32
      %sign3A_4927 = arith.constant 0 : i32
      %sign3A_4928 = arith.cmpi sgt, %squeeze3A_4923, %sign3A_4927 : i32
      %sign3A_4929 = arith.extui %sign3A_4928 : i1 to i32
      %sign3A_4930 = arith.constant 0 : i32
      %sign3A_4931 = arith.cmpi slt, %squeeze3A_4923, %sign3A_4930 : i32
      %sign3A_4932 = arith.extui %sign3A_4931 : i1 to i32
      %sign3A_4933 = arith.subi %sign3A_4929, %sign3A_4932 : i32
      %sign3A_4934 = arith.constant 0 : i32
      %sign3A_4935 = arith.cmpi sgt, %jit3A_4925, %sign3A_4934 : i32
      %sign3A_4936 = arith.extui %sign3A_4935 : i1 to i32
      %sign3A_4937 = arith.constant 0 : i32
      %sign3A_4938 = arith.cmpi slt, %jit3A_4925, %sign3A_4937 : i32
      %sign3A_4939 = arith.extui %sign3A_4938 : i1 to i32
      %sign3A_4940 = arith.subi %sign3A_4936, %sign3A_4939 : i32
      %ne3A_4941 = arith.cmpi ne, %sign3A_4933, %sign3A_4940 : i32
      %rem3A_4942 = arith.remsi %squeeze3A_4923, %jit3A_4925 : i32
      %ne3A_4943 = arith.constant 0 : i32
      %ne3A_4944 = arith.cmpi ne, %rem3A_4942, %ne3A_4943 : i32
      %and3A_4945 = arith.andi %ne3A_4941, %ne3A_4944 : i1
      %sub3A_4946 = arith.constant 1 : i32
      %sub3A_4947 = arith.subi %div3A_4926, %sub3A_4946 : i32
      %select_n3A_4948 = arith.select %and3A_4945, %sub3A_4947, %div3A_4926 : i32
      %mul3A_4949 = arith.constant 128 : i32
      %mul3A_4950 = arith.muli %select_n3A_4948, %mul3A_4949 : i32
      %broadcast_in_dim3A_4951 = vector.broadcast %mul3A_4950 : i32 to vector<16xi32>
      %sub3A_4952 = arith.subi %broadcast_in_dim3A_4924, %broadcast_in_dim3A_4951 : vector<16xi32>
      %iota3A_4953 = tpu.iota {dimensions = array<i32: 0>} : vector<16xi32>
      %add3A_4954 = arith.constant 0 : i32
      %add3A_4955 = vector.broadcast %add3A_4954 : i32 to vector<16xi32>
      %add3A_4956 = arith.addi %iota3A_4953, %add3A_4955 : vector<16xi32>
      %gather3A_4957 = tpu.vector_load_idx %arg14[%add3A_4956, %sub3A_4952] : memref<64x128xf32, #tpu.memory_space<vmem>>[vector<16xi32>, vector<16xi32>], vector<16xf32>,
      %mul3A_4958 = vector.broadcast %scan3A_232 : f32 to vector<16xf32>
      %mul3A_4959 = arith.mulf %gather3A_4957, %mul3A_4958 : vector<16xf32>
      %get3A_4960 = arith.index_cast %add3A_4882 : i32 to index
      %get3A_4961 = arith.constant 0 : index
      %get3A_4962 = tpu.vector_load %arg15[%get3A_4960, %get3A_4961] {strides = array<i32>} : memref<256x128xf32, #tpu.memory_space<vmem>>, vector<16xf32>,
      %add3A_4963 = arith.addf %mul3A_4959, %get3A_4962 : vector<16xf32>
      %mul3A_4964 = arith.constant 64 : i32
      %mul3A_4965 = arith.muli %add3A_4882, %mul3A_4964 : i32
      %add3A_4966 = arith.constant 0 : i32
      %add3A_4967 = arith.addi %mul3A_4965, %add3A_4966 : i32
      %jit3A_4968 = arith.constant 128 : i32
      %div3A_4969 = arith.divsi %add3A_4967, %jit3A_4968 : i32
      %sign3A_4970 = arith.constant 0 : i32
      %sign3A_4971 = arith.cmpi sgt, %add3A_4967, %sign3A_4970 : i32
      %sign3A_4972 = arith.extui %sign3A_4971 : i1 to i32
      %sign3A_4973 = arith.constant 0 : i32
      %sign3A_4974 = arith.cmpi slt, %add3A_4967, %sign3A_4973 : i32
      %sign3A_4975 = arith.extui %sign3A_4974 : i1 to i32
      %sign3A_4976 = arith.subi %sign3A_4972, %sign3A_4975 : i32
      %sign3A_4977 = arith.constant 0 : i32
      %sign3A_4978 = arith.cmpi sgt, %jit3A_4968, %sign3A_4977 : i32
      %sign3A_4979 = arith.extui %sign3A_4978 : i1 to i32
      %sign3A_4980 = arith.constant 0 : i32
      %sign3A_4981 = arith.cmpi slt, %jit3A_4968, %sign3A_4980 : i32
      %sign3A_4982 = arith.extui %sign3A_4981 : i1 to i32
      %sign3A_4983 = arith.subi %sign3A_4979, %sign3A_4982 : i32
      %ne3A_4984 = arith.cmpi ne, %sign3A_4976, %sign3A_4983 : i32
      %rem3A_4985 = arith.remsi %add3A_4967, %jit3A_4968 : i32
      %ne3A_4986 = arith.constant 0 : i32
      %ne3A_4987 = arith.cmpi ne, %rem3A_4985, %ne3A_4986 : i32
      %and3A_4988 = arith.andi %ne3A_4984, %ne3A_4987 : i1
      %sub3A_4989 = arith.constant 1 : i32
      %sub3A_4990 = arith.subi %div3A_4969, %sub3A_4989 : i32
      %select_n3A_4991 = arith.select %and3A_4988, %sub3A_4990, %div3A_4969 : i32
      %jit3A_4992 = arith.constant 128 : i32
      %eq3A_4993 = arith.constant 0 : i32
      %eq3A_4994 = arith.cmpi eq, %jit3A_4992, %eq3A_4993 : i32
      %jit3A_4995 = arith.constant 1 : i32
      %select_n3A_4996 = arith.select %eq3A_4994, %jit3A_4995, %jit3A_4992 : i32
      %rem3A_4997 = arith.remsi %add3A_4967, %select_n3A_4996 : i32
      %ne3A_4998 = arith.constant 0 : i32
      %ne3A_4999 = arith.cmpi ne, %rem3A_4997, %ne3A_4998 : i32
      %lt3A_5000 = arith.constant 0 : i32
      %lt3A_5001 = arith.cmpi slt, %rem3A_4997, %lt3A_5000 : i32
      %lt3A_5002 = arith.constant 0 : i32
      %lt3A_5003 = arith.cmpi slt, %select_n3A_4996, %lt3A_5002 : i32
      %ne3A_5004 = arith.xori %lt3A_5001, %lt3A_5003 : i1
      %and3A_5005 = arith.andi %ne3A_5004, %ne3A_4999 : i1
      %add3A_5006 = arith.addi %rem3A_4997, %select_n3A_4996 : i32
      %select_n3A_5007 = arith.select %and3A_5005, %add3A_5006, %rem3A_4997 : i32
      %swap3A_5008 = arith.index_cast %select_n3A_4991 : i32 to index
      %swap3A_5009 = arith.index_cast %select_n3A_5007 : i32 to index
      %swap3A_5010 = tpu.vector_load %arg16[%swap3A_5008, %swap3A_5009] {strides = array<i32>} : memref<128x128xf32, #tpu.memory_space<vmem>>, vector<16xf32>,
      tpu.vector_store %arg16[%swap3A_5008, %swap3A_5009], %add3A_4963 {strides = array<i32>} : memref<128x128xf32, #tpu.memory_space<vmem>>, vector<16xf32>,
      %iota3A_5011 = tpu.iota {dimensions = array<i32: 0>} : vector<16xi32>
      %add3A_5012 = arith.constant 16 : i32
      %add3A_5013 = vector.broadcast %add3A_5012 : i32 to vector<16xi32>
      %add3A_5014 = arith.addi %iota3A_5011, %add3A_5013 : vector<16xi32>
      %gather3A_5015 = tpu.vector_load_idx %arg14[%add3A_5014, %sub3A_4952] : memref<64x128xf32, #tpu.memory_space<vmem>>[vector<16xi32>, vector<16xi32>], vector<16xf32>,
      %mul3A_5016 = vector.broadcast %scan3A_232 : f32 to vector<16xf32>
      %mul3A_5017 = arith.mulf %gather3A_5015, %mul3A_5016 : vector<16xf32>
      %get3A_5018 = arith.index_cast %add3A_4882 : i32 to index
      %get3A_5019 = arith.constant 16 : index
      %get3A_5020 = tpu.vector_load %arg15[%get3A_5018, %get3A_5019] {strides = array<i32>} : memref<256x128xf32, #tpu.memory_space<vmem>>, vector<16xf32>,
      %add3A_5021 = arith.addf %mul3A_5017, %get3A_5020 : vector<16xf32>
      %mul3A_5022 = arith.constant 64 : i32
      %mul3A_5023 = arith.muli %add3A_4882, %mul3A_5022 : i32
      %add3A_5024 = arith.constant 16 : i32
      %add3A_5025 = arith.addi %mul3A_5023, %add3A_5024 : i32
      %jit3A_5026 = arith.constant 128 : i32
      %div3A_5027 = arith.divsi %add3A_5025, %jit3A_5026 : i32
      %sign3A_5028 = arith.constant 0 : i32
      %sign3A_5029 = arith.cmpi sgt, %add3A_5025, %sign3A_5028 : i32
      %sign3A_5030 = arith.extui %sign3A_5029 : i1 to i32
      %sign3A_5031 = arith.constant 0 : i32
      %sign3A_5032 = arith.cmpi slt, %add3A_5025, %sign3A_5031 : i32
      %sign3A_5033 = arith.extui %sign3A_5032 : i1 to i32
      %sign3A_5034 = arith.subi %sign3A_5030, %sign3A_5033 : i32
      %sign3A_5035 = arith.constant 0 : i32
      %sign3A_5036 = arith.cmpi sgt, %jit3A_5026, %sign3A_5035 : i32
      %sign3A_5037 = arith.extui %sign3A_5036 : i1 to i32
      %sign3A_5038 = arith.constant 0 : i32
      %sign3A_5039 = arith.cmpi slt, %jit3A_5026, %sign3A_5038 : i32
      %sign3A_5040 = arith.extui %sign3A_5039 : i1 to i32
      %sign3A_5041 = arith.subi %sign3A_5037, %sign3A_5040 : i32
      %ne3A_5042 = arith.cmpi ne, %sign3A_5034, %sign3A_5041 : i32
      %rem3A_5043 = arith.remsi %add3A_5025, %jit3A_5026 : i32
      %ne3A_5044 = arith.constant 0 : i32
      %ne3A_5045 = arith.cmpi ne, %rem3A_5043, %ne3A_5044 : i32
      %and3A_5046 = arith.andi %ne3A_5042, %ne3A_5045 : i1
      %sub3A_5047 = arith.constant 1 : i32
      %sub3A_5048 = arith.subi %div3A_5027, %sub3A_5047 : i32
      %select_n3A_5049 = arith.select %and3A_5046, %sub3A_5048, %div3A_5027 : i32
      %jit3A_5050 = arith.constant 128 : i32
      %eq3A_5051 = arith.constant 0 : i32
      %eq3A_5052 = arith.cmpi eq, %jit3A_5050, %eq3A_5051 : i32
      %jit3A_5053 = arith.constant 1 : i32
      %select_n3A_5054 = arith.select %eq3A_5052, %jit3A_5053, %jit3A_5050 : i32
      %rem3A_5055 = arith.remsi %add3A_5025, %select_n3A_5054 : i32
      %ne3A_5056 = arith.constant 0 : i32
      %ne3A_5057 = arith.cmpi ne, %rem3A_5055, %ne3A_5056 : i32
      %lt3A_5058 = arith.constant 0 : i32
      %lt3A_5059 = arith.cmpi slt, %rem3A_5055, %lt3A_5058 : i32
      %lt3A_5060 = arith.constant 0 : i32
      %lt3A_5061 = arith.cmpi slt, %select_n3A_5054, %lt3A_5060 : i32
      %ne3A_5062 = arith.xori %lt3A_5059, %lt3A_5061 : i1
      %and3A_5063 = arith.andi %ne3A_5062, %ne3A_5057 : i1
      %add3A_5064 = arith.addi %rem3A_5055, %select_n3A_5054 : i32
      %select_n3A_5065 = arith.select %and3A_5063, %add3A_5064, %rem3A_5055 : i32
      %swap3A_5066 = arith.index_cast %select_n3A_5049 : i32 to index
      %swap3A_5067 = arith.index_cast %select_n3A_5065 : i32 to index
      %swap3A_5068 = tpu.vector_load %arg16[%swap3A_5066, %swap3A_5067] {strides = array<i32>} : memref<128x128xf32, #tpu.memory_space<vmem>>, vector<16xf32>,
      tpu.vector_store %arg16[%swap3A_5066, %swap3A_5067], %add3A_5021 {strides = array<i32>} : memref<128x128xf32, #tpu.memory_space<vmem>>, vector<16xf32>,
      %iota3A_5069 = tpu.iota {dimensions = array<i32: 0>} : vector<16xi32>
      %add3A_5070 = arith.constant 32 : i32
      %add3A_5071 = vector.broadcast %add3A_5070 : i32 to vector<16xi32>
      %add3A_5072 = arith.addi %iota3A_5069, %add3A_5071 : vector<16xi32>
      %gather3A_5073 = tpu.vector_load_idx %arg14[%add3A_5072, %sub3A_4952] : memref<64x128xf32, #tpu.memory_space<vmem>>[vector<16xi32>, vector<16xi32>], vector<16xf32>,
      %mul3A_5074 = vector.broadcast %scan3A_232 : f32 to vector<16xf32>
      %mul3A_5075 = arith.mulf %gather3A_5073, %mul3A_5074 : vector<16xf32>
      %get3A_5076 = arith.index_cast %add3A_4882 : i32 to index
      %get3A_5077 = arith.constant 32 : index
      %get3A_5078 = tpu.vector_load %arg15[%get3A_5076, %get3A_5077] {strides = array<i32>} : memref<256x128xf32, #tpu.memory_space<vmem>>, vector<16xf32>,
      %add3A_5079 = arith.addf %mul3A_5075, %get3A_5078 : vector<16xf32>
      %mul3A_5080 = arith.constant 64 : i32
      %mul3A_5081 = arith.muli %add3A_4882, %mul3A_5080 : i32
      %add3A_5082 = arith.constant 32 : i32
      %add3A_5083 = arith.addi %mul3A_5081, %add3A_5082 : i32
      %jit3A_5084 = arith.constant 128 : i32
      %div3A_5085 = arith.divsi %add3A_5083, %jit3A_5084 : i32
      %sign3A_5086 = arith.constant 0 : i32
      %sign3A_5087 = arith.cmpi sgt, %add3A_5083, %sign3A_5086 : i32
      %sign3A_5088 = arith.extui %sign3A_5087 : i1 to i32
      %sign3A_5089 = arith.constant 0 : i32
      %sign3A_5090 = arith.cmpi slt, %add3A_5083, %sign3A_5089 : i32
      %sign3A_5091 = arith.extui %sign3A_5090 : i1 to i32
      %sign3A_5092 = arith.subi %sign3A_5088, %sign3A_5091 : i32
      %sign3A_5093 = arith.constant 0 : i32
      %sign3A_5094 = arith.cmpi sgt, %jit3A_5084, %sign3A_5093 : i32
      %sign3A_5095 = arith.extui %sign3A_5094 : i1 to i32
      %sign3A_5096 = arith.constant 0 : i32
      %sign3A_5097 = arith.cmpi slt, %jit3A_5084, %sign3A_5096 : i32
      %sign3A_5098 = arith.extui %sign3A_5097 : i1 to i32
      %sign3A_5099 = arith.subi %sign3A_5095, %sign3A_5098 : i32
      %ne3A_5100 = arith.cmpi ne, %sign3A_5092, %sign3A_5099 : i32
      %rem3A_5101 = arith.remsi %add3A_5083, %jit3A_5084 : i32
      %ne3A_5102 = arith.constant 0 : i32
      %ne3A_5103 = arith.cmpi ne, %rem3A_5101, %ne3A_5102 : i32
      %and3A_5104 = arith.andi %ne3A_5100, %ne3A_5103 : i1
      %sub3A_5105 = arith.constant 1 : i32
      %sub3A_5106 = arith.subi %div3A_5085, %sub3A_5105 : i32
      %select_n3A_5107 = arith.select %and3A_5104, %sub3A_5106, %div3A_5085 : i32
      %jit3A_5108 = arith.constant 128 : i32
      %eq3A_5109 = arith.constant 0 : i32
      %eq3A_5110 = arith.cmpi eq, %jit3A_5108, %eq3A_5109 : i32
      %jit3A_5111 = arith.constant 1 : i32
      %select_n3A_5112 = arith.select %eq3A_5110, %jit3A_5111, %jit3A_5108 : i32
      %rem3A_5113 = arith.remsi %add3A_5083, %select_n3A_5112 : i32
      %ne3A_5114 = arith.constant 0 : i32
      %ne3A_5115 = arith.cmpi ne, %rem3A_5113, %ne3A_5114 : i32
      %lt3A_5116 = arith.constant 0 : i32
      %lt3A_5117 = arith.cmpi slt, %rem3A_5113, %lt3A_5116 : i32
      %lt3A_5118 = arith.constant 0 : i32
      %lt3A_5119 = arith.cmpi slt, %select_n3A_5112, %lt3A_5118 : i32
      %ne3A_5120 = arith.xori %lt3A_5117, %lt3A_5119 : i1
      %and3A_5121 = arith.andi %ne3A_5120, %ne3A_5115 : i1
      %add3A_5122 = arith.addi %rem3A_5113, %select_n3A_5112 : i32
      %select_n3A_5123 = arith.select %and3A_5121, %add3A_5122, %rem3A_5113 : i32
      %swap3A_5124 = arith.index_cast %select_n3A_5107 : i32 to index
      %swap3A_5125 = arith.index_cast %select_n3A_5123 : i32 to index
      %swap3A_5126 = tpu.vector_load %arg16[%swap3A_5124, %swap3A_5125] {strides = array<i32>} : memref<128x128xf32, #tpu.memory_space<vmem>>, vector<16xf32>,
      tpu.vector_store %arg16[%swap3A_5124, %swap3A_5125], %add3A_5079 {strides = array<i32>} : memref<128x128xf32, #tpu.memory_space<vmem>>, vector<16xf32>,
      %iota3A_5127 = tpu.iota {dimensions = array<i32: 0>} : vector<16xi32>
      %add3A_5128 = arith.constant 48 : i32
      %add3A_5129 = vector.broadcast %add3A_5128 : i32 to vector<16xi32>
      %add3A_5130 = arith.addi %iota3A_5127, %add3A_5129 : vector<16xi32>
      %gather3A_5131 = tpu.vector_load_idx %arg14[%add3A_5130, %sub3A_4952] : memref<64x128xf32, #tpu.memory_space<vmem>>[vector<16xi32>, vector<16xi32>], vector<16xf32>,
      %mul3A_5132 = vector.broadcast %scan3A_232 : f32 to vector<16xf32>
      %mul3A_5133 = arith.mulf %gather3A_5131, %mul3A_5132 : vector<16xf32>
      %get3A_5134 = arith.index_cast %add3A_4882 : i32 to index
      %get3A_5135 = arith.constant 48 : index
      %get3A_5136 = tpu.vector_load %arg15[%get3A_5134, %get3A_5135] {strides = array<i32>} : memref<256x128xf32, #tpu.memory_space<vmem>>, vector<16xf32>,
      %add3A_5137 = arith.addf %mul3A_5133, %get3A_5136 : vector<16xf32>
      %mul3A_5138 = arith.constant 64 : i32
      %mul3A_5139 = arith.muli %add3A_4882, %mul3A_5138 : i32
      %add3A_5140 = arith.constant 48 : i32
      %add3A_5141 = arith.addi %mul3A_5139, %add3A_5140 : i32
      %jit3A_5142 = arith.constant 128 : i32
      %div3A_5143 = arith.divsi %add3A_5141, %jit3A_5142 : i32
      %sign3A_5144 = arith.constant 0 : i32
      %sign3A_5145 = arith.cmpi sgt, %add3A_5141, %sign3A_5144 : i32
      %sign3A_5146 = arith.extui %sign3A_5145 : i1 to i32
      %sign3A_5147 = arith.constant 0 : i32
      %sign3A_5148 = arith.cmpi slt, %add3A_5141, %sign3A_5147 : i32
      %sign3A_5149 = arith.extui %sign3A_5148 : i1 to i32
      %sign3A_5150 = arith.subi %sign3A_5146, %sign3A_5149 : i32
      %sign3A_5151 = arith.constant 0 : i32
      %sign3A_5152 = arith.cmpi sgt, %jit3A_5142, %sign3A_5151 : i32
      %sign3A_5153 = arith.extui %sign3A_5152 : i1 to i32
      %sign3A_5154 = arith.constant 0 : i32
      %sign3A_5155 = arith.cmpi slt, %jit3A_5142, %sign3A_5154 : i32
      %sign3A_5156 = arith.extui %sign3A_5155 : i1 to i32
      %sign3A_5157 = arith.subi %sign3A_5153, %sign3A_5156 : i32
      %ne3A_5158 = arith.cmpi ne, %sign3A_5150, %sign3A_5157 : i32
      %rem3A_5159 = arith.remsi %add3A_5141, %jit3A_5142 : i32
      %ne3A_5160 = arith.constant 0 : i32
      %ne3A_5161 = arith.cmpi ne, %rem3A_5159, %ne3A_5160 : i32
      %and3A_5162 = arith.andi %ne3A_5158, %ne3A_5161 : i1
      %sub3A_5163 = arith.constant 1 : i32
      %sub3A_5164 = arith.subi %div3A_5143, %sub3A_5163 : i32
      %select_n3A_5165 = arith.select %and3A_5162, %sub3A_5164, %div3A_5143 : i32
      %jit3A_5166 = arith.constant 128 : i32
      %eq3A_5167 = arith.constant 0 : i32
      %eq3A_5168 = arith.cmpi eq, %jit3A_5166, %eq3A_5167 : i32
      %jit3A_5169 = arith.constant 1 : i32
      %select_n3A_5170 = arith.select %eq3A_5168, %jit3A_5169, %jit3A_5166 : i32
      %rem3A_5171 = arith.remsi %add3A_5141, %select_n3A_5170 : i32
      %ne3A_5172 = arith.constant 0 : i32
      %ne3A_5173 = arith.cmpi ne, %rem3A_5171, %ne3A_5172 : i32
      %lt3A_5174 = arith.constant 0 : i32
      %lt3A_5175 = arith.cmpi slt, %rem3A_5171, %lt3A_5174 : i32
      %lt3A_5176 = arith.constant 0 : i32
      %lt3A_5177 = arith.cmpi slt, %select_n3A_5170, %lt3A_5176 : i32
      %ne3A_5178 = arith.xori %lt3A_5175, %lt3A_5177 : i1
      %and3A_5179 = arith.andi %ne3A_5178, %ne3A_5173 : i1
      %add3A_5180 = arith.addi %rem3A_5171, %select_n3A_5170 : i32
      %select_n3A_5181 = arith.select %and3A_5179, %add3A_5180, %rem3A_5171 : i32
      %swap3A_5182 = arith.index_cast %select_n3A_5165 : i32 to index
      %swap3A_5183 = arith.index_cast %select_n3A_5181 : i32 to index
      %swap3A_5184 = tpu.vector_load %arg16[%swap3A_5182, %swap3A_5183] {strides = array<i32>} : memref<128x128xf32, #tpu.memory_space<vmem>>, vector<16xf32>,
      tpu.vector_store %arg16[%swap3A_5182, %swap3A_5183], %add3A_5137 {strides = array<i32>} : memref<128x128xf32, #tpu.memory_space<vmem>>, vector<16xf32>,
    }
    %scan3A_237 = arith.constant 16 : i32
    %dma_wait3A_238 = arith.constant 0 : i32
    %dma_wait3A_239 = arith.constant 0 : i32
    %dma_wait3A_240 = tpu.memref_slice %arg2[%dma_wait3A_238, %dma_wait3A_239] : memref<64x1000000xf32, #tpu.memory_space<hbm>> -> memref<64x128xf32, #tpu.memory_space<hbm>>
    %dma_wait3A_241 = arith.constant 0 : i32
    %dma_wait3A_242 = arith.constant 0 : i32
    %dma_wait3A_243 = tpu.memref_slice %arg2[%dma_wait3A_241, %dma_wait3A_242] : memref<64x1000000xf32, #tpu.memory_space<hbm>> -> memref<64x128xf32, #tpu.memory_space<hbm>>
    tpu.wait_dma2 semaphore(%arg17 : memref<!tpu.dma_semaphore, #tpu.memory_space<semaphore_mem>>) src(%dma_wait3A_243 : memref<64x128xf32, #tpu.memory_space<hbm>>) dst(%arg7 : memref<64x128xf32, #tpu.memory_space<vmem>>)
    %dma_wait3A_244 = arith.constant 0 : i32
    %dma_wait3A_245 = arith.constant 0 : i32
    %dma_wait3A_246 = tpu.memref_slice %arg2[%dma_wait3A_244, %dma_wait3A_245] : memref<64x1000000xf32, #tpu.memory_space<hbm>> -> memref<64x128xf32, #tpu.memory_space<hbm>>
    %dma_wait3A_247 = arith.constant 0 : i32
    %dma_wait3A_248 = arith.constant 0 : i32
    %dma_wait3A_249 = tpu.memref_slice %arg2[%dma_wait3A_247, %dma_wait3A_248] : memref<64x1000000xf32, #tpu.memory_space<hbm>> -> memref<64x128xf32, #tpu.memory_space<hbm>>
    tpu.wait_dma2 semaphore(%arg18 : memref<!tpu.dma_semaphore, #tpu.memory_space<semaphore_mem>>) src(%dma_wait3A_249 : memref<64x128xf32, #tpu.memory_space<hbm>>) dst(%arg8 : memref<64x128xf32, #tpu.memory_space<vmem>>)
    %dma_wait3A_250 = arith.constant 0 : i32
    %dma_wait3A_251 = arith.constant 0 : i32
    %dma_wait3A_252 = tpu.memref_slice %arg2[%dma_wait3A_250, %dma_wait3A_251] : memref<64x1000000xf32, #tpu.memory_space<hbm>> -> memref<64x128xf32, #tpu.memory_space<hbm>>
    %dma_wait3A_253 = arith.constant 0 : i32
    %dma_wait3A_254 = arith.constant 0 : i32
    %dma_wait3A_255 = tpu.memref_slice %arg2[%dma_wait3A_253, %dma_wait3A_254] : memref<64x1000000xf32, #tpu.memory_space<hbm>> -> memref<64x128xf32, #tpu.memory_space<hbm>>
    tpu.wait_dma2 semaphore(%arg19 : memref<!tpu.dma_semaphore, #tpu.memory_space<semaphore_mem>>) src(%dma_wait3A_255 : memref<64x128xf32, #tpu.memory_space<hbm>>) dst(%arg9 : memref<64x128xf32, #tpu.memory_space<vmem>>)
    %dma_wait3A_256 = arith.constant 0 : i32
    %dma_wait3A_257 = arith.constant 0 : i32
    %dma_wait3A_258 = tpu.memref_slice %arg2[%dma_wait3A_256, %dma_wait3A_257] : memref<64x1000000xf32, #tpu.memory_space<hbm>> -> memref<64x128xf32, #tpu.memory_space<hbm>>
    %dma_wait3A_259 = arith.constant 0 : i32
    %dma_wait3A_260 = arith.constant 0 : i32
    %dma_wait3A_261 = tpu.memref_slice %arg2[%dma_wait3A_259, %dma_wait3A_260] : memref<64x1000000xf32, #tpu.memory_space<hbm>> -> memref<64x128xf32, #tpu.memory_space<hbm>>
    tpu.wait_dma2 semaphore(%arg20 : memref<!tpu.dma_semaphore, #tpu.memory_space<semaphore_mem>>) src(%dma_wait3A_261 : memref<64x128xf32, #tpu.memory_space<hbm>>) dst(%arg10 : memref<64x128xf32, #tpu.memory_space<vmem>>)
    %dma_wait3A_262 = arith.constant 0 : i32
    %dma_wait3A_263 = arith.constant 0 : i32
    %dma_wait3A_264 = tpu.memref_slice %arg2[%dma_wait3A_262, %dma_wait3A_263] : memref<64x1000000xf32, #tpu.memory_space<hbm>> -> memref<64x128xf32, #tpu.memory_space<hbm>>
    %dma_wait3A_265 = arith.constant 0 : i32
    %dma_wait3A_266 = arith.constant 0 : i32
    %dma_wait3A_267 = tpu.memref_slice %arg2[%dma_wait3A_265, %dma_wait3A_266] : memref<64x1000000xf32, #tpu.memory_space<hbm>> -> memref<64x128xf32, #tpu.memory_space<hbm>>
    tpu.wait_dma2 semaphore(%arg21 : memref<!tpu.dma_semaphore, #tpu.memory_space<semaphore_mem>>) src(%dma_wait3A_267 : memref<64x128xf32, #tpu.memory_space<hbm>>) dst(%arg11 : memref<64x128xf32, #tpu.memory_space<vmem>>)
    %dma_wait3A_268 = arith.constant 0 : i32
    %dma_wait3A_269 = arith.constant 0 : i32
    %dma_wait3A_270 = tpu.memref_slice %arg2[%dma_wait3A_268, %dma_wait3A_269] : memref<64x1000000xf32, #tpu.memory_space<hbm>> -> memref<64x128xf32, #tpu.memory_space<hbm>>
    %dma_wait3A_271 = arith.constant 0 : i32
    %dma_wait3A_272 = arith.constant 0 : i32
    %dma_wait3A_273 = tpu.memref_slice %arg2[%dma_wait3A_271, %dma_wait3A_272] : memref<64x1000000xf32, #tpu.memory_space<hbm>> -> memref<64x128xf32, #tpu.memory_space<hbm>>
    tpu.wait_dma2 semaphore(%arg22 : memref<!tpu.dma_semaphore, #tpu.memory_space<semaphore_mem>>) src(%dma_wait3A_273 : memref<64x128xf32, #tpu.memory_space<hbm>>) dst(%arg12 : memref<64x128xf32, #tpu.memory_space<vmem>>)
    %dma_wait3A_274 = arith.constant 0 : i32
    %dma_wait3A_275 = arith.constant 0 : i32
    %dma_wait3A_276 = tpu.memref_slice %arg2[%dma_wait3A_274, %dma_wait3A_275] : memref<64x1000000xf32, #tpu.memory_space<hbm>> -> memref<64x128xf32, #tpu.memory_space<hbm>>
    %dma_wait3A_277 = arith.constant 0 : i32
    %dma_wait3A_278 = arith.constant 0 : i32
    %dma_wait3A_279 = tpu.memref_slice %arg2[%dma_wait3A_277, %dma_wait3A_278] : memref<64x1000000xf32, #tpu.memory_space<hbm>> -> memref<64x128xf32, #tpu.memory_space<hbm>>
    tpu.wait_dma2 semaphore(%arg23 : memref<!tpu.dma_semaphore, #tpu.memory_space<semaphore_mem>>) src(%dma_wait3A_279 : memref<64x128xf32, #tpu.memory_space<hbm>>) dst(%arg13 : memref<64x128xf32, #tpu.memory_space<vmem>>)
    %mul3A_280 = arith.constant 128 : i32
    %mul3A_281 = arith.muli %add3A, %mul3A_280 : i32
    "tpu.region"() ({
      %run_scoped3A = tpu.sem_alloc : memref<!tpu.dma_semaphore, #tpu.memory_space<semaphore_mem>>
      %dma_start3A_282 = arith.constant 0 : i32
      %dma_start3A_283 = tpu.memref_slice %arg5[%mul3A_281, %dma_start3A_282] : memref<4096x128xf32, #tpu.memory_space<hbm>> -> memref<128x128xf32, #tpu.memory_space<hbm>>
      %dma_start3A_284 = arith.constant 0 : i32
      %dma_start3A_285 = tpu.memref_slice %arg5[%mul3A_281, %dma_start3A_284] : memref<4096x128xf32, #tpu.memory_space<hbm>> -> memref<128x128xf32, #tpu.memory_space<hbm>>
      tpu.enqueue_dma source(%arg16 : memref<128x128xf32, #tpu.memory_space<vmem>>) target(%dma_start3A_285 : memref<128x128xf32, #tpu.memory_space<hbm>>) target_semaphore(%run_scoped3A : memref<!tpu.dma_semaphore, #tpu.memory_space<semaphore_mem>>)
      %dma_wait3A_286 = arith.constant 0 : i32
      %dma_wait3A_287 = tpu.memref_slice %arg5[%mul3A_281, %dma_wait3A_286] : memref<4096x128xf32, #tpu.memory_space<hbm>> -> memref<128x128xf32, #tpu.memory_space<hbm>>
      %dma_wait3A_288 = arith.constant 0 : i32
      %dma_wait3A_289 = tpu.memref_slice %arg5[%mul3A_281, %dma_wait3A_288] : memref<4096x128xf32, #tpu.memory_space<hbm>> -> memref<128x128xf32, #tpu.memory_space<hbm>>
      tpu.wait_dma2 semaphore(%run_scoped3A : memref<!tpu.dma_semaphore, #tpu.memory_space<semaphore_mem>>) src(%arg16 : memref<128x128xf32, #tpu.memory_space<vmem>>) dst(%dma_wait3A_289 : memref<128x128xf32, #tpu.memory_space<hbm>>)
      tpu.yield
    }) : () -> ()
    return
  }
}

</mosaic_0001>

<sc_bundles>
// kernel: kernel.3.cloned.1.call-start
scs
__scs_entry_jumppad:
0x0: {  	(pc) =	sbr.rel $0x88, $3  }
0x1: {  	(tag) =	ssettag $0x0;
	lr =	simm.s32 $0x1  }
0x2: {  	[smem:$0x3F9F] =	sst lr;
	_ =	strace $0xD0000000  }
0x3: {  	_ = 	snop  }
0x4: {  	_ = 	snop  }
0x5: {  	_ = 	snop  }
0x6: {  	_ = 	snop  }
0x7: {  	_ = 	snop  }
__scs_overlays_trampoline_lowered:
0x8: {  	[smem:$0x3FAE] =	sst s0  }
0x9: {  	[smem:$0x3FAF] =	sst s1  }
0xa: {  	[smem:$0x3FB0] =	sst s2  }
0xb: {  	[smem:$0x3FB1] =	sst s3  }
0xc: {  	[smem:$0x3FB2] =	sst s4  }
0xd: {  	[smem:$0x3FB3] =	sst s5  }
0xe: {  	[smem:$0x3FB4] =	sst s6  }
0xf: {  	[smem:$0x3FB5] =	sst s7  }
0x10: {  	[smem:$0x3FB6] =	sst s8  }
0x11: {  	[smem:$0x3FB7] =	sst s9;
	s0 =	simm.s32 @!p0 $0x0  }
0x12: {  	s1 =	sld [smem:$0x3F9D];
	s0 =	simm.s32 @p0 $0x1  }
0x13: {  	[smem:$0x3FB8] =	sst s0;
	s0 =	simm.s32 @!p1 $0x0  }
0x14: {  	s2 =	sld [smem:$0x3F9C];
	s0 =	simm.s32 @p1 $0x1  }
0x15: {  	[smem:$0x3FB9] =	sst s0;
	s0 =	simm.s32 @!p2 $0x0  }
0x16: {  	s3 =	sld [smem:$0x3FDB];
	s0 =	simm.s32 @p2 $0x1  }
0x17: {  	s4 =	simm.s32 $0x1BF5;
	[smem:$0x3FBB] =	sst s0  }
0x18: {  	s0 =	sld [smem:$0x3F9E];
	_ =	swait.ge [sflag:s4], $0x0  }
0x19: {  	s7 =	sld [smem:$0x3F9F]  }
0x1a: {  	s8 =	sadd.s32 $0xFFFFE003, lr  }
0x1b: {  	s9 =	sadd.s32 $0xFFFFFEF7, lr;
	s5 =	simm.s32 $0xFFFFFFFF;
	p2 =	slt.u32 s8, $0xFFFFF086  }
0x1c: {  	p1 =	slt.u32 s9, $0xF7A;
	s5 =	simm.s32 @!p2 $0x0  }
0x1d: {  	s5 =	simm.s32 @p1 $0x1;
	p0 =	seq.s32 s7, s2  }
0x1e: {  	s7 =	smul.u32 @!p0 $0xF7A, s2;
	p2 =	seq.s32 @!p0 s5, $0x0  }
0x1f: {  	s9 =	smul.u32 $0xF7A, s1;
	s8 =	simm.s32 @!p0 $0x1BF5;
	p2 =	por !p2, p0  }
0x20: {  	[sflag:s8] =	ssyncset.s32 @!p0 $0xFFFFF086;
	s6 =	sadd.s32 @!p0 s3, s7;
	s7 =	simm.s32 @!p0 $0x108  }
0x21: {  	s3 =	sadd.s32 s3, s9;
	s6 =	sadd.s32 @!p0 $0x88, s6;
	s7 =	simm.s32 @p2 $0x1082  }
0x22: {  	[simem:s7], [sflag:s8] =	dma.local @!p0 [hbm:s6], $0xF7A  }
0x23: {  	s9 =	sor.u32 $0xD0000000, s2;
	s6 =	simm.s32 $0x108;
	_ =	swait.ge @!p0 [sflag:s8], $0x0  }
0x24: {  	s3 =	sadd.s32 $0x88, s3;
	s6 =	simm.s32 @!p1 $0x1082;
	[sflag:s4] =	ssyncset.s32 $0xFFFFF086  }
0x25: {  	[simem:s6], [sflag:s4] =	dma.local [hbm:s3], $0xF7A  }
0x26: {  	[smem:$0x3F9F] =	sst s1;
	(tag) =	ssettag s2;
	_ =	strace s9  }
0x27: {  	s1 =	sld [smem:$0x3FAF]  }
0x28: {  	s2 =	sld [smem:$0x3FB0]  }
0x29: {  	s4 =	sld [smem:$0x3FB2]  }
0x2a: {  	p0 =	seq.s32 s5, $0x0;
	s5 =	sld [smem:$0x3FB3]  }
0x2b: {  	s6 =	sld [smem:$0x3FB4]  }
0x2c: {  	s7 =	sld [smem:$0x3FB5]  }
0x2d: {  	s3 =	simm.s32 $0x108;
	s8 =	sld [smem:$0x3FB6]  }
0x2e: {  	s3 =	simm.s32 @!p0 $0x1082;
	s9 =	sld [smem:$0x3FB7]  }
0x2f: {  	lr =	sadd.s32 s0, s3;
	s0 =	sld [smem:$0x3FAE]  }
0x30: {  	s3 =	sld [smem:$0x3FB1]  }
0x31: {  	[smem:$0x3FBA] =	sst s10  }
0x32: {  	s10 =	sld [smem:$0x3FB8];
	_ =	sdelay $0x3  }
0x33: {  	p0 =	seq.s32 s10, $0x1;
	s10 =	sld [smem:$0x3FBA];
	_ =	sdelay $0x3  }
0x34: {  	[smem:$0x3FBA] =	sst s10  }
0x35: {  	s10 =	sld [smem:$0x3FB9];
	_ =	sdelay $0x3  }
0x36: {  	p1 =	seq.s32 s10, $0x1;
	s10 =	sld [smem:$0x3FBA];
	_ =	sdelay $0x3  }
0x37: {  	[smem:$0x3FBA] =	sst s10  }
0x38: {  	s10 =	sld [smem:$0x3FBB]  }
0x39: {  	_ = 	snop;
	(pc) =	sbr.ind lr, $3  }
0x3a: {  	_ = 	snop  }
0x3b: {  	_ = 	snop  }
0x3c: {  	p2 =	seq.s32 s10, $0x1;
	s10 =	sld [smem:$0x3FBA]  }
0x3d: {  	_ =	shalt  }
0x3e: {  	_ =	shalt  }
0x3f: {  	_ =	shalt  }
0x40: {  	_ =	shalt  }
0x41: {  	_ =	shalt  }
0x42: {  	_ =	shalt  }
0x43: {  	_ =	shalt  }
0x44: {  	_ =	shalt  }
0x45: {  	_ =	shalt  }
0x46: {  	_ =	shalt  }
0x47: {  	_ =	shalt  }
0x48: {  	_ =	shalt  }
0x49: {  	_ =	shalt  }
0x4a: {  	_ =	shalt  }
0x4b: {  	_ =	shalt  }
0x4c: {  	_ =	shalt  }
0x4d: {  	_ =	shalt  }
0x4e: {  	_ =	shalt  }
0x4f: {  	_ =	shalt  }
0x50: {  	_ =	shalt  }
0x51: {  	_ =	shalt  }
0x52: {  	_ =	shalt  }
0x53: {  	_ =	shalt  }
0x54: {  	_ =	shalt  }
0x55: {  	_ =	shalt  }
0x56: {  	_ =	shalt  }
0x57: {  	_ =	shalt  }
0x58: {  	_ =	shalt  }
0x59: {  	_ =	shalt  }
0x5a: {  	_ =	shalt  }
0x5b: {  	_ =	shalt  }
0x5c: {  	_ =	shalt  }
0x5d: {  	_ =	shalt  }
0x5e: {  	_ =	shalt  }
0x5f: {  	_ =	shalt  }
0x60: {  	_ =	shalt  }
0x61: {  	_ =	shalt  }
0x62: {  	_ =	shalt  }
0x63: {  	_ =	shalt  }
0x64: {  	_ =	shalt  }
0x65: {  	_ =	shalt  }
0x66: {  	_ =	shalt  }
0x67: {  	_ =	shalt  }
0x68: {  	_ =	shalt  }
0x69: {  	_ =	shalt  }
0x6a: {  	_ =	shalt  }
0x6b: {  	_ =	shalt  }
0x6c: {  	_ =	shalt  }
0x6d: {  	_ =	shalt  }
0x6e: {  	_ =	shalt  }
0x6f: {  	_ =	shalt  }
0x70: {  	_ =	shalt  }
0x71: {  	_ =	shalt  }
0x72: {  	_ =	shalt  }
0x73: {  	_ =	shalt  }
0x74: {  	_ =	shalt  }
0x75: {  	_ =	shalt  }
0x76: {  	_ =	shalt  }
0x77: {  	_ =	shalt  }
0x78: {  	_ =	shalt  }
0x79: {  	_ =	shalt  }
0x7a: {  	_ =	shalt  }
0x7b: {  	_ =	shalt  }
0x7c: {  	_ =	shalt  }
0x7d: {  	_ =	shalt  }
0x7e: {  	_ =	shalt  }
0x7f: {  	_ =	shalt  }
0x80: {  	_ =	shalt  }
0x81: {  	_ =	shalt  }
0x82: {  	_ =	shalt  }
0x83: {  	_ =	shalt  }
0x84: {  	_ =	shalt  }
0x85: {  	_ =	shalt  }
0x86: {  	_ =	shalt  }
0x87: {  	_ =	shalt  }
.Lfunc_end0:
.L_simem_size_0:
called_computation_lowered:
.L_overlay_start_0:
0x88: {  	s2 =	sld [smem:$0x3FD9]  }
0x89: {  	s3 =	sld [smem:$0x3FFE];
	_ =	sdelay $0x1  }
0x8a: {  	s1 =	srdreg.scid  }
0x8b: {  	s0 =	sand.u32 $0x1, s1  }
0x8c: {  	s17 =	sshll.u32 s0, $0xA;
	s2 =	sadd.s32 s3, s2  }
0x8d: {  	s2 =	sadd.s32 s2, s17  }
0x8e: {  	[smem:$0x3FC6] =	sst s2  }
0x8f: {  	_ = 	snop  }
0x90: {  	s2 =	sld [smem:$0x3FC8]  }
0x91: {  	s18 =	sld [smem:$0x3FD0];
	(tm) =	ssettm $0x1  }
0x92: {  	s4 =	sld [smem:$0x3FFB];
	_ =	sdelay $0x3  }
0x93: {  	_ =	strace s4  }
0x94: {  	s4 =	sld [smem:$0x3FFC];
	_ =	sdelay $0x3  }
0x95: {  	_ =	strace s4  }
0x96: {  	s4 =	sld [smem:$0x3FFD];
	_ =	sdelay $0x3  }
0x97: {  	_ =	strace s4  }
0x98: {  	_ =	strace $0x8FFFFFFF  }
0x99: {  	s19 =	sld [smem:$0x3FDB];
	_ =	sdelay $0x1  }
0x9a: {  	s5 =	simm.s32 $_scs_section_size  }
0x9b: {  	s6 =	simm.s32 $_size__tile_overlayer_lowered;
	s7 =	simm.s32 $_tile_overlayer_lowered  }
0x9c: {  	s22 =	simm.s32 $0x1BFF;
	s21 =	sshll.u32 s7, $0x1;
	s4 =	sadd.s32 s5, s19  }
0x9d: {  	s8 =	simm.s32 $0x0;
	s20 =	sshll.u32 s6, $0x1;
	s6 =	sadd.s32 s21, s4  }
0x9e: {  	[timem:s8], [sflag:s22] =	dma.local [hbm:s6], s20  }
0x9f: {  	_ =	swait.ge [sflag:s22], s20  }
0xa0: {  	s5 =	ssub.s32 $0x0, s20;
	[sflag:s22] =	ssyncset.done $0x0  }
0xa1: {  	[sflag:s22] =	ssyncadd.s32 s5;
	_ =	sdelay $0x1  }
0xa2: {  	s23 =	simm.s32 $0x1B8B  }
0xa3: {  	_ =	swait.ge [sflag:s23], $0x1  }
0xa4: {  	[sflag:s23] =	ssyncset.done $0x0  }
0xa5: {  	s25 =	simm.s32 $0x1B8E;
	s24 =	sld [smem:$0x3FFE];
	[sflag:s23] =	ssyncadd.s32 $0xFFFFFFFF  }
0xa6: {  	s26 =	simm.s32 $execute0_lowered;
	[smem:$0x3FD2] =	sst s25  }
0xa7: {  	s6 =	sshll.u32 s26, $0x1;
	_ =	strace $0x80000046;
	[dreg:$0x1] =	wrdreg $0xFFFFFFFF  }
0xa8: {  	s28 =	simm.s32 $_size_execute0_lowered;
	s4 =	sadd.s32 s4, s6;
	[dreg:$0x0] =	wrdreg $0x0  }
0xa9: {  	s6 =	sshll.u32 s28, $0x1;
	[dreg:$0x2] =	wrdreg s4  }
0xaa: {  	[dreg:$0x3] =	wrdreg s6  }
0xab: {  	[dreg:$0x4] =	wrdreg $0xC0  }
0xac: {  	_ =	task [dreg:s8], $0x5FFFF  }
0xad: {  	[dreg:$0x1] =	wrdreg $0xFFFFFFFF  }
0xae: {  	[dreg:$0x0] =	wrdreg $0x60  }
0xaf: {  	[dreg:$0x2] =	wrdreg s2  }
0xb0: {  	[dreg:$0x3] =	wrdreg s24  }
0xb1: {  	[dreg:$0x4] =	wrdreg s18  }
0xb2: {  	[dreg:$0x5] =	wrdreg $0x9  }
0xb3: {  	_ =	task.clear_ibuf [dreg:s8], $0x6FFFF;
	_ =	strace $0x90000046  }
0xb4: {  	s29 =	simm.s32 $0x9;
	_ =	strace $0x80000048  }
0xb5: {  	_ =	swait.ge [sflag:s29], $0x1  }
0xb6: {  	[sflag:s29] =	ssyncadd.s32 $0xFFFFFFFF  }
0xb7: {  	_ =	strace $0x90000048  }
0xb8: {  	_ =	sfence  }
0xb9: {  	s30 =	sld [smem:$0x0];
	_ =	sdelay $0x2  }
0xba: {  	s31 =	sshll.u32 s1, $0xD;
	s1 =	sshrl.u32 s1, $0x2  }
0xbb: {  	s3 =	sand.u32 $0x4000, s31;
	s1 =	sadd.s32 s1, s30  }
0xbc: {  	s0 =	sor.u32 s3, s0;
	s1 =	sshll.u32 s1, $0x11  }
0xbd: {  	s0 =	sor.u32 s1, s0  }
0xbe: {  	s0 =	sadd.s32 $0x8F2B, s0  }
0xbf: {  	[sflag:s0] =	ssyncadd.remote.s32 $0x1  }
0xc0: {  	_ =	sfence.sel $0xFFFF  }
0xc1: {  	[dreg:$0x0] =	wrdreg $0xFFFFFFFF;
	(pc) =	sbr.abs _section_cstart, $3  }
0xc2: {  	[dreg:$0x1] =	wrdreg $0xFFFFFFFF  }
0xc3: {  	_ =	task.clear_ibuf [dreg:s8], $0x2FFFF;
	_ =	strace $0x9FFFFFFF  }
0xc4: {  	(tm) =	ssettm $0x7FFFFFFF  }
0xc5: {  	_ =	shalt  }
tec
execute0_lowered:
.L_overlay_start_1:
0x0: {  	(tag) =	ssettag $0x1  }
0x1: {  	s1 =	rddreg [dreg:$0x0]  }
0x2: {  	s0 =	rddreg [dreg:$0x1]  }
0x3: {  	s2 =	rddreg [dreg:$0x2]  }
0x4: {  	s8 =	simm.s32 $0x0;
	s3 =	srdreg.scid;
	s4 =	stileid.u32  }
0x5: {  	s11 =	simm.s32 $0x400;
	s12 =	simm.s32 $0x7A1400;
	s13 =	simm.s32 $0x100  }
0x6: {  	s14 =	simm.s32 $0x2100;
	s15 =	simm.s32 $0x4100;
	s16 =	simm.s32 $0x6100  }
0x7: {  	s17 =	simm.s32 $0x8100;
	s18 =	simm.s32 $0xA100;
	s19 =	simm.s32 $0xC100  }
0x8: {  	s21 =	simm.s32 $0xE100;
	s31 =	simm.s32 $0x2;
	s23 =	simm.s32 $0x3  }
0x9: {  	s24 =	simm.s32 $0x4;
	s25 =	simm.s32 $0x5;
	s28 =	simm.s32 $0x7  }
0xa: {  	s29 =	simm.s32 $0x1;
	s3 =	sand.u32 $0x1, s3;
	s4 =	sshll.u32 s4, $0x1  }
0xb: {  	s22 =	simm.s32 $0x8;
	[smem:$0x7FF] =	sst s8;
	s4 =	sor.u32 s3, s4  }
0xc: {  	_ =	strace $0x80000047;
	s3 =	ssub.s32 $0x2, s3;
	s5 =	sshll.u32 s4, $0x5  }
0xd: {  	s6 =	sshll.u32 s4, $0xC;
	s7 =	sshrl.u32 s3, $0x1;
	s4 =	sshll.u32 s4, $0xB  }
0xe: {  	s5 =	sadd.s32 s5, s0;
	s6 =	sand.u32 $0x7000, s6;
	s26 =	sadd.s32 s2, s4  }
0xf: {  	v0 =	vlaneseq.u32;
	s3 =	ssub.s32 s3, s7;
	s5 =	sadd.s32 $0x400, s5;
	[dreg:$0x6] =	wrdreg s26  }
0x10: {  	v0 =	vmul.u32 $0x80, v0;
	s0 =	sadd.s32 s6, s0;
	s30 =	smax.u32 s3, $0x1;
	[dreg:$0x4] =	wrdreg s5  }
0x11: {  	s2 =	simm.s32 $0xA;
	s0 =	sadd.s32 $0x800, s0;
	[dreg:$0x7] =	wrdreg s30  }
0x12: {  	v1 =	vor.u32 $0x800, v0;
	v2 =	vor.u32 $0x1000, v0;
	v3 =	vor.u32 $0x1800, v0;
	s26 =	simm.s32 $0x6;
	s3 =	simm.s32 $0x0;
	[dreg:$0x5] =	wrdreg s0  }
.LBB2_1:
0x13: {  	[dreg:$0x8] =	wrdreg s3  }
0x14: {  	s0 =	rddreg [dreg:$0x4]  }
0x15: {  	[tilespmem:s8], [sflag:$0xA] =	stream.linear.gather [hbm4b:s0+s8], $0x100, $0x38;
	[tilespmem:$0x1C100] =	vst v63  }
0x16: {  	_ =	swait.ge [sflag:s2], $0x100  }
0x17: {  	[sflag:s2] =	ssyncset.done $0x0  }
0x18: {  	s3 =	simm.s32 $0x10100;
	[sflag:s2] =	ssyncadd.s32 $0xFFFFFF00;
	s2 =	rddreg [dreg:$0x5]  }
0x19: {  	[tilespmem:s3], [sflag:$0x9] =	stream.linear.gather [hbm4b:s2+s8], $0x8000, $0x38;
	[tilespmem:$0x1C100] =	vst v63  }
0x1a: {  	v4 =	vld [tilespmem:$0x0];
	_ =	sdelay $0x4  }
0x1b: {  	(v2sf) =	vpush v4, $0x0;
	_ =	sdelay $0x5  }
0x1c: {  	(v2sf) =	vpush v4, $0x1;
	_ =	sdelay $0x8  }
0x1d: {  	s4 =	spop (v2sf)  }
0x1e: {  	(v2sf) =	vpush v4, $0x2;
	s5 =	sand.u32 $0x7F, s4  }
0x1f: {  	s6 =	sshra.s32 s4, $0x1F;
	p0 =	slt.s32 s4, $0x1;
	p1 =	sne.s32 s5, $0x0  }
0x20: {  	s7 =	sshrl.u32 s6, $0x19;
	p0 =	por !p0, !p1  }
0x21: {  	s2 =	simm.s32 $0x1;
	s0 =	sadd.s32 s7, s4;
	p0 =	por !p0, !p0  }
0x22: {  	s0 =	sshrl.u32 s0, $0x7;
	s2 =	simm.s32 @!p0 $0x0  }
0x23: {  	s8 =	spop (v2sf);
	s0 =	ssub.s32 s0, s2  }
0x24: {  	s9 =	sand.u32 $0x7F, s8;
	s10 =	sshra.s32 s8, $0x1F;
	s0 =	sshll.u32 s0, $0x7  }
0x25: {  	(v2sf) =	vpush v4, $0x3;
	p1 =	slt.s32 s8, $0x1;
	p2 =	sne.s32 s9, $0x0;
	s0 =	sand.u32 $0x1FFFFF80, s0  }
0x26: {  	s20 =	sshrl.u32 s10, $0x19;
	p0 =	por !p1, !p2;
	s0 =	sadd.s32 s1, s0  }
0x27: {  	[tilespmem:s13], [sflag:$0x1] =	stream.strided.gather [hbm4b:s0+s11], $0x2000, s12, s11, $0x38;
	[tilespmem:$0x1C100] =	vst v63  }
0x28: {  	p0 =	por !p0, !p0;
	s2 =	simm.s32 $0x1;
	s0 =	sadd.s32 s20, s8  }
0x29: {  	s2 =	simm.s32 @!p0 $0x0;
	s0 =	sshrl.u32 s0, $0x7  }
0x2a: {  	s0 =	ssub.s32 s0, s2  }
0x2b: {  	s0 =	sshll.u32 s0, $0x7  }
0x2c: {  	s0 =	sand.u32 $0x1FFFFF80, s0  }
0x2d: {  	s0 =	sadd.s32 s1, s0;
	s30 =	spop (v2sf)  }
0x2e: {  	[tilespmem:s14], [sflag:$0x2] =	stream.strided.gather [hbm4b:s0+s11], $0x2000, s12, s11, $0x38;
	[tilespmem:$0x1C100] =	vst v63  }
0x2f: {  	(v2sf) =	vpush v4, $0x4;
	s3 =	sand.u32 $0x7F, s30  }
0x30: {  	s4 =	sshra.s32 s30, $0x1F;
	p3 =	slt.s32 s30, $0x1;
	p4 =	sne.s32 s3, $0x0  }
0x31: {  	s5 =	sshrl.u32 s4, $0x19;
	p0 =	por !p3, !p4  }
0x32: {  	s2 =	simm.s32 $0x1;
	s0 =	sadd.s32 s5, s30;
	p0 =	por !p0, !p0  }
0x33: {  	s0 =	sshrl.u32 s0, $0x7;
	s2 =	simm.s32 @!p0 $0x0  }
0x34: {  	s6 =	spop (v2sf);
	s0 =	ssub.s32 s0, s2  }
0x35: {  	s7 =	sand.u32 $0x7F, s6;
	s8 =	sshra.s32 s6, $0x1F;
	s0 =	sshll.u32 s0, $0x7  }
0x36: {  	(v2sf) =	vpush v4, $0x5;
	p5 =	slt.s32 s6, $0x1;
	p6 =	sne.s32 s7, $0x0;
	s0 =	sand.u32 $0x1FFFFF80, s0  }
0x37: {  	s9 =	sshrl.u32 s8, $0x19;
	p0 =	por !p5, !p6;
	s0 =	sadd.s32 s1, s0  }
0x38: {  	[tilespmem:s15], [sflag:$0x3] =	stream.strided.gather [hbm4b:s0+s11], $0x2000, s12, s11, $0x38;
	[tilespmem:$0x1C100] =	vst v63  }
0x39: {  	p0 =	por !p0, !p0;
	s2 =	simm.s32 $0x1;
	s0 =	sadd.s32 s9, s6  }
0x3a: {  	s2 =	simm.s32 @!p0 $0x0;
	s0 =	sshrl.u32 s0, $0x7  }
0x3b: {  	s0 =	ssub.s32 s0, s2  }
0x3c: {  	s0 =	sshll.u32 s0, $0x7  }
0x3d: {  	s0 =	sand.u32 $0x1FFFFF80, s0  }
0x3e: {  	s0 =	sadd.s32 s1, s0;
	s10 =	spop (v2sf)  }
0x3f: {  	[tilespmem:s16], [sflag:$0x4] =	stream.strided.gather [hbm4b:s0+s11], $0x2000, s12, s11, $0x38;
	[tilespmem:$0x1C100] =	vst v63  }
0x40: {  	(v2sf) =	vpush v4, $0x6;
	s20 =	sand.u32 $0x7F, s10  }
0x41: {  	s30 =	sshra.s32 s10, $0x1F;
	p1 =	slt.s32 s10, $0x1;
	p2 =	sne.s32 s20, $0x0  }
0x42: {  	s3 =	sshrl.u32 s30, $0x19;
	p0 =	por !p1, !p2  }
0x43: {  	s2 =	simm.s32 $0x1;
	s0 =	sadd.s32 s3, s10;
	p0 =	por !p0, !p0  }
0x44: {  	s0 =	sshrl.u32 s0, $0x7;
	s2 =	simm.s32 @!p0 $0x0  }
0x45: {  	s4 =	spop (v2sf);
	s0 =	ssub.s32 s0, s2  }
0x46: {  	s5 =	sand.u32 $0x7F, s4;
	s6 =	sshra.s32 s4, $0x1F;
	s0 =	sshll.u32 s0, $0x7  }
0x47: {  	p3 =	slt.s32 s4, $0x1;
	p4 =	sne.s32 s5, $0x0;
	s0 =	sand.u32 $0x1FFFFF80, s0  }
0x48: {  	s7 =	sshrl.u32 s6, $0x19;
	p0 =	por !p3, !p4;
	s0 =	sadd.s32 s1, s0  }
0x49: {  	[tilespmem:s17], [sflag:$0x5] =	stream.strided.gather [hbm4b:s0+s11], $0x2000, s12, s11, $0x38;
	[tilespmem:$0x1C100] =	vst v63  }
0x4a: {  	p0 =	por !p0, !p0;
	s2 =	simm.s32 $0x1;
	s0 =	sadd.s32 s7, s4  }
0x4b: {  	s2 =	simm.s32 @!p0 $0x0;
	s0 =	sshrl.u32 s0, $0x7  }
0x4c: {  	s0 =	ssub.s32 s0, s2  }
0x4d: {  	s0 =	sshll.u32 s0, $0x7  }
0x4e: {  	s0 =	sand.u32 $0x1FFFFF80, s0  }
0x4f: {  	s0 =	sadd.s32 s1, s0;
	s8 =	spop (v2sf)  }
0x50: {  	[tilespmem:s18], [sflag:$0x6] =	stream.strided.gather [hbm4b:s0+s11], $0x2000, s12, s11, $0x38;
	[tilespmem:$0x1C100] =	vst v63  }
0x51: {  	s9 =	sand.u32 $0x7F, s8  }
0x52: {  	s10 =	sshra.s32 s8, $0x1F;
	p5 =	slt.s32 s8, $0x1;
	p6 =	sne.s32 s9, $0x0  }
0x53: {  	s20 =	sshrl.u32 s10, $0x19;
	p0 =	por !p5, !p6  }
0x54: {  	s2 =	simm.s32 $0x1;
	s0 =	sadd.s32 s20, s8;
	p0 =	por !p0, !p0  }
0x55: {  	s0 =	sshrl.u32 s0, $0x7;
	s2 =	simm.s32 @!p0 $0x0  }
0x56: {  	s0 =	ssub.s32 s0, s2  }
0x57: {  	s0 =	sshll.u32 s0, $0x7  }
0x58: {  	s0 =	sand.u32 $0x1FFFFF80, s0  }
0x59: {  	s30 =	simm.s32 $0x9;
	s0 =	sadd.s32 s1, s0  }
0x5a: {  	[tilespmem:s19], [sflag:$0x7] =	stream.strided.gather [hbm4b:s0+s11], $0x2000, s12, s11, $0x38;
	[tilespmem:$0x1C100] =	vst v63  }
0x5b: {  	_ =	swait.ge [sflag:s30], $0x8000  }
0x5c: {  	s9 =	simm.s32 $0x0;
	[sflag:s30] =	ssyncset.done $0x0  }
0x5d: {  	s2 =	simm.s32 $0x10500;
	s0 =	simm.s32 $0x18300;
	[sflag:s30] =	ssyncadd.s32 $0xFFFF8000  }
.LBB2_2:
0x5e: {  	s3 =	sshra.s32 s9, $0x2  }
0x5f: {  	v4 =	vld [tilespmem:s3+$0x0];
	_ =	sdelay $0x4  }
0x60: {  	(v2sf) =	vpush v4, $0x7;
	_ =	sdelay $0xe  }
0x61: {  	s6 =	spop (v2sf)  }
0x62: {  	s4 =	sand.u32 $0x7F, s6  }
0x63: {  	s5 =	sshra.s32 s6, $0x1F;
	p0 =	slt.s32 s6, $0x1;
	p1 =	sne.s32 s4, $0x0  }
0x64: {  	s7 =	sshrl.u32 s5, $0x19;
	p0 =	por !p0, !p1  }
0x65: {  	s4 =	simm.s32 $0x1;
	s3 =	sadd.s32 s7, s6;
	p0 =	por !p0, !p0  }
0x66: {  	s3 =	sshrl.u32 s3, $0x7;
	s4 =	simm.s32 @!p0 $0x0  }
0x67: {  	s3 =	ssub.s32 s3, s4  }
0x68: {  	s30 =	sadd.s32 $0x40, s9;
	s4 =	sshll.u32 s3, $0x7  }
0x69: {  	s8 =	sand.u32 $0x3C0, s30;
	s20 =	sand.u32 $0x1FFFFF80, s4  }
0x6a: {  	s10 =	sshrl.u32 s8, $0x2;
	s6 =	sadd.s32 s1, s20  }
0x6b: {  	v5 =	vld [tilespmem:s10+$0x0];
	[tilespmem:s21], [sflag:$0x8] =	stream.strided.gather [hbm4b:s6+s11], $0x2000, s12, s11, $0x38  }
0x6c: {  	_ =	swait.ge [sflag:s29], $0x2000  }
0x6d: {  	(v2sf) =	vpush v4, $0x0;
	_ =	sdelay $0xe  }
0x6e: {  	s7 =	spop (v2sf)  }
0x6f: {  	s8 =	sand.u32 $0x7F, s7  }
0x70: {  	s6 =	sshra.s32 s7, $0x1F;
	p5 =	slt.s32 s7, $0x1;
	p6 =	sne.s32 s8, $0x0  }
0x71: {  	s10 =	sshrl.u32 s6, $0x19;
	p0 =	por !p5, !p6  }
0x72: {  	s5 =	simm.s32 $0x1;
	s3 =	sadd.s32 s10, s7;
	p0 =	por !p0, !p0  }
0x73: {  	s3 =	sshrl.u32 s3, $0x7;
	s5 =	simm.s32 @!p0 $0x0  }
0x74: {  	s3 =	ssub.s32 s5, s3  }
0x75: {  	s3 =	sshll.u32 s3, $0x7  }
0x76: {  	v6 =	vadd.s32 s3, v4  }
0x77: {  	v6 =	vbroadcast v6, $0x0;
	_ =	sdelay $0x1  }
0x78: {  	v7 =	vadd.s32 v0, v6;
	_ =	sdelay $0x2  }
0x79: {  	[sflag:s29] =	ssyncset.done $0x0  }
0x7a: {  	[sflag:s29] =	ssyncadd.s32 $0xFFFFE000  }
0x7b: {  	v7 =	vld.idx.msk [tilespmem:v7+s13+$0x0], $0xffff;
	_ =	sdelay $0x1  }
0x7c: {  	v8 =	vld [tilespmem:s2+$0xFFFFFC00];
	_ =	sdelay $0x2  }
0x7d: {  	v9 =	vadd.s32 v1, v6;
	v7 =	vmul.f32 $8.000000000e+00, v7;
	_ =	sdelay $0x1  }
0x7e: {  	v7 =	vadd.f32 v8, v7;
	_ =	sdelay $0x1  }
0x7f: {  	[tilespmem:s0+$0xFFFFFE00] =	vst v7  }
0x80: {  	v7 =	vld.idx.msk [tilespmem:v9+s13+$0x0], $0xffff;
	_ =	sdelay $0x1  }
0x81: {  	v40 =	vld [tilespmem:s2+$0xFFFFFC10];
	_ =	sdelay $0x2  }
0x82: {  	(v2sf) =	vpush v4, $0x8;
	v41 =	vadd.s32 v2, v6;
	v7 =	vmul.f32 $8.000000000e+00, v7;
	_ =	sdelay $0x1  }
0x83: {  	v7 =	vadd.f32 v40, v7;
	_ =	sdelay $0x1  }
0x84: {  	[tilespmem:s0+$0xFFFFFE10] =	vst v7  }
0x85: {  	v7 =	vld.idx.msk [tilespmem:v41+s13+$0x0], $0xffff;
	_ =	sdelay $0x1  }
0x86: {  	v42 =	vld [tilespmem:s2+$0xFFFFFC20];
	_ =	sdelay $0x2  }
0x87: {  	v6 =	vadd.s32 v3, v6;
	v7 =	vmul.f32 $8.000000000e+00, v7;
	_ =	sdelay $0x1  }
0x88: {  	v7 =	vadd.f32 v42, v7;
	_ =	sdelay $0x1  }
0x89: {  	[tilespmem:s0+$0xFFFFFE20] =	vst v7  }
0x8a: {  	s20 =	spop (v2sf);
	v6 =	vld.idx.msk [tilespmem:v6+s13+$0x0], $0xffff  }
0x8b: {  	s6 =	sand.u32 $0x7F, s20  }
0x8c: {  	s7 =	sshra.s32 s20, $0x1F;
	p1 =	slt.s32 s20, $0x1;
	p2 =	sne.s32 s6, $0x0;
	v7 =	vld [tilespmem:s2+$0xFFFFFC30]  }
0x8d: {  	s8 =	sshrl.u32 s7, $0x19;
	p0 =	por !p1, !p2  }
0x8e: {  	s5 =	simm.s32 $0x1;
	s3 =	sadd.s32 s8, s20;
	p0 =	por !p0, !p0  }
0x8f: {  	s3 =	sshrl.u32 s3, $0x7;
	s5 =	simm.s32 @!p0 $0x0;
	v6 =	vmul.f32 $8.000000000e+00, v6  }
0x90: {  	s3 =	ssub.s32 s3, s5  }
0x91: {  	s5 =	sshll.u32 s3, $0x7;
	v6 =	vadd.f32 v7, v6  }
0x92: {  	s3 =	sand.u32 $0x1FFFFF80, s5  }
0x93: {  	s3 =	sadd.s32 s1, s3;
	[tilespmem:s0+$0xFFFFFE30] =	vst v6  }
0x94: {  	[tilespmem:s13], [sflag:$0x1] =	stream.strided.gather [hbm4b:s3+s11], $0x2000, s12, s11, $0x38;
	[tilespmem:$0x1C100] =	vst v63  }
0x95: {  	_ =	swait.ge [sflag:s31], $0x2000  }
0x96: {  	(v2sf) =	vpush v4, $0x1;
	_ =	sdelay $0xe  }
0x97: {  	s10 =	spop (v2sf)  }
0x98: {  	s20 =	sand.u32 $0x7F, s10  }
0x99: {  	s7 =	sshra.s32 s10, $0x1F;
	p3 =	slt.s32 s10, $0x1;
	p4 =	sne.s32 s20, $0x0  }
0x9a: {  	s8 =	sshrl.u32 s7, $0x19;
	p0 =	por !p3, !p4  }
0x9b: {  	s6 =	simm.s32 $0x1;
	s3 =	sadd.s32 s8, s10;
	p0 =	por !p0, !p0  }
0x9c: {  	s3 =	sshrl.u32 s3, $0x7;
	s6 =	simm.s32 @!p0 $0x0  }
0x9d: {  	v43 =	vbroadcast v4, $0x1;
	s3 =	ssub.s32 s6, s3  }
0x9e: {  	s3 =	sshll.u32 s3, $0x7  }
0x9f: {  	v44 =	vadd.s32 s3, v43  }
0xa0: {  	v6 =	vand.u32 $0x7F, v43;
	v7 =	vand.u32 $0xFFFFFF80, v44  }
0xa1: {  	v6 =	vor.u32 v6, v7  }
0xa2: {  	v7 =	vadd.s32 v0, v6;
	_ =	sdelay $0x2  }
0xa3: {  	[sflag:s31] =	ssyncset.done $0x0  }
0xa4: {  	[sflag:s31] =	ssyncadd.s32 $0xFFFFE000  }
0xa5: {  	v7 =	vld.idx.msk [tilespmem:v7+s14+$0x0], $0xffff;
	_ =	sdelay $0x1  }
0xa6: {  	v45 =	vld [tilespmem:s2+$0xFFFFFC80];
	_ =	sdelay $0x2  }
0xa7: {  	v46 =	vadd.s32 v1, v6;
	v7 =	vmul.f32 $8.000000000e+00, v7;
	_ =	sdelay $0x1  }
0xa8: {  	v7 =	vadd.f32 v45, v7;
	_ =	sdelay $0x1  }
0xa9: {  	[tilespmem:s0+$0xFFFFFE40] =	vst v7  }
0xaa: {  	v7 =	vld.idx.msk [tilespmem:v46+s14+$0x0], $0xffff;
	_ =	sdelay $0x1  }
0xab: {  	v47 =	vld [tilespmem:s2+$0xFFFFFC90];
	_ =	sdelay $0x2  }
0xac: {  	(v2sf) =	vpush v4, $0x9;
	v48 =	vadd.s32 v2, v6;
	v7 =	vmul.f32 $8.000000000e+00, v7;
	_ =	sdelay $0x1  }
0xad: {  	v7 =	vadd.f32 v47, v7;
	_ =	sdelay $0x1  }
0xae: {  	[tilespmem:s0+$0xFFFFFE50] =	vst v7  }
0xaf: {  	v7 =	vld.idx.msk [tilespmem:v48+s14+$0x0], $0xffff;
	_ =	sdelay $0x1  }
0xb0: {  	v49 =	vld [tilespmem:s2+$0xFFFFFCA0];
	_ =	sdelay $0x2  }
0xb1: {  	v6 =	vadd.s32 v3, v6;
	v7 =	vmul.f32 $8.000000000e+00, v7;
	_ =	sdelay $0x1  }
0xb2: {  	v7 =	vadd.f32 v49, v7;
	_ =	sdelay $0x1  }
0xb3: {  	[tilespmem:s0+$0xFFFFFE60] =	vst v7  }
0xb4: {  	s3 =	spop (v2sf);
	v6 =	vld.idx.msk [tilespmem:v6+s14+$0x0], $0xffff  }
0xb5: {  	s10 =	sand.u32 $0x7F, s3  }
0xb6: {  	s20 =	sshra.s32 s3, $0x1F;
	p5 =	slt.s32 s3, $0x1;
	p6 =	sne.s32 s10, $0x0;
	v7 =	vld [tilespmem:s2+$0xFFFFFCB0]  }
0xb7: {  	s8 =	sshrl.u32 s20, $0x19;
	p0 =	por !p5, !p6  }
0xb8: {  	s6 =	simm.s32 $0x1;
	s3 =	sadd.s32 s8, s3;
	p0 =	por !p0, !p0  }
0xb9: {  	s3 =	sshrl.u32 s3, $0x7;
	s6 =	simm.s32 @!p0 $0x0;
	v6 =	vmul.f32 $8.000000000e+00, v6  }
0xba: {  	s3 =	ssub.s32 s3, s6  }
0xbb: {  	s6 =	sshll.u32 s3, $0x7;
	v6 =	vadd.f32 v7, v6  }
0xbc: {  	s3 =	sand.u32 $0x1FFFFF80, s6  }
0xbd: {  	s3 =	sadd.s32 s1, s3;
	[tilespmem:s0+$0xFFFFFE70] =	vst v6  }
0xbe: {  	[tilespmem:s14], [sflag:$0x2] =	stream.strided.gather [hbm4b:s3+s11], $0x2000, s12, s11, $0x38;
	[tilespmem:$0x1C100] =	vst v63  }
0xbf: {  	_ =	swait.ge [sflag:s23], $0x2000  }
0xc0: {  	(v2sf) =	vpush v4, $0x2;
	_ =	sdelay $0xe  }
0xc1: {  	s10 =	spop (v2sf)  }
0xc2: {  	s20 =	sand.u32 $0x7F, s10  }
0xc3: {  	s8 =	sshra.s32 s10, $0x1F;
	p1 =	slt.s32 s10, $0x1;
	p2 =	sne.s32 s20, $0x0  }
0xc4: {  	s8 =	sshrl.u32 s8, $0x19;
	p0 =	por !p1, !p2  }
0xc5: {  	s7 =	simm.s32 $0x1;
	s3 =	sadd.s32 s8, s10;
	p0 =	por !p0, !p0  }
0xc6: {  	s3 =	sshrl.u32 s3, $0x7;
	s7 =	simm.s32 @!p0 $0x0  }
0xc7: {  	v50 =	vbroadcast v4, $0x2;
	s3 =	ssub.s32 s7, s3  }
0xc8: {  	s3 =	sshll.u32 s3, $0x7  }
0xc9: {  	v51 =	vadd.s32 s3, v50  }
0xca: {  	v6 =	vand.u32 $0x7F, v50;
	v7 =	vand.u32 $0xFFFFFF80, v51  }
0xcb: {  	v6 =	vor.u32 v6, v7  }
0xcc: {  	v7 =	vadd.s32 v0, v6;
	_ =	sdelay $0x2  }
0xcd: {  	[sflag:s23] =	ssyncset.done $0x0  }
0xce: {  	[sflag:s23] =	ssyncadd.s32 $0xFFFFE000  }
0xcf: {  	v7 =	vld.idx.msk [tilespmem:v7+s15+$0x0], $0xffff;
	_ =	sdelay $0x1  }
0xd0: {  	v52 =	vld [tilespmem:s2+$0xFFFFFD00];
	_ =	sdelay $0x2  }
0xd1: {  	v53 =	vadd.s32 v1, v6;
	v7 =	vmul.f32 $8.000000000e+00, v7;
	_ =	sdelay $0x1  }
0xd2: {  	v7 =	vadd.f32 v52, v7;
	_ =	sdelay $0x1  }
0xd3: {  	[tilespmem:s0+$0xFFFFFE80] =	vst v7  }
0xd4: {  	v7 =	vld.idx.msk [tilespmem:v53+s15+$0x0], $0xffff;
	_ =	sdelay $0x1  }
0xd5: {  	v54 =	vld [tilespmem:s2+$0xFFFFFD10];
	_ =	sdelay $0x2  }
0xd6: {  	(v2sf) =	vpush v4, $0xA;
	v55 =	vadd.s32 v2, v6;
	v7 =	vmul.f32 $8.000000000e+00, v7;
	_ =	sdelay $0x1  }
0xd7: {  	v7 =	vadd.f32 v54, v7;
	_ =	sdelay $0x1  }
0xd8: {  	[tilespmem:s0+$0xFFFFFE90] =	vst v7  }
0xd9: {  	v7 =	vld.idx.msk [tilespmem:v55+s15+$0x0], $0xffff;
	_ =	sdelay $0x1  }
0xda: {  	v56 =	vld [tilespmem:s2+$0xFFFFFD20];
	_ =	sdelay $0x2  }
0xdb: {  	v6 =	vadd.s32 v3, v6;
	v7 =	vmul.f32 $8.000000000e+00, v7;
	_ =	sdelay $0x1  }
0xdc: {  	v7 =	vadd.f32 v56, v7;
	_ =	sdelay $0x1  }
0xdd: {  	[tilespmem:s0+$0xFFFFFEA0] =	vst v7  }
0xde: {  	s3 =	spop (v2sf);
	v6 =	vld.idx.msk [tilespmem:v6+s15+$0x0], $0xffff  }
0xdf: {  	s10 =	sand.u32 $0x7F, s3  }
0xe0: {  	s20 =	sshra.s32 s3, $0x1F;
	p3 =	slt.s32 s3, $0x1;
	p4 =	sne.s32 s10, $0x0;
	v7 =	vld [tilespmem:s2+$0xFFFFFD30]  }
0xe1: {  	s8 =	sshrl.u32 s20, $0x19;
	p0 =	por !p3, !p4  }
0xe2: {  	s7 =	simm.s32 $0x1;
	s3 =	sadd.s32 s8, s3;
	p0 =	por !p0, !p0  }
0xe3: {  	s3 =	sshrl.u32 s3, $0x7;
	s7 =	simm.s32 @!p0 $0x0;
	v6 =	vmul.f32 $8.000000000e+00, v6  }
0xe4: {  	s3 =	ssub.s32 s3, s7  }
0xe5: {  	s7 =	sshll.u32 s3, $0x7;
	v6 =	vadd.f32 v7, v6  }
0xe6: {  	s3 =	sand.u32 $0x1FFFFF80, s7  }
0xe7: {  	s3 =	sadd.s32 s1, s3;
	[tilespmem:s0+$0xFFFFFEB0] =	vst v6  }
0xe8: {  	[tilespmem:s15], [sflag:$0x3] =	stream.strided.gather [hbm4b:s3+s11], $0x2000, s12, s11, $0x38;
	[tilespmem:$0x1C100] =	vst v63  }
0xe9: {  	_ =	swait.ge [sflag:s24], $0x2000  }
0xea: {  	(v2sf) =	vpush v4, $0x3;
	_ =	sdelay $0xe  }
0xeb: {  	s3 =	spop (v2sf)  }
0xec: {  	s10 =	sand.u32 $0x7F, s3  }
0xed: {  	s20 =	sshra.s32 s3, $0x1F;
	p5 =	slt.s32 s3, $0x1;
	p6 =	sne.s32 s10, $0x0  }
0xee: {  	s10 =	sshrl.u32 s20, $0x19;
	p0 =	por !p5, !p6  }
0xef: {  	s8 =	simm.s32 $0x1;
	s3 =	sadd.s32 s10, s3;
	p0 =	por !p0, !p0  }
0xf0: {  	s3 =	sshrl.u32 s3, $0x7;
	s8 =	simm.s32 @!p0 $0x0  }
0xf1: {  	v57 =	vbroadcast v4, $0x3;
	s3 =	ssub.s32 s8, s3  }
0xf2: {  	s3 =	sshll.u32 s3, $0x7  }
0xf3: {  	v58 =	vadd.s32 s3, v57  }
0xf4: {  	v6 =	vand.u32 $0x7F, v57;
	v7 =	vand.u32 $0xFFFFFF80, v58  }
0xf5: {  	v6 =	vor.u32 v6, v7  }
0xf6: {  	v7 =	vadd.s32 v0, v6;
	_ =	sdelay $0x2  }
0xf7: {  	[sflag:s24] =	ssyncset.done $0x0  }
0xf8: {  	[sflag:s24] =	ssyncadd.s32 $0xFFFFE000  }
0xf9: {  	v7 =	vld.idx.msk [tilespmem:v7+s16+$0x0], $0xffff;
	_ =	sdelay $0x1  }
0xfa: {  	v59 =	vld [tilespmem:s2+$0xFFFFFD80];
	_ =	sdelay $0x2  }
0xfb: {  	v60 =	vadd.s32 v1, v6;
	v7 =	vmul.f32 $8.000000000e+00, v7;
	_ =	sdelay $0x1  }
0xfc: {  	v7 =	vadd.f32 v59, v7;
	_ =	sdelay $0x1  }
0xfd: {  	[tilespmem:s0+$0xFFFFFEC0] =	vst v7  }
0xfe: {  	v7 =	vld.idx.msk [tilespmem:v60+s16+$0x0], $0xffff;
	_ =	sdelay $0x1  }
0xff: {  	v61 =	vld [tilespmem:s2+$0xFFFFFD90];
	_ =	sdelay $0x2  }
0x100: {  	(v2sf) =	vpush v4, $0xB;
	v62 =	vadd.s32 v2, v6;
	v7 =	vmul.f32 $8.000000000e+00, v7;
	_ =	sdelay $0x1  }
0x101: {  	v7 =	vadd.f32 v61, v7;
	_ =	sdelay $0x1  }
0x102: {  	[tilespmem:s0+$0xFFFFFED0] =	vst v7  }
0x103: {  	v7 =	vld.idx.msk [tilespmem:v62+s16+$0x0], $0xffff;
	_ =	sdelay $0x1  }
0x104: {  	v63 =	vld [tilespmem:s2+$0xFFFFFDA0];
	_ =	sdelay $0x2  }
0x105: {  	v6 =	vadd.s32 v3, v6;
	v7 =	vmul.f32 $8.000000000e+00, v7;
	_ =	sdelay $0x1  }
0x106: {  	v7 =	vadd.f32 v63, v7;
	_ =	sdelay $0x1  }
0x107: {  	[tilespmem:s0+$0xFFFFFEE0] =	vst v7  }
0x108: {  	s3 =	spop (v2sf);
	v6 =	vld.idx.msk [tilespmem:v6+s16+$0x0], $0xffff  }
0x109: {  	s20 =	sand.u32 $0x7F, s3  }
0x10a: {  	s10 =	sshra.s32 s3, $0x1F;
	p1 =	slt.s32 s3, $0x1;
	p2 =	sne.s32 s20, $0x0;
	v7 =	vld [tilespmem:s2+$0xFFFFFDB0]  }
0x10b: {  	s10 =	sshrl.u32 s10, $0x19;
	p0 =	por !p1, !p2  }
0x10c: {  	s8 =	simm.s32 $0x1;
	s3 =	sadd.s32 s10, s3;
	p0 =	por !p0, !p0  }
0x10d: {  	s3 =	sshrl.u32 s3, $0x7;
	s8 =	simm.s32 @!p0 $0x0;
	v6 =	vmul.f32 $8.000000000e+00, v6  }
0x10e: {  	s3 =	ssub.s32 s3, s8  }
0x10f: {  	s3 =	sshll.u32 s3, $0x7;
	v6 =	vadd.f32 v7, v6  }
0x110: {  	s20 =	sand.u32 $0x1FFFFF80, s3  }
0x111: {  	s8 =	sadd.s32 s1, s20;
	[tilespmem:s0+$0xFFFFFEF0] =	vst v6  }
0x112: {  	[tilespmem:s16], [sflag:$0x4] =	stream.strided.gather [hbm4b:s8+s11], $0x2000, s12, s11, $0x38;
	[tilespmem:$0x1C100] =	vst v63  }
0x113: {  	_ =	swait.ge [sflag:s25], $0x2000  }
0x114: {  	(v2sf) =	vpush v4, $0x4;
	_ =	sdelay $0xe  }
0x115: {  	s8 =	spop (v2sf)  }
0x116: {  	s10 =	sand.u32 $0x7F, s8  }
0x117: {  	s31 =	sshra.s32 s8, $0x1F;
	p3 =	slt.s32 s8, $0x1;
	p4 =	sne.s32 s10, $0x0  }
0x118: {  	s10 =	sshrl.u32 s31, $0x19;
	p0 =	por !p3, !p4  }
0x119: {  	s20 =	simm.s32 $0x1;
	s8 =	sadd.s32 s10, s8;
	p0 =	por !p0, !p0  }
0x11a: {  	s8 =	sshrl.u32 s8, $0x7;
	s20 =	simm.s32 @!p0 $0x0  }
0x11b: {  	v10 =	vbroadcast v4, $0x4;
	s8 =	ssub.s32 s20, s8  }
0x11c: {  	s8 =	sshll.u32 s8, $0x7  }
0x11d: {  	v11 =	vadd.s32 s8, v10  }
0x11e: {  	v6 =	vand.u32 $0x7F, v10;
	v7 =	vand.u32 $0xFFFFFF80, v11  }
0x11f: {  	v6 =	vor.u32 v6, v7  }
0x120: {  	v7 =	vadd.s32 v0, v6;
	_ =	sdelay $0x2  }
0x121: {  	[sflag:s25] =	ssyncset.done $0x0  }
0x122: {  	[sflag:s25] =	ssyncadd.s32 $0xFFFFE000  }
0x123: {  	v7 =	vld.idx.msk [tilespmem:v7+s17+$0x0], $0xffff;
	_ =	sdelay $0x1  }
0x124: {  	v12 =	vld [tilespmem:s2+$0xFFFFFE00];
	_ =	sdelay $0x2  }
0x125: {  	v13 =	vadd.s32 v1, v6;
	v7 =	vmul.f32 $8.000000000e+00, v7;
	_ =	sdelay $0x1  }
0x126: {  	v7 =	vadd.f32 v12, v7;
	_ =	sdelay $0x1  }
0x127: {  	[tilespmem:s0+$0xFFFFFF00] =	vst v7  }
0x128: {  	v7 =	vld.idx.msk [tilespmem:v13+s17+$0x0], $0xffff;
	_ =	sdelay $0x1  }
0x129: {  	v14 =	vld [tilespmem:s2+$0xFFFFFE10];
	_ =	sdelay $0x2  }
0x12a: {  	(v2sf) =	vpush v4, $0xC;
	v15 =	vadd.s32 v2, v6;
	v7 =	vmul.f32 $8.000000000e+00, v7;
	_ =	sdelay $0x1  }
0x12b: {  	v7 =	vadd.f32 v14, v7;
	_ =	sdelay $0x1  }
0x12c: {  	[tilespmem:s0+$0xFFFFFF10] =	vst v7  }
0x12d: {  	v7 =	vld.idx.msk [tilespmem:v15+s17+$0x0], $0xffff;
	_ =	sdelay $0x1  }
0x12e: {  	v16 =	vld [tilespmem:s2+$0xFFFFFE20];
	_ =	sdelay $0x2  }
0x12f: {  	v6 =	vadd.s32 v3, v6;
	v7 =	vmul.f32 $8.000000000e+00, v7;
	_ =	sdelay $0x1  }
0x130: {  	v7 =	vadd.f32 v16, v7;
	_ =	sdelay $0x1  }
0x131: {  	[tilespmem:s0+$0xFFFFFF20] =	vst v7  }
0x132: {  	s8 =	spop (v2sf);
	v6 =	vld.idx.msk [tilespmem:v6+s17+$0x0], $0xffff  }
0x133: {  	s10 =	sand.u32 $0x7F, s8  }
0x134: {  	s31 =	sshra.s32 s8, $0x1F;
	p5 =	slt.s32 s8, $0x1;
	p6 =	sne.s32 s10, $0x0;
	v7 =	vld [tilespmem:s2+$0xFFFFFE30]  }
0x135: {  	s10 =	sshrl.u32 s31, $0x19;
	p0 =	por !p5, !p6  }
0x136: {  	s20 =	simm.s32 $0x1;
	s8 =	sadd.s32 s10, s8;
	p0 =	por !p0, !p0  }
0x137: {  	s8 =	sshrl.u32 s8, $0x7;
	s20 =	simm.s32 @!p0 $0x0;
	v6 =	vmul.f32 $8.000000000e+00, v6  }
0x138: {  	s8 =	ssub.s32 s8, s20  }
0x139: {  	s20 =	sshll.u32 s8, $0x7;
	v6 =	vadd.f32 v7, v6  }
0x13a: {  	s8 =	sand.u32 $0x1FFFFF80, s20  }
0x13b: {  	s8 =	sadd.s32 s1, s8;
	[tilespmem:s0+$0xFFFFFF30] =	vst v6  }
0x13c: {  	[tilespmem:s17], [sflag:$0x5] =	stream.strided.gather [hbm4b:s8+s11], $0x2000, s12, s11, $0x38;
	[tilespmem:$0x1C100] =	vst v63  }
0x13d: {  	_ =	swait.ge [sflag:s26], $0x2000  }
0x13e: {  	(v2sf) =	vpush v4, $0x5;
	_ =	sdelay $0xe  }
0x13f: {  	s8 =	spop (v2sf)  }
0x140: {  	s31 =	sand.u32 $0x7F, s8  }
0x141: {  	s10 =	sshra.s32 s8, $0x1F;
	p1 =	slt.s32 s8, $0x1;
	p2 =	sne.s32 s31, $0x0  }
0x142: {  	s10 =	sshrl.u32 s10, $0x19;
	p0 =	por !p1, !p2  }
0x143: {  	s8 =	sadd.s32 s10, s8;
	s10 =	simm.s32 $0x1;
	p0 =	por !p0, !p0  }
0x144: {  	s8 =	sshrl.u32 s8, $0x7;
	s10 =	simm.s32 @!p0 $0x0  }
0x145: {  	v17 =	vbroadcast v4, $0x5;
	s8 =	ssub.s32 s10, s8  }
0x146: {  	s8 =	sshll.u32 s8, $0x7  }
0x147: {  	v18 =	vadd.s32 s8, v17  }
0x148: {  	v6 =	vand.u32 $0x7F, v17;
	v7 =	vand.u32 $0xFFFFFF80, v18  }
0x149: {  	v6 =	vor.u32 v6, v7  }
0x14a: {  	v7 =	vadd.s32 v0, v6;
	_ =	sdelay $0x2  }
0x14b: {  	[sflag:s26] =	ssyncset.done $0x0  }
0x14c: {  	[sflag:s26] =	ssyncadd.s32 $0xFFFFE000  }
0x14d: {  	v7 =	vld.idx.msk [tilespmem:v7+s18+$0x0], $0xffff;
	_ =	sdelay $0x1  }
0x14e: {  	v19 =	vld [tilespmem:s2+$0xFFFFFE80];
	_ =	sdelay $0x2  }
0x14f: {  	v20 =	vadd.s32 v1, v6;
	v7 =	vmul.f32 $8.000000000e+00, v7;
	_ =	sdelay $0x1  }
0x150: {  	v7 =	vadd.f32 v19, v7;
	_ =	sdelay $0x1  }
0x151: {  	[tilespmem:s0+$0xFFFFFF40] =	vst v7  }
0x152: {  	v7 =	vld.idx.msk [tilespmem:v20+s18+$0x0], $0xffff;
	_ =	sdelay $0x1  }
0x153: {  	v21 =	vld [tilespmem:s2+$0xFFFFFE90];
	_ =	sdelay $0x2  }
0x154: {  	(v2sf) =	vpush v4, $0xD;
	v22 =	vadd.s32 v2, v6;
	v7 =	vmul.f32 $8.000000000e+00, v7;
	_ =	sdelay $0x1  }
0x155: {  	v7 =	vadd.f32 v21, v7;
	_ =	sdelay $0x1  }
0x156: {  	[tilespmem:s0+$0xFFFFFF50] =	vst v7  }
0x157: {  	v7 =	vld.idx.msk [tilespmem:v22+s18+$0x0], $0xffff;
	_ =	sdelay $0x1  }
0x158: {  	v23 =	vld [tilespmem:s2+$0xFFFFFEA0];
	_ =	sdelay $0x2  }
0x159: {  	v6 =	vadd.s32 v3, v6;
	v7 =	vmul.f32 $8.000000000e+00, v7;
	_ =	sdelay $0x1  }
0x15a: {  	v7 =	vadd.f32 v23, v7;
	_ =	sdelay $0x1  }
0x15b: {  	[tilespmem:s0+$0xFFFFFF60] =	vst v7  }
0x15c: {  	s8 =	spop (v2sf);
	v6 =	vld.idx.msk [tilespmem:v6+s18+$0x0], $0xffff  }
0x15d: {  	s10 =	sand.u32 $0x7F, s8  }
0x15e: {  	s31 =	sshra.s32 s8, $0x1F;
	p3 =	slt.s32 s8, $0x1;
	p4 =	sne.s32 s10, $0x0;
	v7 =	vld [tilespmem:s2+$0xFFFFFEB0]  }
0x15f: {  	s10 =	sshrl.u32 s31, $0x19;
	p0 =	por !p3, !p4  }
0x160: {  	s8 =	sadd.s32 s10, s8;
	s10 =	simm.s32 $0x1;
	p0 =	por !p0, !p0  }
0x161: {  	s8 =	sshrl.u32 s8, $0x7;
	s10 =	simm.s32 @!p0 $0x0;
	v6 =	vmul.f32 $8.000000000e+00, v6  }
0x162: {  	s8 =	ssub.s32 s8, s10  }
0x163: {  	s8 =	sshll.u32 s8, $0x7;
	v6 =	vadd.f32 v7, v6  }
0x164: {  	s10 =	sand.u32 $0x1FFFFF80, s8  }
0x165: {  	s10 =	sadd.s32 s1, s10;
	[tilespmem:s0+$0xFFFFFF70] =	vst v6  }
0x166: {  	[tilespmem:s18], [sflag:$0x6] =	stream.strided.gather [hbm4b:s10+s11], $0x2000, s12, s11, $0x38;
	[tilespmem:$0x1C100] =	vst v63  }
0x167: {  	_ =	swait.ge [sflag:s28], $0x2000  }
0x168: {  	(v2sf) =	vpush v4, $0x6;
	_ =	sdelay $0xe  }
0x169: {  	s10 =	spop (v2sf)  }
0x16a: {  	s31 =	sand.u32 $0x7F, s10  }
0x16b: {  	p6 =	slt.s32 s10, $0x1;
	p5 =	sne.s32 s31, $0x0;
	s31 =	sshra.s32 s10, $0x1F  }
0x16c: {  	s31 =	sshrl.u32 s31, $0x19;
	p0 =	por !p6, !p5  }
0x16d: {  	s10 =	sadd.s32 s31, s10;
	p0 =	por !p0, !p0;
	s31 =	simm.s32 $0x1  }
0x16e: {  	s10 =	sshrl.u32 s10, $0x7;
	s31 =	simm.s32 @!p0 $0x0  }
0x16f: {  	v24 =	vbroadcast v4, $0x6;
	s10 =	ssub.s32 s31, s10  }
0x170: {  	s10 =	sshll.u32 s10, $0x7  }
0x171: {  	v25 =	vadd.s32 s10, v24  }
0x172: {  	v6 =	vand.u32 $0x7F, v24;
	v7 =	vand.u32 $0xFFFFFF80, v25  }
0x173: {  	v6 =	vor.u32 v6, v7  }
0x174: {  	v7 =	vadd.s32 v0, v6;
	_ =	sdelay $0x2  }
0x175: {  	[sflag:s28] =	ssyncset.done $0x0  }
0x176: {  	[sflag:s28] =	ssyncadd.s32 $0xFFFFE000  }
0x177: {  	v7 =	vld.idx.msk [tilespmem:v7+s19+$0x0], $0xffff;
	_ =	sdelay $0x1  }
0x178: {  	v26 =	vld [tilespmem:s2+$0xFFFFFF00];
	_ =	sdelay $0x2  }
0x179: {  	v27 =	vadd.s32 v1, v6;
	v7 =	vmul.f32 $8.000000000e+00, v7;
	_ =	sdelay $0x1  }
0x17a: {  	v7 =	vadd.f32 v26, v7;
	_ =	sdelay $0x1  }
0x17b: {  	[tilespmem:s0+$0xFFFFFF80] =	vst v7  }
0x17c: {  	v7 =	vld.idx.msk [tilespmem:v27+s19+$0x0], $0xffff;
	_ =	sdelay $0x1  }
0x17d: {  	v28 =	vld [tilespmem:s2+$0xFFFFFF10];
	_ =	sdelay $0x2  }
0x17e: {  	(v2sf) =	vpush v4, $0xE;
	v29 =	vadd.s32 v2, v6;
	v7 =	vmul.f32 $8.000000000e+00, v7;
	_ =	sdelay $0x1  }
0x17f: {  	v7 =	vadd.f32 v28, v7;
	_ =	sdelay $0x1  }
0x180: {  	[tilespmem:s0+$0xFFFFFF90] =	vst v7  }
0x181: {  	v7 =	vld.idx.msk [tilespmem:v29+s19+$0x0], $0xffff;
	_ =	sdelay $0x1  }
0x182: {  	v30 =	vld [tilespmem:s2+$0xFFFFFF20];
	_ =	sdelay $0x2  }
0x183: {  	v6 =	vadd.s32 v3, v6;
	v7 =	vmul.f32 $8.000000000e+00, v7;
	_ =	sdelay $0x1  }
0x184: {  	v7 =	vadd.f32 v30, v7;
	_ =	sdelay $0x1  }
0x185: {  	[tilespmem:s0+$0xFFFFFFA0] =	vst v7  }
0x186: {  	s10 =	spop (v2sf);
	v6 =	vld.idx.msk [tilespmem:v6+s19+$0x0], $0xffff  }
0x187: {  	s31 =	sand.u32 $0x7F, s10  }
0x188: {  	p2 =	slt.s32 s10, $0x1;
	p1 =	sne.s32 s31, $0x0;
	s31 =	sshra.s32 s10, $0x1F;
	v7 =	vld [tilespmem:s2+$0xFFFFFF30]  }
0x189: {  	s31 =	sshrl.u32 s31, $0x19;
	p0 =	por !p2, !p1  }
0x18a: {  	v31 =	vbroadcast v4, $0x7;
	s10 =	sadd.s32 s31, s10;
	p0 =	por !p0, !p0;
	s31 =	simm.s32 $0x1  }
0x18b: {  	v32 =	vmov s4;
	s10 =	sshrl.u32 s10, $0x7;
	s31 =	simm.s32 @!p0 $0x0;
	v6 =	vmul.f32 $8.000000000e+00, v6  }
0x18c: {  	v9 =	vsub.s32 v31, v32;
	s10 =	ssub.s32 s10, s31  }
0x18d: {  	v8 =	vand.u32 $0x7F, v31;
	v33 =	vand.u32 $0xFFFFFF80, v9;
	s4 =	sshll.u32 s10, $0x7;
	v6 =	vadd.f32 v7, v6  }
0x18e: {  	s10 =	sand.u32 $0x1FFFFF80, s4;
	v7 =	vor.u32 v8, v33  }
0x18f: {  	s10 =	sadd.s32 s1, s10;
	v34 =	vadd.s32 v0, v7;
	[tilespmem:s0+$0xFFFFFFB0] =	vst v6  }
0x190: {  	[tilespmem:s19], [sflag:$0x7] =	stream.strided.gather [hbm4b:s10+s11], $0x2000, s12, s11, $0x38;
	[tilespmem:$0x1C100] =	vst v63  }
0x191: {  	_ =	swait.ge [sflag:s22], $0x2000  }
0x192: {  	[sflag:s22] =	ssyncset.done $0x0  }
0x193: {  	[sflag:s22] =	ssyncadd.s32 $0xFFFFE000  }
0x194: {  	v6 =	vld.idx.msk [tilespmem:v34+s21+$0x0], $0xffff;
	_ =	sdelay $0x1  }
0x195: {  	v35 =	vld [tilespmem:s2+$0xFFFFFF80];
	_ =	sdelay $0x2  }
0x196: {  	v36 =	vadd.s32 v1, v7;
	v6 =	vmul.f32 $8.000000000e+00, v6;
	_ =	sdelay $0x1  }
0x197: {  	v6 =	vadd.f32 v35, v6;
	_ =	sdelay $0x1  }
0x198: {  	[tilespmem:s0+$0xFFFFFFC0] =	vst v6  }
0x199: {  	v6 =	vld.idx.msk [tilespmem:v36+s21+$0x0], $0xffff;
	_ =	sdelay $0x1  }
0x19a: {  	v37 =	vld [tilespmem:s2+$0xFFFFFF90];
	_ =	sdelay $0x2  }
0x19b: {  	v38 =	vadd.s32 v2, v7;
	(v2sf) =	vpush v4, $0xF;
	v6 =	vmul.f32 $8.000000000e+00, v6;
	_ =	sdelay $0x1  }
0x19c: {  	v6 =	vadd.f32 v37, v6;
	_ =	sdelay $0x1  }
0x19d: {  	[tilespmem:s0+$0xFFFFFFD0] =	vst v6  }
0x19e: {  	v6 =	vld.idx.msk [tilespmem:v38+s21+$0x0], $0xffff;
	_ =	sdelay $0x1  }
0x19f: {  	v39 =	vld [tilespmem:s2+$0xFFFFFFA0];
	_ =	sdelay $0x2  }
0x1a0: {  	v7 =	vadd.s32 v3, v7;
	v6 =	vmul.f32 $8.000000000e+00, v6;
	_ =	sdelay $0x1  }
0x1a1: {  	v6 =	vadd.f32 v39, v6;
	_ =	sdelay $0x1  }
0x1a2: {  	[tilespmem:s0+$0xFFFFFFE0] =	vst v6  }
0x1a3: {  	s10 =	spop (v2sf);
	v6 =	vld.idx.msk [tilespmem:v7+s21+$0x0], $0xffff  }
0x1a4: {  	s31 =	sand.u32 $0x7F, s10  }
0x1a5: {  	p4 =	slt.s32 s10, $0x1;
	p3 =	sne.s32 s31, $0x0;
	s31 =	sshra.s32 s10, $0x1F;
	v40 =	vld [tilespmem:s2+$0xFFFFFFB0]  }
0x1a6: {  	s31 =	sshrl.u32 s31, $0x19;
	p0 =	por !p4, !p3  }
0x1a7: {  	v41 =	vbroadcast v4, $0x8;
	s10 =	sadd.s32 s31, s10;
	p0 =	por !p0, !p0;
	s31 =	simm.s32 $0x1  }
0x1a8: {  	v42 =	vmov s5;
	s10 =	sshrl.u32 s10, $0x7;
	s31 =	simm.s32 @!p0 $0x0;
	v6 =	vmul.f32 $8.000000000e+00, v6  }
0x1a9: {  	v9 =	vsub.s32 v41, v42;
	s10 =	ssub.s32 s10, s31  }
0x1aa: {  	v43 =	vand.u32 $0xFFFFFF80, v9;
	v8 =	vand.u32 $0x7F, v41;
	s5 =	sshll.u32 s10, $0x7;
	v6 =	vadd.f32 v40, v6  }
0x1ab: {  	s10 =	sand.u32 $0x1FFFFF80, s5;
	v7 =	vor.u32 v8, v43  }
0x1ac: {  	s10 =	sadd.s32 s1, s10;
	v44 =	vadd.s32 v0, v7;
	[tilespmem:s0+$0xFFFFFFF0] =	vst v6  }
0x1ad: {  	[tilespmem:s21], [sflag:$0x8] =	stream.strided.gather [hbm4b:s10+s11], $0x2000, s12, s11, $0x38;
	[tilespmem:$0x1C100] =	vst v63  }
0x1ae: {  	_ =	swait.ge [sflag:s29], $0x2000  }
0x1af: {  	[sflag:s29] =	ssyncset.done $0x0  }
0x1b0: {  	[sflag:s29] =	ssyncadd.s32 $0xFFFFE000  }
0x1b1: {  	v6 =	vld.idx.msk [tilespmem:v44+s13+$0x0], $0xffff;
	_ =	sdelay $0x1  }
0x1b2: {  	v45 =	vld [tilespmem:s2+$0x0];
	_ =	sdelay $0x2  }
0x1b3: {  	v46 =	vadd.s32 v1, v7;
	v6 =	vmul.f32 $8.000000000e+00, v6;
	_ =	sdelay $0x1  }
0x1b4: {  	v6 =	vadd.f32 v45, v6;
	_ =	sdelay $0x1  }
0x1b5: {  	[tilespmem:s0+$0x0] =	vst v6  }
0x1b6: {  	v6 =	vld.idx.msk [tilespmem:v46+s13+$0x0], $0xffff;
	_ =	sdelay $0x1  }
0x1b7: {  	v47 =	vld [tilespmem:s2+$0x10];
	_ =	sdelay $0x2  }
0x1b8: {  	v48 =	vadd.s32 v2, v7;
	(v2sf) =	vpush v5, $0x0;
	v6 =	vmul.f32 $8.000000000e+00, v6;
	_ =	sdelay $0x1  }
0x1b9: {  	v6 =	vadd.f32 v47, v6;
	_ =	sdelay $0x1  }
0x1ba: {  	[tilespmem:s0+$0x10] =	vst v6  }
0x1bb: {  	v6 =	vld.idx.msk [tilespmem:v48+s13+$0x0], $0xffff;
	_ =	sdelay $0x1  }
0x1bc: {  	v49 =	vld [tilespmem:s2+$0x20];
	_ =	sdelay $0x2  }
0x1bd: {  	v7 =	vadd.s32 v3, v7;
	v6 =	vmul.f32 $8.000000000e+00, v6;
	_ =	sdelay $0x1  }
0x1be: {  	v6 =	vadd.f32 v49, v6;
	_ =	sdelay $0x1  }
0x1bf: {  	[tilespmem:s0+$0x20] =	vst v6  }
0x1c0: {  	s10 =	spop (v2sf);
	v6 =	vld.idx.msk [tilespmem:v7+s13+$0x0], $0xffff  }
0x1c1: {  	s31 =	sand.u32 $0x7F, s10  }
0x1c2: {  	p6 =	slt.s32 s10, $0x1;
	p5 =	sne.s32 s31, $0x0;
	s31 =	sshra.s32 s10, $0x1F;
	v50 =	vld [tilespmem:s2+$0x30]  }
0x1c3: {  	s31 =	sshrl.u32 s31, $0x19;
	p0 =	por !p6, !p5  }
0x1c4: {  	v51 =	vbroadcast v4, $0x9;
	s10 =	sadd.s32 s31, s10;
	p0 =	por !p0, !p0;
	s31 =	simm.s32 $0x1  }
0x1c5: {  	v52 =	vmov s6;
	s10 =	sshrl.u32 s10, $0x7;
	s31 =	simm.s32 @!p0 $0x0;
	v6 =	vmul.f32 $8.000000000e+00, v6  }
0x1c6: {  	v9 =	vsub.s32 v51, v52;
	s6 =	ssub.s32 s10, s31  }
0x1c7: {  	v53 =	vand.u32 $0xFFFFFF80, v9;
	v8 =	vand.u32 $0x7F, v51;
	s6 =	sshll.u32 s6, $0x7;
	v6 =	vadd.f32 v50, v6  }
0x1c8: {  	s6 =	sand.u32 $0x1FFFFF80, s6;
	v7 =	vor.u32 v8, v53  }
0x1c9: {  	s31 =	simm.s32 $0x2;
	s6 =	sadd.s32 s1, s6;
	v54 =	vadd.s32 v0, v7;
	[tilespmem:s0+$0x30] =	vst v6  }
0x1ca: {  	[tilespmem:s13], [sflag:$0x1] =	stream.strided.gather [hbm4b:s6+s11], $0x2000, s12, s11, $0x38;
	[tilespmem:$0x1C100] =	vst v63  }
0x1cb: {  	_ =	swait.ge [sflag:s31], $0x2000  }
0x1cc: {  	[sflag:s31] =	ssyncset.done $0x0  }
0x1cd: {  	[sflag:s31] =	ssyncadd.s32 $0xFFFFE000  }
0x1ce: {  	v6 =	vld.idx.msk [tilespmem:v54+s14+$0x0], $0xffff;
	_ =	sdelay $0x1  }
0x1cf: {  	v55 =	vld [tilespmem:s2+$0x80];
	_ =	sdelay $0x2  }
0x1d0: {  	v56 =	vadd.s32 v1, v7;
	v6 =	vmul.f32 $8.000000000e+00, v6;
	_ =	sdelay $0x1  }
0x1d1: {  	v6 =	vadd.f32 v55, v6;
	_ =	sdelay $0x1  }
0x1d2: {  	[tilespmem:s0+$0x40] =	vst v6  }
0x1d3: {  	v6 =	vld.idx.msk [tilespmem:v56+s14+$0x0], $0xffff;
	_ =	sdelay $0x1  }
0x1d4: {  	v57 =	vld [tilespmem:s2+$0x90];
	_ =	sdelay $0x2  }
0x1d5: {  	v58 =	vadd.s32 v2, v7;
	(v2sf) =	vpush v5, $0x1;
	v6 =	vmul.f32 $8.000000000e+00, v6;
	_ =	sdelay $0x1  }
0x1d6: {  	v6 =	vadd.f32 v57, v6;
	_ =	sdelay $0x1  }
0x1d7: {  	[tilespmem:s0+$0x50] =	vst v6  }
0x1d8: {  	v6 =	vld.idx.msk [tilespmem:v58+s14+$0x0], $0xffff;
	_ =	sdelay $0x1  }
0x1d9: {  	v59 =	vld [tilespmem:s2+$0xA0];
	_ =	sdelay $0x2  }
0x1da: {  	v7 =	vadd.s32 v3, v7;
	v6 =	vmul.f32 $8.000000000e+00, v6;
	_ =	sdelay $0x1  }
0x1db: {  	v6 =	vadd.f32 v59, v6;
	_ =	sdelay $0x1  }
0x1dc: {  	[tilespmem:s0+$0x60] =	vst v6  }
0x1dd: {  	s6 =	spop (v2sf);
	v6 =	vld.idx.msk [tilespmem:v7+s14+$0x0], $0xffff  }
0x1de: {  	s10 =	sand.u32 $0x7F, s6  }
0x1df: {  	p2 =	slt.s32 s6, $0x1;
	p1 =	sne.s32 s10, $0x0;
	s10 =	sshra.s32 s6, $0x1F;
	v60 =	vld [tilespmem:s2+$0xB0]  }
0x1e0: {  	s10 =	sshrl.u32 s10, $0x19;
	p0 =	por !p2, !p1  }
0x1e1: {  	v61 =	vbroadcast v4, $0xA;
	s6 =	sadd.s32 s10, s6;
	p0 =	por !p0, !p0;
	s10 =	simm.s32 $0x1  }
0x1e2: {  	v62 =	vmov s7;
	s6 =	sshrl.u32 s6, $0x7;
	s10 =	simm.s32 @!p0 $0x0;
	v6 =	vmul.f32 $8.000000000e+00, v6  }
0x1e3: {  	v9 =	vsub.s32 v61, v62;
	s6 =	ssub.s32 s6, s10  }
0x1e4: {  	v63 =	vand.u32 $0xFFFFFF80, v9;
	v8 =	vand.u32 $0x7F, v61;
	s6 =	sshll.u32 s6, $0x7;
	v6 =	vadd.f32 v60, v6  }
0x1e5: {  	s6 =	sand.u32 $0x1FFFFF80, s6;
	v7 =	vor.u32 v8, v63  }
0x1e6: {  	s6 =	sadd.s32 s1, s6;
	v12 =	vadd.s32 v0, v7;
	[tilespmem:s0+$0x70] =	vst v6  }
0x1e7: {  	[tilespmem:s14], [sflag:$0x2] =	stream.strided.gather [hbm4b:s6+s11], $0x2000, s12, s11, $0x38;
	[tilespmem:$0x1C100] =	vst v63  }
0x1e8: {  	_ =	swait.ge [sflag:s23], $0x2000  }
0x1e9: {  	[sflag:s23] =	ssyncset.done $0x0  }
0x1ea: {  	[sflag:s23] =	ssyncadd.s32 $0xFFFFE000  }
0x1eb: {  	v6 =	vld.idx.msk [tilespmem:v12+s15+$0x0], $0xffff;
	_ =	sdelay $0x1  }
0x1ec: {  	v13 =	vld [tilespmem:s2+$0x100];
	_ =	sdelay $0x2  }
0x1ed: {  	v14 =	vadd.s32 v1, v7;
	v6 =	vmul.f32 $8.000000000e+00, v6;
	_ =	sdelay $0x1  }
0x1ee: {  	v6 =	vadd.f32 v13, v6;
	_ =	sdelay $0x1  }
0x1ef: {  	[tilespmem:s0+$0x80] =	vst v6  }
0x1f0: {  	v6 =	vld.idx.msk [tilespmem:v14+s15+$0x0], $0xffff;
	_ =	sdelay $0x1  }
0x1f1: {  	v15 =	vld [tilespmem:s2+$0x110];
	_ =	sdelay $0x2  }
0x1f2: {  	v16 =	vadd.s32 v2, v7;
	(v2sf) =	vpush v5, $0x2;
	v6 =	vmul.f32 $8.000000000e+00, v6;
	_ =	sdelay $0x1  }
0x1f3: {  	v6 =	vadd.f32 v15, v6;
	_ =	sdelay $0x1  }
0x1f4: {  	[tilespmem:s0+$0x90] =	vst v6  }
0x1f5: {  	v6 =	vld.idx.msk [tilespmem:v16+s15+$0x0], $0xffff;
	_ =	sdelay $0x1  }
0x1f6: {  	v17 =	vld [tilespmem:s2+$0x120];
	_ =	sdelay $0x2  }
0x1f7: {  	v7 =	vadd.s32 v3, v7;
	v6 =	vmul.f32 $8.000000000e+00, v6;
	_ =	sdelay $0x1  }
0x1f8: {  	v6 =	vadd.f32 v17, v6;
	_ =	sdelay $0x1  }
0x1f9: {  	[tilespmem:s0+$0xA0] =	vst v6  }
0x1fa: {  	s6 =	spop (v2sf);
	v6 =	vld.idx.msk [tilespmem:v7+s15+$0x0], $0xffff  }
0x1fb: {  	s10 =	sand.u32 $0x7F, s6  }
0x1fc: {  	p4 =	slt.s32 s6, $0x1;
	p3 =	sne.s32 s10, $0x0;
	s10 =	sshra.s32 s6, $0x1F;
	v18 =	vld [tilespmem:s2+$0x130]  }
0x1fd: {  	s7 =	sshrl.u32 s10, $0x19;
	p0 =	por !p4, !p3  }
0x1fe: {  	v19 =	vbroadcast v4, $0xB;
	s6 =	sadd.s32 s7, s6;
	p0 =	por !p0, !p0;
	s7 =	simm.s32 $0x1  }
0x1ff: {  	v20 =	vmov s3;
	s6 =	sshrl.u32 s6, $0x7;
	s7 =	simm.s32 @!p0 $0x0;
	v6 =	vmul.f32 $8.000000000e+00, v6  }
0x200: {  	v9 =	vsub.s32 v19, v20;
	s3 =	ssub.s32 s6, s7  }
0x201: {  	v21 =	vand.u32 $0xFFFFFF80, v9;
	v8 =	vand.u32 $0x7F, v19;
	s3 =	sshll.u32 s3, $0x7;
	v6 =	vadd.f32 v18, v6  }
0x202: {  	s3 =	sand.u32 $0x1FFFFF80, s3;
	v7 =	vor.u32 v8, v21  }
0x203: {  	s3 =	sadd.s32 s1, s3;
	v22 =	vadd.s32 v0, v7;
	[tilespmem:s0+$0xB0] =	vst v6  }
0x204: {  	[tilespmem:s15], [sflag:$0x3] =	stream.strided.gather [hbm4b:s3+s11], $0x2000, s12, s11, $0x38;
	[tilespmem:$0x1C100] =	vst v63  }
0x205: {  	_ =	swait.ge [sflag:s24], $0x2000  }
0x206: {  	[sflag:s24] =	ssyncset.done $0x0  }
0x207: {  	[sflag:s24] =	ssyncadd.s32 $0xFFFFE000  }
0x208: {  	v6 =	vld.idx.msk [tilespmem:v22+s16+$0x0], $0xffff;
	_ =	sdelay $0x1  }
0x209: {  	v23 =	vld [tilespmem:s2+$0x180];
	_ =	sdelay $0x2  }
0x20a: {  	v24 =	vadd.s32 v1, v7;
	v6 =	vmul.f32 $8.000000000e+00, v6;
	_ =	sdelay $0x1  }
0x20b: {  	v6 =	vadd.f32 v23, v6;
	_ =	sdelay $0x1  }
0x20c: {  	[tilespmem:s0+$0xC0] =	vst v6  }
0x20d: {  	v6 =	vld.idx.msk [tilespmem:v24+s16+$0x0], $0xffff;
	_ =	sdelay $0x1  }
0x20e: {  	v25 =	vld [tilespmem:s2+$0x190];
	_ =	sdelay $0x2  }
0x20f: {  	v26 =	vadd.s32 v2, v7;
	(v2sf) =	vpush v5, $0x3;
	v6 =	vmul.f32 $8.000000000e+00, v6;
	_ =	sdelay $0x1  }
0x210: {  	v6 =	vadd.f32 v25, v6;
	_ =	sdelay $0x1  }
0x211: {  	[tilespmem:s0+$0xD0] =	vst v6  }
0x212: {  	v6 =	vld.idx.msk [tilespmem:v26+s16+$0x0], $0xffff;
	_ =	sdelay $0x1  }
0x213: {  	v27 =	vld [tilespmem:s2+$0x1A0];
	_ =	sdelay $0x2  }
0x214: {  	v7 =	vadd.s32 v3, v7;
	v6 =	vmul.f32 $8.000000000e+00, v6;
	_ =	sdelay $0x1  }
0x215: {  	v6 =	vadd.f32 v27, v6;
	_ =	sdelay $0x1  }
0x216: {  	[tilespmem:s0+$0xE0] =	vst v6  }
0x217: {  	s3 =	spop (v2sf);
	v6 =	vld.idx.msk [tilespmem:v7+s16+$0x0], $0xffff  }
0x218: {  	s10 =	sand.u32 $0x7F, s3  }
0x219: {  	s7 =	sshra.s32 s3, $0x1F;
	p6 =	slt.s32 s3, $0x1;
	p5 =	sne.s32 s10, $0x0;
	v28 =	vld [tilespmem:s2+$0x1B0]  }
0x21a: {  	s6 =	sshrl.u32 s7, $0x19;
	p0 =	por !p6, !p5  }
0x21b: {  	v29 =	vbroadcast v4, $0xC;
	s3 =	sadd.s32 s6, s3;
	s6 =	simm.s32 $0x1;
	p0 =	por !p0, !p0  }
0x21c: {  	v30 =	vmov s20;
	s3 =	sshrl.u32 s3, $0x7;
	s6 =	simm.s32 @!p0 $0x0;
	v6 =	vmul.f32 $8.000000000e+00, v6  }
0x21d: {  	v9 =	vsub.s32 v29, v30;
	s3 =	ssub.s32 s3, s6  }
0x21e: {  	v31 =	vand.u32 $0xFFFFFF80, v9;
	v8 =	vand.u32 $0x7F, v29;
	s3 =	sshll.u32 s3, $0x7;
	v6 =	vadd.f32 v28, v6  }
0x21f: {  	s3 =	sand.u32 $0x1FFFFF80, s3;
	v7 =	vor.u32 v8, v31  }
0x220: {  	s3 =	sadd.s32 s1, s3;
	v32 =	vadd.s32 v0, v7;
	[tilespmem:s0+$0xF0] =	vst v6  }
0x221: {  	[tilespmem:s16], [sflag:$0x4] =	stream.strided.gather [hbm4b:s3+s11], $0x2000, s12, s11, $0x38;
	[tilespmem:$0x1C100] =	vst v63  }
0x222: {  	_ =	swait.ge [sflag:s25], $0x2000  }
0x223: {  	[sflag:s25] =	ssyncset.done $0x0  }
0x224: {  	[sflag:s25] =	ssyncadd.s32 $0xFFFFE000  }
0x225: {  	v6 =	vld.idx.msk [tilespmem:v32+s17+$0x0], $0xffff;
	_ =	sdelay $0x1  }
0x226: {  	v33 =	vld [tilespmem:s2+$0x200];
	_ =	sdelay $0x2  }
0x227: {  	v34 =	vadd.s32 v1, v7;
	v6 =	vmul.f32 $8.000000000e+00, v6;
	_ =	sdelay $0x1  }
0x228: {  	v6 =	vadd.f32 v33, v6;
	_ =	sdelay $0x1  }
0x229: {  	[tilespmem:s0+$0x100] =	vst v6  }
0x22a: {  	v6 =	vld.idx.msk [tilespmem:v34+s17+$0x0], $0xffff;
	_ =	sdelay $0x1  }
0x22b: {  	v35 =	vld [tilespmem:s2+$0x210];
	_ =	sdelay $0x2  }
0x22c: {  	v36 =	vadd.s32 v2, v7;
	(v2sf) =	vpush v5, $0x4;
	v6 =	vmul.f32 $8.000000000e+00, v6;
	_ =	sdelay $0x1  }
0x22d: {  	v6 =	vadd.f32 v35, v6;
	_ =	sdelay $0x1  }
0x22e: {  	[tilespmem:s0+$0x110] =	vst v6  }
0x22f: {  	v6 =	vld.idx.msk [tilespmem:v36+s17+$0x0], $0xffff;
	_ =	sdelay $0x1  }
0x230: {  	v37 =	vld [tilespmem:s2+$0x220];
	_ =	sdelay $0x2  }
0x231: {  	v7 =	vadd.s32 v3, v7;
	v6 =	vmul.f32 $8.000000000e+00, v6;
	_ =	sdelay $0x1  }
0x232: {  	v6 =	vadd.f32 v37, v6;
	_ =	sdelay $0x1  }
0x233: {  	[tilespmem:s0+$0x120] =	vst v6  }
0x234: {  	s10 =	spop (v2sf);
	v6 =	vld.idx.msk [tilespmem:v7+s17+$0x0], $0xffff  }
0x235: {  	s20 =	sand.u32 $0x7F, s10  }
0x236: {  	s7 =	sshra.s32 s10, $0x1F;
	p2 =	slt.s32 s10, $0x1;
	p1 =	sne.s32 s20, $0x0;
	v38 =	vld [tilespmem:s2+$0x230]  }
0x237: {  	s6 =	sshrl.u32 s7, $0x19;
	p0 =	por !p2, !p1  }
0x238: {  	v39 =	vbroadcast v4, $0xD;
	s3 =	sadd.s32 s6, s10;
	s6 =	simm.s32 $0x1;
	p0 =	por !p0, !p0  }
0x239: {  	v40 =	vmov s8;
	s3 =	sshrl.u32 s3, $0x7;
	s6 =	simm.s32 @!p0 $0x0;
	v6 =	vmul.f32 $8.000000000e+00, v6  }
0x23a: {  	v9 =	vsub.s32 v39, v40;
	s3 =	ssub.s32 s3, s6  }
0x23b: {  	v41 =	vand.u32 $0xFFFFFF80, v9;
	v8 =	vand.u32 $0x7F, v39;
	s3 =	sshll.u32 s3, $0x7;
	v6 =	vadd.f32 v38, v6  }
0x23c: {  	s3 =	sand.u32 $0x1FFFFF80, s3;
	v7 =	vor.u32 v8, v41  }
0x23d: {  	s3 =	sadd.s32 s1, s3;
	v42 =	vadd.s32 v0, v7;
	[tilespmem:s0+$0x130] =	vst v6  }
0x23e: {  	[tilespmem:s17], [sflag:$0x5] =	stream.strided.gather [hbm4b:s3+s11], $0x2000, s12, s11, $0x38;
	[tilespmem:$0x1C100] =	vst v63  }
0x23f: {  	_ =	swait.ge [sflag:s26], $0x2000  }
0x240: {  	[sflag:s26] =	ssyncset.done $0x0  }
0x241: {  	[sflag:s26] =	ssyncadd.s32 $0xFFFFE000  }
0x242: {  	v6 =	vld.idx.msk [tilespmem:v42+s18+$0x0], $0xffff;
	_ =	sdelay $0x1  }
0x243: {  	v43 =	vld [tilespmem:s2+$0x280];
	_ =	sdelay $0x2  }
0x244: {  	v44 =	vadd.s32 v1, v7;
	v6 =	vmul.f32 $8.000000000e+00, v6;
	_ =	sdelay $0x1  }
0x245: {  	v6 =	vadd.f32 v43, v6;
	_ =	sdelay $0x1  }
0x246: {  	[tilespmem:s0+$0x140] =	vst v6  }
0x247: {  	v6 =	vld.idx.msk [tilespmem:v44+s18+$0x0], $0xffff;
	_ =	sdelay $0x1  }
0x248: {  	v45 =	vld [tilespmem:s2+$0x290];
	_ =	sdelay $0x2  }
0x249: {  	v46 =	vadd.s32 v2, v7;
	(v2sf) =	vpush v5, $0x5;
	v6 =	vmul.f32 $8.000000000e+00, v6;
	_ =	sdelay $0x1  }
0x24a: {  	v6 =	vadd.f32 v45, v6;
	_ =	sdelay $0x1  }
0x24b: {  	[tilespmem:s0+$0x150] =	vst v6  }
0x24c: {  	v6 =	vld.idx.msk [tilespmem:v46+s18+$0x0], $0xffff;
	_ =	sdelay $0x1  }
0x24d: {  	v47 =	vld [tilespmem:s2+$0x2A0];
	_ =	sdelay $0x2  }
0x24e: {  	v7 =	vadd.s32 v3, v7;
	v6 =	vmul.f32 $8.000000000e+00, v6;
	_ =	sdelay $0x1  }
0x24f: {  	v6 =	vadd.f32 v47, v6;
	_ =	sdelay $0x1  }
0x250: {  	[tilespmem:s0+$0x160] =	vst v6  }
0x251: {  	s8 =	spop (v2sf);
	v6 =	vld.idx.msk [tilespmem:v7+s18+$0x0], $0xffff  }
0x252: {  	s10 =	sand.u32 $0x7F, s8  }
0x253: {  	s20 =	sshra.s32 s8, $0x1F;
	p4 =	slt.s32 s8, $0x1;
	p3 =	sne.s32 s10, $0x0;
	v48 =	vld [tilespmem:s2+$0x2B0]  }
0x254: {  	s6 =	sshrl.u32 s20, $0x19;
	p0 =	por !p4, !p3  }
0x255: {  	v49 =	vbroadcast v4, $0xE;
	s3 =	sadd.s32 s6, s8;
	s6 =	simm.s32 $0x1;
	p0 =	por !p0, !p0  }
0x256: {  	v50 =	vmov s4;
	s3 =	sshrl.u32 s3, $0x7;
	s6 =	simm.s32 @!p0 $0x0;
	v6 =	vmul.f32 $8.000000000e+00, v6  }
0x257: {  	v9 =	vsub.s32 v49, v50;
	s3 =	ssub.s32 s3, s6  }
0x258: {  	v51 =	vand.u32 $0xFFFFFF80, v9;
	v8 =	vand.u32 $0x7F, v49;
	s3 =	sshll.u32 s3, $0x7;
	v6 =	vadd.f32 v48, v6  }
0x259: {  	s3 =	sand.u32 $0x1FFFFF80, s3;
	v7 =	vor.u32 v8, v51  }
0x25a: {  	s3 =	sadd.s32 s1, s3;
	v52 =	vadd.s32 v0, v7;
	[tilespmem:s0+$0x170] =	vst v6  }
0x25b: {  	[tilespmem:s18], [sflag:$0x6] =	stream.strided.gather [hbm4b:s3+s11], $0x2000, s12, s11, $0x38;
	[tilespmem:$0x1C100] =	vst v63  }
0x25c: {  	_ =	swait.ge [sflag:s28], $0x2000  }
0x25d: {  	[sflag:s28] =	ssyncset.done $0x0  }
0x25e: {  	[sflag:s28] =	ssyncadd.s32 $0xFFFFE000  }
0x25f: {  	v6 =	vld.idx.msk [tilespmem:v52+s19+$0x0], $0xffff;
	_ =	sdelay $0x1  }
0x260: {  	v53 =	vld [tilespmem:s2+$0x300];
	_ =	sdelay $0x2  }
0x261: {  	v54 =	vadd.s32 v1, v7;
	v6 =	vmul.f32 $8.000000000e+00, v6;
	_ =	sdelay $0x1  }
0x262: {  	v6 =	vadd.f32 v53, v6;
	_ =	sdelay $0x1  }
0x263: {  	[tilespmem:s0+$0x180] =	vst v6  }
0x264: {  	v6 =	vld.idx.msk [tilespmem:v54+s19+$0x0], $0xffff;
	_ =	sdelay $0x1  }
0x265: {  	v55 =	vld [tilespmem:s2+$0x310];
	_ =	sdelay $0x2  }
0x266: {  	(v2sf) =	vpush v5, $0x6;
	v5 =	vadd.s32 v2, v7;
	v6 =	vmul.f32 $8.000000000e+00, v6;
	_ =	sdelay $0x1  }
0x267: {  	v6 =	vadd.f32 v55, v6;
	_ =	sdelay $0x1  }
0x268: {  	[tilespmem:s0+$0x190] =	vst v6  }
0x269: {  	v5 =	vld.idx.msk [tilespmem:v5+s19+$0x0], $0xffff;
	_ =	sdelay $0x1  }
0x26a: {  	v6 =	vld [tilespmem:s2+$0x320];
	_ =	sdelay $0x2  }
0x26b: {  	v7 =	vadd.s32 v3, v7;
	v5 =	vmul.f32 $8.000000000e+00, v5;
	_ =	sdelay $0x1  }
0x26c: {  	v5 =	vadd.f32 v6, v5;
	_ =	sdelay $0x1  }
0x26d: {  	[tilespmem:s0+$0x1A0] =	vst v5  }
0x26e: {  	s7 =	spop (v2sf);
	v5 =	vld.idx.msk [tilespmem:v7+s19+$0x0], $0xffff  }
0x26f: {  	s8 =	sand.u32 $0x7F, s7  }
0x270: {  	s10 =	sshra.s32 s7, $0x1F;
	p6 =	slt.s32 s7, $0x1;
	p5 =	sne.s32 s8, $0x0;
	v56 =	vld [tilespmem:s2+$0x330]  }
0x271: {  	s4 =	sshrl.u32 s10, $0x19;
	p0 =	por !p6, !p5  }
0x272: {  	v4 =	vbroadcast v4, $0xF;
	s3 =	sadd.s32 s4, s7;
	s4 =	simm.s32 $0x1;
	p0 =	por !p0, !p0  }
0x273: {  	v57 =	vmov s5;
	s3 =	sshrl.u32 s3, $0x7;
	s4 =	simm.s32 @!p0 $0x0;
	v5 =	vmul.f32 $8.000000000e+00, v5  }
0x274: {  	s3 =	ssub.s32 s3, s4;
	v7 =	vsub.s32 v4, v57  }
0x275: {  	s3 =	sshll.u32 s3, $0x7;
	v4 =	vand.u32 $0x7F, v4;
	v58 =	vand.u32 $0xFFFFFF80, v7;
	v5 =	vadd.f32 v56, v5  }
0x276: {  	s3 =	sand.u32 $0x1FFFFF80, s3;
	v4 =	vor.u32 v4, v58  }
0x277: {  	s20 =	simm.s32 $0x8;
	s3 =	sadd.s32 s1, s3;
	[tilespmem:s0+$0x1B0] =	vst v5;
	v5 =	vadd.s32 v0, v4  }
0x278: {  	[tilespmem:s19], [sflag:$0x7] =	stream.strided.gather [hbm4b:s3+s11], $0x2000, s12, s11, $0x38;
	[tilespmem:$0x1C100] =	vst v63  }
0x279: {  	_ =	swait.ge [sflag:s20], $0x2000  }
0x27a: {  	[sflag:s20] =	ssyncset.done $0x0  }
0x27b: {  	[sflag:s20] =	ssyncadd.s32 $0xFFFFE000  }
0x27c: {  	v5 =	vld.idx.msk [tilespmem:v5+s21+$0x0], $0xffff;
	_ =	sdelay $0x1  }
0x27d: {  	v59 =	vld [tilespmem:s2+$0x380];
	_ =	sdelay $0x2  }
0x27e: {  	v60 =	vadd.s32 v1, v4;
	v5 =	vmul.f32 $8.000000000e+00, v5;
	_ =	sdelay $0x1  }
0x27f: {  	v5 =	vadd.f32 v59, v5;
	_ =	sdelay $0x1  }
0x280: {  	[tilespmem:s0+$0x1C0] =	vst v5  }
0x281: {  	v5 =	vld.idx.msk [tilespmem:v60+s21+$0x0], $0xffff;
	_ =	sdelay $0x1  }
0x282: {  	v61 =	vld [tilespmem:s2+$0x390];
	_ =	sdelay $0x2  }
0x283: {  	v62 =	vadd.s32 v2, v4;
	v5 =	vmul.f32 $8.000000000e+00, v5;
	_ =	sdelay $0x1  }
0x284: {  	v5 =	vadd.f32 v61, v5;
	_ =	sdelay $0x1  }
0x285: {  	[tilespmem:s0+$0x1D0] =	vst v5  }
0x286: {  	v5 =	vld.idx.msk [tilespmem:v62+s21+$0x0], $0xffff;
	_ =	sdelay $0x1  }
0x287: {  	v63 =	vld [tilespmem:s2+$0x3A0];
	_ =	sdelay $0x2  }
0x288: {  	v4 =	vadd.s32 v3, v4;
	v5 =	vmul.f32 $8.000000000e+00, v5;
	_ =	sdelay $0x1  }
0x289: {  	v5 =	vadd.f32 v63, v5;
	_ =	sdelay $0x1  }
0x28a: {  	[tilespmem:s0+$0x1E0] =	vst v5  }
0x28b: {  	v4 =	vld.idx.msk [tilespmem:v4+s21+$0x0], $0xffff;
	_ =	sdelay $0x1  }
0x28c: {  	v5 =	vld [tilespmem:s2+$0x3B0];
	_ =	sdelay $0x1  }
0x28d: {  	p0 =	sne.s32 s9, $0x3C0  }
.Ltmp0:
0x28e: {  	v4 =	vmul.f32 $8.000000000e+00, v4;
	(pc) =	sbr.rel @p0 .LBB2_2-.Ltmp0, $3  }
0x28f: {  	_ = 	snop  }
0x290: {  	v4 =	vadd.f32 v5, v4;
	_ =	sdelay $0x1  }
0x291: {  	s9 =	smov.u32 s30;
	s2 =	sadd.s32 $0x800, s2;
	[tilespmem:s0+$0x1F0] =	vst v4;
	s0 =	sadd.s32 $0x400, s0  }
0x292: {  	_ =	swait.ge [sflag:s29], $0x2000  }
0x293: {  	[sflag:s29] =	ssyncset.done $0x0  }
0x294: {  	[sflag:s29] =	ssyncadd.s32 $0xFFFFE000  }
0x295: {  	_ =	swait.ge [sflag:s31], $0x2000  }
0x296: {  	[sflag:s31] =	ssyncset.done $0x0  }
0x297: {  	[sflag:s31] =	ssyncadd.s32 $0xFFFFE000  }
0x298: {  	_ =	swait.ge [sflag:s23], $0x2000  }
0x299: {  	[sflag:s23] =	ssyncset.done $0x0  }
0x29a: {  	[sflag:s23] =	ssyncadd.s32 $0xFFFFE000  }
0x29b: {  	_ =	swait.ge [sflag:s24], $0x2000  }
0x29c: {  	[sflag:s24] =	ssyncset.done $0x0  }
0x29d: {  	[sflag:s24] =	ssyncadd.s32 $0xFFFFE000  }
0x29e: {  	_ =	swait.ge [sflag:s25], $0x2000  }
0x29f: {  	[sflag:s25] =	ssyncset.done $0x0  }
0x2a0: {  	[sflag:s25] =	ssyncadd.s32 $0xFFFFE000  }
0x2a1: {  	_ =	swait.ge [sflag:s26], $0x2000  }
0x2a2: {  	[sflag:s26] =	ssyncset.done $0x0  }
0x2a3: {  	[sflag:s26] =	ssyncadd.s32 $0xFFFFE000  }
0x2a4: {  	_ =	swait.ge [sflag:s28], $0x2000  }
0x2a5: {  	s8 =	simm.s32 $0x0;
	[sflag:s28] =	ssyncset.done $0x0  }
0x2a6: {  	s2 =	simm.s32 $0x18100;
	s0 =	rddreg [dreg:$0x6];
	[sflag:s28] =	ssyncadd.s32 $0xFFFFE000  }
0x2a7: {  	[hbm4b:s0+s8] =	stream.linear.scatter [tilespmem:s2], [sflag:$0xA], $0x4000, $0x38;
	[tilespmem:$0x1C100] =	vst v63  }
0x2a8: {  	s2 =	simm.s32 $0xA  }
0x2a9: {  	_ =	swait.ge [sflag:s2], $0x4000  }
0x2aa: {  	s3 =	rddreg [dreg:$0x8]  }
0x2ab: {  	s30 =	rddreg [dreg:$0x7];
	s3 =	sadd.s32 $0x1, s3  }
0x2ac: {  	p0 =	sne.s32 s3, s30  }
.Ltmp1:
0x2ad: {  	_ = 	snop;
	(pc) =	sbr.rel @p0 .LBB2_1-.Ltmp1, $3  }
0x2ae: {  	_ =	sdelay $0x1  }
0x2af: {  	[sflag:s2] =	ssyncset.done $0x0  }
0x2b0: {  	[sflag:s2] =	ssyncadd.s32 $0xFFFFC000  }
0x2b1: {  	_ =	sfence.sel $0x180000  }
0x2b2: {  	[bflag:$0x0] =	sbarrier.arrive $0xFFFF  }
0x2b3: {  	_ =	strace $0x90000047  }
0x2b4: {  	s0 =	stileid.u32;
	[bflag:$0x2] =	sbarrier.arrive $0xFFFF  }
0x2b5: {  	p0 =	sne.s32 s0, $0x0;
	s0 =	rddreg [dreg:$0x3]  }
0x2b6: {  	s0 =	sadd.s32 @!p0 $0x100000, s0  }
0x2b7: {  	[sflag:s0] =	ssyncadd.tile.s32 @!p0 $0x1;
	_ =	shalt  }
.Lfunc_end2:
_tile_overlayer_lowered:
.L_overlay_start_2:
0x2b8: {  	(tag) =	ssettag $0x2  }
0x2b9: {  	s0 =	rddreg [dreg:$0x0];
	s2 =	stileid.u32  }
0x2ba: {  	s1 =	rddreg [dreg:$0x1];
	p0 =	sne.s32 s2, $0x0  }
0x2bb: {  	s3 =	rddreg [dreg:$0x2];
	[bflag:$0x3] =	sbarrier.arrive $0xFFFF;
	s2 =	simm.s32 @!p0 $0x1C0A  }
0x2bc: {  	[timem:s3], [sflag:s2] =	dma.local @!p0 [hbm:s0], s1  }
0x2bd: {  	s0 =	simm.s32 @!p0 $0xA  }
0x2be: {  	_ =	swait.ge @!p0 [sflag:s0], s1  }
0x2bf: {  	s1 =	ssub.s32 @!p0 $0x0, s1;
	[sflag:s0] =	ssyncset.done @!p0 $0x0  }
0x2c0: {  	[sflag:s0] =	ssyncadd.s32 @!p0 s1  }
0x2c1: {  	[bflag:$0x3] =	sbarrier.arrive $0xFFFF  }
0x2c2: {  	_ =	shalt  }

</sc_bundles>
